<compile_context>
chip_gen: v7x
topology: tpu7x:2x2x1
jax: 0.10.2.dev20260603
libtpu: 0.0.44.dev20260713+nightly
codegen_flags: <defaults>
</compile_context>

<pallas_src>
import functools

import jax
import jax.numpy as jnp
from jax import lax
from jax.experimental import pallas as pl
from jax.experimental.pallas import tpu as pltpu
from jax.experimental.pallas import tpu_sc as plsc

CH = 14
CW = 14
H = 64
W = 64
C = 256
PATCH = 13
PROW = PATCH * C
PSIZE = PATCH * PROW
NPIX = CH * CW
NCHUNK = 13
PADPIX = NCHUNK * 16
QC = C // 4

_NC = 2
_NS = 16
NTILES = _NC * _NS
M = 1000
MPAD = 1024
BPT = MPAD // NTILES


def _floor(x):
    t = x.astype(jnp.int32).astype(jnp.float32)
    return t - jnp.where(t > x, jnp.float32(1.0), jnp.float32(0.0))


def _ceil(x):
    t = x.astype(jnp.int32).astype(jnp.float32)
    return t + jnp.where(t < x, jnp.float32(1.0), jnp.float32(0.0))


def _roialign_sc(fm_flat, boxes_flat, bind, iofp, jofp):
    mesh = plsc.VectorSubcoreMesh(core_axis_name="c", subcore_axis_name="s",
                                  num_cores=_NC, num_subcores=_NS)

    @functools.partial(
        pl.kernel,
        out_type=jax.ShapeDtypeStruct((NPIX, M // 8, C // 128, 8, 128),
                                      jnp.float32),
        mesh=mesh,
        compiler_params=pltpu.CompilerParams(needs_layout_passes=False,
                                             use_tc_tiling_on_sc=False),
        scratch_types=[
            pltpu.VMEM((BPT * 4 + 16,), jnp.float32),
            pltpu.VMEM((BPT + 16,), jnp.int32),
            pltpu.VMEM((PADPIX,), jnp.float32),
            pltpu.VMEM((PADPIX,), jnp.float32),
            pltpu.VMEM((PADPIX,), jnp.float32),
            pltpu.VMEM((PADPIX,), jnp.float32),
            pltpu.VMEM((PADPIX,), jnp.float32),
            pltpu.VMEM((PADPIX,), jnp.float32),
            pltpu.VMEM((PADPIX,), jnp.int32),
            pltpu.VMEM((PADPIX,), jnp.int32),
            pltpu.VMEM((PADPIX,), jnp.int32),
            pltpu.VMEM((PADPIX,), jnp.int32),
            pltpu.VMEM((2 * PSIZE,), jnp.float32),
            pltpu.VMEM((PADPIX, QC), jnp.float32),
            pltpu.VMEM((PADPIX, QC), jnp.float32),
            pltpu.SemaphoreType.DMA,
            pltpu.SemaphoreType.DMA,
        ],
    )
    def k(fm_hbm, boxes_hbm, bind_hbm, iofp_hbm, jofp_hbm, out_hbm,
          boxes_v, bind_v, iofp_v, jofp_v,
          w1s, w2s, w3s, w4s, b1s, b2s, b3s, b4s,
          patch_v, stqa, stqb, psem, osem):
        wid = lax.axis_index("s") * _NC + lax.axis_index("c")
        m0 = wid * BPT
        count = jnp.minimum(BPT, M - m0)
        pltpu.sync_copy(boxes_hbm.at[pl.ds(pl.multiple_of(m0 * 4, BPT * 4),
                                           BPT * 4)],
                        boxes_v.at[pl.ds(0, BPT * 4)])
        pltpu.sync_copy(bind_hbm.at[pl.ds(pl.multiple_of(m0, BPT), BPT)],
                        bind_v.at[pl.ds(0, BPT)])
        pltpu.sync_copy(iofp_hbm, iofp_v)
        pltpu.sync_copy(jofp_hbm, jofp_v)
        iota = lax.broadcasted_iota(jnp.int32, (16,), 0)

        def _box_params(li):
            bv = boxes_v[pl.ds(4 * li, 16)]
            x1 = bv[0]
            y1 = bv[1]
            x2 = bv[2]
            y2 = bv[3]
            b = bind_v[pl.ds(li, 16)][0]
            spw = (x2 - x1) * jnp.float32(1.0 / CW)
            sph = (y2 - y1) * jnp.float32(1.0 / CH)
            nx0 = (x1 + spw * jnp.float32(0.5) - jnp.float32(0.5)) * jnp.float32(1.0 / (W - 1))
            ny0 = (y1 + sph * jnp.float32(0.5) - jnp.float32(0.5)) * jnp.float32(1.0 / (H - 1))
            nwd = spw * jnp.float32(CW - 1) * jnp.float32(1.0 / (W - 1))
            nht = sph * jnp.float32(CH - 1) * jnp.float32(1.0 / (H - 1))
            basex = nx0 * jnp.float32(W - 1)
            stepx = nwd * jnp.float32(W - 1) * jnp.float32(1.0 / (CW - 1))
            basey = ny0 * jnp.float32(H - 1)
            stepy = nht * jnp.float32(H - 1) * jnp.float32(1.0 / (CH - 1))
            x0 = jnp.clip(_floor(basex).astype(jnp.int32), 0, W - PATCH)
            y0 = jnp.clip(_floor(basey).astype(jnp.int32), 0, H - PATCH)
            return b, basex, stepx, basey, stepy, x0, y0

        def _issue_patch(li, buf):
            b, _, _, _, _, x0, y0 = _box_params(li)
            rowbase = ((b * H + y0) * W + x0) * C
            for dy in range(PATCH):
                pltpu.async_copy(
                    fm_hbm.at[pl.ds(pl.multiple_of(rowbase + dy * (W * C), C),
                                    PROW)],
                    patch_v.at[pl.ds(pl.multiple_of(buf * PSIZE, 256)
                                     + dy * PROW, PROW)],
                    psem)

        def _wait_patch():
            for _ in range(PATCH):
                pltpu.make_async_copy(
                    fm_hbm.at[pl.ds(0, PROW)],
                    patch_v.at[pl.ds(0, PROW)], psem).wait()

        def _drain_out(st):
            pltpu.make_async_copy(
                out_hbm.at[:, 0, 0, 0, pl.ds(0, QC)],
                st.at[pl.ds(0, NPIX)], osem).wait()

        _issue_patch(0, jnp.int32(0))

        @pl.loop(0, count)
        def _box(li):
            pb = li & 1
            pbase = pb * PSIZE
            _, basex, stepx, basey, stepy, x0, y0 = _box_params(li)

            _wait_patch()

            @pl.when(li + 1 < count)
            def _prefetch():
                _issue_patch(li + 1, (li + 1) & 1)

            @pl.loop(0, NCHUNK)
            def _prep(kk):
                iyf = iofp_v[pl.ds(kk * 16, 16)]
                jxf = jofp_v[pl.ds(kk * 16, 16)]
                in_y = basey + iyf * stepy
                in_x = basex + jxf * stepx
                vyv = jnp.where((in_y >= 0.0) & (in_y <= jnp.float32(H - 1)),
                                jnp.float32(1.0), jnp.float32(0.0))
                vxv = jnp.where((in_x >= 0.0) & (in_x <= jnp.float32(W - 1)),
                                jnp.float32(1.0), jnp.float32(0.0))
                ylo_f = _floor(in_y)
                xlo_f = _floor(in_x)
                yhi_f = _ceil(in_y)
                xhi_f = _ceil(in_x)
                ylerp = in_y - ylo_f
                xlerp = in_x - xlo_f
                pyl = jnp.clip(
                    jnp.clip(ylo_f, 0.0, jnp.float32(H - 1)).astype(jnp.int32)
                    - y0, 0, PATCH - 1)
                pyh = jnp.clip(
                    jnp.clip(yhi_f, 0.0, jnp.float32(H - 1)).astype(jnp.int32)
                    - y0, 0, PATCH - 1)
                pxl = jnp.clip(
                    jnp.clip(xlo_f, 0.0, jnp.float32(W - 1)).astype(jnp.int32)
                    - x0, 0, PATCH - 1)
                pxh = jnp.clip(
                    jnp.clip(xhi_f, 0.0, jnp.float32(W - 1)).astype(jnp.int32)
                    - x0, 0, PATCH - 1)
                vv = vyv * vxv
                omy = jnp.float32(1.0) - ylerp
                omx = jnp.float32(1.0) - xlerp
                w1s[pl.ds(kk * 16, 16)] = vv * omy * omx
                w2s[pl.ds(kk * 16, 16)] = vv * omy * xlerp
                w3s[pl.ds(kk * 16, 16)] = vv * ylerp * omx
                w4s[pl.ds(kk * 16, 16)] = vv * ylerp * xlerp
                b1s[pl.ds(kk * 16, 16)] = (pyl * PATCH + pxl) * C
                b2s[pl.ds(kk * 16, 16)] = (pyl * PATCH + pxh) * C
                b3s[pl.ds(kk * 16, 16)] = (pyh * PATCH + pxl) * C
                b4s[pl.ds(kk * 16, 16)] = (pyh * PATCH + pxh) * C

            m = m0 + li
            m8 = m >> 3
            mr = m & 7

            for q in range(4):
                st = stqa if q % 2 == 0 else stqb
                ct = q // 2
                colo = (q % 2) * QC
                if q >= 2:
                    _drain_out(st)
                else:
                    @pl.when(li > 0)
                    def _dr():
                        _drain_out(st)

                @pl.loop(0, NCHUNK)
                def _chunk(kk):
                    w1 = w1s[pl.ds(kk * 16, 16)]
                    w2 = w2s[pl.ds(kk * 16, 16)]
                    w3 = w3s[pl.ds(kk * 16, 16)]
                    w4 = w4s[pl.ds(kk * 16, 16)]
                    qoff = pbase + q * QC
                    b1 = b1s[pl.ds(kk * 16, 16)] + qoff
                    b2 = b2s[pl.ds(kk * 16, 16)] + qoff
                    b3 = b3s[pl.ds(kk * 16, 16)] + qoff
                    b4 = b4s[pl.ds(kk * 16, 16)] + qoff
                    pv = iota + kk * 16

                    @plsc.parallel_loop(0, QC, unroll=4,
                                        carry=(iota, b1, b2, b3, b4, pv,
                                               w1, w2, w3, w4))
                    def _chan(cc, carry):
                        cp, a1, a2, a3, a4, pv_, q1, q2, q3, q4 = carry
                        tl = plsc.load_gather(patch_v, [a1 + cp])
                        tr = plsc.load_gather(patch_v, [a2 + cp])
                        bl = plsc.load_gather(patch_v, [a3 + cp])
                        br = plsc.load_gather(patch_v, [a4 + cp])
                        acc = q1 * tl + q2 * tr + q3 * bl + q4 * br
                        plsc.store_scatter(st, [pv_, cp], acc)
                        cp2 = (cp + 1) & (QC - 1)
                        return (cp2, a1, a2, a3, a4, pv_, q1, q2, q3, q4)

                pltpu.async_copy(st.at[pl.ds(0, NPIX)],
                                 out_hbm.at[:, m8, ct, mr, pl.ds(colo, QC)],
                                 osem)

        _drain_out(stqa)
        _drain_out(stqb)

    return k(fm_flat, boxes_flat, bind, iofp, jofp)


def kernel(featuremap, boxes, box_ind):
    fm_flat = jnp.transpose(featuremap, (0, 2, 3, 1)).reshape(-1)
    boxes_flat = jnp.pad(boxes, ((0, MPAD - M), (0, 0))).reshape(-1)
    bind = jnp.pad(box_ind, (0, MPAD - M))
    p = jnp.arange(PADPIX, dtype=jnp.int32)
    pp = jnp.where(p < NPIX, p, 0)
    iofp = (pp // CW).astype(jnp.float32)
    jofp = (pp % CW).astype(jnp.float32)
    out = _roialign_sc(fm_flat, boxes_flat, bind, iofp, jofp)
    out = jnp.transpose(out, (1, 3, 2, 4, 0))
    return out.reshape(M, C, CH, CW)

# --- scband reference (transcript-rebuilt; emitter-appended) ---
"""Pipeline reference for scband-ro-ialign-1726576857320 (READ-ONLY COPY).

The authoritative reference and input builder live on the scoring server;
editing this copy changes nothing except your own understanding.
"""

import jax, jax.numpy as jnp
import numpy as np

CROP_H = 14
CROP_W = 14
EXTRAP = 0.0


def setup_inputs(seed: int = 0) -> dict:
    key = jax.random.key(seed)
    k1, k2, k3, k4 = jax.random.split(key, 4)
    featuremap = jax.random.normal(k1, (4, 256, 64, 64), dtype=jnp.float32)
    # boxes in unnormalized pixel coords (x1, y1, x2, y2) with x1 < x2, y1 < y2
    xy1 = jax.random.uniform(k2, (1000, 2), minval=0.0, maxval=52.0, dtype=jnp.float32)
    wh = jax.random.uniform(k3, (1000, 2), minval=4.0, maxval=11.0, dtype=jnp.float32)
    x1 = xy1[:, 0:1]
    y1 = xy1[:, 1:2]
    x2 = jnp.clip(x1 + wh[:, 0:1], 0.0, 63.0)
    y2 = jnp.clip(y1 + wh[:, 1:2], 0.0, 63.0)
    boxes = jnp.concatenate([x1, y1, x2, y2], axis=1)
    box_ind = jax.random.randint(k4, (1000,), 0, 4, dtype=jnp.int32)
    return {"featuremap": featuremap, "boxes": boxes, "box_ind": box_ind}


def _crop_and_resize(featuremap, nboxes, box_ind):
    # TF-style crop_and_resize with normalized (y1, x1, y2, x2) boxes.
    N, C, H, W = featuremap.shape
    y1 = nboxes[:, 0]
    x1 = nboxes[:, 1]
    y2 = nboxes[:, 2]
    x2 = nboxes[:, 3]
    iy = jnp.arange(CROP_H, dtype=jnp.float32)
    ix = jnp.arange(CROP_W, dtype=jnp.float32)
    in_y = y1[:, None] * (H - 1) + iy[None, :] * ((y2 - y1)[:, None] * (H - 1) / float(CROP_H - 1))  # [M, CH]
    in_x = x1[:, None] * (W - 1) + ix[None, :] * ((x2 - x1)[:, None] * (W - 1) / float(CROP_W - 1))  # [M, CW]
    valid_y = (in_y >= 0.0) & (in_y <= float(H - 1))
    valid_x = (in_x >= 0.0) & (in_x <= float(W - 1))
    y_lo_f = jnp.floor(in_y)
    y_hi_f = jnp.ceil(in_y)
    x_lo_f = jnp.floor(in_x)
    x_hi_f = jnp.ceil(in_x)
    y_lerp = in_y - y_lo_f
    x_lerp = in_x - x_lo_f
    y_lo = jnp.clip(y_lo_f, 0, H - 1).astype(jnp.int32)
    y_hi = jnp.clip(y_hi_f, 0, H - 1).astype(jnp.int32)
    x_lo = jnp.clip(x_lo_f, 0, W - 1).astype(jnp.int32)
    x_hi = jnp.clip(x_hi_f, 0, W - 1).astype(jnp.int32)
    fm = jnp.transpose(featuremap, (0, 2, 3, 1))  # [N, H, W, C]
    b = box_ind[:, None, None]  # [M, 1, 1]

    def gather(yy, xx):
        # yy: [M, CH], xx: [M, CW] -> [M, CH, CW, C]
        return fm[b, yy[:, :, None], xx[:, None, :]]

    tl = gather(y_lo, x_lo)
    tr = gather(y_lo, x_hi)
    bl = gather(y_hi, x_lo)
    br = gather(y_hi, x_hi)
    xl = x_lerp[:, None, :, None]
    top = tl + (tr - tl) * xl
    bot = bl + (br - bl) * xl
    val = top + (bot - top) * y_lerp[:, :, None, None]
    mask = (valid_y[:, :, None] & valid_x[:, None, :])[..., None]
    val = jnp.where(mask, val, jnp.float32(EXTRAP))
    return jnp.transpose(val, (0, 3, 1, 2))  # [M, C, CH, CW]


def reference(featuremap, boxes, box_ind):
    H = featuremap.shape[2]
    W = featuremap.shape[3]
    x1 = boxes[:, 0:1]
    y1 = boxes[:, 1:2]
    x2 = boxes[:, 2:3]
    y2 = boxes[:, 3:4]
    # transform_fpcoor=True branch
    spacing_w = (x2 - x1) / float(CROP_W)
    spacing_h = (y2 - y1) / float(CROP_H)
    nx0 = (x1 + spacing_w / 2 - 0.5) / float(W - 1)
    ny0 = (y1 + spacing_h / 2 - 0.5) / float(H - 1)
    nw = spacing_w * float(CROP_W - 1) / float(W - 1)
    nh = spacing_h * float(CROP_H - 1) / float(H - 1)
    nboxes = jnp.concatenate([ny0, nx0, ny0 + nh, nx0 + nw], axis=1)
    nboxes = jax.lax.stop_gradient(nboxes)  # original code detaches boxes
    return _crop_and_resize(featuremap, nboxes, box_ind)

if __name__ == "__main__":
    import jax
    _d = setup_inputs()
    print(jax.jit(kernel)(*tuple(_d.values())))

</pallas_src>

<mosaic_0001>
#map = affine_map<(d0, d1) -> (0)>
#map1 = affine_map<(d0, d1) -> (0, 0, 0, 0, 0)>
module attributes {stable_mosaic.version = 14 : i64} {
  func.func @k(%arg0: i32, %arg1: i32, %arg2: memref<4194304xf32, #tpu.memory_space<hbm>>, %arg3: memref<4096xf32, #tpu.memory_space<hbm>>, %arg4: memref<1024xi32, #tpu.memory_space<hbm>>, %arg5: memref<208xf32, #tpu.memory_space<hbm>>, %arg6: memref<208xf32, #tpu.memory_space<hbm>>, %arg7: memref<196x125x2x8x128xf32, #tpu.memory_space<hbm>>, %arg8: memref<144xf32, #tpu.memory_space<vmem>>, %arg9: memref<48xi32, #tpu.memory_space<vmem>>, %arg10: memref<208xf32, #tpu.memory_space<vmem>>, %arg11: memref<208xf32, #tpu.memory_space<vmem>>, %arg12: memref<208xf32, #tpu.memory_space<vmem>>, %arg13: memref<208xf32, #tpu.memory_space<vmem>>, %arg14: memref<208xf32, #tpu.memory_space<vmem>>, %arg15: memref<208xf32, #tpu.memory_space<vmem>>, %arg16: memref<208xi32, #tpu.memory_space<vmem>>, %arg17: memref<208xi32, #tpu.memory_space<vmem>>, %arg18: memref<208xi32, #tpu.memory_space<vmem>>, %arg19: memref<208xi32, #tpu.memory_space<vmem>>, %arg20: memref<86528xf32, #tpu.memory_space<vmem>>, %arg21: memref<208x64xf32, #tpu.memory_space<vmem>>, %arg22: memref<208x64xf32, #tpu.memory_space<vmem>>, %arg23: memref<!tpu.dma_semaphore, #tpu.memory_space<semaphore_mem>>, %arg24: memref<!tpu.dma_semaphore, #tpu.memory_space<semaphore_mem>>) attributes {dimension_semantics = [#tpu.dimension_semantics<core_parallel>, #tpu.dimension_semantics<subcore_parallel>], iteration_bounds = array<i64: 2, 16>, scalar_prefetch = 0 : i64, scratch_operands = 17 : i64, tpu.core_type = #tpu.core_type<sc_vector_subcore>, window_params = [{transform_indices = #map}, {transform_indices = #map}, {transform_indices = #map}, {transform_indices = #map}, {transform_indices = #map}, {transform_indices = #map1}]} {
    %mul3A = arith.constant 2 : i32
    %mul3A_0 = arith.muli %arg1, %mul3A : i32
    %add3A = arith.addi %mul3A_0, %arg0 : i32
    %mul3A_1 = arith.constant 32 : i32
    %mul3A_2 = arith.muli %add3A, %mul3A_1 : i32
    %sub3A = arith.constant 1000 : i32
    %sub3A_3 = arith.subi %sub3A, %mul3A_2 : i32
    %min3A = arith.constant 32 : i32
    %min3A_4 = arith.minsi %min3A, %sub3A_3 : i32
    %mul3A_5 = arith.constant 4 : i32
    %mul3A_6 = arith.muli %mul3A_2, %mul3A_5 : i32
    %multiple_of3A = tpu.assume_multiple %mul3A_6, 128 : i32
    "tpu.region"() ({
      %run_scoped3A = tpu.sem_alloc : memref<!tpu.dma_semaphore, #tpu.memory_space<semaphore_mem>>
      %dma_start3A_304 = arith.constant 0 : i32
      %dma_start3A_305 = tpu.memref_slice %arg8[%dma_start3A_304] : memref<144xf32, #tpu.memory_space<vmem>> -> memref<128xf32, #tpu.memory_space<vmem>>
      %dma_start3A_306 = tpu.memref_slice %arg3[%multiple_of3A] : memref<4096xf32, #tpu.memory_space<hbm>> -> memref<128xf32, #tpu.memory_space<hbm>>
      %dma_start3A_307 = arith.constant 0 : i32
      %dma_start3A_308 = tpu.memref_slice %arg8[%dma_start3A_307] : memref<144xf32, #tpu.memory_space<vmem>> -> memref<128xf32, #tpu.memory_space<vmem>>
      %dma_start3A_309 = tpu.memref_slice %arg3[%multiple_of3A] : memref<4096xf32, #tpu.memory_space<hbm>> -> memref<128xf32, #tpu.memory_space<hbm>>
      tpu.enqueue_dma source(%dma_start3A_309 : memref<128xf32, #tpu.memory_space<hbm>>) target(%dma_start3A_308 : memref<128xf32, #tpu.memory_space<vmem>>) target_semaphore(%run_scoped3A : memref<!tpu.dma_semaphore, #tpu.memory_space<semaphore_mem>>)
      %dma_wait3A_310 = arith.constant 0 : i32
      %dma_wait3A_311 = tpu.memref_slice %arg8[%dma_wait3A_310] : memref<144xf32, #tpu.memory_space<vmem>> -> memref<128xf32, #tpu.memory_space<vmem>>
      %dma_wait3A_312 = tpu.memref_slice %arg3[%multiple_of3A] : memref<4096xf32, #tpu.memory_space<hbm>> -> memref<128xf32, #tpu.memory_space<hbm>>
      %dma_wait3A_313 = arith.constant 0 : i32
      %dma_wait3A_314 = tpu.memref_slice %arg8[%dma_wait3A_313] : memref<144xf32, #tpu.memory_space<vmem>> -> memref<128xf32, #tpu.memory_space<vmem>>
      %dma_wait3A_315 = tpu.memref_slice %arg3[%multiple_of3A] : memref<4096xf32, #tpu.memory_space<hbm>> -> memref<128xf32, #tpu.memory_space<hbm>>
      tpu.wait_dma2 semaphore(%run_scoped3A : memref<!tpu.dma_semaphore, #tpu.memory_space<semaphore_mem>>) src(%dma_wait3A_315 : memref<128xf32, #tpu.memory_space<hbm>>) dst(%dma_wait3A_314 : memref<128xf32, #tpu.memory_space<vmem>>)
      tpu.yield
    }) : () -> ()
    %multiple_of3A_7 = tpu.assume_multiple %mul3A_2, 32 : i32
    "tpu.region"() ({
      %run_scoped3A = tpu.sem_alloc : memref<!tpu.dma_semaphore, #tpu.memory_space<semaphore_mem>>
      %dma_start3A_304 = arith.constant 0 : i32
      %dma_start3A_305 = tpu.memref_slice %arg9[%dma_start3A_304] : memref<48xi32, #tpu.memory_space<vmem>> -> memref<32xi32, #tpu.memory_space<vmem>>
      %dma_start3A_306 = tpu.memref_slice %arg4[%multiple_of3A_7] : memref<1024xi32, #tpu.memory_space<hbm>> -> memref<32xi32, #tpu.memory_space<hbm>>
      %dma_start3A_307 = arith.constant 0 : i32
      %dma_start3A_308 = tpu.memref_slice %arg9[%dma_start3A_307] : memref<48xi32, #tpu.memory_space<vmem>> -> memref<32xi32, #tpu.memory_space<vmem>>
      %dma_start3A_309 = tpu.memref_slice %arg4[%multiple_of3A_7] : memref<1024xi32, #tpu.memory_space<hbm>> -> memref<32xi32, #tpu.memory_space<hbm>>
      tpu.enqueue_dma source(%dma_start3A_309 : memref<32xi32, #tpu.memory_space<hbm>>) target(%dma_start3A_308 : memref<32xi32, #tpu.memory_space<vmem>>) target_semaphore(%run_scoped3A : memref<!tpu.dma_semaphore, #tpu.memory_space<semaphore_mem>>)
      %dma_wait3A_310 = arith.constant 0 : i32
      %dma_wait3A_311 = tpu.memref_slice %arg9[%dma_wait3A_310] : memref<48xi32, #tpu.memory_space<vmem>> -> memref<32xi32, #tpu.memory_space<vmem>>
      %dma_wait3A_312 = tpu.memref_slice %arg4[%multiple_of3A_7] : memref<1024xi32, #tpu.memory_space<hbm>> -> memref<32xi32, #tpu.memory_space<hbm>>
      %dma_wait3A_313 = arith.constant 0 : i32
      %dma_wait3A_314 = tpu.memref_slice %arg9[%dma_wait3A_313] : memref<48xi32, #tpu.memory_space<vmem>> -> memref<32xi32, #tpu.memory_space<vmem>>
      %dma_wait3A_315 = tpu.memref_slice %arg4[%multiple_of3A_7] : memref<1024xi32, #tpu.memory_space<hbm>> -> memref<32xi32, #tpu.memory_space<hbm>>
      tpu.wait_dma2 semaphore(%run_scoped3A : memref<!tpu.dma_semaphore, #tpu.memory_space<semaphore_mem>>) src(%dma_wait3A_315 : memref<32xi32, #tpu.memory_space<hbm>>) dst(%dma_wait3A_314 : memref<32xi32, #tpu.memory_space<vmem>>)
      tpu.yield
    }) : () -> ()
    "tpu.region"() ({
      %run_scoped3A = tpu.sem_alloc : memref<!tpu.dma_semaphore, #tpu.memory_space<semaphore_mem>>
      tpu.enqueue_dma source(%arg5 : memref<208xf32, #tpu.memory_space<hbm>>) target(%arg10 : memref<208xf32, #tpu.memory_space<vmem>>) target_semaphore(%run_scoped3A : memref<!tpu.dma_semaphore, #tpu.memory_space<semaphore_mem>>)
      tpu.wait_dma2 semaphore(%run_scoped3A : memref<!tpu.dma_semaphore, #tpu.memory_space<semaphore_mem>>) src(%arg5 : memref<208xf32, #tpu.memory_space<hbm>>) dst(%arg10 : memref<208xf32, #tpu.memory_space<vmem>>)
      tpu.yield
    }) : () -> ()
    "tpu.region"() ({
      %run_scoped3A = tpu.sem_alloc : memref<!tpu.dma_semaphore, #tpu.memory_space<semaphore_mem>>
      tpu.enqueue_dma source(%arg6 : memref<208xf32, #tpu.memory_space<hbm>>) target(%arg11 : memref<208xf32, #tpu.memory_space<vmem>>) target_semaphore(%run_scoped3A : memref<!tpu.dma_semaphore, #tpu.memory_space<semaphore_mem>>)
      tpu.wait_dma2 semaphore(%run_scoped3A : memref<!tpu.dma_semaphore, #tpu.memory_space<semaphore_mem>>) src(%arg6 : memref<208xf32, #tpu.memory_space<hbm>>) dst(%arg11 : memref<208xf32, #tpu.memory_space<vmem>>)
      tpu.yield
    }) : () -> ()
    %iota3A = tpu.iota {dimensions = array<i32: 0>} : vector<16xi32>
    %get3A = arith.constant 0 : index
    %get3A_8 = tpu.vector_load %arg8[%get3A] {strides = array<i32>} : memref<144xf32, #tpu.memory_space<vmem>>, vector<16xf32>,
    %slice3A = vector.extract_strided_slice %get3A_8 {offsets = [0], sizes = [1], strides = [1]} : vector<16xf32> to vector<1xf32>
    %squeeze3A = vector.extract %slice3A[0] : f32 from vector<1xf32>
    %slice3A_9 = vector.extract_strided_slice %get3A_8 {offsets = [1], sizes = [1], strides = [1]} : vector<16xf32> to vector<1xf32>
    %squeeze3A_10 = vector.extract %slice3A_9[0] : f32 from vector<1xf32>
    %slice3A_11 = vector.extract_strided_slice %get3A_8 {offsets = [2], sizes = [1], strides = [1]} : vector<16xf32> to vector<1xf32>
    %squeeze3A_12 = vector.extract %slice3A_11[0] : f32 from vector<1xf32>
    %slice3A_13 = vector.extract_strided_slice %get3A_8 {offsets = [3], sizes = [1], strides = [1]} : vector<16xf32> to vector<1xf32>
    %squeeze3A_14 = vector.extract %slice3A_13[0] : f32 from vector<1xf32>
    %get3A_15 = arith.constant 0 : index
    %get3A_16 = tpu.vector_load %arg9[%get3A_15] {strides = array<i32>} : memref<48xi32, #tpu.memory_space<vmem>>, vector<16xi32>,
    %slice3A_17 = vector.extract_strided_slice %get3A_16 {offsets = [0], sizes = [1], strides = [1]} : vector<16xi32> to vector<1xi32>
    %squeeze3A_18 = vector.extract %slice3A_17[0] : i32 from vector<1xi32>
    %sub3A_19 = arith.subf %squeeze3A_12, %squeeze3A : f32
    %mul3A_20 = arith.constant 0.0714285746 : f32
    %mul3A_21 = arith.mulf %sub3A_19, %mul3A_20 : f32
    %sub3A_22 = arith.subf %squeeze3A_14, %squeeze3A_10 : f32
    %mul3A_23 = arith.constant 0.0714285746 : f32
    %mul3A_24 = arith.mulf %sub3A_22, %mul3A_23 : f32
    %mul3A_25 = arith.constant 5.000000e-01 : f32
    %mul3A_26 = arith.mulf %mul3A_21, %mul3A_25 : f32
    %add3A_27 = arith.addf %squeeze3A, %mul3A_26 : f32
    %sub3A_28 = arith.constant 5.000000e-01 : f32
    %sub3A_29 = arith.subf %add3A_27, %sub3A_28 : f32
    %mul3A_30 = arith.constant 0.0158730168 : f32
    %mul3A_31 = arith.mulf %sub3A_29, %mul3A_30 : f32
    %mul3A_32 = arith.constant 5.000000e-01 : f32
    %mul3A_33 = arith.mulf %mul3A_24, %mul3A_32 : f32
    %add3A_34 = arith.addf %squeeze3A_10, %mul3A_33 : f32
    %sub3A_35 = arith.constant 5.000000e-01 : f32
    %sub3A_36 = arith.subf %add3A_34, %sub3A_35 : f32
    %mul3A_37 = arith.constant 0.0158730168 : f32
    %mul3A_38 = arith.mulf %sub3A_36, %mul3A_37 : f32
    %mul3A_39 = arith.constant 1.300000e+01 : f32
    %mul3A_40 = arith.mulf %mul3A_21, %mul3A_39 : f32
    %mul3A_41 = arith.constant 0.0158730168 : f32
    %mul3A_42 = arith.mulf %mul3A_40, %mul3A_41 : f32
    %mul3A_43 = arith.constant 1.300000e+01 : f32
    %mul3A_44 = arith.mulf %mul3A_24, %mul3A_43 : f32
    %mul3A_45 = arith.constant 0.0158730168 : f32
    %mul3A_46 = arith.mulf %mul3A_44, %mul3A_45 : f32
    %mul3A_47 = arith.constant 6.300000e+01 : f32
    %mul3A_48 = arith.mulf %mul3A_31, %mul3A_47 : f32
    %mul3A_49 = arith.constant 6.300000e+01 : f32
    %mul3A_50 = arith.mulf %mul3A_42, %mul3A_49 : f32
    %mul3A_51 = arith.constant 0.0769230798 : f32
    %mul3A_52 = arith.mulf %mul3A_50, %mul3A_51 : f32
    %mul3A_53 = arith.constant 6.300000e+01 : f32
    %mul3A_54 = arith.mulf %mul3A_38, %mul3A_53 : f32
    %mul3A_55 = arith.constant 6.300000e+01 : f32
    %mul3A_56 = arith.mulf %mul3A_46, %mul3A_55 : f32
    %mul3A_57 = arith.constant 0.0769230798 : f32
    %mul3A_58 = arith.mulf %mul3A_56, %mul3A_57 : f32
    %convert_element_type3A = arith.fptosi %mul3A_48 : f32 to i32
    %convert_element_type3A_59 = arith.sitofp %convert_element_type3A : i32 to f32
    %gt3A = arith.cmpf ogt, %convert_element_type3A_59, %mul3A_48 : f32
    %jit3A = arith.constant 1.000000e+00 : f32
    %jit3A_60 = arith.constant 0.000000e+00 : f32
    %select_n3A = arith.select %gt3A, %jit3A, %jit3A_60 : f32
    %sub3A_61 = arith.subf %convert_element_type3A_59, %select_n3A : f32
    %convert_element_type3A_62 = arith.fptosi %sub3A_61 : f32 to i32
    %jit3A_63 = arith.constant 0 : i32
    %jit3A_64 = arith.constant 51 : i32
    %max3A = arith.maxsi %jit3A_63, %convert_element_type3A_62 : i32
    %min3A_65 = arith.minsi %jit3A_64, %max3A : i32
    %convert_element_type3A_66 = arith.fptosi %mul3A_54 : f32 to i32
    %convert_element_type3A_67 = arith.sitofp %convert_element_type3A_66 : i32 to f32
    %gt3A_68 = arith.cmpf ogt, %convert_element_type3A_67, %mul3A_54 : f32
    %jit3A_69 = arith.constant 1.000000e+00 : f32
    %jit3A_70 = arith.constant 0.000000e+00 : f32
    %select_n3A_71 = arith.select %gt3A_68, %jit3A_69, %jit3A_70 : f32
    %sub3A_72 = arith.subf %convert_element_type3A_67, %select_n3A_71 : f32
    %convert_element_type3A_73 = arith.fptosi %sub3A_72 : f32 to i32
    %jit3A_74 = arith.constant 0 : i32
    %jit3A_75 = arith.constant 51 : i32
    %max3A_76 = arith.maxsi %jit3A_74, %convert_element_type3A_73 : i32
    %min3A_77 = arith.minsi %jit3A_75, %max3A_76 : i32
    %mul3A_78 = arith.constant 64 : i32
    %mul3A_79 = arith.muli %squeeze3A_18, %mul3A_78 : i32
    %add3A_80 = arith.addi %mul3A_79, %min3A_77 : i32
    %mul3A_81 = arith.constant 64 : i32
    %mul3A_82 = arith.muli %add3A_80, %mul3A_81 : i32
    %add3A_83 = arith.addi %mul3A_82, %min3A_65 : i32
    %mul3A_84 = arith.constant 256 : i32
    %mul3A_85 = arith.muli %add3A_83, %mul3A_84 : i32
    %add3A_86 = arith.constant 0 : i32
    %add3A_87 = arith.addi %mul3A_85, %add3A_86 : i32
    %multiple_of3A_88 = tpu.assume_multiple %add3A_87, 256 : i32
    %mul3A_89 = arith.constant 0 : i32
    %mul3A_90 = arith.constant 43264 : i32
    %mul3A_91 = arith.muli %mul3A_89, %mul3A_90 : i32
    %multiple_of3A_92 = tpu.assume_multiple %mul3A_91, 256 : i32
    %add3A_93 = arith.constant 0 : i32
    %add3A_94 = arith.addi %multiple_of3A_92, %add3A_93 : i32
    %dma_start3A = tpu.memref_slice %arg20[%add3A_94] : memref<86528xf32, #tpu.memory_space<vmem>> -> memref<3328xf32, #tpu.memory_space<vmem>>
    %dma_start3A_95 = tpu.memref_slice %arg2[%multiple_of3A_88] : memref<4194304xf32, #tpu.memory_space<hbm>> -> memref<3328xf32, #tpu.memory_space<hbm>>
    %dma_start3A_96 = tpu.memref_slice %arg20[%add3A_94] : memref<86528xf32, #tpu.memory_space<vmem>> -> memref<3328xf32, #tpu.memory_space<vmem>>
    %dma_start3A_97 = tpu.memref_slice %arg2[%multiple_of3A_88] : memref<4194304xf32, #tpu.memory_space<hbm>> -> memref<3328xf32, #tpu.memory_space<hbm>>
    tpu.enqueue_dma source(%dma_start3A_97 : memref<3328xf32, #tpu.memory_space<hbm>>) target(%dma_start3A_96 : memref<3328xf32, #tpu.memory_space<vmem>>) target_semaphore(%arg23 : memref<!tpu.dma_semaphore, #tpu.memory_space<semaphore_mem>>)
    %add3A_98 = arith.constant 16384 : i32
    %add3A_99 = arith.addi %mul3A_85, %add3A_98 : i32
    %multiple_of3A_100 = tpu.assume_multiple %add3A_99, 256 : i32
    %mul3A_101 = arith.constant 0 : i32
    %mul3A_102 = arith.constant 43264 : i32
    %mul3A_103 = arith.muli %mul3A_101, %mul3A_102 : i32
    %multiple_of3A_104 = tpu.assume_multiple %mul3A_103, 256 : i32
    %add3A_105 = arith.constant 3328 : i32
    %add3A_106 = arith.addi %multiple_of3A_104, %add3A_105 : i32
    %dma_start3A_107 = tpu.memref_slice %arg20[%add3A_106] : memref<86528xf32, #tpu.memory_space<vmem>> -> memref<3328xf32, #tpu.memory_space<vmem>>
    %dma_start3A_108 = tpu.memref_slice %arg2[%multiple_of3A_100] : memref<4194304xf32, #tpu.memory_space<hbm>> -> memref<3328xf32, #tpu.memory_space<hbm>>
    %dma_start3A_109 = tpu.memref_slice %arg20[%add3A_106] : memref<86528xf32, #tpu.memory_space<vmem>> -> memref<3328xf32, #tpu.memory_space<vmem>>
    %dma_start3A_110 = tpu.memref_slice %arg2[%multiple_of3A_100] : memref<4194304xf32, #tpu.memory_space<hbm>> -> memref<3328xf32, #tpu.memory_space<hbm>>
    tpu.enqueue_dma source(%dma_start3A_110 : memref<3328xf32, #tpu.memory_space<hbm>>) target(%dma_start3A_109 : memref<3328xf32, #tpu.memory_space<vmem>>) target_semaphore(%arg23 : memref<!tpu.dma_semaphore, #tpu.memory_space<semaphore_mem>>)
    %add3A_111 = arith.constant 32768 : i32
    %add3A_112 = arith.addi %mul3A_85, %add3A_111 : i32
    %multiple_of3A_113 = tpu.assume_multiple %add3A_112, 256 : i32
    %mul3A_114 = arith.constant 0 : i32
    %mul3A_115 = arith.constant 43264 : i32
    %mul3A_116 = arith.muli %mul3A_114, %mul3A_115 : i32
    %multiple_of3A_117 = tpu.assume_multiple %mul3A_116, 256 : i32
    %add3A_118 = arith.constant 6656 : i32
    %add3A_119 = arith.addi %multiple_of3A_117, %add3A_118 : i32
    %dma_start3A_120 = tpu.memref_slice %arg20[%add3A_119] : memref<86528xf32, #tpu.memory_space<vmem>> -> memref<3328xf32, #tpu.memory_space<vmem>>
    %dma_start3A_121 = tpu.memref_slice %arg2[%multiple_of3A_113] : memref<4194304xf32, #tpu.memory_space<hbm>> -> memref<3328xf32, #tpu.memory_space<hbm>>
    %dma_start3A_122 = tpu.memref_slice %arg20[%add3A_119] : memref<86528xf32, #tpu.memory_space<vmem>> -> memref<3328xf32, #tpu.memory_space<vmem>>
    %dma_start3A_123 = tpu.memref_slice %arg2[%multiple_of3A_113] : memref<4194304xf32, #tpu.memory_space<hbm>> -> memref<3328xf32, #tpu.memory_space<hbm>>
    tpu.enqueue_dma source(%dma_start3A_123 : memref<3328xf32, #tpu.memory_space<hbm>>) target(%dma_start3A_122 : memref<3328xf32, #tpu.memory_space<vmem>>) target_semaphore(%arg23 : memref<!tpu.dma_semaphore, #tpu.memory_space<semaphore_mem>>)
    %add3A_124 = arith.constant 49152 : i32
    %add3A_125 = arith.addi %mul3A_85, %add3A_124 : i32
    %multiple_of3A_126 = tpu.assume_multiple %add3A_125, 256 : i32
    %mul3A_127 = arith.constant 0 : i32
    %mul3A_128 = arith.constant 43264 : i32
    %mul3A_129 = arith.muli %mul3A_127, %mul3A_128 : i32
    %multiple_of3A_130 = tpu.assume_multiple %mul3A_129, 256 : i32
    %add3A_131 = arith.constant 9984 : i32
    %add3A_132 = arith.addi %multiple_of3A_130, %add3A_131 : i32
    %dma_start3A_133 = tpu.memref_slice %arg20[%add3A_132] : memref<86528xf32, #tpu.memory_space<vmem>> -> memref<3328xf32, #tpu.memory_space<vmem>>
    %dma_start3A_134 = tpu.memref_slice %arg2[%multiple_of3A_126] : memref<4194304xf32, #tpu.memory_space<hbm>> -> memref<3328xf32, #tpu.memory_space<hbm>>
    %dma_start3A_135 = tpu.memref_slice %arg20[%add3A_132] : memref<86528xf32, #tpu.memory_space<vmem>> -> memref<3328xf32, #tpu.memory_space<vmem>>
    %dma_start3A_136 = tpu.memref_slice %arg2[%multiple_of3A_126] : memref<4194304xf32, #tpu.memory_space<hbm>> -> memref<3328xf32, #tpu.memory_space<hbm>>
    tpu.enqueue_dma source(%dma_start3A_136 : memref<3328xf32, #tpu.memory_space<hbm>>) target(%dma_start3A_135 : memref<3328xf32, #tpu.memory_space<vmem>>) target_semaphore(%arg23 : memref<!tpu.dma_semaphore, #tpu.memory_space<semaphore_mem>>)
    %add3A_137 = arith.constant 65536 : i32
    %add3A_138 = arith.addi %mul3A_85, %add3A_137 : i32
    %multiple_of3A_139 = tpu.assume_multiple %add3A_138, 256 : i32
    %mul3A_140 = arith.constant 0 : i32
    %mul3A_141 = arith.constant 43264 : i32
    %mul3A_142 = arith.muli %mul3A_140, %mul3A_141 : i32
    %multiple_of3A_143 = tpu.assume_multiple %mul3A_142, 256 : i32
    %add3A_144 = arith.constant 13312 : i32
    %add3A_145 = arith.addi %multiple_of3A_143, %add3A_144 : i32
    %dma_start3A_146 = tpu.memref_slice %arg20[%add3A_145] : memref<86528xf32, #tpu.memory_space<vmem>> -> memref<3328xf32, #tpu.memory_space<vmem>>
    %dma_start3A_147 = tpu.memref_slice %arg2[%multiple_of3A_139] : memref<4194304xf32, #tpu.memory_space<hbm>> -> memref<3328xf32, #tpu.memory_space<hbm>>
    %dma_start3A_148 = tpu.memref_slice %arg20[%add3A_145] : memref<86528xf32, #tpu.memory_space<vmem>> -> memref<3328xf32, #tpu.memory_space<vmem>>
    %dma_start3A_149 = tpu.memref_slice %arg2[%multiple_of3A_139] : memref<4194304xf32, #tpu.memory_space<hbm>> -> memref<3328xf32, #tpu.memory_space<hbm>>
    tpu.enqueue_dma source(%dma_start3A_149 : memref<3328xf32, #tpu.memory_space<hbm>>) target(%dma_start3A_148 : memref<3328xf32, #tpu.memory_space<vmem>>) target_semaphore(%arg23 : memref<!tpu.dma_semaphore, #tpu.memory_space<semaphore_mem>>)
    %add3A_150 = arith.constant 81920 : i32
    %add3A_151 = arith.addi %mul3A_85, %add3A_150 : i32
    %multiple_of3A_152 = tpu.assume_multiple %add3A_151, 256 : i32
    %mul3A_153 = arith.constant 0 : i32
    %mul3A_154 = arith.constant 43264 : i32
    %mul3A_155 = arith.muli %mul3A_153, %mul3A_154 : i32
    %multiple_of3A_156 = tpu.assume_multiple %mul3A_155, 256 : i32
    %add3A_157 = arith.constant 16640 : i32
    %add3A_158 = arith.addi %multiple_of3A_156, %add3A_157 : i32
    %dma_start3A_159 = tpu.memref_slice %arg20[%add3A_158] : memref<86528xf32, #tpu.memory_space<vmem>> -> memref<3328xf32, #tpu.memory_space<vmem>>
    %dma_start3A_160 = tpu.memref_slice %arg2[%multiple_of3A_152] : memref<4194304xf32, #tpu.memory_space<hbm>> -> memref<3328xf32, #tpu.memory_space<hbm>>
    %dma_start3A_161 = tpu.memref_slice %arg20[%add3A_158] : memref<86528xf32, #tpu.memory_space<vmem>> -> memref<3328xf32, #tpu.memory_space<vmem>>
    %dma_start3A_162 = tpu.memref_slice %arg2[%multiple_of3A_152] : memref<4194304xf32, #tpu.memory_space<hbm>> -> memref<3328xf32, #tpu.memory_space<hbm>>
    tpu.enqueue_dma source(%dma_start3A_162 : memref<3328xf32, #tpu.memory_space<hbm>>) target(%dma_start3A_161 : memref<3328xf32, #tpu.memory_space<vmem>>) target_semaphore(%arg23 : memref<!tpu.dma_semaphore, #tpu.memory_space<semaphore_mem>>)
    %add3A_163 = arith.constant 98304 : i32
    %add3A_164 = arith.addi %mul3A_85, %add3A_163 : i32
    %multiple_of3A_165 = tpu.assume_multiple %add3A_164, 256 : i32
    %mul3A_166 = arith.constant 0 : i32
    %mul3A_167 = arith.constant 43264 : i32
    %mul3A_168 = arith.muli %mul3A_166, %mul3A_167 : i32
    %multiple_of3A_169 = tpu.assume_multiple %mul3A_168, 256 : i32
    %add3A_170 = arith.constant 19968 : i32
    %add3A_171 = arith.addi %multiple_of3A_169, %add3A_170 : i32
    %dma_start3A_172 = tpu.memref_slice %arg20[%add3A_171] : memref<86528xf32, #tpu.memory_space<vmem>> -> memref<3328xf32, #tpu.memory_space<vmem>>
    %dma_start3A_173 = tpu.memref_slice %arg2[%multiple_of3A_165] : memref<4194304xf32, #tpu.memory_space<hbm>> -> memref<3328xf32, #tpu.memory_space<hbm>>
    %dma_start3A_174 = tpu.memref_slice %arg20[%add3A_171] : memref<86528xf32, #tpu.memory_space<vmem>> -> memref<3328xf32, #tpu.memory_space<vmem>>
    %dma_start3A_175 = tpu.memref_slice %arg2[%multiple_of3A_165] : memref<4194304xf32, #tpu.memory_space<hbm>> -> memref<3328xf32, #tpu.memory_space<hbm>>
    tpu.enqueue_dma source(%dma_start3A_175 : memref<3328xf32, #tpu.memory_space<hbm>>) target(%dma_start3A_174 : memref<3328xf32, #tpu.memory_space<vmem>>) target_semaphore(%arg23 : memref<!tpu.dma_semaphore, #tpu.memory_space<semaphore_mem>>)
    %add3A_176 = arith.constant 114688 : i32
    %add3A_177 = arith.addi %mul3A_85, %add3A_176 : i32
    %multiple_of3A_178 = tpu.assume_multiple %add3A_177, 256 : i32
    %mul3A_179 = arith.constant 0 : i32
    %mul3A_180 = arith.constant 43264 : i32
    %mul3A_181 = arith.muli %mul3A_179, %mul3A_180 : i32
    %multiple_of3A_182 = tpu.assume_multiple %mul3A_181, 256 : i32
    %add3A_183 = arith.constant 23296 : i32
    %add3A_184 = arith.addi %multiple_of3A_182, %add3A_183 : i32
    %dma_start3A_185 = tpu.memref_slice %arg20[%add3A_184] : memref<86528xf32, #tpu.memory_space<vmem>> -> memref<3328xf32, #tpu.memory_space<vmem>>
    %dma_start3A_186 = tpu.memref_slice %arg2[%multiple_of3A_178] : memref<4194304xf32, #tpu.memory_space<hbm>> -> memref<3328xf32, #tpu.memory_space<hbm>>
    %dma_start3A_187 = tpu.memref_slice %arg20[%add3A_184] : memref<86528xf32, #tpu.memory_space<vmem>> -> memref<3328xf32, #tpu.memory_space<vmem>>
    %dma_start3A_188 = tpu.memref_slice %arg2[%multiple_of3A_178] : memref<4194304xf32, #tpu.memory_space<hbm>> -> memref<3328xf32, #tpu.memory_space<hbm>>
    tpu.enqueue_dma source(%dma_start3A_188 : memref<3328xf32, #tpu.memory_space<hbm>>) target(%dma_start3A_187 : memref<3328xf32, #tpu.memory_space<vmem>>) target_semaphore(%arg23 : memref<!tpu.dma_semaphore, #tpu.memory_space<semaphore_mem>>)
    %add3A_189 = arith.constant 131072 : i32
    %add3A_190 = arith.addi %mul3A_85, %add3A_189 : i32
    %multiple_of3A_191 = tpu.assume_multiple %add3A_190, 256 : i32
    %mul3A_192 = arith.constant 0 : i32
    %mul3A_193 = arith.constant 43264 : i32
    %mul3A_194 = arith.muli %mul3A_192, %mul3A_193 : i32
    %multiple_of3A_195 = tpu.assume_multiple %mul3A_194, 256 : i32
    %add3A_196 = arith.constant 26624 : i32
    %add3A_197 = arith.addi %multiple_of3A_195, %add3A_196 : i32
    %dma_start3A_198 = tpu.memref_slice %arg20[%add3A_197] : memref<86528xf32, #tpu.memory_space<vmem>> -> memref<3328xf32, #tpu.memory_space<vmem>>
    %dma_start3A_199 = tpu.memref_slice %arg2[%multiple_of3A_191] : memref<4194304xf32, #tpu.memory_space<hbm>> -> memref<3328xf32, #tpu.memory_space<hbm>>
    %dma_start3A_200 = tpu.memref_slice %arg20[%add3A_197] : memref<86528xf32, #tpu.memory_space<vmem>> -> memref<3328xf32, #tpu.memory_space<vmem>>
    %dma_start3A_201 = tpu.memref_slice %arg2[%multiple_of3A_191] : memref<4194304xf32, #tpu.memory_space<hbm>> -> memref<3328xf32, #tpu.memory_space<hbm>>
    tpu.enqueue_dma source(%dma_start3A_201 : memref<3328xf32, #tpu.memory_space<hbm>>) target(%dma_start3A_200 : memref<3328xf32, #tpu.memory_space<vmem>>) target_semaphore(%arg23 : memref<!tpu.dma_semaphore, #tpu.memory_space<semaphore_mem>>)
    %add3A_202 = arith.constant 147456 : i32
    %add3A_203 = arith.addi %mul3A_85, %add3A_202 : i32
    %multiple_of3A_204 = tpu.assume_multiple %add3A_203, 256 : i32
    %mul3A_205 = arith.constant 0 : i32
    %mul3A_206 = arith.constant 43264 : i32
    %mul3A_207 = arith.muli %mul3A_205, %mul3A_206 : i32
    %multiple_of3A_208 = tpu.assume_multiple %mul3A_207, 256 : i32
    %add3A_209 = arith.constant 29952 : i32
    %add3A_210 = arith.addi %multiple_of3A_208, %add3A_209 : i32
    %dma_start3A_211 = tpu.memref_slice %arg20[%add3A_210] : memref<86528xf32, #tpu.memory_space<vmem>> -> memref<3328xf32, #tpu.memory_space<vmem>>
    %dma_start3A_212 = tpu.memref_slice %arg2[%multiple_of3A_204] : memref<4194304xf32, #tpu.memory_space<hbm>> -> memref<3328xf32, #tpu.memory_space<hbm>>
    %dma_start3A_213 = tpu.memref_slice %arg20[%add3A_210] : memref<86528xf32, #tpu.memory_space<vmem>> -> memref<3328xf32, #tpu.memory_space<vmem>>
    %dma_start3A_214 = tpu.memref_slice %arg2[%multiple_of3A_204] : memref<4194304xf32, #tpu.memory_space<hbm>> -> memref<3328xf32, #tpu.memory_space<hbm>>
    tpu.enqueue_dma source(%dma_start3A_214 : memref<3328xf32, #tpu.memory_space<hbm>>) target(%dma_start3A_213 : memref<3328xf32, #tpu.memory_space<vmem>>) target_semaphore(%arg23 : memref<!tpu.dma_semaphore, #tpu.memory_space<semaphore_mem>>)
    %add3A_215 = arith.constant 163840 : i32
    %add3A_216 = arith.addi %mul3A_85, %add3A_215 : i32
    %multiple_of3A_217 = tpu.assume_multiple %add3A_216, 256 : i32
    %mul3A_218 = arith.constant 0 : i32
    %mul3A_219 = arith.constant 43264 : i32
    %mul3A_220 = arith.muli %mul3A_218, %mul3A_219 : i32
    %multiple_of3A_221 = tpu.assume_multiple %mul3A_220, 256 : i32
    %add3A_222 = arith.constant 33280 : i32
    %add3A_223 = arith.addi %multiple_of3A_221, %add3A_222 : i32
    %dma_start3A_224 = tpu.memref_slice %arg20[%add3A_223] : memref<86528xf32, #tpu.memory_space<vmem>> -> memref<3328xf32, #tpu.memory_space<vmem>>
    %dma_start3A_225 = tpu.memref_slice %arg2[%multiple_of3A_217] : memref<4194304xf32, #tpu.memory_space<hbm>> -> memref<3328xf32, #tpu.memory_space<hbm>>
    %dma_start3A_226 = tpu.memref_slice %arg20[%add3A_223] : memref<86528xf32, #tpu.memory_space<vmem>> -> memref<3328xf32, #tpu.memory_space<vmem>>
    %dma_start3A_227 = tpu.memref_slice %arg2[%multiple_of3A_217] : memref<4194304xf32, #tpu.memory_space<hbm>> -> memref<3328xf32, #tpu.memory_space<hbm>>
    tpu.enqueue_dma source(%dma_start3A_227 : memref<3328xf32, #tpu.memory_space<hbm>>) target(%dma_start3A_226 : memref<3328xf32, #tpu.memory_space<vmem>>) target_semaphore(%arg23 : memref<!tpu.dma_semaphore, #tpu.memory_space<semaphore_mem>>)
    %add3A_228 = arith.constant 180224 : i32
    %add3A_229 = arith.addi %mul3A_85, %add3A_228 : i32
    %multiple_of3A_230 = tpu.assume_multiple %add3A_229, 256 : i32
    %mul3A_231 = arith.constant 0 : i32
    %mul3A_232 = arith.constant 43264 : i32
    %mul3A_233 = arith.muli %mul3A_231, %mul3A_232 : i32
    %multiple_of3A_234 = tpu.assume_multiple %mul3A_233, 256 : i32
    %add3A_235 = arith.constant 36608 : i32
    %add3A_236 = arith.addi %multiple_of3A_234, %add3A_235 : i32
    %dma_start3A_237 = tpu.memref_slice %arg20[%add3A_236] : memref<86528xf32, #tpu.memory_space<vmem>> -> memref<3328xf32, #tpu.memory_space<vmem>>
    %dma_start3A_238 = tpu.memref_slice %arg2[%multiple_of3A_230] : memref<4194304xf32, #tpu.memory_space<hbm>> -> memref<3328xf32, #tpu.memory_space<hbm>>
    %dma_start3A_239 = tpu.memref_slice %arg20[%add3A_236] : memref<86528xf32, #tpu.memory_space<vmem>> -> memref<3328xf32, #tpu.memory_space<vmem>>
    %dma_start3A_240 = tpu.memref_slice %arg2[%multiple_of3A_230] : memref<4194304xf32, #tpu.memory_space<hbm>> -> memref<3328xf32, #tpu.memory_space<hbm>>
    tpu.enqueue_dma source(%dma_start3A_240 : memref<3328xf32, #tpu.memory_space<hbm>>) target(%dma_start3A_239 : memref<3328xf32, #tpu.memory_space<vmem>>) target_semaphore(%arg23 : memref<!tpu.dma_semaphore, #tpu.memory_space<semaphore_mem>>)
    %add3A_241 = arith.constant 196608 : i32
    %add3A_242 = arith.addi %mul3A_85, %add3A_241 : i32
    %multiple_of3A_243 = tpu.assume_multiple %add3A_242, 256 : i32
    %mul3A_244 = arith.constant 0 : i32
    %mul3A_245 = arith.constant 43264 : i32
    %mul3A_246 = arith.muli %mul3A_244, %mul3A_245 : i32
    %multiple_of3A_247 = tpu.assume_multiple %mul3A_246, 256 : i32
    %add3A_248 = arith.constant 39936 : i32
    %add3A_249 = arith.addi %multiple_of3A_247, %add3A_248 : i32
    %dma_start3A_250 = tpu.memref_slice %arg20[%add3A_249] : memref<86528xf32, #tpu.memory_space<vmem>> -> memref<3328xf32, #tpu.memory_space<vmem>>
    %dma_start3A_251 = tpu.memref_slice %arg2[%multiple_of3A_243] : memref<4194304xf32, #tpu.memory_space<hbm>> -> memref<3328xf32, #tpu.memory_space<hbm>>
    %dma_start3A_252 = tpu.memref_slice %arg20[%add3A_249] : memref<86528xf32, #tpu.memory_space<vmem>> -> memref<3328xf32, #tpu.memory_space<vmem>>
    %dma_start3A_253 = tpu.memref_slice %arg2[%multiple_of3A_243] : memref<4194304xf32, #tpu.memory_space<hbm>> -> memref<3328xf32, #tpu.memory_space<hbm>>
    tpu.enqueue_dma source(%dma_start3A_253 : memref<3328xf32, #tpu.memory_space<hbm>>) target(%dma_start3A_252 : memref<3328xf32, #tpu.memory_space<vmem>>) target_semaphore(%arg23 : memref<!tpu.dma_semaphore, #tpu.memory_space<semaphore_mem>>)
    %sub3A_254 = arith.constant 0 : i32
    %sub3A_255 = arith.subi %min3A_4, %sub3A_254 : i32
    %sub3A_256 = arith.constant 1 : i32
    %sub3A_257 = arith.constant 1 : i32
    %sub3A_258 = arith.subi %sub3A_256, %sub3A_257 : i32
    %add3A_259 = arith.addi %sub3A_255, %sub3A_258 : i32
    %div3A = arith.constant 1 : i32
    %div3A_260 = arith.divsi %add3A_259, %div3A : i32
    %while3A = arith.constant 1 : i32
    %while3A_261 = arith.constant 0 : i32
    %while3A_262 = arith.constant 0 : i32
    %while3A_263 = arith.subi %div3A_260, %while3A_262 : i32
    %while3A_264 = arith.addi %while3A_262, %while3A_263 : i32
    %while3A_265 = arith.constant 1 : i32
    %while3A_266 = arith.divsi %while3A_263, %while3A_265 : i32
    %while3A_267 = arith.muli %while3A_266, %while3A_265 : i32
    %while3A_268 = arith.addi %while3A_262, %while3A_267 : i32
    %while3A_269 = arith.constant 1 : i32
    scf.for %while3A_304 = %while3A_262 to %while3A_268 step %while3A_269  : i32 {
      %mul3A_305 = arith.muli %while3A_304, %while3A : i32
      %add3A_306 = arith.addi %while3A_261, %mul3A_305 : i32
      %and3A = arith.constant 1 : i32
      %and3A_307 = arith.andi %add3A_306, %and3A : i32
      %mul3A_308 = arith.constant 43264 : i32
      %mul3A_309 = arith.muli %and3A_307, %mul3A_308 : i32
      %mul3A_310 = arith.constant 4 : i32
      %mul3A_311 = arith.muli %mul3A_310, %add3A_306 : i32
      %get3A_312 = arith.index_cast %mul3A_311 : i32 to index
      %get3A_313 = tpu.vector_load %arg8[%get3A_312] {strides = array<i32>} : memref<144xf32, #tpu.memory_space<vmem>>, vector<16xf32>,
      %slice3A_314 = vector.extract_strided_slice %get3A_313 {offsets = [0], sizes = [1], strides = [1]} : vector<16xf32> to vector<1xf32>
      %squeeze3A_315 = vector.extract %slice3A_314[0] : f32 from vector<1xf32>
      %slice3A_316 = vector.extract_strided_slice %get3A_313 {offsets = [1], sizes = [1], strides = [1]} : vector<16xf32> to vector<1xf32>
      %squeeze3A_317 = vector.extract %slice3A_316[0] : f32 from vector<1xf32>
      %slice3A_318 = vector.extract_strided_slice %get3A_313 {offsets = [2], sizes = [1], strides = [1]} : vector<16xf32> to vector<1xf32>
      %squeeze3A_319 = vector.extract %slice3A_318[0] : f32 from vector<1xf32>
      %slice3A_320 = vector.extract_strided_slice %get3A_313 {offsets = [3], sizes = [1], strides = [1]} : vector<16xf32> to vector<1xf32>
      %squeeze3A_321 = vector.extract %slice3A_320[0] : f32 from vector<1xf32>
      %get3A_322 = arith.index_cast %add3A_306 : i32 to index
      %get3A_323 = tpu.vector_load %arg9[%get3A_322] {strides = array<i32>} : memref<48xi32, #tpu.memory_space<vmem>>, vector<16xi32>,
      %slice3A_324 = vector.extract_strided_slice %get3A_323 {offsets = [0], sizes = [1], strides = [1]} : vector<16xi32> to vector<1xi32>
      %squeeze3A_325 = vector.extract %slice3A_324[0] : i32 from vector<1xi32>
      %sub3A_326 = arith.subf %squeeze3A_319, %squeeze3A_315 : f32
      %mul3A_327 = arith.constant 0.0714285746 : f32
      %mul3A_328 = arith.mulf %sub3A_326, %mul3A_327 : f32
      %sub3A_329 = arith.subf %squeeze3A_321, %squeeze3A_317 : f32
      %mul3A_330 = arith.constant 0.0714285746 : f32
      %mul3A_331 = arith.mulf %sub3A_329, %mul3A_330 : f32
      %mul3A_332 = arith.constant 5.000000e-01 : f32
      %mul3A_333 = arith.mulf %mul3A_328, %mul3A_332 : f32
      %add3A_334 = arith.addf %squeeze3A_315, %mul3A_333 : f32
      %sub3A_335 = arith.constant 5.000000e-01 : f32
      %sub3A_336 = arith.subf %add3A_334, %sub3A_335 : f32
      %mul3A_337 = arith.constant 0.0158730168 : f32
      %mul3A_338 = arith.mulf %sub3A_336, %mul3A_337 : f32
      %mul3A_339 = arith.constant 5.000000e-01 : f32
      %mul3A_340 = arith.mulf %mul3A_331, %mul3A_339 : f32
      %add3A_341 = arith.addf %squeeze3A_317, %mul3A_340 : f32
      %sub3A_342 = arith.constant 5.000000e-01 : f32
      %sub3A_343 = arith.subf %add3A_341, %sub3A_342 : f32
      %mul3A_344 = arith.constant 0.0158730168 : f32
      %mul3A_345 = arith.mulf %sub3A_343, %mul3A_344 : f32
      %mul3A_346 = arith.constant 1.300000e+01 : f32
      %mul3A_347 = arith.mulf %mul3A_328, %mul3A_346 : f32
      %mul3A_348 = arith.constant 0.0158730168 : f32
      %mul3A_349 = arith.mulf %mul3A_347, %mul3A_348 : f32
      %mul3A_350 = arith.constant 1.300000e+01 : f32
      %mul3A_351 = arith.mulf %mul3A_331, %mul3A_350 : f32
      %mul3A_352 = arith.constant 0.0158730168 : f32
      %mul3A_353 = arith.mulf %mul3A_351, %mul3A_352 : f32
      %mul3A_354 = arith.constant 6.300000e+01 : f32
      %mul3A_355 = arith.mulf %mul3A_338, %mul3A_354 : f32
      %mul3A_356 = arith.constant 6.300000e+01 : f32
      %mul3A_357 = arith.mulf %mul3A_349, %mul3A_356 : f32
      %mul3A_358 = arith.constant 0.0769230798 : f32
      %mul3A_359 = arith.mulf %mul3A_357, %mul3A_358 : f32
      %mul3A_360 = arith.constant 6.300000e+01 : f32
      %mul3A_361 = arith.mulf %mul3A_345, %mul3A_360 : f32
      %mul3A_362 = arith.constant 6.300000e+01 : f32
      %mul3A_363 = arith.mulf %mul3A_353, %mul3A_362 : f32
      %mul3A_364 = arith.constant 0.0769230798 : f32
      %mul3A_365 = arith.mulf %mul3A_363, %mul3A_364 : f32
      %convert_element_type3A_366 = arith.fptosi %mul3A_355 : f32 to i32
      %convert_element_type3A_367 = arith.sitofp %convert_element_type3A_366 : i32 to f32
      %gt3A_368 = arith.cmpf ogt, %convert_element_type3A_367, %mul3A_355 : f32
      %jit3A_369 = arith.constant 1.000000e+00 : f32
      %jit3A_370 = arith.constant 0.000000e+00 : f32
      %select_n3A_371 = arith.select %gt3A_368, %jit3A_369, %jit3A_370 : f32
      %sub3A_372 = arith.subf %convert_element_type3A_367, %select_n3A_371 : f32
      %convert_element_type3A_373 = arith.fptosi %sub3A_372 : f32 to i32
      %jit3A_374 = arith.constant 0 : i32
      %jit3A_375 = arith.constant 51 : i32
      %max3A_376 = arith.maxsi %jit3A_374, %convert_element_type3A_373 : i32
      %min3A_377 = arith.minsi %jit3A_375, %max3A_376 : i32
      %convert_element_type3A_378 = arith.fptosi %mul3A_361 : f32 to i32
      %convert_element_type3A_379 = arith.sitofp %convert_element_type3A_378 : i32 to f32
      %gt3A_380 = arith.cmpf ogt, %convert_element_type3A_379, %mul3A_361 : f32
      %jit3A_381 = arith.constant 1.000000e+00 : f32
      %jit3A_382 = arith.constant 0.000000e+00 : f32
      %select_n3A_383 = arith.select %gt3A_380, %jit3A_381, %jit3A_382 : f32
      %sub3A_384 = arith.subf %convert_element_type3A_379, %select_n3A_383 : f32
      %convert_element_type3A_385 = arith.fptosi %sub3A_384 : f32 to i32
      %jit3A_386 = arith.constant 0 : i32
      %jit3A_387 = arith.constant 51 : i32
      %max3A_388 = arith.maxsi %jit3A_386, %convert_element_type3A_385 : i32
      %min3A_389 = arith.minsi %jit3A_387, %max3A_388 : i32
      %dma_wait3A_390 = arith.constant 0 : i32
      %dma_wait3A_391 = tpu.memref_slice %arg20[%dma_wait3A_390] : memref<86528xf32, #tpu.memory_space<vmem>> -> memref<3328xf32, #tpu.memory_space<vmem>>
      %dma_wait3A_392 = arith.constant 0 : i32
      %dma_wait3A_393 = tpu.memref_slice %arg2[%dma_wait3A_392] : memref<4194304xf32, #tpu.memory_space<hbm>> -> memref<3328xf32, #tpu.memory_space<hbm>>
      %dma_wait3A_394 = arith.constant 0 : i32
      %dma_wait3A_395 = tpu.memref_slice %arg20[%dma_wait3A_394] : memref<86528xf32, #tpu.memory_space<vmem>> -> memref<3328xf32, #tpu.memory_space<vmem>>
      %dma_wait3A_396 = arith.constant 0 : i32
      %dma_wait3A_397 = tpu.memref_slice %arg2[%dma_wait3A_396] : memref<4194304xf32, #tpu.memory_space<hbm>> -> memref<3328xf32, #tpu.memory_space<hbm>>
      tpu.wait_dma2 semaphore(%arg23 : memref<!tpu.dma_semaphore, #tpu.memory_space<semaphore_mem>>) src(%dma_wait3A_397 : memref<3328xf32, #tpu.memory_space<hbm>>) dst(%dma_wait3A_395 : memref<3328xf32, #tpu.memory_space<vmem>>)
      %dma_wait3A_398 = arith.constant 0 : i32
      %dma_wait3A_399 = tpu.memref_slice %arg20[%dma_wait3A_398] : memref<86528xf32, #tpu.memory_space<vmem>> -> memref<3328xf32, #tpu.memory_space<vmem>>
      %dma_wait3A_400 = arith.constant 0 : i32
      %dma_wait3A_401 = tpu.memref_slice %arg2[%dma_wait3A_400] : memref<4194304xf32, #tpu.memory_space<hbm>> -> memref<3328xf32, #tpu.memory_space<hbm>>
      %dma_wait3A_402 = arith.constant 0 : i32
      %dma_wait3A_403 = tpu.memref_slice %arg20[%dma_wait3A_402] : memref<86528xf32, #tpu.memory_space<vmem>> -> memref<3328xf32, #tpu.memory_space<vmem>>
      %dma_wait3A_404 = arith.constant 0 : i32
      %dma_wait3A_405 = tpu.memref_slice %arg2[%dma_wait3A_404] : memref<4194304xf32, #tpu.memory_space<hbm>> -> memref<3328xf32, #tpu.memory_space<hbm>>
      tpu.wait_dma2 semaphore(%arg23 : memref<!tpu.dma_semaphore, #tpu.memory_space<semaphore_mem>>) src(%dma_wait3A_405 : memref<3328xf32, #tpu.memory_space<hbm>>) dst(%dma_wait3A_403 : memref<3328xf32, #tpu.memory_space<vmem>>)
      %dma_wait3A_406 = arith.constant 0 : i32
      %dma_wait3A_407 = tpu.memref_slice %arg20[%dma_wait3A_406] : memref<86528xf32, #tpu.memory_space<vmem>> -> memref<3328xf32, #tpu.memory_space<vmem>>
      %dma_wait3A_408 = arith.constant 0 : i32
      %dma_wait3A_409 = tpu.memref_slice %arg2[%dma_wait3A_408] : memref<4194304xf32, #tpu.memory_space<hbm>> -> memref<3328xf32, #tpu.memory_space<hbm>>
      %dma_wait3A_410 = arith.constant 0 : i32
      %dma_wait3A_411 = tpu.memref_slice %arg20[%dma_wait3A_410] : memref<86528xf32, #tpu.memory_space<vmem>> -> memref<3328xf32, #tpu.memory_space<vmem>>
      %dma_wait3A_412 = arith.constant 0 : i32
      %dma_wait3A_413 = tpu.memref_slice %arg2[%dma_wait3A_412] : memref<4194304xf32, #tpu.memory_space<hbm>> -> memref<3328xf32, #tpu.memory_space<hbm>>
      tpu.wait_dma2 semaphore(%arg23 : memref<!tpu.dma_semaphore, #tpu.memory_space<semaphore_mem>>) src(%dma_wait3A_413 : memref<3328xf32, #tpu.memory_space<hbm>>) dst(%dma_wait3A_411 : memref<3328xf32, #tpu.memory_space<vmem>>)
      %dma_wait3A_414 = arith.constant 0 : i32
      %dma_wait3A_415 = tpu.memref_slice %arg20[%dma_wait3A_414] : memref<86528xf32, #tpu.memory_space<vmem>> -> memref<3328xf32, #tpu.memory_space<vmem>>
      %dma_wait3A_416 = arith.constant 0 : i32
      %dma_wait3A_417 = tpu.memref_slice %arg2[%dma_wait3A_416] : memref<4194304xf32, #tpu.memory_space<hbm>> -> memref<3328xf32, #tpu.memory_space<hbm>>
      %dma_wait3A_418 = arith.constant 0 : i32
      %dma_wait3A_419 = tpu.memref_slice %arg20[%dma_wait3A_418] : memref<86528xf32, #tpu.memory_space<vmem>> -> memref<3328xf32, #tpu.memory_space<vmem>>
      %dma_wait3A_420 = arith.constant 0 : i32
      %dma_wait3A_421 = tpu.memref_slice %arg2[%dma_wait3A_420] : memref<4194304xf32, #tpu.memory_space<hbm>> -> memref<3328xf32, #tpu.memory_space<hbm>>
      tpu.wait_dma2 semaphore(%arg23 : memref<!tpu.dma_semaphore, #tpu.memory_space<semaphore_mem>>) src(%dma_wait3A_421 : memref<3328xf32, #tpu.memory_space<hbm>>) dst(%dma_wait3A_419 : memref<3328xf32, #tpu.memory_space<vmem>>)
      %dma_wait3A_422 = arith.constant 0 : i32
      %dma_wait3A_423 = tpu.memref_slice %arg20[%dma_wait3A_422] : memref<86528xf32, #tpu.memory_space<vmem>> -> memref<3328xf32, #tpu.memory_space<vmem>>
      %dma_wait3A_424 = arith.constant 0 : i32
      %dma_wait3A_425 = tpu.memref_slice %arg2[%dma_wait3A_424] : memref<4194304xf32, #tpu.memory_space<hbm>> -> memref<3328xf32, #tpu.memory_space<hbm>>
      %dma_wait3A_426 = arith.constant 0 : i32
      %dma_wait3A_427 = tpu.memref_slice %arg20[%dma_wait3A_426] : memref<86528xf32, #tpu.memory_space<vmem>> -> memref<3328xf32, #tpu.memory_space<vmem>>
      %dma_wait3A_428 = arith.constant 0 : i32
      %dma_wait3A_429 = tpu.memref_slice %arg2[%dma_wait3A_428] : memref<4194304xf32, #tpu.memory_space<hbm>> -> memref<3328xf32, #tpu.memory_space<hbm>>
      tpu.wait_dma2 semaphore(%arg23 : memref<!tpu.dma_semaphore, #tpu.memory_space<semaphore_mem>>) src(%dma_wait3A_429 : memref<3328xf32, #tpu.memory_space<hbm>>) dst(%dma_wait3A_427 : memref<3328xf32, #tpu.memory_space<vmem>>)
      %dma_wait3A_430 = arith.constant 0 : i32
      %dma_wait3A_431 = tpu.memref_slice %arg20[%dma_wait3A_430] : memref<86528xf32, #tpu.memory_space<vmem>> -> memref<3328xf32, #tpu.memory_space<vmem>>
      %dma_wait3A_432 = arith.constant 0 : i32
      %dma_wait3A_433 = tpu.memref_slice %arg2[%dma_wait3A_432] : memref<4194304xf32, #tpu.memory_space<hbm>> -> memref<3328xf32, #tpu.memory_space<hbm>>
      %dma_wait3A_434 = arith.constant 0 : i32
      %dma_wait3A_435 = tpu.memref_slice %arg20[%dma_wait3A_434] : memref<86528xf32, #tpu.memory_space<vmem>> -> memref<3328xf32, #tpu.memory_space<vmem>>
      %dma_wait3A_436 = arith.constant 0 : i32
      %dma_wait3A_437 = tpu.memref_slice %arg2[%dma_wait3A_436] : memref<4194304xf32, #tpu.memory_space<hbm>> -> memref<3328xf32, #tpu.memory_space<hbm>>
      tpu.wait_dma2 semaphore(%arg23 : memref<!tpu.dma_semaphore, #tpu.memory_space<semaphore_mem>>) src(%dma_wait3A_437 : memref<3328xf32, #tpu.memory_space<hbm>>) dst(%dma_wait3A_435 : memref<3328xf32, #tpu.memory_space<vmem>>)
      %dma_wait3A_438 = arith.constant 0 : i32
      %dma_wait3A_439 = tpu.memref_slice %arg20[%dma_wait3A_438] : memref<86528xf32, #tpu.memory_space<vmem>> -> memref<3328xf32, #tpu.memory_space<vmem>>
      %dma_wait3A_440 = arith.constant 0 : i32
      %dma_wait3A_441 = tpu.memref_slice %arg2[%dma_wait3A_440] : memref<4194304xf32, #tpu.memory_space<hbm>> -> memref<3328xf32, #tpu.memory_space<hbm>>
      %dma_wait3A_442 = arith.constant 0 : i32
      %dma_wait3A_443 = tpu.memref_slice %arg20[%dma_wait3A_442] : memref<86528xf32, #tpu.memory_space<vmem>> -> memref<3328xf32, #tpu.memory_space<vmem>>
      %dma_wait3A_444 = arith.constant 0 : i32
      %dma_wait3A_445 = tpu.memref_slice %arg2[%dma_wait3A_444] : memref<4194304xf32, #tpu.memory_space<hbm>> -> memref<3328xf32, #tpu.memory_space<hbm>>
      tpu.wait_dma2 semaphore(%arg23 : memref<!tpu.dma_semaphore, #tpu.memory_space<semaphore_mem>>) src(%dma_wait3A_445 : memref<3328xf32, #tpu.memory_space<hbm>>) dst(%dma_wait3A_443 : memref<3328xf32, #tpu.memory_space<vmem>>)
      %dma_wait3A_446 = arith.constant 0 : i32
      %dma_wait3A_447 = tpu.memref_slice %arg20[%dma_wait3A_446] : memref<86528xf32, #tpu.memory_space<vmem>> -> memref<3328xf32, #tpu.memory_space<vmem>>
      %dma_wait3A_448 = arith.constant 0 : i32
      %dma_wait3A_449 = tpu.memref_slice %arg2[%dma_wait3A_448] : memref<4194304xf32, #tpu.memory_space<hbm>> -> memref<3328xf32, #tpu.memory_space<hbm>>
      %dma_wait3A_450 = arith.constant 0 : i32
      %dma_wait3A_451 = tpu.memref_slice %arg20[%dma_wait3A_450] : memref<86528xf32, #tpu.memory_space<vmem>> -> memref<3328xf32, #tpu.memory_space<vmem>>
      %dma_wait3A_452 = arith.constant 0 : i32
      %dma_wait3A_453 = tpu.memref_slice %arg2[%dma_wait3A_452] : memref<4194304xf32, #tpu.memory_space<hbm>> -> memref<3328xf32, #tpu.memory_space<hbm>>
      tpu.wait_dma2 semaphore(%arg23 : memref<!tpu.dma_semaphore, #tpu.memory_space<semaphore_mem>>) src(%dma_wait3A_453 : memref<3328xf32, #tpu.memory_space<hbm>>) dst(%dma_wait3A_451 : memref<3328xf32, #tpu.memory_space<vmem>>)
      %dma_wait3A_454 = arith.constant 0 : i32
      %dma_wait3A_455 = tpu.memref_slice %arg20[%dma_wait3A_454] : memref<86528xf32, #tpu.memory_space<vmem>> -> memref<3328xf32, #tpu.memory_space<vmem>>
      %dma_wait3A_456 = arith.constant 0 : i32
      %dma_wait3A_457 = tpu.memref_slice %arg2[%dma_wait3A_456] : memref<4194304xf32, #tpu.memory_space<hbm>> -> memref<3328xf32, #tpu.memory_space<hbm>>
      %dma_wait3A_458 = arith.constant 0 : i32
      %dma_wait3A_459 = tpu.memref_slice %arg20[%dma_wait3A_458] : memref<86528xf32, #tpu.memory_space<vmem>> -> memref<3328xf32, #tpu.memory_space<vmem>>
      %dma_wait3A_460 = arith.constant 0 : i32
      %dma_wait3A_461 = tpu.memref_slice %arg2[%dma_wait3A_460] : memref<4194304xf32, #tpu.memory_space<hbm>> -> memref<3328xf32, #tpu.memory_space<hbm>>
      tpu.wait_dma2 semaphore(%arg23 : memref<!tpu.dma_semaphore, #tpu.memory_space<semaphore_mem>>) src(%dma_wait3A_461 : memref<3328xf32, #tpu.memory_space<hbm>>) dst(%dma_wait3A_459 : memref<3328xf32, #tpu.memory_space<vmem>>)
      %dma_wait3A_462 = arith.constant 0 : i32
      %dma_wait3A_463 = tpu.memref_slice %arg20[%dma_wait3A_462] : memref<86528xf32, #tpu.memory_space<vmem>> -> memref<3328xf32, #tpu.memory_space<vmem>>
      %dma_wait3A_464 = arith.constant 0 : i32
      %dma_wait3A_465 = tpu.memref_slice %arg2[%dma_wait3A_464] : memref<4194304xf32, #tpu.memory_space<hbm>> -> memref<3328xf32, #tpu.memory_space<hbm>>
      %dma_wait3A_466 = arith.constant 0 : i32
      %dma_wait3A_467 = tpu.memref_slice %arg20[%dma_wait3A_466] : memref<86528xf32, #tpu.memory_space<vmem>> -> memref<3328xf32, #tpu.memory_space<vmem>>
      %dma_wait3A_468 = arith.constant 0 : i32
      %dma_wait3A_469 = tpu.memref_slice %arg2[%dma_wait3A_468] : memref<4194304xf32, #tpu.memory_space<hbm>> -> memref<3328xf32, #tpu.memory_space<hbm>>
      tpu.wait_dma2 semaphore(%arg23 : memref<!tpu.dma_semaphore, #tpu.memory_space<semaphore_mem>>) src(%dma_wait3A_469 : memref<3328xf32, #tpu.memory_space<hbm>>) dst(%dma_wait3A_467 : memref<3328xf32, #tpu.memory_space<vmem>>)
      %dma_wait3A_470 = arith.constant 0 : i32
      %dma_wait3A_471 = tpu.memref_slice %arg20[%dma_wait3A_470] : memref<86528xf32, #tpu.memory_space<vmem>> -> memref<3328xf32, #tpu.memory_space<vmem>>
      %dma_wait3A_472 = arith.constant 0 : i32
      %dma_wait3A_473 = tpu.memref_slice %arg2[%dma_wait3A_472] : memref<4194304xf32, #tpu.memory_space<hbm>> -> memref<3328xf32, #tpu.memory_space<hbm>>
      %dma_wait3A_474 = arith.constant 0 : i32
      %dma_wait3A_475 = tpu.memref_slice %arg20[%dma_wait3A_474] : memref<86528xf32, #tpu.memory_space<vmem>> -> memref<3328xf32, #tpu.memory_space<vmem>>
      %dma_wait3A_476 = arith.constant 0 : i32
      %dma_wait3A_477 = tpu.memref_slice %arg2[%dma_wait3A_476] : memref<4194304xf32, #tpu.memory_space<hbm>> -> memref<3328xf32, #tpu.memory_space<hbm>>
      tpu.wait_dma2 semaphore(%arg23 : memref<!tpu.dma_semaphore, #tpu.memory_space<semaphore_mem>>) src(%dma_wait3A_477 : memref<3328xf32, #tpu.memory_space<hbm>>) dst(%dma_wait3A_475 : memref<3328xf32, #tpu.memory_space<vmem>>)
      %dma_wait3A_478 = arith.constant 0 : i32
      %dma_wait3A_479 = tpu.memref_slice %arg20[%dma_wait3A_478] : memref<86528xf32, #tpu.memory_space<vmem>> -> memref<3328xf32, #tpu.memory_space<vmem>>
      %dma_wait3A_480 = arith.constant 0 : i32
      %dma_wait3A_481 = tpu.memref_slice %arg2[%dma_wait3A_480] : memref<4194304xf32, #tpu.memory_space<hbm>> -> memref<3328xf32, #tpu.memory_space<hbm>>
      %dma_wait3A_482 = arith.constant 0 : i32
      %dma_wait3A_483 = tpu.memref_slice %arg20[%dma_wait3A_482] : memref<86528xf32, #tpu.memory_space<vmem>> -> memref<3328xf32, #tpu.memory_space<vmem>>
      %dma_wait3A_484 = arith.constant 0 : i32
      %dma_wait3A_485 = tpu.memref_slice %arg2[%dma_wait3A_484] : memref<4194304xf32, #tpu.memory_space<hbm>> -> memref<3328xf32, #tpu.memory_space<hbm>>
      tpu.wait_dma2 semaphore(%arg23 : memref<!tpu.dma_semaphore, #tpu.memory_space<semaphore_mem>>) src(%dma_wait3A_485 : memref<3328xf32, #tpu.memory_space<hbm>>) dst(%dma_wait3A_483 : memref<3328xf32, #tpu.memory_space<vmem>>)
      %dma_wait3A_486 = arith.constant 0 : i32
      %dma_wait3A_487 = tpu.memref_slice %arg20[%dma_wait3A_486] : memref<86528xf32, #tpu.memory_space<vmem>> -> memref<3328xf32, #tpu.memory_space<vmem>>
      %dma_wait3A_488 = arith.constant 0 : i32
      %dma_wait3A_489 = tpu.memref_slice %arg2[%dma_wait3A_488] : memref<4194304xf32, #tpu.memory_space<hbm>> -> memref<3328xf32, #tpu.memory_space<hbm>>
      %dma_wait3A_490 = arith.constant 0 : i32
      %dma_wait3A_491 = tpu.memref_slice %arg20[%dma_wait3A_490] : memref<86528xf32, #tpu.memory_space<vmem>> -> memref<3328xf32, #tpu.memory_space<vmem>>
      %dma_wait3A_492 = arith.constant 0 : i32
      %dma_wait3A_493 = tpu.memref_slice %arg2[%dma_wait3A_492] : memref<4194304xf32, #tpu.memory_space<hbm>> -> memref<3328xf32, #tpu.memory_space<hbm>>
      tpu.wait_dma2 semaphore(%arg23 : memref<!tpu.dma_semaphore, #tpu.memory_space<semaphore_mem>>) src(%dma_wait3A_493 : memref<3328xf32, #tpu.memory_space<hbm>>) dst(%dma_wait3A_491 : memref<3328xf32, #tpu.memory_space<vmem>>)
      %add3A_494 = arith.constant 1 : i32
      %add3A_495 = arith.addi %add3A_306, %add3A_494 : i32
      %lt3A = arith.cmpi slt, %add3A_495, %min3A_4 : i32
      %convert_element_type3A_496 = arith.extui %lt3A : i1 to i32
      %cond3A = arith.constant 0 : i32
      %cond3A_497 = arith.cmpi ne, %convert_element_type3A_496, %cond3A : i32
      scf.if %cond3A_497 {
        %add3A_630 = arith.constant 1 : i32
        %add3A_631 = arith.addi %add3A_306, %add3A_630 : i32
        %add3A_632 = arith.constant 1 : i32
        %add3A_633 = arith.addi %add3A_306, %add3A_632 : i32
        %and3A_634 = arith.constant 1 : i32
        %and3A_635 = arith.andi %add3A_633, %and3A_634 : i32
        %mul3A_636 = arith.constant 4 : i32
        %mul3A_637 = arith.muli %mul3A_636, %add3A_631 : i32
        %get3A_638 = arith.index_cast %mul3A_637 : i32 to index
        %get3A_639 = tpu.vector_load %arg8[%get3A_638] {strides = array<i32>} : memref<144xf32, #tpu.memory_space<vmem>>, vector<16xf32>,
        %slice3A_640 = vector.extract_strided_slice %get3A_639 {offsets = [0], sizes = [1], strides = [1]} : vector<16xf32> to vector<1xf32>
        %squeeze3A_641 = vector.extract %slice3A_640[0] : f32 from vector<1xf32>
        %slice3A_642 = vector.extract_strided_slice %get3A_639 {offsets = [1], sizes = [1], strides = [1]} : vector<16xf32> to vector<1xf32>
        %squeeze3A_643 = vector.extract %slice3A_642[0] : f32 from vector<1xf32>
        %slice3A_644 = vector.extract_strided_slice %get3A_639 {offsets = [2], sizes = [1], strides = [1]} : vector<16xf32> to vector<1xf32>
        %squeeze3A_645 = vector.extract %slice3A_644[0] : f32 from vector<1xf32>
        %slice3A_646 = vector.extract_strided_slice %get3A_639 {offsets = [3], sizes = [1], strides = [1]} : vector<16xf32> to vector<1xf32>
        %squeeze3A_647 = vector.extract %slice3A_646[0] : f32 from vector<1xf32>
        %get3A_648 = arith.index_cast %add3A_631 : i32 to index
        %get3A_649 = tpu.vector_load %arg9[%get3A_648] {strides = array<i32>} : memref<48xi32, #tpu.memory_space<vmem>>, vector<16xi32>,
        %slice3A_650 = vector.extract_strided_slice %get3A_649 {offsets = [0], sizes = [1], strides = [1]} : vector<16xi32> to vector<1xi32>
        %squeeze3A_651 = vector.extract %slice3A_650[0] : i32 from vector<1xi32>
        %sub3A_652 = arith.subf %squeeze3A_645, %squeeze3A_641 : f32
        %mul3A_653 = arith.constant 0.0714285746 : f32
        %mul3A_654 = arith.mulf %sub3A_652, %mul3A_653 : f32
        %sub3A_655 = arith.subf %squeeze3A_647, %squeeze3A_643 : f32
        %mul3A_656 = arith.constant 0.0714285746 : f32
        %mul3A_657 = arith.mulf %sub3A_655, %mul3A_656 : f32
        %mul3A_658 = arith.constant 5.000000e-01 : f32
        %mul3A_659 = arith.mulf %mul3A_654, %mul3A_658 : f32
        %add3A_660 = arith.addf %squeeze3A_641, %mul3A_659 : f32
        %sub3A_661 = arith.constant 5.000000e-01 : f32
        %sub3A_662 = arith.subf %add3A_660, %sub3A_661 : f32
        %mul3A_663 = arith.constant 0.0158730168 : f32
        %mul3A_664 = arith.mulf %sub3A_662, %mul3A_663 : f32
        %mul3A_665 = arith.constant 5.000000e-01 : f32
        %mul3A_666 = arith.mulf %mul3A_657, %mul3A_665 : f32
        %add3A_667 = arith.addf %squeeze3A_643, %mul3A_666 : f32
        %sub3A_668 = arith.constant 5.000000e-01 : f32
        %sub3A_669 = arith.subf %add3A_667, %sub3A_668 : f32
        %mul3A_670 = arith.constant 0.0158730168 : f32
        %mul3A_671 = arith.mulf %sub3A_669, %mul3A_670 : f32
        %mul3A_672 = arith.constant 1.300000e+01 : f32
        %mul3A_673 = arith.mulf %mul3A_654, %mul3A_672 : f32
        %mul3A_674 = arith.constant 0.0158730168 : f32
        %mul3A_675 = arith.mulf %mul3A_673, %mul3A_674 : f32
        %mul3A_676 = arith.constant 1.300000e+01 : f32
        %mul3A_677 = arith.mulf %mul3A_657, %mul3A_676 : f32
        %mul3A_678 = arith.constant 0.0158730168 : f32
        %mul3A_679 = arith.mulf %mul3A_677, %mul3A_678 : f32
        %mul3A_680 = arith.constant 6.300000e+01 : f32
        %mul3A_681 = arith.mulf %mul3A_664, %mul3A_680 : f32
        %mul3A_682 = arith.constant 6.300000e+01 : f32
        %mul3A_683 = arith.mulf %mul3A_675, %mul3A_682 : f32
        %mul3A_684 = arith.constant 0.0769230798 : f32
        %mul3A_685 = arith.mulf %mul3A_683, %mul3A_684 : f32
        %mul3A_686 = arith.constant 6.300000e+01 : f32
        %mul3A_687 = arith.mulf %mul3A_671, %mul3A_686 : f32
        %mul3A_688 = arith.constant 6.300000e+01 : f32
        %mul3A_689 = arith.mulf %mul3A_679, %mul3A_688 : f32
        %mul3A_690 = arith.constant 0.0769230798 : f32
        %mul3A_691 = arith.mulf %mul3A_689, %mul3A_690 : f32
        %convert_element_type3A_692 = arith.fptosi %mul3A_681 : f32 to i32
        %convert_element_type3A_693 = arith.sitofp %convert_element_type3A_692 : i32 to f32
        %gt3A_694 = arith.cmpf ogt, %convert_element_type3A_693, %mul3A_681 : f32
        %jit3A_695 = arith.constant 1.000000e+00 : f32
        %jit3A_696 = arith.constant 0.000000e+00 : f32
        %select_n3A_697 = arith.select %gt3A_694, %jit3A_695, %jit3A_696 : f32
        %sub3A_698 = arith.subf %convert_element_type3A_693, %select_n3A_697 : f32
        %convert_element_type3A_699 = arith.fptosi %sub3A_698 : f32 to i32
        %jit3A_700 = arith.constant 0 : i32
        %jit3A_701 = arith.constant 51 : i32
        %max3A_702 = arith.maxsi %jit3A_700, %convert_element_type3A_699 : i32
        %min3A_703 = arith.minsi %jit3A_701, %max3A_702 : i32
        %convert_element_type3A_704 = arith.fptosi %mul3A_687 : f32 to i32
        %convert_element_type3A_705 = arith.sitofp %convert_element_type3A_704 : i32 to f32
        %gt3A_706 = arith.cmpf ogt, %convert_element_type3A_705, %mul3A_687 : f32
        %jit3A_707 = arith.constant 1.000000e+00 : f32
        %jit3A_708 = arith.constant 0.000000e+00 : f32
        %select_n3A_709 = arith.select %gt3A_706, %jit3A_707, %jit3A_708 : f32
        %sub3A_710 = arith.subf %convert_element_type3A_705, %select_n3A_709 : f32
        %convert_element_type3A_711 = arith.fptosi %sub3A_710 : f32 to i32
        %jit3A_712 = arith.constant 0 : i32
        %jit3A_713 = arith.constant 51 : i32
        %max3A_714 = arith.maxsi %jit3A_712, %convert_element_type3A_711 : i32
        %min3A_715 = arith.minsi %jit3A_713, %max3A_714 : i32
        %mul3A_716 = arith.constant 64 : i32
        %mul3A_717 = arith.muli %squeeze3A_651, %mul3A_716 : i32
        %add3A_718 = arith.addi %mul3A_717, %min3A_715 : i32
        %mul3A_719 = arith.constant 64 : i32
        %mul3A_720 = arith.muli %add3A_718, %mul3A_719 : i32
        %add3A_721 = arith.addi %mul3A_720, %min3A_703 : i32
        %mul3A_722 = arith.constant 256 : i32
        %mul3A_723 = arith.muli %add3A_721, %mul3A_722 : i32
        %add3A_724 = arith.constant 0 : i32
        %add3A_725 = arith.addi %mul3A_723, %add3A_724 : i32
        %multiple_of3A_726 = tpu.assume_multiple %add3A_725, 256 : i32
        %mul3A_727 = arith.constant 43264 : i32
        %mul3A_728 = arith.muli %and3A_635, %mul3A_727 : i32
        %multiple_of3A_729 = tpu.assume_multiple %mul3A_728, 256 : i32
        %add3A_730 = arith.constant 0 : i32
        %add3A_731 = arith.addi %multiple_of3A_729, %add3A_730 : i32
        %dma_start3A_732 = tpu.memref_slice %arg20[%add3A_731] : memref<86528xf32, #tpu.memory_space<vmem>> -> memref<3328xf32, #tpu.memory_space<vmem>>
        %dma_start3A_733 = tpu.memref_slice %arg2[%multiple_of3A_726] : memref<4194304xf32, #tpu.memory_space<hbm>> -> memref<3328xf32, #tpu.memory_space<hbm>>
        %dma_start3A_734 = tpu.memref_slice %arg20[%add3A_731] : memref<86528xf32, #tpu.memory_space<vmem>> -> memref<3328xf32, #tpu.memory_space<vmem>>
        %dma_start3A_735 = tpu.memref_slice %arg2[%multiple_of3A_726] : memref<4194304xf32, #tpu.memory_space<hbm>> -> memref<3328xf32, #tpu.memory_space<hbm>>
        tpu.enqueue_dma source(%dma_start3A_735 : memref<3328xf32, #tpu.memory_space<hbm>>) target(%dma_start3A_734 : memref<3328xf32, #tpu.memory_space<vmem>>) target_semaphore(%arg23 : memref<!tpu.dma_semaphore, #tpu.memory_space<semaphore_mem>>)
        %add3A_736 = arith.constant 16384 : i32
        %add3A_737 = arith.addi %mul3A_723, %add3A_736 : i32
        %multiple_of3A_738 = tpu.assume_multiple %add3A_737, 256 : i32
        %mul3A_739 = arith.constant 43264 : i32
        %mul3A_740 = arith.muli %and3A_635, %mul3A_739 : i32
        %multiple_of3A_741 = tpu.assume_multiple %mul3A_740, 256 : i32
        %add3A_742 = arith.constant 3328 : i32
        %add3A_743 = arith.addi %multiple_of3A_741, %add3A_742 : i32
        %dma_start3A_744 = tpu.memref_slice %arg20[%add3A_743] : memref<86528xf32, #tpu.memory_space<vmem>> -> memref<3328xf32, #tpu.memory_space<vmem>>
        %dma_start3A_745 = tpu.memref_slice %arg2[%multiple_of3A_738] : memref<4194304xf32, #tpu.memory_space<hbm>> -> memref<3328xf32, #tpu.memory_space<hbm>>
        %dma_start3A_746 = tpu.memref_slice %arg20[%add3A_743] : memref<86528xf32, #tpu.memory_space<vmem>> -> memref<3328xf32, #tpu.memory_space<vmem>>
        %dma_start3A_747 = tpu.memref_slice %arg2[%multiple_of3A_738] : memref<4194304xf32, #tpu.memory_space<hbm>> -> memref<3328xf32, #tpu.memory_space<hbm>>
        tpu.enqueue_dma source(%dma_start3A_747 : memref<3328xf32, #tpu.memory_space<hbm>>) target(%dma_start3A_746 : memref<3328xf32, #tpu.memory_space<vmem>>) target_semaphore(%arg23 : memref<!tpu.dma_semaphore, #tpu.memory_space<semaphore_mem>>)
        %add3A_748 = arith.constant 32768 : i32
        %add3A_749 = arith.addi %mul3A_723, %add3A_748 : i32
        %multiple_of3A_750 = tpu.assume_multiple %add3A_749, 256 : i32
        %mul3A_751 = arith.constant 43264 : i32
        %mul3A_752 = arith.muli %and3A_635, %mul3A_751 : i32
        %multiple_of3A_753 = tpu.assume_multiple %mul3A_752, 256 : i32
        %add3A_754 = arith.constant 6656 : i32
        %add3A_755 = arith.addi %multiple_of3A_753, %add3A_754 : i32
        %dma_start3A_756 = tpu.memref_slice %arg20[%add3A_755] : memref<86528xf32, #tpu.memory_space<vmem>> -> memref<3328xf32, #tpu.memory_space<vmem>>
        %dma_start3A_757 = tpu.memref_slice %arg2[%multiple_of3A_750] : memref<4194304xf32, #tpu.memory_space<hbm>> -> memref<3328xf32, #tpu.memory_space<hbm>>
        %dma_start3A_758 = tpu.memref_slice %arg20[%add3A_755] : memref<86528xf32, #tpu.memory_space<vmem>> -> memref<3328xf32, #tpu.memory_space<vmem>>
        %dma_start3A_759 = tpu.memref_slice %arg2[%multiple_of3A_750] : memref<4194304xf32, #tpu.memory_space<hbm>> -> memref<3328xf32, #tpu.memory_space<hbm>>
        tpu.enqueue_dma source(%dma_start3A_759 : memref<3328xf32, #tpu.memory_space<hbm>>) target(%dma_start3A_758 : memref<3328xf32, #tpu.memory_space<vmem>>) target_semaphore(%arg23 : memref<!tpu.dma_semaphore, #tpu.memory_space<semaphore_mem>>)
        %add3A_760 = arith.constant 49152 : i32
        %add3A_761 = arith.addi %mul3A_723, %add3A_760 : i32
        %multiple_of3A_762 = tpu.assume_multiple %add3A_761, 256 : i32
        %mul3A_763 = arith.constant 43264 : i32
        %mul3A_764 = arith.muli %and3A_635, %mul3A_763 : i32
        %multiple_of3A_765 = tpu.assume_multiple %mul3A_764, 256 : i32
        %add3A_766 = arith.constant 9984 : i32
        %add3A_767 = arith.addi %multiple_of3A_765, %add3A_766 : i32
        %dma_start3A_768 = tpu.memref_slice %arg20[%add3A_767] : memref<86528xf32, #tpu.memory_space<vmem>> -> memref<3328xf32, #tpu.memory_space<vmem>>
        %dma_start3A_769 = tpu.memref_slice %arg2[%multiple_of3A_762] : memref<4194304xf32, #tpu.memory_space<hbm>> -> memref<3328xf32, #tpu.memory_space<hbm>>
        %dma_start3A_770 = tpu.memref_slice %arg20[%add3A_767] : memref<86528xf32, #tpu.memory_space<vmem>> -> memref<3328xf32, #tpu.memory_space<vmem>>
        %dma_start3A_771 = tpu.memref_slice %arg2[%multiple_of3A_762] : memref<4194304xf32, #tpu.memory_space<hbm>> -> memref<3328xf32, #tpu.memory_space<hbm>>
        tpu.enqueue_dma source(%dma_start3A_771 : memref<3328xf32, #tpu.memory_space<hbm>>) target(%dma_start3A_770 : memref<3328xf32, #tpu.memory_space<vmem>>) target_semaphore(%arg23 : memref<!tpu.dma_semaphore, #tpu.memory_space<semaphore_mem>>)
        %add3A_772 = arith.constant 65536 : i32
        %add3A_773 = arith.addi %mul3A_723, %add3A_772 : i32
        %multiple_of3A_774 = tpu.assume_multiple %add3A_773, 256 : i32
        %mul3A_775 = arith.constant 43264 : i32
        %mul3A_776 = arith.muli %and3A_635, %mul3A_775 : i32
        %multiple_of3A_777 = tpu.assume_multiple %mul3A_776, 256 : i32
        %add3A_778 = arith.constant 13312 : i32
        %add3A_779 = arith.addi %multiple_of3A_777, %add3A_778 : i32
        %dma_start3A_780 = tpu.memref_slice %arg20[%add3A_779] : memref<86528xf32, #tpu.memory_space<vmem>> -> memref<3328xf32, #tpu.memory_space<vmem>>
        %dma_start3A_781 = tpu.memref_slice %arg2[%multiple_of3A_774] : memref<4194304xf32, #tpu.memory_space<hbm>> -> memref<3328xf32, #tpu.memory_space<hbm>>
        %dma_start3A_782 = tpu.memref_slice %arg20[%add3A_779] : memref<86528xf32, #tpu.memory_space<vmem>> -> memref<3328xf32, #tpu.memory_space<vmem>>
        %dma_start3A_783 = tpu.memref_slice %arg2[%multiple_of3A_774] : memref<4194304xf32, #tpu.memory_space<hbm>> -> memref<3328xf32, #tpu.memory_space<hbm>>
        tpu.enqueue_dma source(%dma_start3A_783 : memref<3328xf32, #tpu.memory_space<hbm>>) target(%dma_start3A_782 : memref<3328xf32, #tpu.memory_space<vmem>>) target_semaphore(%arg23 : memref<!tpu.dma_semaphore, #tpu.memory_space<semaphore_mem>>)
        %add3A_784 = arith.constant 81920 : i32
        %add3A_785 = arith.addi %mul3A_723, %add3A_784 : i32
        %multiple_of3A_786 = tpu.assume_multiple %add3A_785, 256 : i32
        %mul3A_787 = arith.constant 43264 : i32
        %mul3A_788 = arith.muli %and3A_635, %mul3A_787 : i32
        %multiple_of3A_789 = tpu.assume_multiple %mul3A_788, 256 : i32
        %add3A_790 = arith.constant 16640 : i32
        %add3A_791 = arith.addi %multiple_of3A_789, %add3A_790 : i32
        %dma_start3A_792 = tpu.memref_slice %arg20[%add3A_791] : memref<86528xf32, #tpu.memory_space<vmem>> -> memref<3328xf32, #tpu.memory_space<vmem>>
        %dma_start3A_793 = tpu.memref_slice %arg2[%multiple_of3A_786] : memref<4194304xf32, #tpu.memory_space<hbm>> -> memref<3328xf32, #tpu.memory_space<hbm>>
        %dma_start3A_794 = tpu.memref_slice %arg20[%add3A_791] : memref<86528xf32, #tpu.memory_space<vmem>> -> memref<3328xf32, #tpu.memory_space<vmem>>
        %dma_start3A_795 = tpu.memref_slice %arg2[%multiple_of3A_786] : memref<4194304xf32, #tpu.memory_space<hbm>> -> memref<3328xf32, #tpu.memory_space<hbm>>
        tpu.enqueue_dma source(%dma_start3A_795 : memref<3328xf32, #tpu.memory_space<hbm>>) target(%dma_start3A_794 : memref<3328xf32, #tpu.memory_space<vmem>>) target_semaphore(%arg23 : memref<!tpu.dma_semaphore, #tpu.memory_space<semaphore_mem>>)
        %add3A_796 = arith.constant 98304 : i32
        %add3A_797 = arith.addi %mul3A_723, %add3A_796 : i32
        %multiple_of3A_798 = tpu.assume_multiple %add3A_797, 256 : i32
        %mul3A_799 = arith.constant 43264 : i32
        %mul3A_800 = arith.muli %and3A_635, %mul3A_799 : i32
        %multiple_of3A_801 = tpu.assume_multiple %mul3A_800, 256 : i32
        %add3A_802 = arith.constant 19968 : i32
        %add3A_803 = arith.addi %multiple_of3A_801, %add3A_802 : i32
        %dma_start3A_804 = tpu.memref_slice %arg20[%add3A_803] : memref<86528xf32, #tpu.memory_space<vmem>> -> memref<3328xf32, #tpu.memory_space<vmem>>
        %dma_start3A_805 = tpu.memref_slice %arg2[%multiple_of3A_798] : memref<4194304xf32, #tpu.memory_space<hbm>> -> memref<3328xf32, #tpu.memory_space<hbm>>
        %dma_start3A_806 = tpu.memref_slice %arg20[%add3A_803] : memref<86528xf32, #tpu.memory_space<vmem>> -> memref<3328xf32, #tpu.memory_space<vmem>>
        %dma_start3A_807 = tpu.memref_slice %arg2[%multiple_of3A_798] : memref<4194304xf32, #tpu.memory_space<hbm>> -> memref<3328xf32, #tpu.memory_space<hbm>>
        tpu.enqueue_dma source(%dma_start3A_807 : memref<3328xf32, #tpu.memory_space<hbm>>) target(%dma_start3A_806 : memref<3328xf32, #tpu.memory_space<vmem>>) target_semaphore(%arg23 : memref<!tpu.dma_semaphore, #tpu.memory_space<semaphore_mem>>)
        %add3A_808 = arith.constant 114688 : i32
        %add3A_809 = arith.addi %mul3A_723, %add3A_808 : i32
        %multiple_of3A_810 = tpu.assume_multiple %add3A_809, 256 : i32
        %mul3A_811 = arith.constant 43264 : i32
        %mul3A_812 = arith.muli %and3A_635, %mul3A_811 : i32
        %multiple_of3A_813 = tpu.assume_multiple %mul3A_812, 256 : i32
        %add3A_814 = arith.constant 23296 : i32
        %add3A_815 = arith.addi %multiple_of3A_813, %add3A_814 : i32
        %dma_start3A_816 = tpu.memref_slice %arg20[%add3A_815] : memref<86528xf32, #tpu.memory_space<vmem>> -> memref<3328xf32, #tpu.memory_space<vmem>>
        %dma_start3A_817 = tpu.memref_slice %arg2[%multiple_of3A_810] : memref<4194304xf32, #tpu.memory_space<hbm>> -> memref<3328xf32, #tpu.memory_space<hbm>>
        %dma_start3A_818 = tpu.memref_slice %arg20[%add3A_815] : memref<86528xf32, #tpu.memory_space<vmem>> -> memref<3328xf32, #tpu.memory_space<vmem>>
        %dma_start3A_819 = tpu.memref_slice %arg2[%multiple_of3A_810] : memref<4194304xf32, #tpu.memory_space<hbm>> -> memref<3328xf32, #tpu.memory_space<hbm>>
        tpu.enqueue_dma source(%dma_start3A_819 : memref<3328xf32, #tpu.memory_space<hbm>>) target(%dma_start3A_818 : memref<3328xf32, #tpu.memory_space<vmem>>) target_semaphore(%arg23 : memref<!tpu.dma_semaphore, #tpu.memory_space<semaphore_mem>>)
        %add3A_820 = arith.constant 131072 : i32
        %add3A_821 = arith.addi %mul3A_723, %add3A_820 : i32
        %multiple_of3A_822 = tpu.assume_multiple %add3A_821, 256 : i32
        %mul3A_823 = arith.constant 43264 : i32
        %mul3A_824 = arith.muli %and3A_635, %mul3A_823 : i32
        %multiple_of3A_825 = tpu.assume_multiple %mul3A_824, 256 : i32
        %add3A_826 = arith.constant 26624 : i32
        %add3A_827 = arith.addi %multiple_of3A_825, %add3A_826 : i32
        %dma_start3A_828 = tpu.memref_slice %arg20[%add3A_827] : memref<86528xf32, #tpu.memory_space<vmem>> -> memref<3328xf32, #tpu.memory_space<vmem>>
        %dma_start3A_829 = tpu.memref_slice %arg2[%multiple_of3A_822] : memref<4194304xf32, #tpu.memory_space<hbm>> -> memref<3328xf32, #tpu.memory_space<hbm>>
        %dma_start3A_830 = tpu.memref_slice %arg20[%add3A_827] : memref<86528xf32, #tpu.memory_space<vmem>> -> memref<3328xf32, #tpu.memory_space<vmem>>
        %dma_start3A_831 = tpu.memref_slice %arg2[%multiple_of3A_822] : memref<4194304xf32, #tpu.memory_space<hbm>> -> memref<3328xf32, #tpu.memory_space<hbm>>
        tpu.enqueue_dma source(%dma_start3A_831 : memref<3328xf32, #tpu.memory_space<hbm>>) target(%dma_start3A_830 : memref<3328xf32, #tpu.memory_space<vmem>>) target_semaphore(%arg23 : memref<!tpu.dma_semaphore, #tpu.memory_space<semaphore_mem>>)
        %add3A_832 = arith.constant 147456 : i32
        %add3A_833 = arith.addi %mul3A_723, %add3A_832 : i32
        %multiple_of3A_834 = tpu.assume_multiple %add3A_833, 256 : i32
        %mul3A_835 = arith.constant 43264 : i32
        %mul3A_836 = arith.muli %and3A_635, %mul3A_835 : i32
        %multiple_of3A_837 = tpu.assume_multiple %mul3A_836, 256 : i32
        %add3A_838 = arith.constant 29952 : i32
        %add3A_839 = arith.addi %multiple_of3A_837, %add3A_838 : i32
        %dma_start3A_840 = tpu.memref_slice %arg20[%add3A_839] : memref<86528xf32, #tpu.memory_space<vmem>> -> memref<3328xf32, #tpu.memory_space<vmem>>
        %dma_start3A_841 = tpu.memref_slice %arg2[%multiple_of3A_834] : memref<4194304xf32, #tpu.memory_space<hbm>> -> memref<3328xf32, #tpu.memory_space<hbm>>
        %dma_start3A_842 = tpu.memref_slice %arg20[%add3A_839] : memref<86528xf32, #tpu.memory_space<vmem>> -> memref<3328xf32, #tpu.memory_space<vmem>>
        %dma_start3A_843 = tpu.memref_slice %arg2[%multiple_of3A_834] : memref<4194304xf32, #tpu.memory_space<hbm>> -> memref<3328xf32, #tpu.memory_space<hbm>>
        tpu.enqueue_dma source(%dma_start3A_843 : memref<3328xf32, #tpu.memory_space<hbm>>) target(%dma_start3A_842 : memref<3328xf32, #tpu.memory_space<vmem>>) target_semaphore(%arg23 : memref<!tpu.dma_semaphore, #tpu.memory_space<semaphore_mem>>)
        %add3A_844 = arith.constant 163840 : i32
        %add3A_845 = arith.addi %mul3A_723, %add3A_844 : i32
        %multiple_of3A_846 = tpu.assume_multiple %add3A_845, 256 : i32
        %mul3A_847 = arith.constant 43264 : i32
        %mul3A_848 = arith.muli %and3A_635, %mul3A_847 : i32
        %multiple_of3A_849 = tpu.assume_multiple %mul3A_848, 256 : i32
        %add3A_850 = arith.constant 33280 : i32
        %add3A_851 = arith.addi %multiple_of3A_849, %add3A_850 : i32
        %dma_start3A_852 = tpu.memref_slice %arg20[%add3A_851] : memref<86528xf32, #tpu.memory_space<vmem>> -> memref<3328xf32, #tpu.memory_space<vmem>>
        %dma_start3A_853 = tpu.memref_slice %arg2[%multiple_of3A_846] : memref<4194304xf32, #tpu.memory_space<hbm>> -> memref<3328xf32, #tpu.memory_space<hbm>>
        %dma_start3A_854 = tpu.memref_slice %arg20[%add3A_851] : memref<86528xf32, #tpu.memory_space<vmem>> -> memref<3328xf32, #tpu.memory_space<vmem>>
        %dma_start3A_855 = tpu.memref_slice %arg2[%multiple_of3A_846] : memref<4194304xf32, #tpu.memory_space<hbm>> -> memref<3328xf32, #tpu.memory_space<hbm>>
        tpu.enqueue_dma source(%dma_start3A_855 : memref<3328xf32, #tpu.memory_space<hbm>>) target(%dma_start3A_854 : memref<3328xf32, #tpu.memory_space<vmem>>) target_semaphore(%arg23 : memref<!tpu.dma_semaphore, #tpu.memory_space<semaphore_mem>>)
        %add3A_856 = arith.constant 180224 : i32
        %add3A_857 = arith.addi %mul3A_723, %add3A_856 : i32
        %multiple_of3A_858 = tpu.assume_multiple %add3A_857, 256 : i32
        %mul3A_859 = arith.constant 43264 : i32
        %mul3A_860 = arith.muli %and3A_635, %mul3A_859 : i32
        %multiple_of3A_861 = tpu.assume_multiple %mul3A_860, 256 : i32
        %add3A_862 = arith.constant 36608 : i32
        %add3A_863 = arith.addi %multiple_of3A_861, %add3A_862 : i32
        %dma_start3A_864 = tpu.memref_slice %arg20[%add3A_863] : memref<86528xf32, #tpu.memory_space<vmem>> -> memref<3328xf32, #tpu.memory_space<vmem>>
        %dma_start3A_865 = tpu.memref_slice %arg2[%multiple_of3A_858] : memref<4194304xf32, #tpu.memory_space<hbm>> -> memref<3328xf32, #tpu.memory_space<hbm>>
        %dma_start3A_866 = tpu.memref_slice %arg20[%add3A_863] : memref<86528xf32, #tpu.memory_space<vmem>> -> memref<3328xf32, #tpu.memory_space<vmem>>
        %dma_start3A_867 = tpu.memref_slice %arg2[%multiple_of3A_858] : memref<4194304xf32, #tpu.memory_space<hbm>> -> memref<3328xf32, #tpu.memory_space<hbm>>
        tpu.enqueue_dma source(%dma_start3A_867 : memref<3328xf32, #tpu.memory_space<hbm>>) target(%dma_start3A_866 : memref<3328xf32, #tpu.memory_space<vmem>>) target_semaphore(%arg23 : memref<!tpu.dma_semaphore, #tpu.memory_space<semaphore_mem>>)
        %add3A_868 = arith.constant 196608 : i32
        %add3A_869 = arith.addi %mul3A_723, %add3A_868 : i32
        %multiple_of3A_870 = tpu.assume_multiple %add3A_869, 256 : i32
        %mul3A_871 = arith.constant 43264 : i32
        %mul3A_872 = arith.muli %and3A_635, %mul3A_871 : i32
        %multiple_of3A_873 = tpu.assume_multiple %mul3A_872, 256 : i32
        %add3A_874 = arith.constant 39936 : i32
        %add3A_875 = arith.addi %multiple_of3A_873, %add3A_874 : i32
        %dma_start3A_876 = tpu.memref_slice %arg20[%add3A_875] : memref<86528xf32, #tpu.memory_space<vmem>> -> memref<3328xf32, #tpu.memory_space<vmem>>
        %dma_start3A_877 = tpu.memref_slice %arg2[%multiple_of3A_870] : memref<4194304xf32, #tpu.memory_space<hbm>> -> memref<3328xf32, #tpu.memory_space<hbm>>
        %dma_start3A_878 = tpu.memref_slice %arg20[%add3A_875] : memref<86528xf32, #tpu.memory_space<vmem>> -> memref<3328xf32, #tpu.memory_space<vmem>>
        %dma_start3A_879 = tpu.memref_slice %arg2[%multiple_of3A_870] : memref<4194304xf32, #tpu.memory_space<hbm>> -> memref<3328xf32, #tpu.memory_space<hbm>>
        tpu.enqueue_dma source(%dma_start3A_879 : memref<3328xf32, #tpu.memory_space<hbm>>) target(%dma_start3A_878 : memref<3328xf32, #tpu.memory_space<vmem>>) target_semaphore(%arg23 : memref<!tpu.dma_semaphore, #tpu.memory_space<semaphore_mem>>)
      } else {
      }
      %scan3A = arith.constant 0 : i32
      %scan3A_498 = arith.constant 13 : i32
      %scan3A_499 = arith.addi %scan3A, %scan3A_498 : i32
      %scan3A_500 = arith.constant 1 : i32
      scf.for %scan3A_630 = %scan3A to %scan3A_499 step %scan3A_500  : i32 {
        %mul3A_631 = arith.constant 1 : i32
        %mul3A_632 = arith.muli %scan3A_630, %mul3A_631 : i32
        %add3A_633 = arith.constant 0 : i32
        %add3A_634 = arith.addi %add3A_633, %mul3A_632 : i32
        %mul3A_635 = arith.constant 16 : i32
        %mul3A_636 = arith.muli %add3A_634, %mul3A_635 : i32
        %get3A_637 = arith.index_cast %mul3A_636 : i32 to index
        %get3A_638 = tpu.vector_load %arg10[%get3A_637] {strides = array<i32>} : memref<208xf32, #tpu.memory_space<vmem>>, vector<16xf32>,
        %mul3A_639 = arith.constant 16 : i32
        %mul3A_640 = arith.muli %add3A_634, %mul3A_639 : i32
        %get3A_641 = arith.index_cast %mul3A_640 : i32 to index
        %get3A_642 = tpu.vector_load %arg11[%get3A_641] {strides = array<i32>} : memref<208xf32, #tpu.memory_space<vmem>>, vector<16xf32>,
        %mul3A_643 = vector.broadcast %mul3A_365 : f32 to vector<16xf32>
        %mul3A_644 = arith.mulf %get3A_638, %mul3A_643 : vector<16xf32>
        %add3A_645 = vector.broadcast %mul3A_361 : f32 to vector<16xf32>
        %add3A_646 = arith.addf %add3A_645, %mul3A_644 : vector<16xf32>
        %mul3A_647 = vector.broadcast %mul3A_359 : f32 to vector<16xf32>
        %mul3A_648 = arith.mulf %get3A_642, %mul3A_647 : vector<16xf32>
        %add3A_649 = vector.broadcast %mul3A_355 : f32 to vector<16xf32>
        %add3A_650 = arith.addf %add3A_649, %mul3A_648 : vector<16xf32>
        %ge3A = arith.constant 0.000000e+00 : f32
        %ge3A_651 = vector.broadcast %ge3A : f32 to vector<16xf32>
        %ge3A_652 = arith.cmpf oge, %add3A_646, %ge3A_651 : vector<16xf32>
        %le3A = arith.constant 6.300000e+01 : f32
        %le3A_653 = vector.broadcast %le3A : f32 to vector<16xf32>
        %le3A_654 = arith.cmpf ole, %add3A_646, %le3A_653 : vector<16xf32>
        %and3A_655 = arith.andi %ge3A_652, %le3A_654 : vector<16xi1>
        %jit3A_656 = arith.constant 1.000000e+00 : f32
        %jit3A_657 = arith.constant 0.000000e+00 : f32
        %broadcast_in_dim3A = vector.broadcast %jit3A_656 : f32 to vector<16xf32>
        %broadcast_in_dim3A_658 = vector.broadcast %jit3A_657 : f32 to vector<16xf32>
        %select_n3A_659 = arith.select %and3A_655, %broadcast_in_dim3A, %broadcast_in_dim3A_658 : vector<16xi1>, vector<16xf32>
        %ge3A_660 = arith.constant 0.000000e+00 : f32
        %ge3A_661 = vector.broadcast %ge3A_660 : f32 to vector<16xf32>
        %ge3A_662 = arith.cmpf oge, %add3A_650, %ge3A_661 : vector<16xf32>
        %le3A_663 = arith.constant 6.300000e+01 : f32
        %le3A_664 = vector.broadcast %le3A_663 : f32 to vector<16xf32>
        %le3A_665 = arith.cmpf ole, %add3A_650, %le3A_664 : vector<16xf32>
        %and3A_666 = arith.andi %ge3A_662, %le3A_665 : vector<16xi1>
        %jit3A_667 = arith.constant 1.000000e+00 : f32
        %jit3A_668 = arith.constant 0.000000e+00 : f32
        %broadcast_in_dim3A_669 = vector.broadcast %jit3A_667 : f32 to vector<16xf32>
        %broadcast_in_dim3A_670 = vector.broadcast %jit3A_668 : f32 to vector<16xf32>
        %select_n3A_671 = arith.select %and3A_666, %broadcast_in_dim3A_669, %broadcast_in_dim3A_670 : vector<16xi1>, vector<16xf32>
        %convert_element_type3A_672 = arith.fptosi %add3A_646 : vector<16xf32> to vector<16xi32>
        %convert_element_type3A_673 = arith.sitofp %convert_element_type3A_672 : vector<16xi32> to vector<16xf32>
        %gt3A_674 = arith.cmpf ogt, %convert_element_type3A_673, %add3A_646 : vector<16xf32>
        %jit3A_675 = arith.constant 1.000000e+00 : f32
        %jit3A_676 = arith.constant 0.000000e+00 : f32
        %broadcast_in_dim3A_677 = vector.broadcast %jit3A_675 : f32 to vector<16xf32>
        %broadcast_in_dim3A_678 = vector.broadcast %jit3A_676 : f32 to vector<16xf32>
        %select_n3A_679 = arith.select %gt3A_674, %broadcast_in_dim3A_677, %broadcast_in_dim3A_678 : vector<16xi1>, vector<16xf32>
        %sub3A_680 = arith.subf %convert_element_type3A_673, %select_n3A_679 : vector<16xf32>
        %convert_element_type3A_681 = arith.fptosi %add3A_650 : vector<16xf32> to vector<16xi32>
        %convert_element_type3A_682 = arith.sitofp %convert_element_type3A_681 : vector<16xi32> to vector<16xf32>
        %gt3A_683 = arith.cmpf ogt, %convert_element_type3A_682, %add3A_650 : vector<16xf32>
        %jit3A_684 = arith.constant 1.000000e+00 : f32
        %jit3A_685 = arith.constant 0.000000e+00 : f32
        %broadcast_in_dim3A_686 = vector.broadcast %jit3A_684 : f32 to vector<16xf32>
        %broadcast_in_dim3A_687 = vector.broadcast %jit3A_685 : f32 to vector<16xf32>
        %select_n3A_688 = arith.select %gt3A_683, %broadcast_in_dim3A_686, %broadcast_in_dim3A_687 : vector<16xi1>, vector<16xf32>
        %sub3A_689 = arith.subf %convert_element_type3A_682, %select_n3A_688 : vector<16xf32>
        %convert_element_type3A_690 = arith.fptosi %add3A_646 : vector<16xf32> to vector<16xi32>
        %convert_element_type3A_691 = arith.sitofp %convert_element_type3A_690 : vector<16xi32> to vector<16xf32>
        %lt3A_692 = arith.cmpf olt, %convert_element_type3A_691, %add3A_646 : vector<16xf32>
        %jit3A_693 = arith.constant 1.000000e+00 : f32
        %jit3A_694 = arith.constant 0.000000e+00 : f32
        %broadcast_in_dim3A_695 = vector.broadcast %jit3A_693 : f32 to vector<16xf32>
        %broadcast_in_dim3A_696 = vector.broadcast %jit3A_694 : f32 to vector<16xf32>
        %select_n3A_697 = arith.select %lt3A_692, %broadcast_in_dim3A_695, %broadcast_in_dim3A_696 : vector<16xi1>, vector<16xf32>
        %add3A_698 = arith.addf %convert_element_type3A_691, %select_n3A_697 : vector<16xf32>
        %convert_element_type3A_699 = arith.fptosi %add3A_650 : vector<16xf32> to vector<16xi32>
        %convert_element_type3A_700 = arith.sitofp %convert_element_type3A_699 : vector<16xi32> to vector<16xf32>
        %lt3A_701 = arith.cmpf olt, %convert_element_type3A_700, %add3A_650 : vector<16xf32>
        %jit3A_702 = arith.constant 1.000000e+00 : f32
        %jit3A_703 = arith.constant 0.000000e+00 : f32
        %broadcast_in_dim3A_704 = vector.broadcast %jit3A_702 : f32 to vector<16xf32>
        %broadcast_in_dim3A_705 = vector.broadcast %jit3A_703 : f32 to vector<16xf32>
        %select_n3A_706 = arith.select %lt3A_701, %broadcast_in_dim3A_704, %broadcast_in_dim3A_705 : vector<16xi1>, vector<16xf32>
        %add3A_707 = arith.addf %convert_element_type3A_700, %select_n3A_706 : vector<16xf32>
        %sub3A_708 = arith.subf %add3A_646, %sub3A_680 : vector<16xf32>
        %sub3A_709 = arith.subf %add3A_650, %sub3A_689 : vector<16xf32>
        %jit3A_710 = arith.constant 0.000000e+00 : f32
        %jit3A_711 = arith.constant 6.300000e+01 : f32
        %max3A_712 = vector.broadcast %jit3A_710 : f32 to vector<16xf32>
        %max3A_713 = arith.maximumf %max3A_712, %sub3A_680 : vector<16xf32>
        %min3A_714 = vector.broadcast %jit3A_711 : f32 to vector<16xf32>
        %min3A_715 = arith.minimumf %min3A_714, %max3A_713 : vector<16xf32>
        %convert_element_type3A_716 = arith.fptosi %min3A_715 : vector<16xf32> to vector<16xi32>
        %sub3A_717 = vector.broadcast %min3A_389 : i32 to vector<16xi32>
        %sub3A_718 = arith.subi %convert_element_type3A_716, %sub3A_717 : vector<16xi32>
        %jit3A_719 = arith.constant 0 : i32
        %jit3A_720 = arith.constant 12 : i32
        %max3A_721 = vector.broadcast %jit3A_719 : i32 to vector<16xi32>
        %max3A_722 = arith.maxsi %max3A_721, %sub3A_718 : vector<16xi32>
        %min3A_723 = vector.broadcast %jit3A_720 : i32 to vector<16xi32>
        %min3A_724 = arith.minsi %min3A_723, %max3A_722 : vector<16xi32>
        %jit3A_725 = arith.constant 0.000000e+00 : f32
        %jit3A_726 = arith.constant 6.300000e+01 : f32
        %max3A_727 = vector.broadcast %jit3A_725 : f32 to vector<16xf32>
        %max3A_728 = arith.maximumf %max3A_727, %add3A_698 : vector<16xf32>
        %min3A_729 = vector.broadcast %jit3A_726 : f32 to vector<16xf32>
        %min3A_730 = arith.minimumf %min3A_729, %max3A_728 : vector<16xf32>
        %convert_element_type3A_731 = arith.fptosi %min3A_730 : vector<16xf32> to vector<16xi32>
        %sub3A_732 = vector.broadcast %min3A_389 : i32 to vector<16xi32>
        %sub3A_733 = arith.subi %convert_element_type3A_731, %sub3A_732 : vector<16xi32>
        %jit3A_734 = arith.constant 0 : i32
        %jit3A_735 = arith.constant 12 : i32
        %max3A_736 = vector.broadcast %jit3A_734 : i32 to vector<16xi32>
        %max3A_737 = arith.maxsi %max3A_736, %sub3A_733 : vector<16xi32>
        %min3A_738 = vector.broadcast %jit3A_735 : i32 to vector<16xi32>
        %min3A_739 = arith.minsi %min3A_738, %max3A_737 : vector<16xi32>
        %jit3A_740 = arith.constant 0.000000e+00 : f32
        %jit3A_741 = arith.constant 6.300000e+01 : f32
        %max3A_742 = vector.broadcast %jit3A_740 : f32 to vector<16xf32>
        %max3A_743 = arith.maximumf %max3A_742, %sub3A_689 : vector<16xf32>
        %min3A_744 = vector.broadcast %jit3A_741 : f32 to vector<16xf32>
        %min3A_745 = arith.minimumf %min3A_744, %max3A_743 : vector<16xf32>
        %convert_element_type3A_746 = arith.fptosi %min3A_745 : vector<16xf32> to vector<16xi32>
        %sub3A_747 = vector.broadcast %min3A_377 : i32 to vector<16xi32>
        %sub3A_748 = arith.subi %convert_element_type3A_746, %sub3A_747 : vector<16xi32>
        %jit3A_749 = arith.constant 0 : i32
        %jit3A_750 = arith.constant 12 : i32
        %max3A_751 = vector.broadcast %jit3A_749 : i32 to vector<16xi32>
        %max3A_752 = arith.maxsi %max3A_751, %sub3A_748 : vector<16xi32>
        %min3A_753 = vector.broadcast %jit3A_750 : i32 to vector<16xi32>
        %min3A_754 = arith.minsi %min3A_753, %max3A_752 : vector<16xi32>
        %jit3A_755 = arith.constant 0.000000e+00 : f32
        %jit3A_756 = arith.constant 6.300000e+01 : f32
        %max3A_757 = vector.broadcast %jit3A_755 : f32 to vector<16xf32>
        %max3A_758 = arith.maximumf %max3A_757, %add3A_707 : vector<16xf32>
        %min3A_759 = vector.broadcast %jit3A_756 : f32 to vector<16xf32>
        %min3A_760 = arith.minimumf %min3A_759, %max3A_758 : vector<16xf32>
        %convert_element_type3A_761 = arith.fptosi %min3A_760 : vector<16xf32> to vector<16xi32>
        %sub3A_762 = vector.broadcast %min3A_377 : i32 to vector<16xi32>
        %sub3A_763 = arith.subi %convert_element_type3A_761, %sub3A_762 : vector<16xi32>
        %jit3A_764 = arith.constant 0 : i32
        %jit3A_765 = arith.constant 12 : i32
        %max3A_766 = vector.broadcast %jit3A_764 : i32 to vector<16xi32>
        %max3A_767 = arith.maxsi %max3A_766, %sub3A_763 : vector<16xi32>
        %min3A_768 = vector.broadcast %jit3A_765 : i32 to vector<16xi32>
        %min3A_769 = arith.minsi %min3A_768, %max3A_767 : vector<16xi32>
        %mul3A_770 = arith.mulf %select_n3A_659, %select_n3A_671 : vector<16xf32>
        %sub3A_771 = arith.constant 1.000000e+00 : f32
        %sub3A_772 = vector.broadcast %sub3A_771 : f32 to vector<16xf32>
        %sub3A_773 = arith.subf %sub3A_772, %sub3A_708 : vector<16xf32>
        %sub3A_774 = arith.constant 1.000000e+00 : f32
        %sub3A_775 = vector.broadcast %sub3A_774 : f32 to vector<16xf32>
        %sub3A_776 = arith.subf %sub3A_775, %sub3A_709 : vector<16xf32>
        %mul3A_777 = arith.mulf %mul3A_770, %sub3A_773 : vector<16xf32>
        %mul3A_778 = arith.mulf %mul3A_777, %sub3A_776 : vector<16xf32>
        %mul3A_779 = arith.constant 16 : i32
        %mul3A_780 = arith.muli %add3A_634, %mul3A_779 : i32
        %swap3A = arith.index_cast %mul3A_780 : i32 to index
        %swap3A_781 = tpu.vector_load %arg12[%swap3A] {strides = array<i32>} : memref<208xf32, #tpu.memory_space<vmem>>, vector<16xf32>,
        tpu.vector_store %arg12[%swap3A], %mul3A_778 {strides = array<i32>} : memref<208xf32, #tpu.memory_space<vmem>>, vector<16xf32>,
        %mul3A_782 = arith.mulf %mul3A_770, %sub3A_773 : vector<16xf32>
        %mul3A_783 = arith.mulf %mul3A_782, %sub3A_709 : vector<16xf32>
        %mul3A_784 = arith.constant 16 : i32
        %mul3A_785 = arith.muli %add3A_634, %mul3A_784 : i32
        %swap3A_786 = arith.index_cast %mul3A_785 : i32 to index
        %swap3A_787 = tpu.vector_load %arg13[%swap3A_786] {strides = array<i32>} : memref<208xf32, #tpu.memory_space<vmem>>, vector<16xf32>,
        tpu.vector_store %arg13[%swap3A_786], %mul3A_783 {strides = array<i32>} : memref<208xf32, #tpu.memory_space<vmem>>, vector<16xf32>,
        %mul3A_788 = arith.mulf %mul3A_770, %sub3A_708 : vector<16xf32>
        %mul3A_789 = arith.mulf %mul3A_788, %sub3A_776 : vector<16xf32>
        %mul3A_790 = arith.constant 16 : i32
        %mul3A_791 = arith.muli %add3A_634, %mul3A_790 : i32
        %swap3A_792 = arith.index_cast %mul3A_791 : i32 to index
        %swap3A_793 = tpu.vector_load %arg14[%swap3A_792] {strides = array<i32>} : memref<208xf32, #tpu.memory_space<vmem>>, vector<16xf32>,
        tpu.vector_store %arg14[%swap3A_792], %mul3A_789 {strides = array<i32>} : memref<208xf32, #tpu.memory_space<vmem>>, vector<16xf32>,
        %mul3A_794 = arith.mulf %mul3A_770, %sub3A_708 : vector<16xf32>
        %mul3A_795 = arith.mulf %mul3A_794, %sub3A_709 : vector<16xf32>
        %mul3A_796 = arith.constant 16 : i32
        %mul3A_797 = arith.muli %add3A_634, %mul3A_796 : i32
        %swap3A_798 = arith.index_cast %mul3A_797 : i32 to index
        %swap3A_799 = tpu.vector_load %arg15[%swap3A_798] {strides = array<i32>} : memref<208xf32, #tpu.memory_space<vmem>>, vector<16xf32>,
        tpu.vector_store %arg15[%swap3A_798], %mul3A_795 {strides = array<i32>} : memref<208xf32, #tpu.memory_space<vmem>>, vector<16xf32>,
        %mul3A_800 = arith.constant 13 : i32
        %mul3A_801 = vector.broadcast %mul3A_800 : i32 to vector<16xi32>
        %mul3A_802 = arith.muli %min3A_724, %mul3A_801 : vector<16xi32>
        %add3A_803 = arith.addi %mul3A_802, %min3A_754 : vector<16xi32>
        %mul3A_804 = arith.constant 256 : i32
        %mul3A_805 = vector.broadcast %mul3A_804 : i32 to vector<16xi32>
        %mul3A_806 = arith.muli %add3A_803, %mul3A_805 : vector<16xi32>
        %mul3A_807 = arith.constant 16 : i32
        %mul3A_808 = arith.muli %add3A_634, %mul3A_807 : i32
        %swap3A_809 = arith.index_cast %mul3A_808 : i32 to index
        %swap3A_810 = tpu.vector_load %arg16[%swap3A_809] {strides = array<i32>} : memref<208xi32, #tpu.memory_space<vmem>>, vector<16xi32>,
        tpu.vector_store %arg16[%swap3A_809], %mul3A_806 {strides = array<i32>} : memref<208xi32, #tpu.memory_space<vmem>>, vector<16xi32>,
        %mul3A_811 = arith.constant 13 : i32
        %mul3A_812 = vector.broadcast %mul3A_811 : i32 to vector<16xi32>
        %mul3A_813 = arith.muli %min3A_724, %mul3A_812 : vector<16xi32>
        %add3A_814 = arith.addi %mul3A_813, %min3A_769 : vector<16xi32>
        %mul3A_815 = arith.constant 256 : i32
        %mul3A_816 = vector.broadcast %mul3A_815 : i32 to vector<16xi32>
        %mul3A_817 = arith.muli %add3A_814, %mul3A_816 : vector<16xi32>
        %mul3A_818 = arith.constant 16 : i32
        %mul3A_819 = arith.muli %add3A_634, %mul3A_818 : i32
        %swap3A_820 = arith.index_cast %mul3A_819 : i32 to index
        %swap3A_821 = tpu.vector_load %arg17[%swap3A_820] {strides = array<i32>} : memref<208xi32, #tpu.memory_space<vmem>>, vector<16xi32>,
        tpu.vector_store %arg17[%swap3A_820], %mul3A_817 {strides = array<i32>} : memref<208xi32, #tpu.memory_space<vmem>>, vector<16xi32>,
        %mul3A_822 = arith.constant 13 : i32
        %mul3A_823 = vector.broadcast %mul3A_822 : i32 to vector<16xi32>
        %mul3A_824 = arith.muli %min3A_739, %mul3A_823 : vector<16xi32>
        %add3A_825 = arith.addi %mul3A_824, %min3A_754 : vector<16xi32>
        %mul3A_826 = arith.constant 256 : i32
        %mul3A_827 = vector.broadcast %mul3A_826 : i32 to vector<16xi32>
        %mul3A_828 = arith.muli %add3A_825, %mul3A_827 : vector<16xi32>
        %mul3A_829 = arith.constant 16 : i32
        %mul3A_830 = arith.muli %add3A_634, %mul3A_829 : i32
        %swap3A_831 = arith.index_cast %mul3A_830 : i32 to index
        %swap3A_832 = tpu.vector_load %arg18[%swap3A_831] {strides = array<i32>} : memref<208xi32, #tpu.memory_space<vmem>>, vector<16xi32>,
        tpu.vector_store %arg18[%swap3A_831], %mul3A_828 {strides = array<i32>} : memref<208xi32, #tpu.memory_space<vmem>>, vector<16xi32>,
        %mul3A_833 = arith.constant 13 : i32
        %mul3A_834 = vector.broadcast %mul3A_833 : i32 to vector<16xi32>
        %mul3A_835 = arith.muli %min3A_739, %mul3A_834 : vector<16xi32>
        %add3A_836 = arith.addi %mul3A_835, %min3A_769 : vector<16xi32>
        %mul3A_837 = arith.constant 256 : i32
        %mul3A_838 = vector.broadcast %mul3A_837 : i32 to vector<16xi32>
        %mul3A_839 = arith.muli %add3A_836, %mul3A_838 : vector<16xi32>
        %mul3A_840 = arith.constant 16 : i32
        %mul3A_841 = arith.muli %add3A_634, %mul3A_840 : i32
        %swap3A_842 = arith.index_cast %mul3A_841 : i32 to index
        %swap3A_843 = tpu.vector_load %arg19[%swap3A_842] {strides = array<i32>} : memref<208xi32, #tpu.memory_space<vmem>>, vector<16xi32>,
        tpu.vector_store %arg19[%swap3A_842], %mul3A_839 {strides = array<i32>} : memref<208xi32, #tpu.memory_space<vmem>>, vector<16xi32>,
      }
      %scan3A_501 = arith.constant 13 : i32
      %add3A_502 = arith.addi %mul3A_2, %add3A_306 : i32
      %shift_right_arithmetic3A = arith.constant 3 : i32
      %shift_right_arithmetic3A_503 = arith.shrsi %add3A_502, %shift_right_arithmetic3A : i32
      %and3A_504 = arith.constant 7 : i32
      %and3A_505 = arith.andi %add3A_502, %and3A_504 : i32
      %gt3A_506 = arith.constant 0 : i32
      %gt3A_507 = arith.cmpi sgt, %add3A_306, %gt3A_506 : i32
      %convert_element_type3A_508 = arith.extui %gt3A_507 : i1 to i32
      %cond3A_509 = arith.constant 0 : i32
      %cond3A_510 = arith.cmpi ne, %convert_element_type3A_508, %cond3A_509 : i32
      scf.if %cond3A_510 {
        %dma_wait3A_630 = arith.constant 0 : i32
        %dma_wait3A_631 = arith.constant 0 : i32
        %dma_wait3A_632 = arith.constant 0 : i32
        %dma_wait3A_633 = arith.constant 0 : i32
        %dma_wait3A_634 = arith.constant 0 : i32
        %dma_wait3A_635 = tpu.memref_slice %arg21[%dma_wait3A_633, %dma_wait3A_634] : memref<208x64xf32, #tpu.memory_space<vmem>> -> memref<196x64xf32, #tpu.memory_space<vmem>>
        %dma_wait3A_636 = arith.constant 0 : i32
        %dma_wait3A_637 = arith.constant 0 : i32
        %dma_wait3A_638 = tpu.memref_slice %arg7[%dma_wait3A_636, %dma_wait3A_630, %dma_wait3A_631, %dma_wait3A_632, %dma_wait3A_637] : memref<196x125x2x8x128xf32, #tpu.memory_space<hbm>> -> memref<196x1x1x1x64xf32, #tpu.memory_space<hbm>>
        %dma_wait3A_639 = tpu.memref_squeeze %dma_wait3A_638 : memref<196x1x1x1x64xf32, #tpu.memory_space<hbm>> -> memref<196x64xf32, #tpu.memory_space<hbm>>
        %dma_wait3A_640 = arith.constant 0 : i32
        %dma_wait3A_641 = arith.constant 0 : i32
        %dma_wait3A_642 = tpu.memref_slice %arg21[%dma_wait3A_640, %dma_wait3A_641] : memref<208x64xf32, #tpu.memory_space<vmem>> -> memref<196x64xf32, #tpu.memory_space<vmem>>
        %dma_wait3A_643 = arith.constant 0 : i32
        %dma_wait3A_644 = arith.constant 0 : i32
        %dma_wait3A_645 = tpu.memref_slice %arg7[%dma_wait3A_643, %dma_wait3A_630, %dma_wait3A_631, %dma_wait3A_632, %dma_wait3A_644] : memref<196x125x2x8x128xf32, #tpu.memory_space<hbm>> -> memref<196x1x1x1x64xf32, #tpu.memory_space<hbm>>
        %dma_wait3A_646 = tpu.memref_squeeze %dma_wait3A_645 : memref<196x1x1x1x64xf32, #tpu.memory_space<hbm>> -> memref<196x64xf32, #tpu.memory_space<hbm>>
        tpu.wait_dma2 semaphore(%arg24 : memref<!tpu.dma_semaphore, #tpu.memory_space<semaphore_mem>>) src(%dma_wait3A_646 : memref<196x64xf32, #tpu.memory_space<hbm>>) dst(%dma_wait3A_642 : memref<196x64xf32, #tpu.memory_space<vmem>>)
      } else {
      }
      %scan3A_511 = arith.constant 0 : i32
      %scan3A_512 = arith.constant 13 : i32
      %scan3A_513 = arith.addi %scan3A_511, %scan3A_512 : i32
      %scan3A_514 = arith.constant 1 : i32
      scf.for %scan3A_630 = %scan3A_511 to %scan3A_513 step %scan3A_514  : i32 {
        %mul3A_631 = arith.constant 1 : i32
        %mul3A_632 = arith.muli %scan3A_630, %mul3A_631 : i32
        %add3A_633 = arith.constant 0 : i32
        %add3A_634 = arith.addi %add3A_633, %mul3A_632 : i32
        %mul3A_635 = arith.constant 16 : i32
        %mul3A_636 = arith.muli %add3A_634, %mul3A_635 : i32
        %get3A_637 = arith.index_cast %mul3A_636 : i32 to index
        %get3A_638 = tpu.vector_load %arg12[%get3A_637] {strides = array<i32>} : memref<208xf32, #tpu.memory_space<vmem>>, vector<16xf32>,
        %mul3A_639 = arith.constant 16 : i32
        %mul3A_640 = arith.muli %add3A_634, %mul3A_639 : i32
        %get3A_641 = arith.index_cast %mul3A_640 : i32 to index
        %get3A_642 = tpu.vector_load %arg13[%get3A_641] {strides = array<i32>} : memref<208xf32, #tpu.memory_space<vmem>>, vector<16xf32>,
        %mul3A_643 = arith.constant 16 : i32
        %mul3A_644 = arith.muli %add3A_634, %mul3A_643 : i32
        %get3A_645 = arith.index_cast %mul3A_644 : i32 to index
        %get3A_646 = tpu.vector_load %arg14[%get3A_645] {strides = array<i32>} : memref<208xf32, #tpu.memory_space<vmem>>, vector<16xf32>,
        %mul3A_647 = arith.constant 16 : i32
        %mul3A_648 = arith.muli %add3A_634, %mul3A_647 : i32
        %get3A_649 = arith.index_cast %mul3A_648 : i32 to index
        %get3A_650 = tpu.vector_load %arg15[%get3A_649] {strides = array<i32>} : memref<208xf32, #tpu.memory_space<vmem>>, vector<16xf32>,
        %add3A_651 = arith.constant 0 : i32
        %add3A_652 = arith.addi %mul3A_309, %add3A_651 : i32
        %mul3A_653 = arith.constant 16 : i32
        %mul3A_654 = arith.muli %add3A_634, %mul3A_653 : i32
        %get3A_655 = arith.index_cast %mul3A_654 : i32 to index
        %get3A_656 = tpu.vector_load %arg16[%get3A_655] {strides = array<i32>} : memref<208xi32, #tpu.memory_space<vmem>>, vector<16xi32>,
        %add3A_657 = vector.broadcast %add3A_652 : i32 to vector<16xi32>
        %add3A_658 = arith.addi %get3A_656, %add3A_657 : vector<16xi32>
        %mul3A_659 = arith.constant 16 : i32
        %mul3A_660 = arith.muli %add3A_634, %mul3A_659 : i32
        %get3A_661 = arith.index_cast %mul3A_660 : i32 to index
        %get3A_662 = tpu.vector_load %arg17[%get3A_661] {strides = array<i32>} : memref<208xi32, #tpu.memory_space<vmem>>, vector<16xi32>,
        %add3A_663 = vector.broadcast %add3A_652 : i32 to vector<16xi32>
        %add3A_664 = arith.addi %get3A_662, %add3A_663 : vector<16xi32>
        %mul3A_665 = arith.constant 16 : i32
        %mul3A_666 = arith.muli %add3A_634, %mul3A_665 : i32
        %get3A_667 = arith.index_cast %mul3A_666 : i32 to index
        %get3A_668 = tpu.vector_load %arg18[%get3A_667] {strides = array<i32>} : memref<208xi32, #tpu.memory_space<vmem>>, vector<16xi32>,
        %add3A_669 = vector.broadcast %add3A_652 : i32 to vector<16xi32>
        %add3A_670 = arith.addi %get3A_668, %add3A_669 : vector<16xi32>
        %mul3A_671 = arith.constant 16 : i32
        %mul3A_672 = arith.muli %add3A_634, %mul3A_671 : i32
        %get3A_673 = arith.index_cast %mul3A_672 : i32 to index
        %get3A_674 = tpu.vector_load %arg19[%get3A_673] {strides = array<i32>} : memref<208xi32, #tpu.memory_space<vmem>>, vector<16xi32>,
        %add3A_675 = vector.broadcast %add3A_652 : i32 to vector<16xi32>
        %add3A_676 = arith.addi %get3A_674, %add3A_675 : vector<16xi32>
        %mul3A_677 = arith.constant 16 : i32
        %mul3A_678 = arith.muli %add3A_634, %mul3A_677 : i32
        %add3A_679 = vector.broadcast %mul3A_678 : i32 to vector<16xi32>
        %add3A_680 = arith.addi %iota3A, %add3A_679 : vector<16xi32>
        %parallel_loop3A = arith.constant 0 : i32
        %parallel_loop3A_681 = arith.constant 64 : i32
        %parallel_loop3A_682 = arith.constant 1 : i32
        %parallel_loop3A_683:10 = scf.for %parallel_loop3A_684 = %parallel_loop3A to %parallel_loop3A_681 step %parallel_loop3A_682 iter_args(%parallel_loop3A_685 = %iota3A, %parallel_loop3A_686 = %add3A_658, %parallel_loop3A_687 = %add3A_664, %parallel_loop3A_688 = %add3A_670, %parallel_loop3A_689 = %add3A_676, %parallel_loop3A_690 = %add3A_680, %parallel_loop3A_691 = %get3A_638, %parallel_loop3A_692 = %get3A_642, %parallel_loop3A_693 = %get3A_646, %parallel_loop3A_694 = %get3A_650) -> (vector<16xi32>, vector<16xi32>, vector<16xi32>, vector<16xi32>, vector<16xi32>, vector<16xi32>, vector<16xf32>, vector<16xf32>, vector<16xf32>, vector<16xf32>)  : i32 {
          %parallel_loop3A_695 = arith.addi %parallel_loop3A_686, %parallel_loop3A_685 : vector<16xi32>
          %parallel_loop3A_696 = tpu.vector_load_idx %arg20[%parallel_loop3A_695] : memref<86528xf32, #tpu.memory_space<vmem>>[vector<16xi32>], vector<16xf32>,
          %parallel_loop3A_697 = arith.addi %parallel_loop3A_687, %parallel_loop3A_685 : vector<16xi32>
          %parallel_loop3A_698 = tpu.vector_load_idx %arg20[%parallel_loop3A_697] : memref<86528xf32, #tpu.memory_space<vmem>>[vector<16xi32>], vector<16xf32>,
          %parallel_loop3A_699 = arith.addi %parallel_loop3A_688, %parallel_loop3A_685 : vector<16xi32>
          %parallel_loop3A_700 = tpu.vector_load_idx %arg20[%parallel_loop3A_699] : memref<86528xf32, #tpu.memory_space<vmem>>[vector<16xi32>], vector<16xf32>,
          %parallel_loop3A_701 = arith.addi %parallel_loop3A_689, %parallel_loop3A_685 : vector<16xi32>
          %parallel_loop3A_702 = tpu.vector_load_idx %arg20[%parallel_loop3A_701] : memref<86528xf32, #tpu.memory_space<vmem>>[vector<16xi32>], vector<16xf32>,
          %parallel_loop3A_703 = arith.mulf %parallel_loop3A_691, %parallel_loop3A_696 : vector<16xf32>
          %parallel_loop3A_704 = arith.mulf %parallel_loop3A_692, %parallel_loop3A_698 : vector<16xf32>
          %parallel_loop3A_705 = arith.addf %parallel_loop3A_703, %parallel_loop3A_704 : vector<16xf32>
          %parallel_loop3A_706 = arith.mulf %parallel_loop3A_693, %parallel_loop3A_700 : vector<16xf32>
          %parallel_loop3A_707 = arith.addf %parallel_loop3A_705, %parallel_loop3A_706 : vector<16xf32>
          %parallel_loop3A_708 = arith.mulf %parallel_loop3A_694, %parallel_loop3A_702 : vector<16xf32>
          %parallel_loop3A_709 = arith.addf %parallel_loop3A_707, %parallel_loop3A_708 : vector<16xf32>
          tpu.vector_store_idx %arg21[%parallel_loop3A_690, %parallel_loop3A_685], %parallel_loop3A_709 : memref<208x64xf32, #tpu.memory_space<vmem>>[vector<16xi32>, vector<16xi32>], vector<16xf32>,
          %parallel_loop3A_710 = arith.constant 1 : i32
          %parallel_loop3A_711 = vector.broadcast %parallel_loop3A_710 : i32 to vector<16xi32>
          %parallel_loop3A_712 = arith.addi %parallel_loop3A_685, %parallel_loop3A_711 : vector<16xi32>
          %parallel_loop3A_713 = arith.constant 63 : i32
          %parallel_loop3A_714 = vector.broadcast %parallel_loop3A_713 : i32 to vector<16xi32>
          %parallel_loop3A_715 = arith.andi %parallel_loop3A_712, %parallel_loop3A_714 : vector<16xi32>
          scf.yield %parallel_loop3A_715, %parallel_loop3A_686, %parallel_loop3A_687, %parallel_loop3A_688, %parallel_loop3A_689, %parallel_loop3A_690, %parallel_loop3A_691, %parallel_loop3A_692, %parallel_loop3A_693, %parallel_loop3A_694 : vector<16xi32>, vector<16xi32>, vector<16xi32>, vector<16xi32>, vector<16xi32>, vector<16xi32>, vector<16xf32>, vector<16xf32>, vector<16xf32>, vector<16xf32>
        } {sc.loop_unroll_factor = 4 : i64, sc.parallel_access}
      }
      %scan3A_515 = arith.constant 13 : i32
      %dma_start3A_516 = arith.constant 0 : i32
      %dma_start3A_517 = arith.constant 0 : i32
      %dma_start3A_518 = arith.constant 0 : i32
      %dma_start3A_519 = tpu.memref_slice %arg21[%dma_start3A_517, %dma_start3A_518] : memref<208x64xf32, #tpu.memory_space<vmem>> -> memref<196x64xf32, #tpu.memory_space<vmem>>
      %dma_start3A_520 = arith.constant 0 : i32
      %dma_start3A_521 = arith.constant 0 : i32
      %dma_start3A_522 = tpu.memref_slice %arg7[%dma_start3A_520, %shift_right_arithmetic3A_503, %dma_start3A_516, %and3A_505, %dma_start3A_521] : memref<196x125x2x8x128xf32, #tpu.memory_space<hbm>> -> memref<196x1x1x1x64xf32, #tpu.memory_space<hbm>>
      %dma_start3A_523 = tpu.memref_squeeze %dma_start3A_522 : memref<196x1x1x1x64xf32, #tpu.memory_space<hbm>> -> memref<196x64xf32, #tpu.memory_space<hbm>>
      %dma_start3A_524 = arith.constant 0 : i32
      %dma_start3A_525 = arith.constant 0 : i32
      %dma_start3A_526 = tpu.memref_slice %arg7[%dma_start3A_524, %shift_right_arithmetic3A_503, %dma_start3A_516, %and3A_505, %dma_start3A_525] : memref<196x125x2x8x128xf32, #tpu.memory_space<hbm>> -> memref<196x1x1x1x64xf32, #tpu.memory_space<hbm>>
      %dma_start3A_527 = tpu.memref_squeeze %dma_start3A_526 : memref<196x1x1x1x64xf32, #tpu.memory_space<hbm>> -> memref<196x64xf32, #tpu.memory_space<hbm>>
      %dma_start3A_528 = arith.constant 0 : i32
      %dma_start3A_529 = arith.constant 0 : i32
      %dma_start3A_530 = tpu.memref_slice %arg21[%dma_start3A_528, %dma_start3A_529] : memref<208x64xf32, #tpu.memory_space<vmem>> -> memref<196x64xf32, #tpu.memory_space<vmem>>
      tpu.enqueue_dma source(%dma_start3A_530 : memref<196x64xf32, #tpu.memory_space<vmem>>) target(%dma_start3A_527 : memref<196x64xf32, #tpu.memory_space<hbm>>) target_semaphore(%arg24 : memref<!tpu.dma_semaphore, #tpu.memory_space<semaphore_mem>>)
      %gt3A_531 = arith.constant 0 : i32
      %gt3A_532 = arith.cmpi sgt, %add3A_306, %gt3A_531 : i32
      %convert_element_type3A_533 = arith.extui %gt3A_532 : i1 to i32
      %cond3A_534 = arith.constant 0 : i32
      %cond3A_535 = arith.cmpi ne, %convert_element_type3A_533, %cond3A_534 : i32
      scf.if %cond3A_535 {
        %dma_wait3A_630 = arith.constant 0 : i32
        %dma_wait3A_631 = arith.constant 0 : i32
        %dma_wait3A_632 = arith.constant 0 : i32
        %dma_wait3A_633 = arith.constant 0 : i32
        %dma_wait3A_634 = arith.constant 0 : i32
        %dma_wait3A_635 = tpu.memref_slice %arg22[%dma_wait3A_633, %dma_wait3A_634] : memref<208x64xf32, #tpu.memory_space<vmem>> -> memref<196x64xf32, #tpu.memory_space<vmem>>
        %dma_wait3A_636 = arith.constant 0 : i32
        %dma_wait3A_637 = arith.constant 0 : i32
        %dma_wait3A_638 = tpu.memref_slice %arg7[%dma_wait3A_636, %dma_wait3A_630, %dma_wait3A_631, %dma_wait3A_632, %dma_wait3A_637] : memref<196x125x2x8x128xf32, #tpu.memory_space<hbm>> -> memref<196x1x1x1x64xf32, #tpu.memory_space<hbm>>
        %dma_wait3A_639 = tpu.memref_squeeze %dma_wait3A_638 : memref<196x1x1x1x64xf32, #tpu.memory_space<hbm>> -> memref<196x64xf32, #tpu.memory_space<hbm>>
        %dma_wait3A_640 = arith.constant 0 : i32
        %dma_wait3A_641 = arith.constant 0 : i32
        %dma_wait3A_642 = tpu.memref_slice %arg22[%dma_wait3A_640, %dma_wait3A_641] : memref<208x64xf32, #tpu.memory_space<vmem>> -> memref<196x64xf32, #tpu.memory_space<vmem>>
        %dma_wait3A_643 = arith.constant 0 : i32
        %dma_wait3A_644 = arith.constant 0 : i32
        %dma_wait3A_645 = tpu.memref_slice %arg7[%dma_wait3A_643, %dma_wait3A_630, %dma_wait3A_631, %dma_wait3A_632, %dma_wait3A_644] : memref<196x125x2x8x128xf32, #tpu.memory_space<hbm>> -> memref<196x1x1x1x64xf32, #tpu.memory_space<hbm>>
        %dma_wait3A_646 = tpu.memref_squeeze %dma_wait3A_645 : memref<196x1x1x1x64xf32, #tpu.memory_space<hbm>> -> memref<196x64xf32, #tpu.memory_space<hbm>>
        tpu.wait_dma2 semaphore(%arg24 : memref<!tpu.dma_semaphore, #tpu.memory_space<semaphore_mem>>) src(%dma_wait3A_646 : memref<196x64xf32, #tpu.memory_space<hbm>>) dst(%dma_wait3A_642 : memref<196x64xf32, #tpu.memory_space<vmem>>)
      } else {
      }
      %scan3A_536 = arith.constant 0 : i32
      %scan3A_537 = arith.constant 13 : i32
      %scan3A_538 = arith.addi %scan3A_536, %scan3A_537 : i32
      %scan3A_539 = arith.constant 1 : i32
      scf.for %scan3A_630 = %scan3A_536 to %scan3A_538 step %scan3A_539  : i32 {
        %mul3A_631 = arith.constant 1 : i32
        %mul3A_632 = arith.muli %scan3A_630, %mul3A_631 : i32
        %add3A_633 = arith.constant 0 : i32
        %add3A_634 = arith.addi %add3A_633, %mul3A_632 : i32
        %mul3A_635 = arith.constant 16 : i32
        %mul3A_636 = arith.muli %add3A_634, %mul3A_635 : i32
        %get3A_637 = arith.index_cast %mul3A_636 : i32 to index
        %get3A_638 = tpu.vector_load %arg12[%get3A_637] {strides = array<i32>} : memref<208xf32, #tpu.memory_space<vmem>>, vector<16xf32>,
        %mul3A_639 = arith.constant 16 : i32
        %mul3A_640 = arith.muli %add3A_634, %mul3A_639 : i32
        %get3A_641 = arith.index_cast %mul3A_640 : i32 to index
        %get3A_642 = tpu.vector_load %arg13[%get3A_641] {strides = array<i32>} : memref<208xf32, #tpu.memory_space<vmem>>, vector<16xf32>,
        %mul3A_643 = arith.constant 16 : i32
        %mul3A_644 = arith.muli %add3A_634, %mul3A_643 : i32
        %get3A_645 = arith.index_cast %mul3A_644 : i32 to index
        %get3A_646 = tpu.vector_load %arg14[%get3A_645] {strides = array<i32>} : memref<208xf32, #tpu.memory_space<vmem>>, vector<16xf32>,
        %mul3A_647 = arith.constant 16 : i32
        %mul3A_648 = arith.muli %add3A_634, %mul3A_647 : i32
        %get3A_649 = arith.index_cast %mul3A_648 : i32 to index
        %get3A_650 = tpu.vector_load %arg15[%get3A_649] {strides = array<i32>} : memref<208xf32, #tpu.memory_space<vmem>>, vector<16xf32>,
        %add3A_651 = arith.constant 64 : i32
        %add3A_652 = arith.addi %mul3A_309, %add3A_651 : i32
        %mul3A_653 = arith.constant 16 : i32
        %mul3A_654 = arith.muli %add3A_634, %mul3A_653 : i32
        %get3A_655 = arith.index_cast %mul3A_654 : i32 to index
        %get3A_656 = tpu.vector_load %arg16[%get3A_655] {strides = array<i32>} : memref<208xi32, #tpu.memory_space<vmem>>, vector<16xi32>,
        %add3A_657 = vector.broadcast %add3A_652 : i32 to vector<16xi32>
        %add3A_658 = arith.addi %get3A_656, %add3A_657 : vector<16xi32>
        %mul3A_659 = arith.constant 16 : i32
        %mul3A_660 = arith.muli %add3A_634, %mul3A_659 : i32
        %get3A_661 = arith.index_cast %mul3A_660 : i32 to index
        %get3A_662 = tpu.vector_load %arg17[%get3A_661] {strides = array<i32>} : memref<208xi32, #tpu.memory_space<vmem>>, vector<16xi32>,
        %add3A_663 = vector.broadcast %add3A_652 : i32 to vector<16xi32>
        %add3A_664 = arith.addi %get3A_662, %add3A_663 : vector<16xi32>
        %mul3A_665 = arith.constant 16 : i32
        %mul3A_666 = arith.muli %add3A_634, %mul3A_665 : i32
        %get3A_667 = arith.index_cast %mul3A_666 : i32 to index
        %get3A_668 = tpu.vector_load %arg18[%get3A_667] {strides = array<i32>} : memref<208xi32, #tpu.memory_space<vmem>>, vector<16xi32>,
        %add3A_669 = vector.broadcast %add3A_652 : i32 to vector<16xi32>
        %add3A_670 = arith.addi %get3A_668, %add3A_669 : vector<16xi32>
        %mul3A_671 = arith.constant 16 : i32
        %mul3A_672 = arith.muli %add3A_634, %mul3A_671 : i32
        %get3A_673 = arith.index_cast %mul3A_672 : i32 to index
        %get3A_674 = tpu.vector_load %arg19[%get3A_673] {strides = array<i32>} : memref<208xi32, #tpu.memory_space<vmem>>, vector<16xi32>,
        %add3A_675 = vector.broadcast %add3A_652 : i32 to vector<16xi32>
        %add3A_676 = arith.addi %get3A_674, %add3A_675 : vector<16xi32>
        %mul3A_677 = arith.constant 16 : i32
        %mul3A_678 = arith.muli %add3A_634, %mul3A_677 : i32
        %add3A_679 = vector.broadcast %mul3A_678 : i32 to vector<16xi32>
        %add3A_680 = arith.addi %iota3A, %add3A_679 : vector<16xi32>
        %parallel_loop3A = arith.constant 0 : i32
        %parallel_loop3A_681 = arith.constant 64 : i32
        %parallel_loop3A_682 = arith.constant 1 : i32
        %parallel_loop3A_683:10 = scf.for %parallel_loop3A_684 = %parallel_loop3A to %parallel_loop3A_681 step %parallel_loop3A_682 iter_args(%parallel_loop3A_685 = %iota3A, %parallel_loop3A_686 = %add3A_658, %parallel_loop3A_687 = %add3A_664, %parallel_loop3A_688 = %add3A_670, %parallel_loop3A_689 = %add3A_676, %parallel_loop3A_690 = %add3A_680, %parallel_loop3A_691 = %get3A_638, %parallel_loop3A_692 = %get3A_642, %parallel_loop3A_693 = %get3A_646, %parallel_loop3A_694 = %get3A_650) -> (vector<16xi32>, vector<16xi32>, vector<16xi32>, vector<16xi32>, vector<16xi32>, vector<16xi32>, vector<16xf32>, vector<16xf32>, vector<16xf32>, vector<16xf32>)  : i32 {
          %parallel_loop3A_695 = arith.addi %parallel_loop3A_686, %parallel_loop3A_685 : vector<16xi32>
          %parallel_loop3A_696 = tpu.vector_load_idx %arg20[%parallel_loop3A_695] : memref<86528xf32, #tpu.memory_space<vmem>>[vector<16xi32>], vector<16xf32>,
          %parallel_loop3A_697 = arith.addi %parallel_loop3A_687, %parallel_loop3A_685 : vector<16xi32>
          %parallel_loop3A_698 = tpu.vector_load_idx %arg20[%parallel_loop3A_697] : memref<86528xf32, #tpu.memory_space<vmem>>[vector<16xi32>], vector<16xf32>,
          %parallel_loop3A_699 = arith.addi %parallel_loop3A_688, %parallel_loop3A_685 : vector<16xi32>
          %parallel_loop3A_700 = tpu.vector_load_idx %arg20[%parallel_loop3A_699] : memref<86528xf32, #tpu.memory_space<vmem>>[vector<16xi32>], vector<16xf32>,
          %parallel_loop3A_701 = arith.addi %parallel_loop3A_689, %parallel_loop3A_685 : vector<16xi32>
          %parallel_loop3A_702 = tpu.vector_load_idx %arg20[%parallel_loop3A_701] : memref<86528xf32, #tpu.memory_space<vmem>>[vector<16xi32>], vector<16xf32>,
          %parallel_loop3A_703 = arith.mulf %parallel_loop3A_691, %parallel_loop3A_696 : vector<16xf32>
          %parallel_loop3A_704 = arith.mulf %parallel_loop3A_692, %parallel_loop3A_698 : vector<16xf32>
          %parallel_loop3A_705 = arith.addf %parallel_loop3A_703, %parallel_loop3A_704 : vector<16xf32>
          %parallel_loop3A_706 = arith.mulf %parallel_loop3A_693, %parallel_loop3A_700 : vector<16xf32>
          %parallel_loop3A_707 = arith.addf %parallel_loop3A_705, %parallel_loop3A_706 : vector<16xf32>
          %parallel_loop3A_708 = arith.mulf %parallel_loop3A_694, %parallel_loop3A_702 : vector<16xf32>
          %parallel_loop3A_709 = arith.addf %parallel_loop3A_707, %parallel_loop3A_708 : vector<16xf32>
          tpu.vector_store_idx %arg22[%parallel_loop3A_690, %parallel_loop3A_685], %parallel_loop3A_709 : memref<208x64xf32, #tpu.memory_space<vmem>>[vector<16xi32>, vector<16xi32>], vector<16xf32>,
          %parallel_loop3A_710 = arith.constant 1 : i32
          %parallel_loop3A_711 = vector.broadcast %parallel_loop3A_710 : i32 to vector<16xi32>
          %parallel_loop3A_712 = arith.addi %parallel_loop3A_685, %parallel_loop3A_711 : vector<16xi32>
          %parallel_loop3A_713 = arith.constant 63 : i32
          %parallel_loop3A_714 = vector.broadcast %parallel_loop3A_713 : i32 to vector<16xi32>
          %parallel_loop3A_715 = arith.andi %parallel_loop3A_712, %parallel_loop3A_714 : vector<16xi32>
          scf.yield %parallel_loop3A_715, %parallel_loop3A_686, %parallel_loop3A_687, %parallel_loop3A_688, %parallel_loop3A_689, %parallel_loop3A_690, %parallel_loop3A_691, %parallel_loop3A_692, %parallel_loop3A_693, %parallel_loop3A_694 : vector<16xi32>, vector<16xi32>, vector<16xi32>, vector<16xi32>, vector<16xi32>, vector<16xi32>, vector<16xf32>, vector<16xf32>, vector<16xf32>, vector<16xf32>
        } {sc.loop_unroll_factor = 4 : i64, sc.parallel_access}
      }
      %scan3A_540 = arith.constant 13 : i32
      %dma_start3A_541 = arith.constant 0 : i32
      %dma_start3A_542 = arith.constant 0 : i32
      %dma_start3A_543 = arith.constant 0 : i32
      %dma_start3A_544 = tpu.memref_slice %arg22[%dma_start3A_542, %dma_start3A_543] : memref<208x64xf32, #tpu.memory_space<vmem>> -> memref<196x64xf32, #tpu.memory_space<vmem>>
      %dma_start3A_545 = arith.constant 0 : i32
      %dma_start3A_546 = arith.constant 64 : i32
      %dma_start3A_547 = tpu.memref_slice %arg7[%dma_start3A_545, %shift_right_arithmetic3A_503, %dma_start3A_541, %and3A_505, %dma_start3A_546] : memref<196x125x2x8x128xf32, #tpu.memory_space<hbm>> -> memref<196x1x1x1x64xf32, #tpu.memory_space<hbm>>
      %dma_start3A_548 = tpu.memref_squeeze %dma_start3A_547 : memref<196x1x1x1x64xf32, #tpu.memory_space<hbm>> -> memref<196x64xf32, #tpu.memory_space<hbm>>
      %dma_start3A_549 = arith.constant 0 : i32
      %dma_start3A_550 = arith.constant 64 : i32
      %dma_start3A_551 = tpu.memref_slice %arg7[%dma_start3A_549, %shift_right_arithmetic3A_503, %dma_start3A_541, %and3A_505, %dma_start3A_550] : memref<196x125x2x8x128xf32, #tpu.memory_space<hbm>> -> memref<196x1x1x1x64xf32, #tpu.memory_space<hbm>>
      %dma_start3A_552 = tpu.memref_squeeze %dma_start3A_551 : memref<196x1x1x1x64xf32, #tpu.memory_space<hbm>> -> memref<196x64xf32, #tpu.memory_space<hbm>>
      %dma_start3A_553 = arith.constant 0 : i32
      %dma_start3A_554 = arith.constant 0 : i32
      %dma_start3A_555 = tpu.memref_slice %arg22[%dma_start3A_553, %dma_start3A_554] : memref<208x64xf32, #tpu.memory_space<vmem>> -> memref<196x64xf32, #tpu.memory_space<vmem>>
      tpu.enqueue_dma source(%dma_start3A_555 : memref<196x64xf32, #tpu.memory_space<vmem>>) target(%dma_start3A_552 : memref<196x64xf32, #tpu.memory_space<hbm>>) target_semaphore(%arg24 : memref<!tpu.dma_semaphore, #tpu.memory_space<semaphore_mem>>)
      %dma_wait3A_556 = arith.constant 0 : i32
      %dma_wait3A_557 = arith.constant 0 : i32
      %dma_wait3A_558 = arith.constant 0 : i32
      %dma_wait3A_559 = arith.constant 0 : i32
      %dma_wait3A_560 = arith.constant 0 : i32
      %dma_wait3A_561 = tpu.memref_slice %arg21[%dma_wait3A_559, %dma_wait3A_560] : memref<208x64xf32, #tpu.memory_space<vmem>> -> memref<196x64xf32, #tpu.memory_space<vmem>>
      %dma_wait3A_562 = arith.constant 0 : i32
      %dma_wait3A_563 = arith.constant 0 : i32
      %dma_wait3A_564 = tpu.memref_slice %arg7[%dma_wait3A_562, %dma_wait3A_556, %dma_wait3A_557, %dma_wait3A_558, %dma_wait3A_563] : memref<196x125x2x8x128xf32, #tpu.memory_space<hbm>> -> memref<196x1x1x1x64xf32, #tpu.memory_space<hbm>>
      %dma_wait3A_565 = tpu.memref_squeeze %dma_wait3A_564 : memref<196x1x1x1x64xf32, #tpu.memory_space<hbm>> -> memref<196x64xf32, #tpu.memory_space<hbm>>
      %dma_wait3A_566 = arith.constant 0 : i32
      %dma_wait3A_567 = arith.constant 0 : i32
      %dma_wait3A_568 = tpu.memref_slice %arg21[%dma_wait3A_566, %dma_wait3A_567] : memref<208x64xf32, #tpu.memory_space<vmem>> -> memref<196x64xf32, #tpu.memory_space<vmem>>
      %dma_wait3A_569 = arith.constant 0 : i32
      %dma_wait3A_570 = arith.constant 0 : i32
      %dma_wait3A_571 = tpu.memref_slice %arg7[%dma_wait3A_569, %dma_wait3A_556, %dma_wait3A_557, %dma_wait3A_558, %dma_wait3A_570] : memref<196x125x2x8x128xf32, #tpu.memory_space<hbm>> -> memref<196x1x1x1x64xf32, #tpu.memory_space<hbm>>
      %dma_wait3A_572 = tpu.memref_squeeze %dma_wait3A_571 : memref<196x1x1x1x64xf32, #tpu.memory_space<hbm>> -> memref<196x64xf32, #tpu.memory_space<hbm>>
      tpu.wait_dma2 semaphore(%arg24 : memref<!tpu.dma_semaphore, #tpu.memory_space<semaphore_mem>>) src(%dma_wait3A_572 : memref<196x64xf32, #tpu.memory_space<hbm>>) dst(%dma_wait3A_568 : memref<196x64xf32, #tpu.memory_space<vmem>>)
      %scan3A_573 = arith.constant 0 : i32
      %scan3A_574 = arith.constant 13 : i32
      %scan3A_575 = arith.addi %scan3A_573, %scan3A_574 : i32
      %scan3A_576 = arith.constant 1 : i32
      scf.for %scan3A_630 = %scan3A_573 to %scan3A_575 step %scan3A_576  : i32 {
        %mul3A_631 = arith.constant 1 : i32
        %mul3A_632 = arith.muli %scan3A_630, %mul3A_631 : i32
        %add3A_633 = arith.constant 0 : i32
        %add3A_634 = arith.addi %add3A_633, %mul3A_632 : i32
        %mul3A_635 = arith.constant 16 : i32
        %mul3A_636 = arith.muli %add3A_634, %mul3A_635 : i32
        %get3A_637 = arith.index_cast %mul3A_636 : i32 to index
        %get3A_638 = tpu.vector_load %arg12[%get3A_637] {strides = array<i32>} : memref<208xf32, #tpu.memory_space<vmem>>, vector<16xf32>,
        %mul3A_639 = arith.constant 16 : i32
        %mul3A_640 = arith.muli %add3A_634, %mul3A_639 : i32
        %get3A_641 = arith.index_cast %mul3A_640 : i32 to index
        %get3A_642 = tpu.vector_load %arg13[%get3A_641] {strides = array<i32>} : memref<208xf32, #tpu.memory_space<vmem>>, vector<16xf32>,
        %mul3A_643 = arith.constant 16 : i32
        %mul3A_644 = arith.muli %add3A_634, %mul3A_643 : i32
        %get3A_645 = arith.index_cast %mul3A_644 : i32 to index
        %get3A_646 = tpu.vector_load %arg14[%get3A_645] {strides = array<i32>} : memref<208xf32, #tpu.memory_space<vmem>>, vector<16xf32>,
        %mul3A_647 = arith.constant 16 : i32
        %mul3A_648 = arith.muli %add3A_634, %mul3A_647 : i32
        %get3A_649 = arith.index_cast %mul3A_648 : i32 to index
        %get3A_650 = tpu.vector_load %arg15[%get3A_649] {strides = array<i32>} : memref<208xf32, #tpu.memory_space<vmem>>, vector<16xf32>,
        %add3A_651 = arith.constant 128 : i32
        %add3A_652 = arith.addi %mul3A_309, %add3A_651 : i32
        %mul3A_653 = arith.constant 16 : i32
        %mul3A_654 = arith.muli %add3A_634, %mul3A_653 : i32
        %get3A_655 = arith.index_cast %mul3A_654 : i32 to index
        %get3A_656 = tpu.vector_load %arg16[%get3A_655] {strides = array<i32>} : memref<208xi32, #tpu.memory_space<vmem>>, vector<16xi32>,
        %add3A_657 = vector.broadcast %add3A_652 : i32 to vector<16xi32>
        %add3A_658 = arith.addi %get3A_656, %add3A_657 : vector<16xi32>
        %mul3A_659 = arith.constant 16 : i32
        %mul3A_660 = arith.muli %add3A_634, %mul3A_659 : i32
        %get3A_661 = arith.index_cast %mul3A_660 : i32 to index
        %get3A_662 = tpu.vector_load %arg17[%get3A_661] {strides = array<i32>} : memref<208xi32, #tpu.memory_space<vmem>>, vector<16xi32>,
        %add3A_663 = vector.broadcast %add3A_652 : i32 to vector<16xi32>
        %add3A_664 = arith.addi %get3A_662, %add3A_663 : vector<16xi32>
        %mul3A_665 = arith.constant 16 : i32
        %mul3A_666 = arith.muli %add3A_634, %mul3A_665 : i32
        %get3A_667 = arith.index_cast %mul3A_666 : i32 to index
        %get3A_668 = tpu.vector_load %arg18[%get3A_667] {strides = array<i32>} : memref<208xi32, #tpu.memory_space<vmem>>, vector<16xi32>,
        %add3A_669 = vector.broadcast %add3A_652 : i32 to vector<16xi32>
        %add3A_670 = arith.addi %get3A_668, %add3A_669 : vector<16xi32>
        %mul3A_671 = arith.constant 16 : i32
        %mul3A_672 = arith.muli %add3A_634, %mul3A_671 : i32
        %get3A_673 = arith.index_cast %mul3A_672 : i32 to index
        %get3A_674 = tpu.vector_load %arg19[%get3A_673] {strides = array<i32>} : memref<208xi32, #tpu.memory_space<vmem>>, vector<16xi32>,
        %add3A_675 = vector.broadcast %add3A_652 : i32 to vector<16xi32>
        %add3A_676 = arith.addi %get3A_674, %add3A_675 : vector<16xi32>
        %mul3A_677 = arith.constant 16 : i32
        %mul3A_678 = arith.muli %add3A_634, %mul3A_677 : i32
        %add3A_679 = vector.broadcast %mul3A_678 : i32 to vector<16xi32>
        %add3A_680 = arith.addi %iota3A, %add3A_679 : vector<16xi32>
        %parallel_loop3A = arith.constant 0 : i32
        %parallel_loop3A_681 = arith.constant 64 : i32
        %parallel_loop3A_682 = arith.constant 1 : i32
        %parallel_loop3A_683:10 = scf.for %parallel_loop3A_684 = %parallel_loop3A to %parallel_loop3A_681 step %parallel_loop3A_682 iter_args(%parallel_loop3A_685 = %iota3A, %parallel_loop3A_686 = %add3A_658, %parallel_loop3A_687 = %add3A_664, %parallel_loop3A_688 = %add3A_670, %parallel_loop3A_689 = %add3A_676, %parallel_loop3A_690 = %add3A_680, %parallel_loop3A_691 = %get3A_638, %parallel_loop3A_692 = %get3A_642, %parallel_loop3A_693 = %get3A_646, %parallel_loop3A_694 = %get3A_650) -> (vector<16xi32>, vector<16xi32>, vector<16xi32>, vector<16xi32>, vector<16xi32>, vector<16xi32>, vector<16xf32>, vector<16xf32>, vector<16xf32>, vector<16xf32>)  : i32 {
          %parallel_loop3A_695 = arith.addi %parallel_loop3A_686, %parallel_loop3A_685 : vector<16xi32>
          %parallel_loop3A_696 = tpu.vector_load_idx %arg20[%parallel_loop3A_695] : memref<86528xf32, #tpu.memory_space<vmem>>[vector<16xi32>], vector<16xf32>,
          %parallel_loop3A_697 = arith.addi %parallel_loop3A_687, %parallel_loop3A_685 : vector<16xi32>
          %parallel_loop3A_698 = tpu.vector_load_idx %arg20[%parallel_loop3A_697] : memref<86528xf32, #tpu.memory_space<vmem>>[vector<16xi32>], vector<16xf32>,
          %parallel_loop3A_699 = arith.addi %parallel_loop3A_688, %parallel_loop3A_685 : vector<16xi32>
          %parallel_loop3A_700 = tpu.vector_load_idx %arg20[%parallel_loop3A_699] : memref<86528xf32, #tpu.memory_space<vmem>>[vector<16xi32>], vector<16xf32>,
          %parallel_loop3A_701 = arith.addi %parallel_loop3A_689, %parallel_loop3A_685 : vector<16xi32>
          %parallel_loop3A_702 = tpu.vector_load_idx %arg20[%parallel_loop3A_701] : memref<86528xf32, #tpu.memory_space<vmem>>[vector<16xi32>], vector<16xf32>,
          %parallel_loop3A_703 = arith.mulf %parallel_loop3A_691, %parallel_loop3A_696 : vector<16xf32>
          %parallel_loop3A_704 = arith.mulf %parallel_loop3A_692, %parallel_loop3A_698 : vector<16xf32>
          %parallel_loop3A_705 = arith.addf %parallel_loop3A_703, %parallel_loop3A_704 : vector<16xf32>
          %parallel_loop3A_706 = arith.mulf %parallel_loop3A_693, %parallel_loop3A_700 : vector<16xf32>
          %parallel_loop3A_707 = arith.addf %parallel_loop3A_705, %parallel_loop3A_706 : vector<16xf32>
          %parallel_loop3A_708 = arith.mulf %parallel_loop3A_694, %parallel_loop3A_702 : vector<16xf32>
          %parallel_loop3A_709 = arith.addf %parallel_loop3A_707, %parallel_loop3A_708 : vector<16xf32>
          tpu.vector_store_idx %arg21[%parallel_loop3A_690, %parallel_loop3A_685], %parallel_loop3A_709 : memref<208x64xf32, #tpu.memory_space<vmem>>[vector<16xi32>, vector<16xi32>], vector<16xf32>,
          %parallel_loop3A_710 = arith.constant 1 : i32
          %parallel_loop3A_711 = vector.broadcast %parallel_loop3A_710 : i32 to vector<16xi32>
          %parallel_loop3A_712 = arith.addi %parallel_loop3A_685, %parallel_loop3A_711 : vector<16xi32>
          %parallel_loop3A_713 = arith.constant 63 : i32
          %parallel_loop3A_714 = vector.broadcast %parallel_loop3A_713 : i32 to vector<16xi32>
          %parallel_loop3A_715 = arith.andi %parallel_loop3A_712, %parallel_loop3A_714 : vector<16xi32>
          scf.yield %parallel_loop3A_715, %parallel_loop3A_686, %parallel_loop3A_687, %parallel_loop3A_688, %parallel_loop3A_689, %parallel_loop3A_690, %parallel_loop3A_691, %parallel_loop3A_692, %parallel_loop3A_693, %parallel_loop3A_694 : vector<16xi32>, vector<16xi32>, vector<16xi32>, vector<16xi32>, vector<16xi32>, vector<16xi32>, vector<16xf32>, vector<16xf32>, vector<16xf32>, vector<16xf32>
        } {sc.loop_unroll_factor = 4 : i64, sc.parallel_access}
      }
      %scan3A_577 = arith.constant 13 : i32
      %dma_start3A_578 = arith.constant 1 : i32
      %dma_start3A_579 = arith.constant 0 : i32
      %dma_start3A_580 = arith.constant 0 : i32
      %dma_start3A_581 = tpu.memref_slice %arg21[%dma_start3A_579, %dma_start3A_580] : memref<208x64xf32, #tpu.memory_space<vmem>> -> memref<196x64xf32, #tpu.memory_space<vmem>>
      %dma_start3A_582 = arith.constant 0 : i32
      %dma_start3A_583 = arith.constant 0 : i32
      %dma_start3A_584 = tpu.memref_slice %arg7[%dma_start3A_582, %shift_right_arithmetic3A_503, %dma_start3A_578, %and3A_505, %dma_start3A_583] : memref<196x125x2x8x128xf32, #tpu.memory_space<hbm>> -> memref<196x1x1x1x64xf32, #tpu.memory_space<hbm>>
      %dma_start3A_585 = tpu.memref_squeeze %dma_start3A_584 : memref<196x1x1x1x64xf32, #tpu.memory_space<hbm>> -> memref<196x64xf32, #tpu.memory_space<hbm>>
      %dma_start3A_586 = arith.constant 0 : i32
      %dma_start3A_587 = arith.constant 0 : i32
      %dma_start3A_588 = tpu.memref_slice %arg7[%dma_start3A_586, %shift_right_arithmetic3A_503, %dma_start3A_578, %and3A_505, %dma_start3A_587] : memref<196x125x2x8x128xf32, #tpu.memory_space<hbm>> -> memref<196x1x1x1x64xf32, #tpu.memory_space<hbm>>
      %dma_start3A_589 = tpu.memref_squeeze %dma_start3A_588 : memref<196x1x1x1x64xf32, #tpu.memory_space<hbm>> -> memref<196x64xf32, #tpu.memory_space<hbm>>
      %dma_start3A_590 = arith.constant 0 : i32
      %dma_start3A_591 = arith.constant 0 : i32
      %dma_start3A_592 = tpu.memref_slice %arg21[%dma_start3A_590, %dma_start3A_591] : memref<208x64xf32, #tpu.memory_space<vmem>> -> memref<196x64xf32, #tpu.memory_space<vmem>>
      tpu.enqueue_dma source(%dma_start3A_592 : memref<196x64xf32, #tpu.memory_space<vmem>>) target(%dma_start3A_589 : memref<196x64xf32, #tpu.memory_space<hbm>>) target_semaphore(%arg24 : memref<!tpu.dma_semaphore, #tpu.memory_space<semaphore_mem>>)
      %dma_wait3A_593 = arith.constant 0 : i32
      %dma_wait3A_594 = arith.constant 0 : i32
      %dma_wait3A_595 = arith.constant 0 : i32
      %dma_wait3A_596 = arith.constant 0 : i32
      %dma_wait3A_597 = arith.constant 0 : i32
      %dma_wait3A_598 = tpu.memref_slice %arg22[%dma_wait3A_596, %dma_wait3A_597] : memref<208x64xf32, #tpu.memory_space<vmem>> -> memref<196x64xf32, #tpu.memory_space<vmem>>
      %dma_wait3A_599 = arith.constant 0 : i32
      %dma_wait3A_600 = arith.constant 0 : i32
      %dma_wait3A_601 = tpu.memref_slice %arg7[%dma_wait3A_599, %dma_wait3A_593, %dma_wait3A_594, %dma_wait3A_595, %dma_wait3A_600] : memref<196x125x2x8x128xf32, #tpu.memory_space<hbm>> -> memref<196x1x1x1x64xf32, #tpu.memory_space<hbm>>
      %dma_wait3A_602 = tpu.memref_squeeze %dma_wait3A_601 : memref<196x1x1x1x64xf32, #tpu.memory_space<hbm>> -> memref<196x64xf32, #tpu.memory_space<hbm>>
      %dma_wait3A_603 = arith.constant 0 : i32
      %dma_wait3A_604 = arith.constant 0 : i32
      %dma_wait3A_605 = tpu.memref_slice %arg22[%dma_wait3A_603, %dma_wait3A_604] : memref<208x64xf32, #tpu.memory_space<vmem>> -> memref<196x64xf32, #tpu.memory_space<vmem>>
      %dma_wait3A_606 = arith.constant 0 : i32
      %dma_wait3A_607 = arith.constant 0 : i32
      %dma_wait3A_608 = tpu.memref_slice %arg7[%dma_wait3A_606, %dma_wait3A_593, %dma_wait3A_594, %dma_wait3A_595, %dma_wait3A_607] : memref<196x125x2x8x128xf32, #tpu.memory_space<hbm>> -> memref<196x1x1x1x64xf32, #tpu.memory_space<hbm>>
      %dma_wait3A_609 = tpu.memref_squeeze %dma_wait3A_608 : memref<196x1x1x1x64xf32, #tpu.memory_space<hbm>> -> memref<196x64xf32, #tpu.memory_space<hbm>>
      tpu.wait_dma2 semaphore(%arg24 : memref<!tpu.dma_semaphore, #tpu.memory_space<semaphore_mem>>) src(%dma_wait3A_609 : memref<196x64xf32, #tpu.memory_space<hbm>>) dst(%dma_wait3A_605 : memref<196x64xf32, #tpu.memory_space<vmem>>)
      %scan3A_610 = arith.constant 0 : i32
      %scan3A_611 = arith.constant 13 : i32
      %scan3A_612 = arith.addi %scan3A_610, %scan3A_611 : i32
      %scan3A_613 = arith.constant 1 : i32
      scf.for %scan3A_630 = %scan3A_610 to %scan3A_612 step %scan3A_613  : i32 {
        %mul3A_631 = arith.constant 1 : i32
        %mul3A_632 = arith.muli %scan3A_630, %mul3A_631 : i32
        %add3A_633 = arith.constant 0 : i32
        %add3A_634 = arith.addi %add3A_633, %mul3A_632 : i32
        %mul3A_635 = arith.constant 16 : i32
        %mul3A_636 = arith.muli %add3A_634, %mul3A_635 : i32
        %get3A_637 = arith.index_cast %mul3A_636 : i32 to index
        %get3A_638 = tpu.vector_load %arg12[%get3A_637] {strides = array<i32>} : memref<208xf32, #tpu.memory_space<vmem>>, vector<16xf32>,
        %mul3A_639 = arith.constant 16 : i32
        %mul3A_640 = arith.muli %add3A_634, %mul3A_639 : i32
        %get3A_641 = arith.index_cast %mul3A_640 : i32 to index
        %get3A_642 = tpu.vector_load %arg13[%get3A_641] {strides = array<i32>} : memref<208xf32, #tpu.memory_space<vmem>>, vector<16xf32>,
        %mul3A_643 = arith.constant 16 : i32
        %mul3A_644 = arith.muli %add3A_634, %mul3A_643 : i32
        %get3A_645 = arith.index_cast %mul3A_644 : i32 to index
        %get3A_646 = tpu.vector_load %arg14[%get3A_645] {strides = array<i32>} : memref<208xf32, #tpu.memory_space<vmem>>, vector<16xf32>,
        %mul3A_647 = arith.constant 16 : i32
        %mul3A_648 = arith.muli %add3A_634, %mul3A_647 : i32
        %get3A_649 = arith.index_cast %mul3A_648 : i32 to index
        %get3A_650 = tpu.vector_load %arg15[%get3A_649] {strides = array<i32>} : memref<208xf32, #tpu.memory_space<vmem>>, vector<16xf32>,
        %add3A_651 = arith.constant 192 : i32
        %add3A_652 = arith.addi %mul3A_309, %add3A_651 : i32
        %mul3A_653 = arith.constant 16 : i32
        %mul3A_654 = arith.muli %add3A_634, %mul3A_653 : i32
        %get3A_655 = arith.index_cast %mul3A_654 : i32 to index
        %get3A_656 = tpu.vector_load %arg16[%get3A_655] {strides = array<i32>} : memref<208xi32, #tpu.memory_space<vmem>>, vector<16xi32>,
        %add3A_657 = vector.broadcast %add3A_652 : i32 to vector<16xi32>
        %add3A_658 = arith.addi %get3A_656, %add3A_657 : vector<16xi32>
        %mul3A_659 = arith.constant 16 : i32
        %mul3A_660 = arith.muli %add3A_634, %mul3A_659 : i32
        %get3A_661 = arith.index_cast %mul3A_660 : i32 to index
        %get3A_662 = tpu.vector_load %arg17[%get3A_661] {strides = array<i32>} : memref<208xi32, #tpu.memory_space<vmem>>, vector<16xi32>,
        %add3A_663 = vector.broadcast %add3A_652 : i32 to vector<16xi32>
        %add3A_664 = arith.addi %get3A_662, %add3A_663 : vector<16xi32>
        %mul3A_665 = arith.constant 16 : i32
        %mul3A_666 = arith.muli %add3A_634, %mul3A_665 : i32
        %get3A_667 = arith.index_cast %mul3A_666 : i32 to index
        %get3A_668 = tpu.vector_load %arg18[%get3A_667] {strides = array<i32>} : memref<208xi32, #tpu.memory_space<vmem>>, vector<16xi32>,
        %add3A_669 = vector.broadcast %add3A_652 : i32 to vector<16xi32>
        %add3A_670 = arith.addi %get3A_668, %add3A_669 : vector<16xi32>
        %mul3A_671 = arith.constant 16 : i32
        %mul3A_672 = arith.muli %add3A_634, %mul3A_671 : i32
        %get3A_673 = arith.index_cast %mul3A_672 : i32 to index
        %get3A_674 = tpu.vector_load %arg19[%get3A_673] {strides = array<i32>} : memref<208xi32, #tpu.memory_space<vmem>>, vector<16xi32>,
        %add3A_675 = vector.broadcast %add3A_652 : i32 to vector<16xi32>
        %add3A_676 = arith.addi %get3A_674, %add3A_675 : vector<16xi32>
        %mul3A_677 = arith.constant 16 : i32
        %mul3A_678 = arith.muli %add3A_634, %mul3A_677 : i32
        %add3A_679 = vector.broadcast %mul3A_678 : i32 to vector<16xi32>
        %add3A_680 = arith.addi %iota3A, %add3A_679 : vector<16xi32>
        %parallel_loop3A = arith.constant 0 : i32
        %parallel_loop3A_681 = arith.constant 64 : i32
        %parallel_loop3A_682 = arith.constant 1 : i32
        %parallel_loop3A_683:10 = scf.for %parallel_loop3A_684 = %parallel_loop3A to %parallel_loop3A_681 step %parallel_loop3A_682 iter_args(%parallel_loop3A_685 = %iota3A, %parallel_loop3A_686 = %add3A_658, %parallel_loop3A_687 = %add3A_664, %parallel_loop3A_688 = %add3A_670, %parallel_loop3A_689 = %add3A_676, %parallel_loop3A_690 = %add3A_680, %parallel_loop3A_691 = %get3A_638, %parallel_loop3A_692 = %get3A_642, %parallel_loop3A_693 = %get3A_646, %parallel_loop3A_694 = %get3A_650) -> (vector<16xi32>, vector<16xi32>, vector<16xi32>, vector<16xi32>, vector<16xi32>, vector<16xi32>, vector<16xf32>, vector<16xf32>, vector<16xf32>, vector<16xf32>)  : i32 {
          %parallel_loop3A_695 = arith.addi %parallel_loop3A_686, %parallel_loop3A_685 : vector<16xi32>
          %parallel_loop3A_696 = tpu.vector_load_idx %arg20[%parallel_loop3A_695] : memref<86528xf32, #tpu.memory_space<vmem>>[vector<16xi32>], vector<16xf32>,
          %parallel_loop3A_697 = arith.addi %parallel_loop3A_687, %parallel_loop3A_685 : vector<16xi32>
          %parallel_loop3A_698 = tpu.vector_load_idx %arg20[%parallel_loop3A_697] : memref<86528xf32, #tpu.memory_space<vmem>>[vector<16xi32>], vector<16xf32>,
          %parallel_loop3A_699 = arith.addi %parallel_loop3A_688, %parallel_loop3A_685 : vector<16xi32>
          %parallel_loop3A_700 = tpu.vector_load_idx %arg20[%parallel_loop3A_699] : memref<86528xf32, #tpu.memory_space<vmem>>[vector<16xi32>], vector<16xf32>,
          %parallel_loop3A_701 = arith.addi %parallel_loop3A_689, %parallel_loop3A_685 : vector<16xi32>
          %parallel_loop3A_702 = tpu.vector_load_idx %arg20[%parallel_loop3A_701] : memref<86528xf32, #tpu.memory_space<vmem>>[vector<16xi32>], vector<16xf32>,
          %parallel_loop3A_703 = arith.mulf %parallel_loop3A_691, %parallel_loop3A_696 : vector<16xf32>
          %parallel_loop3A_704 = arith.mulf %parallel_loop3A_692, %parallel_loop3A_698 : vector<16xf32>
          %parallel_loop3A_705 = arith.addf %parallel_loop3A_703, %parallel_loop3A_704 : vector<16xf32>
          %parallel_loop3A_706 = arith.mulf %parallel_loop3A_693, %parallel_loop3A_700 : vector<16xf32>
          %parallel_loop3A_707 = arith.addf %parallel_loop3A_705, %parallel_loop3A_706 : vector<16xf32>
          %parallel_loop3A_708 = arith.mulf %parallel_loop3A_694, %parallel_loop3A_702 : vector<16xf32>
          %parallel_loop3A_709 = arith.addf %parallel_loop3A_707, %parallel_loop3A_708 : vector<16xf32>
          tpu.vector_store_idx %arg22[%parallel_loop3A_690, %parallel_loop3A_685], %parallel_loop3A_709 : memref<208x64xf32, #tpu.memory_space<vmem>>[vector<16xi32>, vector<16xi32>], vector<16xf32>,
          %parallel_loop3A_710 = arith.constant 1 : i32
          %parallel_loop3A_711 = vector.broadcast %parallel_loop3A_710 : i32 to vector<16xi32>
          %parallel_loop3A_712 = arith.addi %parallel_loop3A_685, %parallel_loop3A_711 : vector<16xi32>
          %parallel_loop3A_713 = arith.constant 63 : i32
          %parallel_loop3A_714 = vector.broadcast %parallel_loop3A_713 : i32 to vector<16xi32>
          %parallel_loop3A_715 = arith.andi %parallel_loop3A_712, %parallel_loop3A_714 : vector<16xi32>
          scf.yield %parallel_loop3A_715, %parallel_loop3A_686, %parallel_loop3A_687, %parallel_loop3A_688, %parallel_loop3A_689, %parallel_loop3A_690, %parallel_loop3A_691, %parallel_loop3A_692, %parallel_loop3A_693, %parallel_loop3A_694 : vector<16xi32>, vector<16xi32>, vector<16xi32>, vector<16xi32>, vector<16xi32>, vector<16xi32>, vector<16xf32>, vector<16xf32>, vector<16xf32>, vector<16xf32>
        } {sc.loop_unroll_factor = 4 : i64, sc.parallel_access}
      }
      %scan3A_614 = arith.constant 13 : i32
      %dma_start3A_615 = arith.constant 1 : i32
      %dma_start3A_616 = arith.constant 0 : i32
      %dma_start3A_617 = arith.constant 0 : i32
      %dma_start3A_618 = tpu.memref_slice %arg22[%dma_start3A_616, %dma_start3A_617] : memref<208x64xf32, #tpu.memory_space<vmem>> -> memref<196x64xf32, #tpu.memory_space<vmem>>
      %dma_start3A_619 = arith.constant 0 : i32
      %dma_start3A_620 = arith.constant 64 : i32
      %dma_start3A_621 = tpu.memref_slice %arg7[%dma_start3A_619, %shift_right_arithmetic3A_503, %dma_start3A_615, %and3A_505, %dma_start3A_620] : memref<196x125x2x8x128xf32, #tpu.memory_space<hbm>> -> memref<196x1x1x1x64xf32, #tpu.memory_space<hbm>>
      %dma_start3A_622 = tpu.memref_squeeze %dma_start3A_621 : memref<196x1x1x1x64xf32, #tpu.memory_space<hbm>> -> memref<196x64xf32, #tpu.memory_space<hbm>>
      %dma_start3A_623 = arith.constant 0 : i32
      %dma_start3A_624 = arith.constant 64 : i32
      %dma_start3A_625 = tpu.memref_slice %arg7[%dma_start3A_623, %shift_right_arithmetic3A_503, %dma_start3A_615, %and3A_505, %dma_start3A_624] : memref<196x125x2x8x128xf32, #tpu.memory_space<hbm>> -> memref<196x1x1x1x64xf32, #tpu.memory_space<hbm>>
      %dma_start3A_626 = tpu.memref_squeeze %dma_start3A_625 : memref<196x1x1x1x64xf32, #tpu.memory_space<hbm>> -> memref<196x64xf32, #tpu.memory_space<hbm>>
      %dma_start3A_627 = arith.constant 0 : i32
      %dma_start3A_628 = arith.constant 0 : i32
      %dma_start3A_629 = tpu.memref_slice %arg22[%dma_start3A_627, %dma_start3A_628] : memref<208x64xf32, #tpu.memory_space<vmem>> -> memref<196x64xf32, #tpu.memory_space<vmem>>
      tpu.enqueue_dma source(%dma_start3A_629 : memref<196x64xf32, #tpu.memory_space<vmem>>) target(%dma_start3A_626 : memref<196x64xf32, #tpu.memory_space<hbm>>) target_semaphore(%arg24 : memref<!tpu.dma_semaphore, #tpu.memory_space<semaphore_mem>>)
    }
    %while3A_270 = arith.constant 1 : i32
    scf.for %while3A_304 = %while3A_268 to %while3A_264 step %while3A_270  : i32 {
      %mul3A_305 = arith.muli %while3A_304, %while3A : i32
      %add3A_306 = arith.addi %while3A_261, %mul3A_305 : i32
      %and3A = arith.constant 1 : i32
      %and3A_307 = arith.andi %add3A_306, %and3A : i32
      %mul3A_308 = arith.constant 43264 : i32
      %mul3A_309 = arith.muli %and3A_307, %mul3A_308 : i32
      %mul3A_310 = arith.constant 4 : i32
      %mul3A_311 = arith.muli %mul3A_310, %add3A_306 : i32
      %get3A_312 = arith.index_cast %mul3A_311 : i32 to index
      %get3A_313 = tpu.vector_load %arg8[%get3A_312] {strides = array<i32>} : memref<144xf32, #tpu.memory_space<vmem>>, vector<16xf32>,
      %slice3A_314 = vector.extract_strided_slice %get3A_313 {offsets = [0], sizes = [1], strides = [1]} : vector<16xf32> to vector<1xf32>
      %squeeze3A_315 = vector.extract %slice3A_314[0] : f32 from vector<1xf32>
      %slice3A_316 = vector.extract_strided_slice %get3A_313 {offsets = [1], sizes = [1], strides = [1]} : vector<16xf32> to vector<1xf32>
      %squeeze3A_317 = vector.extract %slice3A_316[0] : f32 from vector<1xf32>
      %slice3A_318 = vector.extract_strided_slice %get3A_313 {offsets = [2], sizes = [1], strides = [1]} : vector<16xf32> to vector<1xf32>
      %squeeze3A_319 = vector.extract %slice3A_318[0] : f32 from vector<1xf32>
      %slice3A_320 = vector.extract_strided_slice %get3A_313 {offsets = [3], sizes = [1], strides = [1]} : vector<16xf32> to vector<1xf32>
      %squeeze3A_321 = vector.extract %slice3A_320[0] : f32 from vector<1xf32>
      %get3A_322 = arith.index_cast %add3A_306 : i32 to index
      %get3A_323 = tpu.vector_load %arg9[%get3A_322] {strides = array<i32>} : memref<48xi32, #tpu.memory_space<vmem>>, vector<16xi32>,
      %slice3A_324 = vector.extract_strided_slice %get3A_323 {offsets = [0], sizes = [1], strides = [1]} : vector<16xi32> to vector<1xi32>
      %squeeze3A_325 = vector.extract %slice3A_324[0] : i32 from vector<1xi32>
      %sub3A_326 = arith.subf %squeeze3A_319, %squeeze3A_315 : f32
      %mul3A_327 = arith.constant 0.0714285746 : f32
      %mul3A_328 = arith.mulf %sub3A_326, %mul3A_327 : f32
      %sub3A_329 = arith.subf %squeeze3A_321, %squeeze3A_317 : f32
      %mul3A_330 = arith.constant 0.0714285746 : f32
      %mul3A_331 = arith.mulf %sub3A_329, %mul3A_330 : f32
      %mul3A_332 = arith.constant 5.000000e-01 : f32
      %mul3A_333 = arith.mulf %mul3A_328, %mul3A_332 : f32
      %add3A_334 = arith.addf %squeeze3A_315, %mul3A_333 : f32
      %sub3A_335 = arith.constant 5.000000e-01 : f32
      %sub3A_336 = arith.subf %add3A_334, %sub3A_335 : f32
      %mul3A_337 = arith.constant 0.0158730168 : f32
      %mul3A_338 = arith.mulf %sub3A_336, %mul3A_337 : f32
      %mul3A_339 = arith.constant 5.000000e-01 : f32
      %mul3A_340 = arith.mulf %mul3A_331, %mul3A_339 : f32
      %add3A_341 = arith.addf %squeeze3A_317, %mul3A_340 : f32
      %sub3A_342 = arith.constant 5.000000e-01 : f32
      %sub3A_343 = arith.subf %add3A_341, %sub3A_342 : f32
      %mul3A_344 = arith.constant 0.0158730168 : f32
      %mul3A_345 = arith.mulf %sub3A_343, %mul3A_344 : f32
      %mul3A_346 = arith.constant 1.300000e+01 : f32
      %mul3A_347 = arith.mulf %mul3A_328, %mul3A_346 : f32
      %mul3A_348 = arith.constant 0.0158730168 : f32
      %mul3A_349 = arith.mulf %mul3A_347, %mul3A_348 : f32
      %mul3A_350 = arith.constant 1.300000e+01 : f32
      %mul3A_351 = arith.mulf %mul3A_331, %mul3A_350 : f32
      %mul3A_352 = arith.constant 0.0158730168 : f32
      %mul3A_353 = arith.mulf %mul3A_351, %mul3A_352 : f32
      %mul3A_354 = arith.constant 6.300000e+01 : f32
      %mul3A_355 = arith.mulf %mul3A_338, %mul3A_354 : f32
      %mul3A_356 = arith.constant 6.300000e+01 : f32
      %mul3A_357 = arith.mulf %mul3A_349, %mul3A_356 : f32
      %mul3A_358 = arith.constant 0.0769230798 : f32
      %mul3A_359 = arith.mulf %mul3A_357, %mul3A_358 : f32
      %mul3A_360 = arith.constant 6.300000e+01 : f32
      %mul3A_361 = arith.mulf %mul3A_345, %mul3A_360 : f32
      %mul3A_362 = arith.constant 6.300000e+01 : f32
      %mul3A_363 = arith.mulf %mul3A_353, %mul3A_362 : f32
      %mul3A_364 = arith.constant 0.0769230798 : f32
      %mul3A_365 = arith.mulf %mul3A_363, %mul3A_364 : f32
      %convert_element_type3A_366 = arith.fptosi %mul3A_355 : f32 to i32
      %convert_element_type3A_367 = arith.sitofp %convert_element_type3A_366 : i32 to f32
      %gt3A_368 = arith.cmpf ogt, %convert_element_type3A_367, %mul3A_355 : f32
      %jit3A_369 = arith.constant 1.000000e+00 : f32
      %jit3A_370 = arith.constant 0.000000e+00 : f32
      %select_n3A_371 = arith.select %gt3A_368, %jit3A_369, %jit3A_370 : f32
      %sub3A_372 = arith.subf %convert_element_type3A_367, %select_n3A_371 : f32
      %convert_element_type3A_373 = arith.fptosi %sub3A_372 : f32 to i32
      %jit3A_374 = arith.constant 0 : i32
      %jit3A_375 = arith.constant 51 : i32
      %max3A_376 = arith.maxsi %jit3A_374, %convert_element_type3A_373 : i32
      %min3A_377 = arith.minsi %jit3A_375, %max3A_376 : i32
      %convert_element_type3A_378 = arith.fptosi %mul3A_361 : f32 to i32
      %convert_element_type3A_379 = arith.sitofp %convert_element_type3A_378 : i32 to f32
      %gt3A_380 = arith.cmpf ogt, %convert_element_type3A_379, %mul3A_361 : f32
      %jit3A_381 = arith.constant 1.000000e+00 : f32
      %jit3A_382 = arith.constant 0.000000e+00 : f32
      %select_n3A_383 = arith.select %gt3A_380, %jit3A_381, %jit3A_382 : f32
      %sub3A_384 = arith.subf %convert_element_type3A_379, %select_n3A_383 : f32
      %convert_element_type3A_385 = arith.fptosi %sub3A_384 : f32 to i32
      %jit3A_386 = arith.constant 0 : i32
      %jit3A_387 = arith.constant 51 : i32
      %max3A_388 = arith.maxsi %jit3A_386, %convert_element_type3A_385 : i32
      %min3A_389 = arith.minsi %jit3A_387, %max3A_388 : i32
      %dma_wait3A_390 = arith.constant 0 : i32
      %dma_wait3A_391 = tpu.memref_slice %arg20[%dma_wait3A_390] : memref<86528xf32, #tpu.memory_space<vmem>> -> memref<3328xf32, #tpu.memory_space<vmem>>
      %dma_wait3A_392 = arith.constant 0 : i32
      %dma_wait3A_393 = tpu.memref_slice %arg2[%dma_wait3A_392] : memref<4194304xf32, #tpu.memory_space<hbm>> -> memref<3328xf32, #tpu.memory_space<hbm>>
      %dma_wait3A_394 = arith.constant 0 : i32
      %dma_wait3A_395 = tpu.memref_slice %arg20[%dma_wait3A_394] : memref<86528xf32, #tpu.memory_space<vmem>> -> memref<3328xf32, #tpu.memory_space<vmem>>
      %dma_wait3A_396 = arith.constant 0 : i32
      %dma_wait3A_397 = tpu.memref_slice %arg2[%dma_wait3A_396] : memref<4194304xf32, #tpu.memory_space<hbm>> -> memref<3328xf32, #tpu.memory_space<hbm>>
      tpu.wait_dma2 semaphore(%arg23 : memref<!tpu.dma_semaphore, #tpu.memory_space<semaphore_mem>>) src(%dma_wait3A_397 : memref<3328xf32, #tpu.memory_space<hbm>>) dst(%dma_wait3A_395 : memref<3328xf32, #tpu.memory_space<vmem>>)
      %dma_wait3A_398 = arith.constant 0 : i32
      %dma_wait3A_399 = tpu.memref_slice %arg20[%dma_wait3A_398] : memref<86528xf32, #tpu.memory_space<vmem>> -> memref<3328xf32, #tpu.memory_space<vmem>>
      %dma_wait3A_400 = arith.constant 0 : i32
      %dma_wait3A_401 = tpu.memref_slice %arg2[%dma_wait3A_400] : memref<4194304xf32, #tpu.memory_space<hbm>> -> memref<3328xf32, #tpu.memory_space<hbm>>
      %dma_wait3A_402 = arith.constant 0 : i32
      %dma_wait3A_403 = tpu.memref_slice %arg20[%dma_wait3A_402] : memref<86528xf32, #tpu.memory_space<vmem>> -> memref<3328xf32, #tpu.memory_space<vmem>>
      %dma_wait3A_404 = arith.constant 0 : i32
      %dma_wait3A_405 = tpu.memref_slice %arg2[%dma_wait3A_404] : memref<4194304xf32, #tpu.memory_space<hbm>> -> memref<3328xf32, #tpu.memory_space<hbm>>
      tpu.wait_dma2 semaphore(%arg23 : memref<!tpu.dma_semaphore, #tpu.memory_space<semaphore_mem>>) src(%dma_wait3A_405 : memref<3328xf32, #tpu.memory_space<hbm>>) dst(%dma_wait3A_403 : memref<3328xf32, #tpu.memory_space<vmem>>)
      %dma_wait3A_406 = arith.constant 0 : i32
      %dma_wait3A_407 = tpu.memref_slice %arg20[%dma_wait3A_406] : memref<86528xf32, #tpu.memory_space<vmem>> -> memref<3328xf32, #tpu.memory_space<vmem>>
      %dma_wait3A_408 = arith.constant 0 : i32
      %dma_wait3A_409 = tpu.memref_slice %arg2[%dma_wait3A_408] : memref<4194304xf32, #tpu.memory_space<hbm>> -> memref<3328xf32, #tpu.memory_space<hbm>>
      %dma_wait3A_410 = arith.constant 0 : i32
      %dma_wait3A_411 = tpu.memref_slice %arg20[%dma_wait3A_410] : memref<86528xf32, #tpu.memory_space<vmem>> -> memref<3328xf32, #tpu.memory_space<vmem>>
      %dma_wait3A_412 = arith.constant 0 : i32
      %dma_wait3A_413 = tpu.memref_slice %arg2[%dma_wait3A_412] : memref<4194304xf32, #tpu.memory_space<hbm>> -> memref<3328xf32, #tpu.memory_space<hbm>>
      tpu.wait_dma2 semaphore(%arg23 : memref<!tpu.dma_semaphore, #tpu.memory_space<semaphore_mem>>) src(%dma_wait3A_413 : memref<3328xf32, #tpu.memory_space<hbm>>) dst(%dma_wait3A_411 : memref<3328xf32, #tpu.memory_space<vmem>>)
      %dma_wait3A_414 = arith.constant 0 : i32
      %dma_wait3A_415 = tpu.memref_slice %arg20[%dma_wait3A_414] : memref<86528xf32, #tpu.memory_space<vmem>> -> memref<3328xf32, #tpu.memory_space<vmem>>
      %dma_wait3A_416 = arith.constant 0 : i32
      %dma_wait3A_417 = tpu.memref_slice %arg2[%dma_wait3A_416] : memref<4194304xf32, #tpu.memory_space<hbm>> -> memref<3328xf32, #tpu.memory_space<hbm>>
      %dma_wait3A_418 = arith.constant 0 : i32
      %dma_wait3A_419 = tpu.memref_slice %arg20[%dma_wait3A_418] : memref<86528xf32, #tpu.memory_space<vmem>> -> memref<3328xf32, #tpu.memory_space<vmem>>
      %dma_wait3A_420 = arith.constant 0 : i32
      %dma_wait3A_421 = tpu.memref_slice %arg2[%dma_wait3A_420] : memref<4194304xf32, #tpu.memory_space<hbm>> -> memref<3328xf32, #tpu.memory_space<hbm>>
      tpu.wait_dma2 semaphore(%arg23 : memref<!tpu.dma_semaphore, #tpu.memory_space<semaphore_mem>>) src(%dma_wait3A_421 : memref<3328xf32, #tpu.memory_space<hbm>>) dst(%dma_wait3A_419 : memref<3328xf32, #tpu.memory_space<vmem>>)
      %dma_wait3A_422 = arith.constant 0 : i32
      %dma_wait3A_423 = tpu.memref_slice %arg20[%dma_wait3A_422] : memref<86528xf32, #tpu.memory_space<vmem>> -> memref<3328xf32, #tpu.memory_space<vmem>>
      %dma_wait3A_424 = arith.constant 0 : i32
      %dma_wait3A_425 = tpu.memref_slice %arg2[%dma_wait3A_424] : memref<4194304xf32, #tpu.memory_space<hbm>> -> memref<3328xf32, #tpu.memory_space<hbm>>
      %dma_wait3A_426 = arith.constant 0 : i32
      %dma_wait3A_427 = tpu.memref_slice %arg20[%dma_wait3A_426] : memref<86528xf32, #tpu.memory_space<vmem>> -> memref<3328xf32, #tpu.memory_space<vmem>>
      %dma_wait3A_428 = arith.constant 0 : i32
      %dma_wait3A_429 = tpu.memref_slice %arg2[%dma_wait3A_428] : memref<4194304xf32, #tpu.memory_space<hbm>> -> memref<3328xf32, #tpu.memory_space<hbm>>
      tpu.wait_dma2 semaphore(%arg23 : memref<!tpu.dma_semaphore, #tpu.memory_space<semaphore_mem>>) src(%dma_wait3A_429 : memref<3328xf32, #tpu.memory_space<hbm>>) dst(%dma_wait3A_427 : memref<3328xf32, #tpu.memory_space<vmem>>)
      %dma_wait3A_430 = arith.constant 0 : i32
      %dma_wait3A_431 = tpu.memref_slice %arg20[%dma_wait3A_430] : memref<86528xf32, #tpu.memory_space<vmem>> -> memref<3328xf32, #tpu.memory_space<vmem>>
      %dma_wait3A_432 = arith.constant 0 : i32
      %dma_wait3A_433 = tpu.memref_slice %arg2[%dma_wait3A_432] : memref<4194304xf32, #tpu.memory_space<hbm>> -> memref<3328xf32, #tpu.memory_space<hbm>>
      %dma_wait3A_434 = arith.constant 0 : i32
      %dma_wait3A_435 = tpu.memref_slice %arg20[%dma_wait3A_434] : memref<86528xf32, #tpu.memory_space<vmem>> -> memref<3328xf32, #tpu.memory_space<vmem>>
      %dma_wait3A_436 = arith.constant 0 : i32
      %dma_wait3A_437 = tpu.memref_slice %arg2[%dma_wait3A_436] : memref<4194304xf32, #tpu.memory_space<hbm>> -> memref<3328xf32, #tpu.memory_space<hbm>>
      tpu.wait_dma2 semaphore(%arg23 : memref<!tpu.dma_semaphore, #tpu.memory_space<semaphore_mem>>) src(%dma_wait3A_437 : memref<3328xf32, #tpu.memory_space<hbm>>) dst(%dma_wait3A_435 : memref<3328xf32, #tpu.memory_space<vmem>>)
      %dma_wait3A_438 = arith.constant 0 : i32
      %dma_wait3A_439 = tpu.memref_slice %arg20[%dma_wait3A_438] : memref<86528xf32, #tpu.memory_space<vmem>> -> memref<3328xf32, #tpu.memory_space<vmem>>
      %dma_wait3A_440 = arith.constant 0 : i32
      %dma_wait3A_441 = tpu.memref_slice %arg2[%dma_wait3A_440] : memref<4194304xf32, #tpu.memory_space<hbm>> -> memref<3328xf32, #tpu.memory_space<hbm>>
      %dma_wait3A_442 = arith.constant 0 : i32
      %dma_wait3A_443 = tpu.memref_slice %arg20[%dma_wait3A_442] : memref<86528xf32, #tpu.memory_space<vmem>> -> memref<3328xf32, #tpu.memory_space<vmem>>
      %dma_wait3A_444 = arith.constant 0 : i32
      %dma_wait3A_445 = tpu.memref_slice %arg2[%dma_wait3A_444] : memref<4194304xf32, #tpu.memory_space<hbm>> -> memref<3328xf32, #tpu.memory_space<hbm>>
      tpu.wait_dma2 semaphore(%arg23 : memref<!tpu.dma_semaphore, #tpu.memory_space<semaphore_mem>>) src(%dma_wait3A_445 : memref<3328xf32, #tpu.memory_space<hbm>>) dst(%dma_wait3A_443 : memref<3328xf32, #tpu.memory_space<vmem>>)
      %dma_wait3A_446 = arith.constant 0 : i32
      %dma_wait3A_447 = tpu.memref_slice %arg20[%dma_wait3A_446] : memref<86528xf32, #tpu.memory_space<vmem>> -> memref<3328xf32, #tpu.memory_space<vmem>>
      %dma_wait3A_448 = arith.constant 0 : i32
      %dma_wait3A_449 = tpu.memref_slice %arg2[%dma_wait3A_448] : memref<4194304xf32, #tpu.memory_space<hbm>> -> memref<3328xf32, #tpu.memory_space<hbm>>
      %dma_wait3A_450 = arith.constant 0 : i32
      %dma_wait3A_451 = tpu.memref_slice %arg20[%dma_wait3A_450] : memref<86528xf32, #tpu.memory_space<vmem>> -> memref<3328xf32, #tpu.memory_space<vmem>>
      %dma_wait3A_452 = arith.constant 0 : i32
      %dma_wait3A_453 = tpu.memref_slice %arg2[%dma_wait3A_452] : memref<4194304xf32, #tpu.memory_space<hbm>> -> memref<3328xf32, #tpu.memory_space<hbm>>
      tpu.wait_dma2 semaphore(%arg23 : memref<!tpu.dma_semaphore, #tpu.memory_space<semaphore_mem>>) src(%dma_wait3A_453 : memref<3328xf32, #tpu.memory_space<hbm>>) dst(%dma_wait3A_451 : memref<3328xf32, #tpu.memory_space<vmem>>)
      %dma_wait3A_454 = arith.constant 0 : i32
      %dma_wait3A_455 = tpu.memref_slice %arg20[%dma_wait3A_454] : memref<86528xf32, #tpu.memory_space<vmem>> -> memref<3328xf32, #tpu.memory_space<vmem>>
      %dma_wait3A_456 = arith.constant 0 : i32
      %dma_wait3A_457 = tpu.memref_slice %arg2[%dma_wait3A_456] : memref<4194304xf32, #tpu.memory_space<hbm>> -> memref<3328xf32, #tpu.memory_space<hbm>>
      %dma_wait3A_458 = arith.constant 0 : i32
      %dma_wait3A_459 = tpu.memref_slice %arg20[%dma_wait3A_458] : memref<86528xf32, #tpu.memory_space<vmem>> -> memref<3328xf32, #tpu.memory_space<vmem>>
      %dma_wait3A_460 = arith.constant 0 : i32
      %dma_wait3A_461 = tpu.memref_slice %arg2[%dma_wait3A_460] : memref<4194304xf32, #tpu.memory_space<hbm>> -> memref<3328xf32, #tpu.memory_space<hbm>>
      tpu.wait_dma2 semaphore(%arg23 : memref<!tpu.dma_semaphore, #tpu.memory_space<semaphore_mem>>) src(%dma_wait3A_461 : memref<3328xf32, #tpu.memory_space<hbm>>) dst(%dma_wait3A_459 : memref<3328xf32, #tpu.memory_space<vmem>>)
      %dma_wait3A_462 = arith.constant 0 : i32
      %dma_wait3A_463 = tpu.memref_slice %arg20[%dma_wait3A_462] : memref<86528xf32, #tpu.memory_space<vmem>> -> memref<3328xf32, #tpu.memory_space<vmem>>
      %dma_wait3A_464 = arith.constant 0 : i32
      %dma_wait3A_465 = tpu.memref_slice %arg2[%dma_wait3A_464] : memref<4194304xf32, #tpu.memory_space<hbm>> -> memref<3328xf32, #tpu.memory_space<hbm>>
      %dma_wait3A_466 = arith.constant 0 : i32
      %dma_wait3A_467 = tpu.memref_slice %arg20[%dma_wait3A_466] : memref<86528xf32, #tpu.memory_space<vmem>> -> memref<3328xf32, #tpu.memory_space<vmem>>
      %dma_wait3A_468 = arith.constant 0 : i32
      %dma_wait3A_469 = tpu.memref_slice %arg2[%dma_wait3A_468] : memref<4194304xf32, #tpu.memory_space<hbm>> -> memref<3328xf32, #tpu.memory_space<hbm>>
      tpu.wait_dma2 semaphore(%arg23 : memref<!tpu.dma_semaphore, #tpu.memory_space<semaphore_mem>>) src(%dma_wait3A_469 : memref<3328xf32, #tpu.memory_space<hbm>>) dst(%dma_wait3A_467 : memref<3328xf32, #tpu.memory_space<vmem>>)
      %dma_wait3A_470 = arith.constant 0 : i32
      %dma_wait3A_471 = tpu.memref_slice %arg20[%dma_wait3A_470] : memref<86528xf32, #tpu.memory_space<vmem>> -> memref<3328xf32, #tpu.memory_space<vmem>>
      %dma_wait3A_472 = arith.constant 0 : i32
      %dma_wait3A_473 = tpu.memref_slice %arg2[%dma_wait3A_472] : memref<4194304xf32, #tpu.memory_space<hbm>> -> memref<3328xf32, #tpu.memory_space<hbm>>
      %dma_wait3A_474 = arith.constant 0 : i32
      %dma_wait3A_475 = tpu.memref_slice %arg20[%dma_wait3A_474] : memref<86528xf32, #tpu.memory_space<vmem>> -> memref<3328xf32, #tpu.memory_space<vmem>>
      %dma_wait3A_476 = arith.constant 0 : i32
      %dma_wait3A_477 = tpu.memref_slice %arg2[%dma_wait3A_476] : memref<4194304xf32, #tpu.memory_space<hbm>> -> memref<3328xf32, #tpu.memory_space<hbm>>
      tpu.wait_dma2 semaphore(%arg23 : memref<!tpu.dma_semaphore, #tpu.memory_space<semaphore_mem>>) src(%dma_wait3A_477 : memref<3328xf32, #tpu.memory_space<hbm>>) dst(%dma_wait3A_475 : memref<3328xf32, #tpu.memory_space<vmem>>)
      %dma_wait3A_478 = arith.constant 0 : i32
      %dma_wait3A_479 = tpu.memref_slice %arg20[%dma_wait3A_478] : memref<86528xf32, #tpu.memory_space<vmem>> -> memref<3328xf32, #tpu.memory_space<vmem>>
      %dma_wait3A_480 = arith.constant 0 : i32
      %dma_wait3A_481 = tpu.memref_slice %arg2[%dma_wait3A_480] : memref<4194304xf32, #tpu.memory_space<hbm>> -> memref<3328xf32, #tpu.memory_space<hbm>>
      %dma_wait3A_482 = arith.constant 0 : i32
      %dma_wait3A_483 = tpu.memref_slice %arg20[%dma_wait3A_482] : memref<86528xf32, #tpu.memory_space<vmem>> -> memref<3328xf32, #tpu.memory_space<vmem>>
      %dma_wait3A_484 = arith.constant 0 : i32
      %dma_wait3A_485 = tpu.memref_slice %arg2[%dma_wait3A_484] : memref<4194304xf32, #tpu.memory_space<hbm>> -> memref<3328xf32, #tpu.memory_space<hbm>>
      tpu.wait_dma2 semaphore(%arg23 : memref<!tpu.dma_semaphore, #tpu.memory_space<semaphore_mem>>) src(%dma_wait3A_485 : memref<3328xf32, #tpu.memory_space<hbm>>) dst(%dma_wait3A_483 : memref<3328xf32, #tpu.memory_space<vmem>>)
      %dma_wait3A_486 = arith.constant 0 : i32
      %dma_wait3A_487 = tpu.memref_slice %arg20[%dma_wait3A_486] : memref<86528xf32, #tpu.memory_space<vmem>> -> memref<3328xf32, #tpu.memory_space<vmem>>
      %dma_wait3A_488 = arith.constant 0 : i32
      %dma_wait3A_489 = tpu.memref_slice %arg2[%dma_wait3A_488] : memref<4194304xf32, #tpu.memory_space<hbm>> -> memref<3328xf32, #tpu.memory_space<hbm>>
      %dma_wait3A_490 = arith.constant 0 : i32
      %dma_wait3A_491 = tpu.memref_slice %arg20[%dma_wait3A_490] : memref<86528xf32, #tpu.memory_space<vmem>> -> memref<3328xf32, #tpu.memory_space<vmem>>
      %dma_wait3A_492 = arith.constant 0 : i32
      %dma_wait3A_493 = tpu.memref_slice %arg2[%dma_wait3A_492] : memref<4194304xf32, #tpu.memory_space<hbm>> -> memref<3328xf32, #tpu.memory_space<hbm>>
      tpu.wait_dma2 semaphore(%arg23 : memref<!tpu.dma_semaphore, #tpu.memory_space<semaphore_mem>>) src(%dma_wait3A_493 : memref<3328xf32, #tpu.memory_space<hbm>>) dst(%dma_wait3A_491 : memref<3328xf32, #tpu.memory_space<vmem>>)
      %add3A_494 = arith.constant 1 : i32
      %add3A_495 = arith.addi %add3A_306, %add3A_494 : i32
      %lt3A = arith.cmpi slt, %add3A_495, %min3A_4 : i32
      %convert_element_type3A_496 = arith.extui %lt3A : i1 to i32
      %cond3A = arith.constant 0 : i32
      %cond3A_497 = arith.cmpi ne, %convert_element_type3A_496, %cond3A : i32
      scf.if %cond3A_497 {
        %add3A_630 = arith.constant 1 : i32
        %add3A_631 = arith.addi %add3A_306, %add3A_630 : i32
        %add3A_632 = arith.constant 1 : i32
        %add3A_633 = arith.addi %add3A_306, %add3A_632 : i32
        %and3A_634 = arith.constant 1 : i32
        %and3A_635 = arith.andi %add3A_633, %and3A_634 : i32
        %mul3A_636 = arith.constant 4 : i32
        %mul3A_637 = arith.muli %mul3A_636, %add3A_631 : i32
        %get3A_638 = arith.index_cast %mul3A_637 : i32 to index
        %get3A_639 = tpu.vector_load %arg8[%get3A_638] {strides = array<i32>} : memref<144xf32, #tpu.memory_space<vmem>>, vector<16xf32>,
        %slice3A_640 = vector.extract_strided_slice %get3A_639 {offsets = [0], sizes = [1], strides = [1]} : vector<16xf32> to vector<1xf32>
        %squeeze3A_641 = vector.extract %slice3A_640[0] : f32 from vector<1xf32>
        %slice3A_642 = vector.extract_strided_slice %get3A_639 {offsets = [1], sizes = [1], strides = [1]} : vector<16xf32> to vector<1xf32>
        %squeeze3A_643 = vector.extract %slice3A_642[0] : f32 from vector<1xf32>
        %slice3A_644 = vector.extract_strided_slice %get3A_639 {offsets = [2], sizes = [1], strides = [1]} : vector<16xf32> to vector<1xf32>
        %squeeze3A_645 = vector.extract %slice3A_644[0] : f32 from vector<1xf32>
        %slice3A_646 = vector.extract_strided_slice %get3A_639 {offsets = [3], sizes = [1], strides = [1]} : vector<16xf32> to vector<1xf32>
        %squeeze3A_647 = vector.extract %slice3A_646[0] : f32 from vector<1xf32>
        %get3A_648 = arith.index_cast %add3A_631 : i32 to index
        %get3A_649 = tpu.vector_load %arg9[%get3A_648] {strides = array<i32>} : memref<48xi32, #tpu.memory_space<vmem>>, vector<16xi32>,
        %slice3A_650 = vector.extract_strided_slice %get3A_649 {offsets = [0], sizes = [1], strides = [1]} : vector<16xi32> to vector<1xi32>
        %squeeze3A_651 = vector.extract %slice3A_650[0] : i32 from vector<1xi32>
        %sub3A_652 = arith.subf %squeeze3A_645, %squeeze3A_641 : f32
        %mul3A_653 = arith.constant 0.0714285746 : f32
        %mul3A_654 = arith.mulf %sub3A_652, %mul3A_653 : f32
        %sub3A_655 = arith.subf %squeeze3A_647, %squeeze3A_643 : f32
        %mul3A_656 = arith.constant 0.0714285746 : f32
        %mul3A_657 = arith.mulf %sub3A_655, %mul3A_656 : f32
        %mul3A_658 = arith.constant 5.000000e-01 : f32
        %mul3A_659 = arith.mulf %mul3A_654, %mul3A_658 : f32
        %add3A_660 = arith.addf %squeeze3A_641, %mul3A_659 : f32
        %sub3A_661 = arith.constant 5.000000e-01 : f32
        %sub3A_662 = arith.subf %add3A_660, %sub3A_661 : f32
        %mul3A_663 = arith.constant 0.0158730168 : f32
        %mul3A_664 = arith.mulf %sub3A_662, %mul3A_663 : f32
        %mul3A_665 = arith.constant 5.000000e-01 : f32
        %mul3A_666 = arith.mulf %mul3A_657, %mul3A_665 : f32
        %add3A_667 = arith.addf %squeeze3A_643, %mul3A_666 : f32
        %sub3A_668 = arith.constant 5.000000e-01 : f32
        %sub3A_669 = arith.subf %add3A_667, %sub3A_668 : f32
        %mul3A_670 = arith.constant 0.0158730168 : f32
        %mul3A_671 = arith.mulf %sub3A_669, %mul3A_670 : f32
        %mul3A_672 = arith.constant 1.300000e+01 : f32
        %mul3A_673 = arith.mulf %mul3A_654, %mul3A_672 : f32
        %mul3A_674 = arith.constant 0.0158730168 : f32
        %mul3A_675 = arith.mulf %mul3A_673, %mul3A_674 : f32
        %mul3A_676 = arith.constant 1.300000e+01 : f32
        %mul3A_677 = arith.mulf %mul3A_657, %mul3A_676 : f32
        %mul3A_678 = arith.constant 0.0158730168 : f32
        %mul3A_679 = arith.mulf %mul3A_677, %mul3A_678 : f32
        %mul3A_680 = arith.constant 6.300000e+01 : f32
        %mul3A_681 = arith.mulf %mul3A_664, %mul3A_680 : f32
        %mul3A_682 = arith.constant 6.300000e+01 : f32
        %mul3A_683 = arith.mulf %mul3A_675, %mul3A_682 : f32
        %mul3A_684 = arith.constant 0.0769230798 : f32
        %mul3A_685 = arith.mulf %mul3A_683, %mul3A_684 : f32
        %mul3A_686 = arith.constant 6.300000e+01 : f32
        %mul3A_687 = arith.mulf %mul3A_671, %mul3A_686 : f32
        %mul3A_688 = arith.constant 6.300000e+01 : f32
        %mul3A_689 = arith.mulf %mul3A_679, %mul3A_688 : f32
        %mul3A_690 = arith.constant 0.0769230798 : f32
        %mul3A_691 = arith.mulf %mul3A_689, %mul3A_690 : f32
        %convert_element_type3A_692 = arith.fptosi %mul3A_681 : f32 to i32
        %convert_element_type3A_693 = arith.sitofp %convert_element_type3A_692 : i32 to f32
        %gt3A_694 = arith.cmpf ogt, %convert_element_type3A_693, %mul3A_681 : f32
        %jit3A_695 = arith.constant 1.000000e+00 : f32
        %jit3A_696 = arith.constant 0.000000e+00 : f32
        %select_n3A_697 = arith.select %gt3A_694, %jit3A_695, %jit3A_696 : f32
        %sub3A_698 = arith.subf %convert_element_type3A_693, %select_n3A_697 : f32
        %convert_element_type3A_699 = arith.fptosi %sub3A_698 : f32 to i32
        %jit3A_700 = arith.constant 0 : i32
        %jit3A_701 = arith.constant 51 : i32
        %max3A_702 = arith.maxsi %jit3A_700, %convert_element_type3A_699 : i32
        %min3A_703 = arith.minsi %jit3A_701, %max3A_702 : i32
        %convert_element_type3A_704 = arith.fptosi %mul3A_687 : f32 to i32
        %convert_element_type3A_705 = arith.sitofp %convert_element_type3A_704 : i32 to f32
        %gt3A_706 = arith.cmpf ogt, %convert_element_type3A_705, %mul3A_687 : f32
        %jit3A_707 = arith.constant 1.000000e+00 : f32
        %jit3A_708 = arith.constant 0.000000e+00 : f32
        %select_n3A_709 = arith.select %gt3A_706, %jit3A_707, %jit3A_708 : f32
        %sub3A_710 = arith.subf %convert_element_type3A_705, %select_n3A_709 : f32
        %convert_element_type3A_711 = arith.fptosi %sub3A_710 : f32 to i32
        %jit3A_712 = arith.constant 0 : i32
        %jit3A_713 = arith.constant 51 : i32
        %max3A_714 = arith.maxsi %jit3A_712, %convert_element_type3A_711 : i32
        %min3A_715 = arith.minsi %jit3A_713, %max3A_714 : i32
        %mul3A_716 = arith.constant 64 : i32
        %mul3A_717 = arith.muli %squeeze3A_651, %mul3A_716 : i32
        %add3A_718 = arith.addi %mul3A_717, %min3A_715 : i32
        %mul3A_719 = arith.constant 64 : i32
        %mul3A_720 = arith.muli %add3A_718, %mul3A_719 : i32
        %add3A_721 = arith.addi %mul3A_720, %min3A_703 : i32
        %mul3A_722 = arith.constant 256 : i32
        %mul3A_723 = arith.muli %add3A_721, %mul3A_722 : i32
        %add3A_724 = arith.constant 0 : i32
        %add3A_725 = arith.addi %mul3A_723, %add3A_724 : i32
        %multiple_of3A_726 = tpu.assume_multiple %add3A_725, 256 : i32
        %mul3A_727 = arith.constant 43264 : i32
        %mul3A_728 = arith.muli %and3A_635, %mul3A_727 : i32
        %multiple_of3A_729 = tpu.assume_multiple %mul3A_728, 256 : i32
        %add3A_730 = arith.constant 0 : i32
        %add3A_731 = arith.addi %multiple_of3A_729, %add3A_730 : i32
        %dma_start3A_732 = tpu.memref_slice %arg20[%add3A_731] : memref<86528xf32, #tpu.memory_space<vmem>> -> memref<3328xf32, #tpu.memory_space<vmem>>
        %dma_start3A_733 = tpu.memref_slice %arg2[%multiple_of3A_726] : memref<4194304xf32, #tpu.memory_space<hbm>> -> memref<3328xf32, #tpu.memory_space<hbm>>
        %dma_start3A_734 = tpu.memref_slice %arg20[%add3A_731] : memref<86528xf32, #tpu.memory_space<vmem>> -> memref<3328xf32, #tpu.memory_space<vmem>>
        %dma_start3A_735 = tpu.memref_slice %arg2[%multiple_of3A_726] : memref<4194304xf32, #tpu.memory_space<hbm>> -> memref<3328xf32, #tpu.memory_space<hbm>>
        tpu.enqueue_dma source(%dma_start3A_735 : memref<3328xf32, #tpu.memory_space<hbm>>) target(%dma_start3A_734 : memref<3328xf32, #tpu.memory_space<vmem>>) target_semaphore(%arg23 : memref<!tpu.dma_semaphore, #tpu.memory_space<semaphore_mem>>)
        %add3A_736 = arith.constant 16384 : i32
        %add3A_737 = arith.addi %mul3A_723, %add3A_736 : i32
        %multiple_of3A_738 = tpu.assume_multiple %add3A_737, 256 : i32
        %mul3A_739 = arith.constant 43264 : i32
        %mul3A_740 = arith.muli %and3A_635, %mul3A_739 : i32
        %multiple_of3A_741 = tpu.assume_multiple %mul3A_740, 256 : i32
        %add3A_742 = arith.constant 3328 : i32
        %add3A_743 = arith.addi %multiple_of3A_741, %add3A_742 : i32
        %dma_start3A_744 = tpu.memref_slice %arg20[%add3A_743] : memref<86528xf32, #tpu.memory_space<vmem>> -> memref<3328xf32, #tpu.memory_space<vmem>>
        %dma_start3A_745 = tpu.memref_slice %arg2[%multiple_of3A_738] : memref<4194304xf32, #tpu.memory_space<hbm>> -> memref<3328xf32, #tpu.memory_space<hbm>>
        %dma_start3A_746 = tpu.memref_slice %arg20[%add3A_743] : memref<86528xf32, #tpu.memory_space<vmem>> -> memref<3328xf32, #tpu.memory_space<vmem>>
        %dma_start3A_747 = tpu.memref_slice %arg2[%multiple_of3A_738] : memref<4194304xf32, #tpu.memory_space<hbm>> -> memref<3328xf32, #tpu.memory_space<hbm>>
        tpu.enqueue_dma source(%dma_start3A_747 : memref<3328xf32, #tpu.memory_space<hbm>>) target(%dma_start3A_746 : memref<3328xf32, #tpu.memory_space<vmem>>) target_semaphore(%arg23 : memref<!tpu.dma_semaphore, #tpu.memory_space<semaphore_mem>>)
        %add3A_748 = arith.constant 32768 : i32
        %add3A_749 = arith.addi %mul3A_723, %add3A_748 : i32
        %multiple_of3A_750 = tpu.assume_multiple %add3A_749, 256 : i32
        %mul3A_751 = arith.constant 43264 : i32
        %mul3A_752 = arith.muli %and3A_635, %mul3A_751 : i32
        %multiple_of3A_753 = tpu.assume_multiple %mul3A_752, 256 : i32
        %add3A_754 = arith.constant 6656 : i32
        %add3A_755 = arith.addi %multiple_of3A_753, %add3A_754 : i32
        %dma_start3A_756 = tpu.memref_slice %arg20[%add3A_755] : memref<86528xf32, #tpu.memory_space<vmem>> -> memref<3328xf32, #tpu.memory_space<vmem>>
        %dma_start3A_757 = tpu.memref_slice %arg2[%multiple_of3A_750] : memref<4194304xf32, #tpu.memory_space<hbm>> -> memref<3328xf32, #tpu.memory_space<hbm>>
        %dma_start3A_758 = tpu.memref_slice %arg20[%add3A_755] : memref<86528xf32, #tpu.memory_space<vmem>> -> memref<3328xf32, #tpu.memory_space<vmem>>
        %dma_start3A_759 = tpu.memref_slice %arg2[%multiple_of3A_750] : memref<4194304xf32, #tpu.memory_space<hbm>> -> memref<3328xf32, #tpu.memory_space<hbm>>
        tpu.enqueue_dma source(%dma_start3A_759 : memref<3328xf32, #tpu.memory_space<hbm>>) target(%dma_start3A_758 : memref<3328xf32, #tpu.memory_space<vmem>>) target_semaphore(%arg23 : memref<!tpu.dma_semaphore, #tpu.memory_space<semaphore_mem>>)
        %add3A_760 = arith.constant 49152 : i32
        %add3A_761 = arith.addi %mul3A_723, %add3A_760 : i32
        %multiple_of3A_762 = tpu.assume_multiple %add3A_761, 256 : i32
        %mul3A_763 = arith.constant 43264 : i32
        %mul3A_764 = arith.muli %and3A_635, %mul3A_763 : i32
        %multiple_of3A_765 = tpu.assume_multiple %mul3A_764, 256 : i32
        %add3A_766 = arith.constant 9984 : i32
        %add3A_767 = arith.addi %multiple_of3A_765, %add3A_766 : i32
        %dma_start3A_768 = tpu.memref_slice %arg20[%add3A_767] : memref<86528xf32, #tpu.memory_space<vmem>> -> memref<3328xf32, #tpu.memory_space<vmem>>
        %dma_start3A_769 = tpu.memref_slice %arg2[%multiple_of3A_762] : memref<4194304xf32, #tpu.memory_space<hbm>> -> memref<3328xf32, #tpu.memory_space<hbm>>
        %dma_start3A_770 = tpu.memref_slice %arg20[%add3A_767] : memref<86528xf32, #tpu.memory_space<vmem>> -> memref<3328xf32, #tpu.memory_space<vmem>>
        %dma_start3A_771 = tpu.memref_slice %arg2[%multiple_of3A_762] : memref<4194304xf32, #tpu.memory_space<hbm>> -> memref<3328xf32, #tpu.memory_space<hbm>>
        tpu.enqueue_dma source(%dma_start3A_771 : memref<3328xf32, #tpu.memory_space<hbm>>) target(%dma_start3A_770 : memref<3328xf32, #tpu.memory_space<vmem>>) target_semaphore(%arg23 : memref<!tpu.dma_semaphore, #tpu.memory_space<semaphore_mem>>)
        %add3A_772 = arith.constant 65536 : i32
        %add3A_773 = arith.addi %mul3A_723, %add3A_772 : i32
        %multiple_of3A_774 = tpu.assume_multiple %add3A_773, 256 : i32
        %mul3A_775 = arith.constant 43264 : i32
        %mul3A_776 = arith.muli %and3A_635, %mul3A_775 : i32
        %multiple_of3A_777 = tpu.assume_multiple %mul3A_776, 256 : i32
        %add3A_778 = arith.constant 13312 : i32
        %add3A_779 = arith.addi %multiple_of3A_777, %add3A_778 : i32
        %dma_start3A_780 = tpu.memref_slice %arg20[%add3A_779] : memref<86528xf32, #tpu.memory_space<vmem>> -> memref<3328xf32, #tpu.memory_space<vmem>>
        %dma_start3A_781 = tpu.memref_slice %arg2[%multiple_of3A_774] : memref<4194304xf32, #tpu.memory_space<hbm>> -> memref<3328xf32, #tpu.memory_space<hbm>>
        %dma_start3A_782 = tpu.memref_slice %arg20[%add3A_779] : memref<86528xf32, #tpu.memory_space<vmem>> -> memref<3328xf32, #tpu.memory_space<vmem>>
        %dma_start3A_783 = tpu.memref_slice %arg2[%multiple_of3A_774] : memref<4194304xf32, #tpu.memory_space<hbm>> -> memref<3328xf32, #tpu.memory_space<hbm>>
        tpu.enqueue_dma source(%dma_start3A_783 : memref<3328xf32, #tpu.memory_space<hbm>>) target(%dma_start3A_782 : memref<3328xf32, #tpu.memory_space<vmem>>) target_semaphore(%arg23 : memref<!tpu.dma_semaphore, #tpu.memory_space<semaphore_mem>>)
        %add3A_784 = arith.constant 81920 : i32
        %add3A_785 = arith.addi %mul3A_723, %add3A_784 : i32
        %multiple_of3A_786 = tpu.assume_multiple %add3A_785, 256 : i32
        %mul3A_787 = arith.constant 43264 : i32
        %mul3A_788 = arith.muli %and3A_635, %mul3A_787 : i32
        %multiple_of3A_789 = tpu.assume_multiple %mul3A_788, 256 : i32
        %add3A_790 = arith.constant 16640 : i32
        %add3A_791 = arith.addi %multiple_of3A_789, %add3A_790 : i32
        %dma_start3A_792 = tpu.memref_slice %arg20[%add3A_791] : memref<86528xf32, #tpu.memory_space<vmem>> -> memref<3328xf32, #tpu.memory_space<vmem>>
        %dma_start3A_793 = tpu.memref_slice %arg2[%multiple_of3A_786] : memref<4194304xf32, #tpu.memory_space<hbm>> -> memref<3328xf32, #tpu.memory_space<hbm>>
        %dma_start3A_794 = tpu.memref_slice %arg20[%add3A_791] : memref<86528xf32, #tpu.memory_space<vmem>> -> memref<3328xf32, #tpu.memory_space<vmem>>
        %dma_start3A_795 = tpu.memref_slice %arg2[%multiple_of3A_786] : memref<4194304xf32, #tpu.memory_space<hbm>> -> memref<3328xf32, #tpu.memory_space<hbm>>
        tpu.enqueue_dma source(%dma_start3A_795 : memref<3328xf32, #tpu.memory_space<hbm>>) target(%dma_start3A_794 : memref<3328xf32, #tpu.memory_space<vmem>>) target_semaphore(%arg23 : memref<!tpu.dma_semaphore, #tpu.memory_space<semaphore_mem>>)
        %add3A_796 = arith.constant 98304 : i32
        %add3A_797 = arith.addi %mul3A_723, %add3A_796 : i32
        %multiple_of3A_798 = tpu.assume_multiple %add3A_797, 256 : i32
        %mul3A_799 = arith.constant 43264 : i32
        %mul3A_800 = arith.muli %and3A_635, %mul3A_799 : i32
        %multiple_of3A_801 = tpu.assume_multiple %mul3A_800, 256 : i32
        %add3A_802 = arith.constant 19968 : i32
        %add3A_803 = arith.addi %multiple_of3A_801, %add3A_802 : i32
        %dma_start3A_804 = tpu.memref_slice %arg20[%add3A_803] : memref<86528xf32, #tpu.memory_space<vmem>> -> memref<3328xf32, #tpu.memory_space<vmem>>
        %dma_start3A_805 = tpu.memref_slice %arg2[%multiple_of3A_798] : memref<4194304xf32, #tpu.memory_space<hbm>> -> memref<3328xf32, #tpu.memory_space<hbm>>
        %dma_start3A_806 = tpu.memref_slice %arg20[%add3A_803] : memref<86528xf32, #tpu.memory_space<vmem>> -> memref<3328xf32, #tpu.memory_space<vmem>>
        %dma_start3A_807 = tpu.memref_slice %arg2[%multiple_of3A_798] : memref<4194304xf32, #tpu.memory_space<hbm>> -> memref<3328xf32, #tpu.memory_space<hbm>>
        tpu.enqueue_dma source(%dma_start3A_807 : memref<3328xf32, #tpu.memory_space<hbm>>) target(%dma_start3A_806 : memref<3328xf32, #tpu.memory_space<vmem>>) target_semaphore(%arg23 : memref<!tpu.dma_semaphore, #tpu.memory_space<semaphore_mem>>)
        %add3A_808 = arith.constant 114688 : i32
        %add3A_809 = arith.addi %mul3A_723, %add3A_808 : i32
        %multiple_of3A_810 = tpu.assume_multiple %add3A_809, 256 : i32
        %mul3A_811 = arith.constant 43264 : i32
        %mul3A_812 = arith.muli %and3A_635, %mul3A_811 : i32
        %multiple_of3A_813 = tpu.assume_multiple %mul3A_812, 256 : i32
        %add3A_814 = arith.constant 23296 : i32
        %add3A_815 = arith.addi %multiple_of3A_813, %add3A_814 : i32
        %dma_start3A_816 = tpu.memref_slice %arg20[%add3A_815] : memref<86528xf32, #tpu.memory_space<vmem>> -> memref<3328xf32, #tpu.memory_space<vmem>>
        %dma_start3A_817 = tpu.memref_slice %arg2[%multiple_of3A_810] : memref<4194304xf32, #tpu.memory_space<hbm>> -> memref<3328xf32, #tpu.memory_space<hbm>>
        %dma_start3A_818 = tpu.memref_slice %arg20[%add3A_815] : memref<86528xf32, #tpu.memory_space<vmem>> -> memref<3328xf32, #tpu.memory_space<vmem>>
        %dma_start3A_819 = tpu.memref_slice %arg2[%multiple_of3A_810] : memref<4194304xf32, #tpu.memory_space<hbm>> -> memref<3328xf32, #tpu.memory_space<hbm>>
        tpu.enqueue_dma source(%dma_start3A_819 : memref<3328xf32, #tpu.memory_space<hbm>>) target(%dma_start3A_818 : memref<3328xf32, #tpu.memory_space<vmem>>) target_semaphore(%arg23 : memref<!tpu.dma_semaphore, #tpu.memory_space<semaphore_mem>>)
        %add3A_820 = arith.constant 131072 : i32
        %add3A_821 = arith.addi %mul3A_723, %add3A_820 : i32
        %multiple_of3A_822 = tpu.assume_multiple %add3A_821, 256 : i32
        %mul3A_823 = arith.constant 43264 : i32
        %mul3A_824 = arith.muli %and3A_635, %mul3A_823 : i32
        %multiple_of3A_825 = tpu.assume_multiple %mul3A_824, 256 : i32
        %add3A_826 = arith.constant 26624 : i32
        %add3A_827 = arith.addi %multiple_of3A_825, %add3A_826 : i32
        %dma_start3A_828 = tpu.memref_slice %arg20[%add3A_827] : memref<86528xf32, #tpu.memory_space<vmem>> -> memref<3328xf32, #tpu.memory_space<vmem>>
        %dma_start3A_829 = tpu.memref_slice %arg2[%multiple_of3A_822] : memref<4194304xf32, #tpu.memory_space<hbm>> -> memref<3328xf32, #tpu.memory_space<hbm>>
        %dma_start3A_830 = tpu.memref_slice %arg20[%add3A_827] : memref<86528xf32, #tpu.memory_space<vmem>> -> memref<3328xf32, #tpu.memory_space<vmem>>
        %dma_start3A_831 = tpu.memref_slice %arg2[%multiple_of3A_822] : memref<4194304xf32, #tpu.memory_space<hbm>> -> memref<3328xf32, #tpu.memory_space<hbm>>
        tpu.enqueue_dma source(%dma_start3A_831 : memref<3328xf32, #tpu.memory_space<hbm>>) target(%dma_start3A_830 : memref<3328xf32, #tpu.memory_space<vmem>>) target_semaphore(%arg23 : memref<!tpu.dma_semaphore, #tpu.memory_space<semaphore_mem>>)
        %add3A_832 = arith.constant 147456 : i32
        %add3A_833 = arith.addi %mul3A_723, %add3A_832 : i32
        %multiple_of3A_834 = tpu.assume_multiple %add3A_833, 256 : i32
        %mul3A_835 = arith.constant 43264 : i32
        %mul3A_836 = arith.muli %and3A_635, %mul3A_835 : i32
        %multiple_of3A_837 = tpu.assume_multiple %mul3A_836, 256 : i32
        %add3A_838 = arith.constant 29952 : i32
        %add3A_839 = arith.addi %multiple_of3A_837, %add3A_838 : i32
        %dma_start3A_840 = tpu.memref_slice %arg20[%add3A_839] : memref<86528xf32, #tpu.memory_space<vmem>> -> memref<3328xf32, #tpu.memory_space<vmem>>
        %dma_start3A_841 = tpu.memref_slice %arg2[%multiple_of3A_834] : memref<4194304xf32, #tpu.memory_space<hbm>> -> memref<3328xf32, #tpu.memory_space<hbm>>
        %dma_start3A_842 = tpu.memref_slice %arg20[%add3A_839] : memref<86528xf32, #tpu.memory_space<vmem>> -> memref<3328xf32, #tpu.memory_space<vmem>>
        %dma_start3A_843 = tpu.memref_slice %arg2[%multiple_of3A_834] : memref<4194304xf32, #tpu.memory_space<hbm>> -> memref<3328xf32, #tpu.memory_space<hbm>>
        tpu.enqueue_dma source(%dma_start3A_843 : memref<3328xf32, #tpu.memory_space<hbm>>) target(%dma_start3A_842 : memref<3328xf32, #tpu.memory_space<vmem>>) target_semaphore(%arg23 : memref<!tpu.dma_semaphore, #tpu.memory_space<semaphore_mem>>)
        %add3A_844 = arith.constant 163840 : i32
        %add3A_845 = arith.addi %mul3A_723, %add3A_844 : i32
        %multiple_of3A_846 = tpu.assume_multiple %add3A_845, 256 : i32
        %mul3A_847 = arith.constant 43264 : i32
        %mul3A_848 = arith.muli %and3A_635, %mul3A_847 : i32
        %multiple_of3A_849 = tpu.assume_multiple %mul3A_848, 256 : i32
        %add3A_850 = arith.constant 33280 : i32
        %add3A_851 = arith.addi %multiple_of3A_849, %add3A_850 : i32
        %dma_start3A_852 = tpu.memref_slice %arg20[%add3A_851] : memref<86528xf32, #tpu.memory_space<vmem>> -> memref<3328xf32, #tpu.memory_space<vmem>>
        %dma_start3A_853 = tpu.memref_slice %arg2[%multiple_of3A_846] : memref<4194304xf32, #tpu.memory_space<hbm>> -> memref<3328xf32, #tpu.memory_space<hbm>>
        %dma_start3A_854 = tpu.memref_slice %arg20[%add3A_851] : memref<86528xf32, #tpu.memory_space<vmem>> -> memref<3328xf32, #tpu.memory_space<vmem>>
        %dma_start3A_855 = tpu.memref_slice %arg2[%multiple_of3A_846] : memref<4194304xf32, #tpu.memory_space<hbm>> -> memref<3328xf32, #tpu.memory_space<hbm>>
        tpu.enqueue_dma source(%dma_start3A_855 : memref<3328xf32, #tpu.memory_space<hbm>>) target(%dma_start3A_854 : memref<3328xf32, #tpu.memory_space<vmem>>) target_semaphore(%arg23 : memref<!tpu.dma_semaphore, #tpu.memory_space<semaphore_mem>>)
        %add3A_856 = arith.constant 180224 : i32
        %add3A_857 = arith.addi %mul3A_723, %add3A_856 : i32
        %multiple_of3A_858 = tpu.assume_multiple %add3A_857, 256 : i32
        %mul3A_859 = arith.constant 43264 : i32
        %mul3A_860 = arith.muli %and3A_635, %mul3A_859 : i32
        %multiple_of3A_861 = tpu.assume_multiple %mul3A_860, 256 : i32
        %add3A_862 = arith.constant 36608 : i32
        %add3A_863 = arith.addi %multiple_of3A_861, %add3A_862 : i32
        %dma_start3A_864 = tpu.memref_slice %arg20[%add3A_863] : memref<86528xf32, #tpu.memory_space<vmem>> -> memref<3328xf32, #tpu.memory_space<vmem>>
        %dma_start3A_865 = tpu.memref_slice %arg2[%multiple_of3A_858] : memref<4194304xf32, #tpu.memory_space<hbm>> -> memref<3328xf32, #tpu.memory_space<hbm>>
        %dma_start3A_866 = tpu.memref_slice %arg20[%add3A_863] : memref<86528xf32, #tpu.memory_space<vmem>> -> memref<3328xf32, #tpu.memory_space<vmem>>
        %dma_start3A_867 = tpu.memref_slice %arg2[%multiple_of3A_858] : memref<4194304xf32, #tpu.memory_space<hbm>> -> memref<3328xf32, #tpu.memory_space<hbm>>
        tpu.enqueue_dma source(%dma_start3A_867 : memref<3328xf32, #tpu.memory_space<hbm>>) target(%dma_start3A_866 : memref<3328xf32, #tpu.memory_space<vmem>>) target_semaphore(%arg23 : memref<!tpu.dma_semaphore, #tpu.memory_space<semaphore_mem>>)
        %add3A_868 = arith.constant 196608 : i32
        %add3A_869 = arith.addi %mul3A_723, %add3A_868 : i32
        %multiple_of3A_870 = tpu.assume_multiple %add3A_869, 256 : i32
        %mul3A_871 = arith.constant 43264 : i32
        %mul3A_872 = arith.muli %and3A_635, %mul3A_871 : i32
        %multiple_of3A_873 = tpu.assume_multiple %mul3A_872, 256 : i32
        %add3A_874 = arith.constant 39936 : i32
        %add3A_875 = arith.addi %multiple_of3A_873, %add3A_874 : i32
        %dma_start3A_876 = tpu.memref_slice %arg20[%add3A_875] : memref<86528xf32, #tpu.memory_space<vmem>> -> memref<3328xf32, #tpu.memory_space<vmem>>
        %dma_start3A_877 = tpu.memref_slice %arg2[%multiple_of3A_870] : memref<4194304xf32, #tpu.memory_space<hbm>> -> memref<3328xf32, #tpu.memory_space<hbm>>
        %dma_start3A_878 = tpu.memref_slice %arg20[%add3A_875] : memref<86528xf32, #tpu.memory_space<vmem>> -> memref<3328xf32, #tpu.memory_space<vmem>>
        %dma_start3A_879 = tpu.memref_slice %arg2[%multiple_of3A_870] : memref<4194304xf32, #tpu.memory_space<hbm>> -> memref<3328xf32, #tpu.memory_space<hbm>>
        tpu.enqueue_dma source(%dma_start3A_879 : memref<3328xf32, #tpu.memory_space<hbm>>) target(%dma_start3A_878 : memref<3328xf32, #tpu.memory_space<vmem>>) target_semaphore(%arg23 : memref<!tpu.dma_semaphore, #tpu.memory_space<semaphore_mem>>)
      } else {
      }
      %scan3A = arith.constant 0 : i32
      %scan3A_498 = arith.constant 13 : i32
      %scan3A_499 = arith.addi %scan3A, %scan3A_498 : i32
      %scan3A_500 = arith.constant 1 : i32
      scf.for %scan3A_630 = %scan3A to %scan3A_499 step %scan3A_500  : i32 {
        %mul3A_631 = arith.constant 1 : i32
        %mul3A_632 = arith.muli %scan3A_630, %mul3A_631 : i32
        %add3A_633 = arith.constant 0 : i32
        %add3A_634 = arith.addi %add3A_633, %mul3A_632 : i32
        %mul3A_635 = arith.constant 16 : i32
        %mul3A_636 = arith.muli %add3A_634, %mul3A_635 : i32
        %get3A_637 = arith.index_cast %mul3A_636 : i32 to index
        %get3A_638 = tpu.vector_load %arg10[%get3A_637] {strides = array<i32>} : memref<208xf32, #tpu.memory_space<vmem>>, vector<16xf32>,
        %mul3A_639 = arith.constant 16 : i32
        %mul3A_640 = arith.muli %add3A_634, %mul3A_639 : i32
        %get3A_641 = arith.index_cast %mul3A_640 : i32 to index
        %get3A_642 = tpu.vector_load %arg11[%get3A_641] {strides = array<i32>} : memref<208xf32, #tpu.memory_space<vmem>>, vector<16xf32>,
        %mul3A_643 = vector.broadcast %mul3A_365 : f32 to vector<16xf32>
        %mul3A_644 = arith.mulf %get3A_638, %mul3A_643 : vector<16xf32>
        %add3A_645 = vector.broadcast %mul3A_361 : f32 to vector<16xf32>
        %add3A_646 = arith.addf %add3A_645, %mul3A_644 : vector<16xf32>
        %mul3A_647 = vector.broadcast %mul3A_359 : f32 to vector<16xf32>
        %mul3A_648 = arith.mulf %get3A_642, %mul3A_647 : vector<16xf32>
        %add3A_649 = vector.broadcast %mul3A_355 : f32 to vector<16xf32>
        %add3A_650 = arith.addf %add3A_649, %mul3A_648 : vector<16xf32>
        %ge3A = arith.constant 0.000000e+00 : f32
        %ge3A_651 = vector.broadcast %ge3A : f32 to vector<16xf32>
        %ge3A_652 = arith.cmpf oge, %add3A_646, %ge3A_651 : vector<16xf32>
        %le3A = arith.constant 6.300000e+01 : f32
        %le3A_653 = vector.broadcast %le3A : f32 to vector<16xf32>
        %le3A_654 = arith.cmpf ole, %add3A_646, %le3A_653 : vector<16xf32>
        %and3A_655 = arith.andi %ge3A_652, %le3A_654 : vector<16xi1>
        %jit3A_656 = arith.constant 1.000000e+00 : f32
        %jit3A_657 = arith.constant 0.000000e+00 : f32
        %broadcast_in_dim3A = vector.broadcast %jit3A_656 : f32 to vector<16xf32>
        %broadcast_in_dim3A_658 = vector.broadcast %jit3A_657 : f32 to vector<16xf32>
        %select_n3A_659 = arith.select %and3A_655, %broadcast_in_dim3A, %broadcast_in_dim3A_658 : vector<16xi1>, vector<16xf32>
        %ge3A_660 = arith.constant 0.000000e+00 : f32
        %ge3A_661 = vector.broadcast %ge3A_660 : f32 to vector<16xf32>
        %ge3A_662 = arith.cmpf oge, %add3A_650, %ge3A_661 : vector<16xf32>
        %le3A_663 = arith.constant 6.300000e+01 : f32
        %le3A_664 = vector.broadcast %le3A_663 : f32 to vector<16xf32>
        %le3A_665 = arith.cmpf ole, %add3A_650, %le3A_664 : vector<16xf32>
        %and3A_666 = arith.andi %ge3A_662, %le3A_665 : vector<16xi1>
        %jit3A_667 = arith.constant 1.000000e+00 : f32
        %jit3A_668 = arith.constant 0.000000e+00 : f32
        %broadcast_in_dim3A_669 = vector.broadcast %jit3A_667 : f32 to vector<16xf32>
        %broadcast_in_dim3A_670 = vector.broadcast %jit3A_668 : f32 to vector<16xf32>
        %select_n3A_671 = arith.select %and3A_666, %broadcast_in_dim3A_669, %broadcast_in_dim3A_670 : vector<16xi1>, vector<16xf32>
        %convert_element_type3A_672 = arith.fptosi %add3A_646 : vector<16xf32> to vector<16xi32>
        %convert_element_type3A_673 = arith.sitofp %convert_element_type3A_672 : vector<16xi32> to vector<16xf32>
        %gt3A_674 = arith.cmpf ogt, %convert_element_type3A_673, %add3A_646 : vector<16xf32>
        %jit3A_675 = arith.constant 1.000000e+00 : f32
        %jit3A_676 = arith.constant 0.000000e+00 : f32
        %broadcast_in_dim3A_677 = vector.broadcast %jit3A_675 : f32 to vector<16xf32>
        %broadcast_in_dim3A_678 = vector.broadcast %jit3A_676 : f32 to vector<16xf32>
        %select_n3A_679 = arith.select %gt3A_674, %broadcast_in_dim3A_677, %broadcast_in_dim3A_678 : vector<16xi1>, vector<16xf32>
        %sub3A_680 = arith.subf %convert_element_type3A_673, %select_n3A_679 : vector<16xf32>
        %convert_element_type3A_681 = arith.fptosi %add3A_650 : vector<16xf32> to vector<16xi32>
        %convert_element_type3A_682 = arith.sitofp %convert_element_type3A_681 : vector<16xi32> to vector<16xf32>
        %gt3A_683 = arith.cmpf ogt, %convert_element_type3A_682, %add3A_650 : vector<16xf32>
        %jit3A_684 = arith.constant 1.000000e+00 : f32
        %jit3A_685 = arith.constant 0.000000e+00 : f32
        %broadcast_in_dim3A_686 = vector.broadcast %jit3A_684 : f32 to vector<16xf32>
        %broadcast_in_dim3A_687 = vector.broadcast %jit3A_685 : f32 to vector<16xf32>
        %select_n3A_688 = arith.select %gt3A_683, %broadcast_in_dim3A_686, %broadcast_in_dim3A_687 : vector<16xi1>, vector<16xf32>
        %sub3A_689 = arith.subf %convert_element_type3A_682, %select_n3A_688 : vector<16xf32>
        %convert_element_type3A_690 = arith.fptosi %add3A_646 : vector<16xf32> to vector<16xi32>
        %convert_element_type3A_691 = arith.sitofp %convert_element_type3A_690 : vector<16xi32> to vector<16xf32>
        %lt3A_692 = arith.cmpf olt, %convert_element_type3A_691, %add3A_646 : vector<16xf32>
        %jit3A_693 = arith.constant 1.000000e+00 : f32
        %jit3A_694 = arith.constant 0.000000e+00 : f32
        %broadcast_in_dim3A_695 = vector.broadcast %jit3A_693 : f32 to vector<16xf32>
        %broadcast_in_dim3A_696 = vector.broadcast %jit3A_694 : f32 to vector<16xf32>
        %select_n3A_697 = arith.select %lt3A_692, %broadcast_in_dim3A_695, %broadcast_in_dim3A_696 : vector<16xi1>, vector<16xf32>
        %add3A_698 = arith.addf %convert_element_type3A_691, %select_n3A_697 : vector<16xf32>
        %convert_element_type3A_699 = arith.fptosi %add3A_650 : vector<16xf32> to vector<16xi32>
        %convert_element_type3A_700 = arith.sitofp %convert_element_type3A_699 : vector<16xi32> to vector<16xf32>
        %lt3A_701 = arith.cmpf olt, %convert_element_type3A_700, %add3A_650 : vector<16xf32>
        %jit3A_702 = arith.constant 1.000000e+00 : f32
        %jit3A_703 = arith.constant 0.000000e+00 : f32
        %broadcast_in_dim3A_704 = vector.broadcast %jit3A_702 : f32 to vector<16xf32>
        %broadcast_in_dim3A_705 = vector.broadcast %jit3A_703 : f32 to vector<16xf32>
        %select_n3A_706 = arith.select %lt3A_701, %broadcast_in_dim3A_704, %broadcast_in_dim3A_705 : vector<16xi1>, vector<16xf32>
        %add3A_707 = arith.addf %convert_element_type3A_700, %select_n3A_706 : vector<16xf32>
        %sub3A_708 = arith.subf %add3A_646, %sub3A_680 : vector<16xf32>
        %sub3A_709 = arith.subf %add3A_650, %sub3A_689 : vector<16xf32>
        %jit3A_710 = arith.constant 0.000000e+00 : f32
        %jit3A_711 = arith.constant 6.300000e+01 : f32
        %max3A_712 = vector.broadcast %jit3A_710 : f32 to vector<16xf32>
        %max3A_713 = arith.maximumf %max3A_712, %sub3A_680 : vector<16xf32>
        %min3A_714 = vector.broadcast %jit3A_711 : f32 to vector<16xf32>
        %min3A_715 = arith.minimumf %min3A_714, %max3A_713 : vector<16xf32>
        %convert_element_type3A_716 = arith.fptosi %min3A_715 : vector<16xf32> to vector<16xi32>
        %sub3A_717 = vector.broadcast %min3A_389 : i32 to vector<16xi32>
        %sub3A_718 = arith.subi %convert_element_type3A_716, %sub3A_717 : vector<16xi32>
        %jit3A_719 = arith.constant 0 : i32
        %jit3A_720 = arith.constant 12 : i32
        %max3A_721 = vector.broadcast %jit3A_719 : i32 to vector<16xi32>
        %max3A_722 = arith.maxsi %max3A_721, %sub3A_718 : vector<16xi32>
        %min3A_723 = vector.broadcast %jit3A_720 : i32 to vector<16xi32>
        %min3A_724 = arith.minsi %min3A_723, %max3A_722 : vector<16xi32>
        %jit3A_725 = arith.constant 0.000000e+00 : f32
        %jit3A_726 = arith.constant 6.300000e+01 : f32
        %max3A_727 = vector.broadcast %jit3A_725 : f32 to vector<16xf32>
        %max3A_728 = arith.maximumf %max3A_727, %add3A_698 : vector<16xf32>
        %min3A_729 = vector.broadcast %jit3A_726 : f32 to vector<16xf32>
        %min3A_730 = arith.minimumf %min3A_729, %max3A_728 : vector<16xf32>
        %convert_element_type3A_731 = arith.fptosi %min3A_730 : vector<16xf32> to vector<16xi32>
        %sub3A_732 = vector.broadcast %min3A_389 : i32 to vector<16xi32>
        %sub3A_733 = arith.subi %convert_element_type3A_731, %sub3A_732 : vector<16xi32>
        %jit3A_734 = arith.constant 0 : i32
        %jit3A_735 = arith.constant 12 : i32
        %max3A_736 = vector.broadcast %jit3A_734 : i32 to vector<16xi32>
        %max3A_737 = arith.maxsi %max3A_736, %sub3A_733 : vector<16xi32>
        %min3A_738 = vector.broadcast %jit3A_735 : i32 to vector<16xi32>
        %min3A_739 = arith.minsi %min3A_738, %max3A_737 : vector<16xi32>
        %jit3A_740 = arith.constant 0.000000e+00 : f32
        %jit3A_741 = arith.constant 6.300000e+01 : f32
        %max3A_742 = vector.broadcast %jit3A_740 : f32 to vector<16xf32>
        %max3A_743 = arith.maximumf %max3A_742, %sub3A_689 : vector<16xf32>
        %min3A_744 = vector.broadcast %jit3A_741 : f32 to vector<16xf32>
        %min3A_745 = arith.minimumf %min3A_744, %max3A_743 : vector<16xf32>
        %convert_element_type3A_746 = arith.fptosi %min3A_745 : vector<16xf32> to vector<16xi32>
        %sub3A_747 = vector.broadcast %min3A_377 : i32 to vector<16xi32>
        %sub3A_748 = arith.subi %convert_element_type3A_746, %sub3A_747 : vector<16xi32>
        %jit3A_749 = arith.constant 0 : i32
        %jit3A_750 = arith.constant 12 : i32
        %max3A_751 = vector.broadcast %jit3A_749 : i32 to vector<16xi32>
        %max3A_752 = arith.maxsi %max3A_751, %sub3A_748 : vector<16xi32>
        %min3A_753 = vector.broadcast %jit3A_750 : i32 to vector<16xi32>
        %min3A_754 = arith.minsi %min3A_753, %max3A_752 : vector<16xi32>
        %jit3A_755 = arith.constant 0.000000e+00 : f32
        %jit3A_756 = arith.constant 6.300000e+01 : f32
        %max3A_757 = vector.broadcast %jit3A_755 : f32 to vector<16xf32>
        %max3A_758 = arith.maximumf %max3A_757, %add3A_707 : vector<16xf32>
        %min3A_759 = vector.broadcast %jit3A_756 : f32 to vector<16xf32>
        %min3A_760 = arith.minimumf %min3A_759, %max3A_758 : vector<16xf32>
        %convert_element_type3A_761 = arith.fptosi %min3A_760 : vector<16xf32> to vector<16xi32>
        %sub3A_762 = vector.broadcast %min3A_377 : i32 to vector<16xi32>
        %sub3A_763 = arith.subi %convert_element_type3A_761, %sub3A_762 : vector<16xi32>
        %jit3A_764 = arith.constant 0 : i32
        %jit3A_765 = arith.constant 12 : i32
        %max3A_766 = vector.broadcast %jit3A_764 : i32 to vector<16xi32>
        %max3A_767 = arith.maxsi %max3A_766, %sub3A_763 : vector<16xi32>
        %min3A_768 = vector.broadcast %jit3A_765 : i32 to vector<16xi32>
        %min3A_769 = arith.minsi %min3A_768, %max3A_767 : vector<16xi32>
        %mul3A_770 = arith.mulf %select_n3A_659, %select_n3A_671 : vector<16xf32>
        %sub3A_771 = arith.constant 1.000000e+00 : f32
        %sub3A_772 = vector.broadcast %sub3A_771 : f32 to vector<16xf32>
        %sub3A_773 = arith.subf %sub3A_772, %sub3A_708 : vector<16xf32>
        %sub3A_774 = arith.constant 1.000000e+00 : f32
        %sub3A_775 = vector.broadcast %sub3A_774 : f32 to vector<16xf32>
        %sub3A_776 = arith.subf %sub3A_775, %sub3A_709 : vector<16xf32>
        %mul3A_777 = arith.mulf %mul3A_770, %sub3A_773 : vector<16xf32>
        %mul3A_778 = arith.mulf %mul3A_777, %sub3A_776 : vector<16xf32>
        %mul3A_779 = arith.constant 16 : i32
        %mul3A_780 = arith.muli %add3A_634, %mul3A_779 : i32
        %swap3A = arith.index_cast %mul3A_780 : i32 to index
        %swap3A_781 = tpu.vector_load %arg12[%swap3A] {strides = array<i32>} : memref<208xf32, #tpu.memory_space<vmem>>, vector<16xf32>,
        tpu.vector_store %arg12[%swap3A], %mul3A_778 {strides = array<i32>} : memref<208xf32, #tpu.memory_space<vmem>>, vector<16xf32>,
        %mul3A_782 = arith.mulf %mul3A_770, %sub3A_773 : vector<16xf32>
        %mul3A_783 = arith.mulf %mul3A_782, %sub3A_709 : vector<16xf32>
        %mul3A_784 = arith.constant 16 : i32
        %mul3A_785 = arith.muli %add3A_634, %mul3A_784 : i32
        %swap3A_786 = arith.index_cast %mul3A_785 : i32 to index
        %swap3A_787 = tpu.vector_load %arg13[%swap3A_786] {strides = array<i32>} : memref<208xf32, #tpu.memory_space<vmem>>, vector<16xf32>,
        tpu.vector_store %arg13[%swap3A_786], %mul3A_783 {strides = array<i32>} : memref<208xf32, #tpu.memory_space<vmem>>, vector<16xf32>,
        %mul3A_788 = arith.mulf %mul3A_770, %sub3A_708 : vector<16xf32>
        %mul3A_789 = arith.mulf %mul3A_788, %sub3A_776 : vector<16xf32>
        %mul3A_790 = arith.constant 16 : i32
        %mul3A_791 = arith.muli %add3A_634, %mul3A_790 : i32
        %swap3A_792 = arith.index_cast %mul3A_791 : i32 to index
        %swap3A_793 = tpu.vector_load %arg14[%swap3A_792] {strides = array<i32>} : memref<208xf32, #tpu.memory_space<vmem>>, vector<16xf32>,
        tpu.vector_store %arg14[%swap3A_792], %mul3A_789 {strides = array<i32>} : memref<208xf32, #tpu.memory_space<vmem>>, vector<16xf32>,
        %mul3A_794 = arith.mulf %mul3A_770, %sub3A_708 : vector<16xf32>
        %mul3A_795 = arith.mulf %mul3A_794, %sub3A_709 : vector<16xf32>
        %mul3A_796 = arith.constant 16 : i32
        %mul3A_797 = arith.muli %add3A_634, %mul3A_796 : i32
        %swap3A_798 = arith.index_cast %mul3A_797 : i32 to index
        %swap3A_799 = tpu.vector_load %arg15[%swap3A_798] {strides = array<i32>} : memref<208xf32, #tpu.memory_space<vmem>>, vector<16xf32>,
        tpu.vector_store %arg15[%swap3A_798], %mul3A_795 {strides = array<i32>} : memref<208xf32, #tpu.memory_space<vmem>>, vector<16xf32>,
        %mul3A_800 = arith.constant 13 : i32
        %mul3A_801 = vector.broadcast %mul3A_800 : i32 to vector<16xi32>
        %mul3A_802 = arith.muli %min3A_724, %mul3A_801 : vector<16xi32>
        %add3A_803 = arith.addi %mul3A_802, %min3A_754 : vector<16xi32>
        %mul3A_804 = arith.constant 256 : i32
        %mul3A_805 = vector.broadcast %mul3A_804 : i32 to vector<16xi32>
        %mul3A_806 = arith.muli %add3A_803, %mul3A_805 : vector<16xi32>
        %mul3A_807 = arith.constant 16 : i32
        %mul3A_808 = arith.muli %add3A_634, %mul3A_807 : i32
        %swap3A_809 = arith.index_cast %mul3A_808 : i32 to index
        %swap3A_810 = tpu.vector_load %arg16[%swap3A_809] {strides = array<i32>} : memref<208xi32, #tpu.memory_space<vmem>>, vector<16xi32>,
        tpu.vector_store %arg16[%swap3A_809], %mul3A_806 {strides = array<i32>} : memref<208xi32, #tpu.memory_space<vmem>>, vector<16xi32>,
        %mul3A_811 = arith.constant 13 : i32
        %mul3A_812 = vector.broadcast %mul3A_811 : i32 to vector<16xi32>
        %mul3A_813 = arith.muli %min3A_724, %mul3A_812 : vector<16xi32>
        %add3A_814 = arith.addi %mul3A_813, %min3A_769 : vector<16xi32>
        %mul3A_815 = arith.constant 256 : i32
        %mul3A_816 = vector.broadcast %mul3A_815 : i32 to vector<16xi32>
        %mul3A_817 = arith.muli %add3A_814, %mul3A_816 : vector<16xi32>
        %mul3A_818 = arith.constant 16 : i32
        %mul3A_819 = arith.muli %add3A_634, %mul3A_818 : i32
        %swap3A_820 = arith.index_cast %mul3A_819 : i32 to index
        %swap3A_821 = tpu.vector_load %arg17[%swap3A_820] {strides = array<i32>} : memref<208xi32, #tpu.memory_space<vmem>>, vector<16xi32>,
        tpu.vector_store %arg17[%swap3A_820], %mul3A_817 {strides = array<i32>} : memref<208xi32, #tpu.memory_space<vmem>>, vector<16xi32>,
        %mul3A_822 = arith.constant 13 : i32
        %mul3A_823 = vector.broadcast %mul3A_822 : i32 to vector<16xi32>
        %mul3A_824 = arith.muli %min3A_739, %mul3A_823 : vector<16xi32>
        %add3A_825 = arith.addi %mul3A_824, %min3A_754 : vector<16xi32>
        %mul3A_826 = arith.constant 256 : i32
        %mul3A_827 = vector.broadcast %mul3A_826 : i32 to vector<16xi32>
        %mul3A_828 = arith.muli %add3A_825, %mul3A_827 : vector<16xi32>
        %mul3A_829 = arith.constant 16 : i32
        %mul3A_830 = arith.muli %add3A_634, %mul3A_829 : i32
        %swap3A_831 = arith.index_cast %mul3A_830 : i32 to index
        %swap3A_832 = tpu.vector_load %arg18[%swap3A_831] {strides = array<i32>} : memref<208xi32, #tpu.memory_space<vmem>>, vector<16xi32>,
        tpu.vector_store %arg18[%swap3A_831], %mul3A_828 {strides = array<i32>} : memref<208xi32, #tpu.memory_space<vmem>>, vector<16xi32>,
        %mul3A_833 = arith.constant 13 : i32
        %mul3A_834 = vector.broadcast %mul3A_833 : i32 to vector<16xi32>
        %mul3A_835 = arith.muli %min3A_739, %mul3A_834 : vector<16xi32>
        %add3A_836 = arith.addi %mul3A_835, %min3A_769 : vector<16xi32>
        %mul3A_837 = arith.constant 256 : i32
        %mul3A_838 = vector.broadcast %mul3A_837 : i32 to vector<16xi32>
        %mul3A_839 = arith.muli %add3A_836, %mul3A_838 : vector<16xi32>
        %mul3A_840 = arith.constant 16 : i32
        %mul3A_841 = arith.muli %add3A_634, %mul3A_840 : i32
        %swap3A_842 = arith.index_cast %mul3A_841 : i32 to index
        %swap3A_843 = tpu.vector_load %arg19[%swap3A_842] {strides = array<i32>} : memref<208xi32, #tpu.memory_space<vmem>>, vector<16xi32>,
        tpu.vector_store %arg19[%swap3A_842], %mul3A_839 {strides = array<i32>} : memref<208xi32, #tpu.memory_space<vmem>>, vector<16xi32>,
      }
      %scan3A_501 = arith.constant 13 : i32
      %add3A_502 = arith.addi %mul3A_2, %add3A_306 : i32
      %shift_right_arithmetic3A = arith.constant 3 : i32
      %shift_right_arithmetic3A_503 = arith.shrsi %add3A_502, %shift_right_arithmetic3A : i32
      %and3A_504 = arith.constant 7 : i32
      %and3A_505 = arith.andi %add3A_502, %and3A_504 : i32
      %gt3A_506 = arith.constant 0 : i32
      %gt3A_507 = arith.cmpi sgt, %add3A_306, %gt3A_506 : i32
      %convert_element_type3A_508 = arith.extui %gt3A_507 : i1 to i32
      %cond3A_509 = arith.constant 0 : i32
      %cond3A_510 = arith.cmpi ne, %convert_element_type3A_508, %cond3A_509 : i32
      scf.if %cond3A_510 {
        %dma_wait3A_630 = arith.constant 0 : i32
        %dma_wait3A_631 = arith.constant 0 : i32
        %dma_wait3A_632 = arith.constant 0 : i32
        %dma_wait3A_633 = arith.constant 0 : i32
        %dma_wait3A_634 = arith.constant 0 : i32
        %dma_wait3A_635 = tpu.memref_slice %arg21[%dma_wait3A_633, %dma_wait3A_634] : memref<208x64xf32, #tpu.memory_space<vmem>> -> memref<196x64xf32, #tpu.memory_space<vmem>>
        %dma_wait3A_636 = arith.constant 0 : i32
        %dma_wait3A_637 = arith.constant 0 : i32
        %dma_wait3A_638 = tpu.memref_slice %arg7[%dma_wait3A_636, %dma_wait3A_630, %dma_wait3A_631, %dma_wait3A_632, %dma_wait3A_637] : memref<196x125x2x8x128xf32, #tpu.memory_space<hbm>> -> memref<196x1x1x1x64xf32, #tpu.memory_space<hbm>>
        %dma_wait3A_639 = tpu.memref_squeeze %dma_wait3A_638 : memref<196x1x1x1x64xf32, #tpu.memory_space<hbm>> -> memref<196x64xf32, #tpu.memory_space<hbm>>
        %dma_wait3A_640 = arith.constant 0 : i32
        %dma_wait3A_641 = arith.constant 0 : i32
        %dma_wait3A_642 = tpu.memref_slice %arg21[%dma_wait3A_640, %dma_wait3A_641] : memref<208x64xf32, #tpu.memory_space<vmem>> -> memref<196x64xf32, #tpu.memory_space<vmem>>
        %dma_wait3A_643 = arith.constant 0 : i32
        %dma_wait3A_644 = arith.constant 0 : i32
        %dma_wait3A_645 = tpu.memref_slice %arg7[%dma_wait3A_643, %dma_wait3A_630, %dma_wait3A_631, %dma_wait3A_632, %dma_wait3A_644] : memref<196x125x2x8x128xf32, #tpu.memory_space<hbm>> -> memref<196x1x1x1x64xf32, #tpu.memory_space<hbm>>
        %dma_wait3A_646 = tpu.memref_squeeze %dma_wait3A_645 : memref<196x1x1x1x64xf32, #tpu.memory_space<hbm>> -> memref<196x64xf32, #tpu.memory_space<hbm>>
        tpu.wait_dma2 semaphore(%arg24 : memref<!tpu.dma_semaphore, #tpu.memory_space<semaphore_mem>>) src(%dma_wait3A_646 : memref<196x64xf32, #tpu.memory_space<hbm>>) dst(%dma_wait3A_642 : memref<196x64xf32, #tpu.memory_space<vmem>>)
      } else {
      }
      %scan3A_511 = arith.constant 0 : i32
      %scan3A_512 = arith.constant 13 : i32
      %scan3A_513 = arith.addi %scan3A_511, %scan3A_512 : i32
      %scan3A_514 = arith.constant 1 : i32
      scf.for %scan3A_630 = %scan3A_511 to %scan3A_513 step %scan3A_514  : i32 {
        %mul3A_631 = arith.constant 1 : i32
        %mul3A_632 = arith.muli %scan3A_630, %mul3A_631 : i32
        %add3A_633 = arith.constant 0 : i32
        %add3A_634 = arith.addi %add3A_633, %mul3A_632 : i32
        %mul3A_635 = arith.constant 16 : i32
        %mul3A_636 = arith.muli %add3A_634, %mul3A_635 : i32
        %get3A_637 = arith.index_cast %mul3A_636 : i32 to index
        %get3A_638 = tpu.vector_load %arg12[%get3A_637] {strides = array<i32>} : memref<208xf32, #tpu.memory_space<vmem>>, vector<16xf32>,
        %mul3A_639 = arith.constant 16 : i32
        %mul3A_640 = arith.muli %add3A_634, %mul3A_639 : i32
        %get3A_641 = arith.index_cast %mul3A_640 : i32 to index
        %get3A_642 = tpu.vector_load %arg13[%get3A_641] {strides = array<i32>} : memref<208xf32, #tpu.memory_space<vmem>>, vector<16xf32>,
        %mul3A_643 = arith.constant 16 : i32
        %mul3A_644 = arith.muli %add3A_634, %mul3A_643 : i32
        %get3A_645 = arith.index_cast %mul3A_644 : i32 to index
        %get3A_646 = tpu.vector_load %arg14[%get3A_645] {strides = array<i32>} : memref<208xf32, #tpu.memory_space<vmem>>, vector<16xf32>,
        %mul3A_647 = arith.constant 16 : i32
        %mul3A_648 = arith.muli %add3A_634, %mul3A_647 : i32
        %get3A_649 = arith.index_cast %mul3A_648 : i32 to index
        %get3A_650 = tpu.vector_load %arg15[%get3A_649] {strides = array<i32>} : memref<208xf32, #tpu.memory_space<vmem>>, vector<16xf32>,
        %add3A_651 = arith.constant 0 : i32
        %add3A_652 = arith.addi %mul3A_309, %add3A_651 : i32
        %mul3A_653 = arith.constant 16 : i32
        %mul3A_654 = arith.muli %add3A_634, %mul3A_653 : i32
        %get3A_655 = arith.index_cast %mul3A_654 : i32 to index
        %get3A_656 = tpu.vector_load %arg16[%get3A_655] {strides = array<i32>} : memref<208xi32, #tpu.memory_space<vmem>>, vector<16xi32>,
        %add3A_657 = vector.broadcast %add3A_652 : i32 to vector<16xi32>
        %add3A_658 = arith.addi %get3A_656, %add3A_657 : vector<16xi32>
        %mul3A_659 = arith.constant 16 : i32
        %mul3A_660 = arith.muli %add3A_634, %mul3A_659 : i32
        %get3A_661 = arith.index_cast %mul3A_660 : i32 to index
        %get3A_662 = tpu.vector_load %arg17[%get3A_661] {strides = array<i32>} : memref<208xi32, #tpu.memory_space<vmem>>, vector<16xi32>,
        %add3A_663 = vector.broadcast %add3A_652 : i32 to vector<16xi32>
        %add3A_664 = arith.addi %get3A_662, %add3A_663 : vector<16xi32>
        %mul3A_665 = arith.constant 16 : i32
        %mul3A_666 = arith.muli %add3A_634, %mul3A_665 : i32
        %get3A_667 = arith.index_cast %mul3A_666 : i32 to index
        %get3A_668 = tpu.vector_load %arg18[%get3A_667] {strides = array<i32>} : memref<208xi32, #tpu.memory_space<vmem>>, vector<16xi32>,
        %add3A_669 = vector.broadcast %add3A_652 : i32 to vector<16xi32>
        %add3A_670 = arith.addi %get3A_668, %add3A_669 : vector<16xi32>
        %mul3A_671 = arith.constant 16 : i32
        %mul3A_672 = arith.muli %add3A_634, %mul3A_671 : i32
        %get3A_673 = arith.index_cast %mul3A_672 : i32 to index
        %get3A_674 = tpu.vector_load %arg19[%get3A_673] {strides = array<i32>} : memref<208xi32, #tpu.memory_space<vmem>>, vector<16xi32>,
        %add3A_675 = vector.broadcast %add3A_652 : i32 to vector<16xi32>
        %add3A_676 = arith.addi %get3A_674, %add3A_675 : vector<16xi32>
        %mul3A_677 = arith.constant 16 : i32
        %mul3A_678 = arith.muli %add3A_634, %mul3A_677 : i32
        %add3A_679 = vector.broadcast %mul3A_678 : i32 to vector<16xi32>
        %add3A_680 = arith.addi %iota3A, %add3A_679 : vector<16xi32>
        %parallel_loop3A = arith.constant 0 : i32
        %parallel_loop3A_681 = arith.constant 64 : i32
        %parallel_loop3A_682 = arith.constant 1 : i32
        %parallel_loop3A_683:10 = scf.for %parallel_loop3A_684 = %parallel_loop3A to %parallel_loop3A_681 step %parallel_loop3A_682 iter_args(%parallel_loop3A_685 = %iota3A, %parallel_loop3A_686 = %add3A_658, %parallel_loop3A_687 = %add3A_664, %parallel_loop3A_688 = %add3A_670, %parallel_loop3A_689 = %add3A_676, %parallel_loop3A_690 = %add3A_680, %parallel_loop3A_691 = %get3A_638, %parallel_loop3A_692 = %get3A_642, %parallel_loop3A_693 = %get3A_646, %parallel_loop3A_694 = %get3A_650) -> (vector<16xi32>, vector<16xi32>, vector<16xi32>, vector<16xi32>, vector<16xi32>, vector<16xi32>, vector<16xf32>, vector<16xf32>, vector<16xf32>, vector<16xf32>)  : i32 {
          %parallel_loop3A_695 = arith.addi %parallel_loop3A_686, %parallel_loop3A_685 : vector<16xi32>
          %parallel_loop3A_696 = tpu.vector_load_idx %arg20[%parallel_loop3A_695] : memref<86528xf32, #tpu.memory_space<vmem>>[vector<16xi32>], vector<16xf32>,
          %parallel_loop3A_697 = arith.addi %parallel_loop3A_687, %parallel_loop3A_685 : vector<16xi32>
          %parallel_loop3A_698 = tpu.vector_load_idx %arg20[%parallel_loop3A_697] : memref<86528xf32, #tpu.memory_space<vmem>>[vector<16xi32>], vector<16xf32>,
          %parallel_loop3A_699 = arith.addi %parallel_loop3A_688, %parallel_loop3A_685 : vector<16xi32>
          %parallel_loop3A_700 = tpu.vector_load_idx %arg20[%parallel_loop3A_699] : memref<86528xf32, #tpu.memory_space<vmem>>[vector<16xi32>], vector<16xf32>,
          %parallel_loop3A_701 = arith.addi %parallel_loop3A_689, %parallel_loop3A_685 : vector<16xi32>
          %parallel_loop3A_702 = tpu.vector_load_idx %arg20[%parallel_loop3A_701] : memref<86528xf32, #tpu.memory_space<vmem>>[vector<16xi32>], vector<16xf32>,
          %parallel_loop3A_703 = arith.mulf %parallel_loop3A_691, %parallel_loop3A_696 : vector<16xf32>
          %parallel_loop3A_704 = arith.mulf %parallel_loop3A_692, %parallel_loop3A_698 : vector<16xf32>
          %parallel_loop3A_705 = arith.addf %parallel_loop3A_703, %parallel_loop3A_704 : vector<16xf32>
          %parallel_loop3A_706 = arith.mulf %parallel_loop3A_693, %parallel_loop3A_700 : vector<16xf32>
          %parallel_loop3A_707 = arith.addf %parallel_loop3A_705, %parallel_loop3A_706 : vector<16xf32>
          %parallel_loop3A_708 = arith.mulf %parallel_loop3A_694, %parallel_loop3A_702 : vector<16xf32>
          %parallel_loop3A_709 = arith.addf %parallel_loop3A_707, %parallel_loop3A_708 : vector<16xf32>
          tpu.vector_store_idx %arg21[%parallel_loop3A_690, %parallel_loop3A_685], %parallel_loop3A_709 : memref<208x64xf32, #tpu.memory_space<vmem>>[vector<16xi32>, vector<16xi32>], vector<16xf32>,
          %parallel_loop3A_710 = arith.constant 1 : i32
          %parallel_loop3A_711 = vector.broadcast %parallel_loop3A_710 : i32 to vector<16xi32>
          %parallel_loop3A_712 = arith.addi %parallel_loop3A_685, %parallel_loop3A_711 : vector<16xi32>
          %parallel_loop3A_713 = arith.constant 63 : i32
          %parallel_loop3A_714 = vector.broadcast %parallel_loop3A_713 : i32 to vector<16xi32>
          %parallel_loop3A_715 = arith.andi %parallel_loop3A_712, %parallel_loop3A_714 : vector<16xi32>
          scf.yield %parallel_loop3A_715, %parallel_loop3A_686, %parallel_loop3A_687, %parallel_loop3A_688, %parallel_loop3A_689, %parallel_loop3A_690, %parallel_loop3A_691, %parallel_loop3A_692, %parallel_loop3A_693, %parallel_loop3A_694 : vector<16xi32>, vector<16xi32>, vector<16xi32>, vector<16xi32>, vector<16xi32>, vector<16xi32>, vector<16xf32>, vector<16xf32>, vector<16xf32>, vector<16xf32>
        } {sc.loop_unroll_factor = 4 : i64, sc.parallel_access}
      }
      %scan3A_515 = arith.constant 13 : i32
      %dma_start3A_516 = arith.constant 0 : i32
      %dma_start3A_517 = arith.constant 0 : i32
      %dma_start3A_518 = arith.constant 0 : i32
      %dma_start3A_519 = tpu.memref_slice %arg21[%dma_start3A_517, %dma_start3A_518] : memref<208x64xf32, #tpu.memory_space<vmem>> -> memref<196x64xf32, #tpu.memory_space<vmem>>
      %dma_start3A_520 = arith.constant 0 : i32
      %dma_start3A_521 = arith.constant 0 : i32
      %dma_start3A_522 = tpu.memref_slice %arg7[%dma_start3A_520, %shift_right_arithmetic3A_503, %dma_start3A_516, %and3A_505, %dma_start3A_521] : memref<196x125x2x8x128xf32, #tpu.memory_space<hbm>> -> memref<196x1x1x1x64xf32, #tpu.memory_space<hbm>>
      %dma_start3A_523 = tpu.memref_squeeze %dma_start3A_522 : memref<196x1x1x1x64xf32, #tpu.memory_space<hbm>> -> memref<196x64xf32, #tpu.memory_space<hbm>>
      %dma_start3A_524 = arith.constant 0 : i32
      %dma_start3A_525 = arith.constant 0 : i32
      %dma_start3A_526 = tpu.memref_slice %arg7[%dma_start3A_524, %shift_right_arithmetic3A_503, %dma_start3A_516, %and3A_505, %dma_start3A_525] : memref<196x125x2x8x128xf32, #tpu.memory_space<hbm>> -> memref<196x1x1x1x64xf32, #tpu.memory_space<hbm>>
      %dma_start3A_527 = tpu.memref_squeeze %dma_start3A_526 : memref<196x1x1x1x64xf32, #tpu.memory_space<hbm>> -> memref<196x64xf32, #tpu.memory_space<hbm>>
      %dma_start3A_528 = arith.constant 0 : i32
      %dma_start3A_529 = arith.constant 0 : i32
      %dma_start3A_530 = tpu.memref_slice %arg21[%dma_start3A_528, %dma_start3A_529] : memref<208x64xf32, #tpu.memory_space<vmem>> -> memref<196x64xf32, #tpu.memory_space<vmem>>
      tpu.enqueue_dma source(%dma_start3A_530 : memref<196x64xf32, #tpu.memory_space<vmem>>) target(%dma_start3A_527 : memref<196x64xf32, #tpu.memory_space<hbm>>) target_semaphore(%arg24 : memref<!tpu.dma_semaphore, #tpu.memory_space<semaphore_mem>>)
      %gt3A_531 = arith.constant 0 : i32
      %gt3A_532 = arith.cmpi sgt, %add3A_306, %gt3A_531 : i32
      %convert_element_type3A_533 = arith.extui %gt3A_532 : i1 to i32
      %cond3A_534 = arith.constant 0 : i32
      %cond3A_535 = arith.cmpi ne, %convert_element_type3A_533, %cond3A_534 : i32
      scf.if %cond3A_535 {
        %dma_wait3A_630 = arith.constant 0 : i32
        %dma_wait3A_631 = arith.constant 0 : i32
        %dma_wait3A_632 = arith.constant 0 : i32
        %dma_wait3A_633 = arith.constant 0 : i32
        %dma_wait3A_634 = arith.constant 0 : i32
        %dma_wait3A_635 = tpu.memref_slice %arg22[%dma_wait3A_633, %dma_wait3A_634] : memref<208x64xf32, #tpu.memory_space<vmem>> -> memref<196x64xf32, #tpu.memory_space<vmem>>
        %dma_wait3A_636 = arith.constant 0 : i32
        %dma_wait3A_637 = arith.constant 0 : i32
        %dma_wait3A_638 = tpu.memref_slice %arg7[%dma_wait3A_636, %dma_wait3A_630, %dma_wait3A_631, %dma_wait3A_632, %dma_wait3A_637] : memref<196x125x2x8x128xf32, #tpu.memory_space<hbm>> -> memref<196x1x1x1x64xf32, #tpu.memory_space<hbm>>
        %dma_wait3A_639 = tpu.memref_squeeze %dma_wait3A_638 : memref<196x1x1x1x64xf32, #tpu.memory_space<hbm>> -> memref<196x64xf32, #tpu.memory_space<hbm>>
        %dma_wait3A_640 = arith.constant 0 : i32
        %dma_wait3A_641 = arith.constant 0 : i32
        %dma_wait3A_642 = tpu.memref_slice %arg22[%dma_wait3A_640, %dma_wait3A_641] : memref<208x64xf32, #tpu.memory_space<vmem>> -> memref<196x64xf32, #tpu.memory_space<vmem>>
        %dma_wait3A_643 = arith.constant 0 : i32
        %dma_wait3A_644 = arith.constant 0 : i32
        %dma_wait3A_645 = tpu.memref_slice %arg7[%dma_wait3A_643, %dma_wait3A_630, %dma_wait3A_631, %dma_wait3A_632, %dma_wait3A_644] : memref<196x125x2x8x128xf32, #tpu.memory_space<hbm>> -> memref<196x1x1x1x64xf32, #tpu.memory_space<hbm>>
        %dma_wait3A_646 = tpu.memref_squeeze %dma_wait3A_645 : memref<196x1x1x1x64xf32, #tpu.memory_space<hbm>> -> memref<196x64xf32, #tpu.memory_space<hbm>>
        tpu.wait_dma2 semaphore(%arg24 : memref<!tpu.dma_semaphore, #tpu.memory_space<semaphore_mem>>) src(%dma_wait3A_646 : memref<196x64xf32, #tpu.memory_space<hbm>>) dst(%dma_wait3A_642 : memref<196x64xf32, #tpu.memory_space<vmem>>)
      } else {
      }
      %scan3A_536 = arith.constant 0 : i32
      %scan3A_537 = arith.constant 13 : i32
      %scan3A_538 = arith.addi %scan3A_536, %scan3A_537 : i32
      %scan3A_539 = arith.constant 1 : i32
      scf.for %scan3A_630 = %scan3A_536 to %scan3A_538 step %scan3A_539  : i32 {
        %mul3A_631 = arith.constant 1 : i32
        %mul3A_632 = arith.muli %scan3A_630, %mul3A_631 : i32
        %add3A_633 = arith.constant 0 : i32
        %add3A_634 = arith.addi %add3A_633, %mul3A_632 : i32
        %mul3A_635 = arith.constant 16 : i32
        %mul3A_636 = arith.muli %add3A_634, %mul3A_635 : i32
        %get3A_637 = arith.index_cast %mul3A_636 : i32 to index
        %get3A_638 = tpu.vector_load %arg12[%get3A_637] {strides = array<i32>} : memref<208xf32, #tpu.memory_space<vmem>>, vector<16xf32>,
        %mul3A_639 = arith.constant 16 : i32
        %mul3A_640 = arith.muli %add3A_634, %mul3A_639 : i32
        %get3A_641 = arith.index_cast %mul3A_640 : i32 to index
        %get3A_642 = tpu.vector_load %arg13[%get3A_641] {strides = array<i32>} : memref<208xf32, #tpu.memory_space<vmem>>, vector<16xf32>,
        %mul3A_643 = arith.constant 16 : i32
        %mul3A_644 = arith.muli %add3A_634, %mul3A_643 : i32
        %get3A_645 = arith.index_cast %mul3A_644 : i32 to index
        %get3A_646 = tpu.vector_load %arg14[%get3A_645] {strides = array<i32>} : memref<208xf32, #tpu.memory_space<vmem>>, vector<16xf32>,
        %mul3A_647 = arith.constant 16 : i32
        %mul3A_648 = arith.muli %add3A_634, %mul3A_647 : i32
        %get3A_649 = arith.index_cast %mul3A_648 : i32 to index
        %get3A_650 = tpu.vector_load %arg15[%get3A_649] {strides = array<i32>} : memref<208xf32, #tpu.memory_space<vmem>>, vector<16xf32>,
        %add3A_651 = arith.constant 64 : i32
        %add3A_652 = arith.addi %mul3A_309, %add3A_651 : i32
        %mul3A_653 = arith.constant 16 : i32
        %mul3A_654 = arith.muli %add3A_634, %mul3A_653 : i32
        %get3A_655 = arith.index_cast %mul3A_654 : i32 to index
        %get3A_656 = tpu.vector_load %arg16[%get3A_655] {strides = array<i32>} : memref<208xi32, #tpu.memory_space<vmem>>, vector<16xi32>,
        %add3A_657 = vector.broadcast %add3A_652 : i32 to vector<16xi32>
        %add3A_658 = arith.addi %get3A_656, %add3A_657 : vector<16xi32>
        %mul3A_659 = arith.constant 16 : i32
        %mul3A_660 = arith.muli %add3A_634, %mul3A_659 : i32
        %get3A_661 = arith.index_cast %mul3A_660 : i32 to index
        %get3A_662 = tpu.vector_load %arg17[%get3A_661] {strides = array<i32>} : memref<208xi32, #tpu.memory_space<vmem>>, vector<16xi32>,
        %add3A_663 = vector.broadcast %add3A_652 : i32 to vector<16xi32>
        %add3A_664 = arith.addi %get3A_662, %add3A_663 : vector<16xi32>
        %mul3A_665 = arith.constant 16 : i32
        %mul3A_666 = arith.muli %add3A_634, %mul3A_665 : i32
        %get3A_667 = arith.index_cast %mul3A_666 : i32 to index
        %get3A_668 = tpu.vector_load %arg18[%get3A_667] {strides = array<i32>} : memref<208xi32, #tpu.memory_space<vmem>>, vector<16xi32>,
        %add3A_669 = vector.broadcast %add3A_652 : i32 to vector<16xi32>
        %add3A_670 = arith.addi %get3A_668, %add3A_669 : vector<16xi32>
        %mul3A_671 = arith.constant 16 : i32
        %mul3A_672 = arith.muli %add3A_634, %mul3A_671 : i32
        %get3A_673 = arith.index_cast %mul3A_672 : i32 to index
        %get3A_674 = tpu.vector_load %arg19[%get3A_673] {strides = array<i32>} : memref<208xi32, #tpu.memory_space<vmem>>, vector<16xi32>,
        %add3A_675 = vector.broadcast %add3A_652 : i32 to vector<16xi32>
        %add3A_676 = arith.addi %get3A_674, %add3A_675 : vector<16xi32>
        %mul3A_677 = arith.constant 16 : i32
        %mul3A_678 = arith.muli %add3A_634, %mul3A_677 : i32
        %add3A_679 = vector.broadcast %mul3A_678 : i32 to vector<16xi32>
        %add3A_680 = arith.addi %iota3A, %add3A_679 : vector<16xi32>
        %parallel_loop3A = arith.constant 0 : i32
        %parallel_loop3A_681 = arith.constant 64 : i32
        %parallel_loop3A_682 = arith.constant 1 : i32
        %parallel_loop3A_683:10 = scf.for %parallel_loop3A_684 = %parallel_loop3A to %parallel_loop3A_681 step %parallel_loop3A_682 iter_args(%parallel_loop3A_685 = %iota3A, %parallel_loop3A_686 = %add3A_658, %parallel_loop3A_687 = %add3A_664, %parallel_loop3A_688 = %add3A_670, %parallel_loop3A_689 = %add3A_676, %parallel_loop3A_690 = %add3A_680, %parallel_loop3A_691 = %get3A_638, %parallel_loop3A_692 = %get3A_642, %parallel_loop3A_693 = %get3A_646, %parallel_loop3A_694 = %get3A_650) -> (vector<16xi32>, vector<16xi32>, vector<16xi32>, vector<16xi32>, vector<16xi32>, vector<16xi32>, vector<16xf32>, vector<16xf32>, vector<16xf32>, vector<16xf32>)  : i32 {
          %parallel_loop3A_695 = arith.addi %parallel_loop3A_686, %parallel_loop3A_685 : vector<16xi32>
          %parallel_loop3A_696 = tpu.vector_load_idx %arg20[%parallel_loop3A_695] : memref<86528xf32, #tpu.memory_space<vmem>>[vector<16xi32>], vector<16xf32>,
          %parallel_loop3A_697 = arith.addi %parallel_loop3A_687, %parallel_loop3A_685 : vector<16xi32>
          %parallel_loop3A_698 = tpu.vector_load_idx %arg20[%parallel_loop3A_697] : memref<86528xf32, #tpu.memory_space<vmem>>[vector<16xi32>], vector<16xf32>,
          %parallel_loop3A_699 = arith.addi %parallel_loop3A_688, %parallel_loop3A_685 : vector<16xi32>
          %parallel_loop3A_700 = tpu.vector_load_idx %arg20[%parallel_loop3A_699] : memref<86528xf32, #tpu.memory_space<vmem>>[vector<16xi32>], vector<16xf32>,
          %parallel_loop3A_701 = arith.addi %parallel_loop3A_689, %parallel_loop3A_685 : vector<16xi32>
          %parallel_loop3A_702 = tpu.vector_load_idx %arg20[%parallel_loop3A_701] : memref<86528xf32, #tpu.memory_space<vmem>>[vector<16xi32>], vector<16xf32>,
          %parallel_loop3A_703 = arith.mulf %parallel_loop3A_691, %parallel_loop3A_696 : vector<16xf32>
          %parallel_loop3A_704 = arith.mulf %parallel_loop3A_692, %parallel_loop3A_698 : vector<16xf32>
          %parallel_loop3A_705 = arith.addf %parallel_loop3A_703, %parallel_loop3A_704 : vector<16xf32>
          %parallel_loop3A_706 = arith.mulf %parallel_loop3A_693, %parallel_loop3A_700 : vector<16xf32>
          %parallel_loop3A_707 = arith.addf %parallel_loop3A_705, %parallel_loop3A_706 : vector<16xf32>
          %parallel_loop3A_708 = arith.mulf %parallel_loop3A_694, %parallel_loop3A_702 : vector<16xf32>
          %parallel_loop3A_709 = arith.addf %parallel_loop3A_707, %parallel_loop3A_708 : vector<16xf32>
          tpu.vector_store_idx %arg22[%parallel_loop3A_690, %parallel_loop3A_685], %parallel_loop3A_709 : memref<208x64xf32, #tpu.memory_space<vmem>>[vector<16xi32>, vector<16xi32>], vector<16xf32>,
          %parallel_loop3A_710 = arith.constant 1 : i32
          %parallel_loop3A_711 = vector.broadcast %parallel_loop3A_710 : i32 to vector<16xi32>
          %parallel_loop3A_712 = arith.addi %parallel_loop3A_685, %parallel_loop3A_711 : vector<16xi32>
          %parallel_loop3A_713 = arith.constant 63 : i32
          %parallel_loop3A_714 = vector.broadcast %parallel_loop3A_713 : i32 to vector<16xi32>
          %parallel_loop3A_715 = arith.andi %parallel_loop3A_712, %parallel_loop3A_714 : vector<16xi32>
          scf.yield %parallel_loop3A_715, %parallel_loop3A_686, %parallel_loop3A_687, %parallel_loop3A_688, %parallel_loop3A_689, %parallel_loop3A_690, %parallel_loop3A_691, %parallel_loop3A_692, %parallel_loop3A_693, %parallel_loop3A_694 : vector<16xi32>, vector<16xi32>, vector<16xi32>, vector<16xi32>, vector<16xi32>, vector<16xi32>, vector<16xf32>, vector<16xf32>, vector<16xf32>, vector<16xf32>
        } {sc.loop_unroll_factor = 4 : i64, sc.parallel_access}
      }
      %scan3A_540 = arith.constant 13 : i32
      %dma_start3A_541 = arith.constant 0 : i32
      %dma_start3A_542 = arith.constant 0 : i32
      %dma_start3A_543 = arith.constant 0 : i32
      %dma_start3A_544 = tpu.memref_slice %arg22[%dma_start3A_542, %dma_start3A_543] : memref<208x64xf32, #tpu.memory_space<vmem>> -> memref<196x64xf32, #tpu.memory_space<vmem>>
      %dma_start3A_545 = arith.constant 0 : i32
      %dma_start3A_546 = arith.constant 64 : i32
      %dma_start3A_547 = tpu.memref_slice %arg7[%dma_start3A_545, %shift_right_arithmetic3A_503, %dma_start3A_541, %and3A_505, %dma_start3A_546] : memref<196x125x2x8x128xf32, #tpu.memory_space<hbm>> -> memref<196x1x1x1x64xf32, #tpu.memory_space<hbm>>
      %dma_start3A_548 = tpu.memref_squeeze %dma_start3A_547 : memref<196x1x1x1x64xf32, #tpu.memory_space<hbm>> -> memref<196x64xf32, #tpu.memory_space<hbm>>
      %dma_start3A_549 = arith.constant 0 : i32
      %dma_start3A_550 = arith.constant 64 : i32
      %dma_start3A_551 = tpu.memref_slice %arg7[%dma_start3A_549, %shift_right_arithmetic3A_503, %dma_start3A_541, %and3A_505, %dma_start3A_550] : memref<196x125x2x8x128xf32, #tpu.memory_space<hbm>> -> memref<196x1x1x1x64xf32, #tpu.memory_space<hbm>>
      %dma_start3A_552 = tpu.memref_squeeze %dma_start3A_551 : memref<196x1x1x1x64xf32, #tpu.memory_space<hbm>> -> memref<196x64xf32, #tpu.memory_space<hbm>>
      %dma_start3A_553 = arith.constant 0 : i32
      %dma_start3A_554 = arith.constant 0 : i32
      %dma_start3A_555 = tpu.memref_slice %arg22[%dma_start3A_553, %dma_start3A_554] : memref<208x64xf32, #tpu.memory_space<vmem>> -> memref<196x64xf32, #tpu.memory_space<vmem>>
      tpu.enqueue_dma source(%dma_start3A_555 : memref<196x64xf32, #tpu.memory_space<vmem>>) target(%dma_start3A_552 : memref<196x64xf32, #tpu.memory_space<hbm>>) target_semaphore(%arg24 : memref<!tpu.dma_semaphore, #tpu.memory_space<semaphore_mem>>)
      %dma_wait3A_556 = arith.constant 0 : i32
      %dma_wait3A_557 = arith.constant 0 : i32
      %dma_wait3A_558 = arith.constant 0 : i32
      %dma_wait3A_559 = arith.constant 0 : i32
      %dma_wait3A_560 = arith.constant 0 : i32
      %dma_wait3A_561 = tpu.memref_slice %arg21[%dma_wait3A_559, %dma_wait3A_560] : memref<208x64xf32, #tpu.memory_space<vmem>> -> memref<196x64xf32, #tpu.memory_space<vmem>>
      %dma_wait3A_562 = arith.constant 0 : i32
      %dma_wait3A_563 = arith.constant 0 : i32
      %dma_wait3A_564 = tpu.memref_slice %arg7[%dma_wait3A_562, %dma_wait3A_556, %dma_wait3A_557, %dma_wait3A_558, %dma_wait3A_563] : memref<196x125x2x8x128xf32, #tpu.memory_space<hbm>> -> memref<196x1x1x1x64xf32, #tpu.memory_space<hbm>>
      %dma_wait3A_565 = tpu.memref_squeeze %dma_wait3A_564 : memref<196x1x1x1x64xf32, #tpu.memory_space<hbm>> -> memref<196x64xf32, #tpu.memory_space<hbm>>
      %dma_wait3A_566 = arith.constant 0 : i32
      %dma_wait3A_567 = arith.constant 0 : i32
      %dma_wait3A_568 = tpu.memref_slice %arg21[%dma_wait3A_566, %dma_wait3A_567] : memref<208x64xf32, #tpu.memory_space<vmem>> -> memref<196x64xf32, #tpu.memory_space<vmem>>
      %dma_wait3A_569 = arith.constant 0 : i32
      %dma_wait3A_570 = arith.constant 0 : i32
      %dma_wait3A_571 = tpu.memref_slice %arg7[%dma_wait3A_569, %dma_wait3A_556, %dma_wait3A_557, %dma_wait3A_558, %dma_wait3A_570] : memref<196x125x2x8x128xf32, #tpu.memory_space<hbm>> -> memref<196x1x1x1x64xf32, #tpu.memory_space<hbm>>
      %dma_wait3A_572 = tpu.memref_squeeze %dma_wait3A_571 : memref<196x1x1x1x64xf32, #tpu.memory_space<hbm>> -> memref<196x64xf32, #tpu.memory_space<hbm>>
      tpu.wait_dma2 semaphore(%arg24 : memref<!tpu.dma_semaphore, #tpu.memory_space<semaphore_mem>>) src(%dma_wait3A_572 : memref<196x64xf32, #tpu.memory_space<hbm>>) dst(%dma_wait3A_568 : memref<196x64xf32, #tpu.memory_space<vmem>>)
      %scan3A_573 = arith.constant 0 : i32
      %scan3A_574 = arith.constant 13 : i32
      %scan3A_575 = arith.addi %scan3A_573, %scan3A_574 : i32
      %scan3A_576 = arith.constant 1 : i32
      scf.for %scan3A_630 = %scan3A_573 to %scan3A_575 step %scan3A_576  : i32 {
        %mul3A_631 = arith.constant 1 : i32
        %mul3A_632 = arith.muli %scan3A_630, %mul3A_631 : i32
        %add3A_633 = arith.constant 0 : i32
        %add3A_634 = arith.addi %add3A_633, %mul3A_632 : i32
        %mul3A_635 = arith.constant 16 : i32
        %mul3A_636 = arith.muli %add3A_634, %mul3A_635 : i32
        %get3A_637 = arith.index_cast %mul3A_636 : i32 to index
        %get3A_638 = tpu.vector_load %arg12[%get3A_637] {strides = array<i32>} : memref<208xf32, #tpu.memory_space<vmem>>, vector<16xf32>,
        %mul3A_639 = arith.constant 16 : i32
        %mul3A_640 = arith.muli %add3A_634, %mul3A_639 : i32
        %get3A_641 = arith.index_cast %mul3A_640 : i32 to index
        %get3A_642 = tpu.vector_load %arg13[%get3A_641] {strides = array<i32>} : memref<208xf32, #tpu.memory_space<vmem>>, vector<16xf32>,
        %mul3A_643 = arith.constant 16 : i32
        %mul3A_644 = arith.muli %add3A_634, %mul3A_643 : i32
        %get3A_645 = arith.index_cast %mul3A_644 : i32 to index
        %get3A_646 = tpu.vector_load %arg14[%get3A_645] {strides = array<i32>} : memref<208xf32, #tpu.memory_space<vmem>>, vector<16xf32>,
        %mul3A_647 = arith.constant 16 : i32
        %mul3A_648 = arith.muli %add3A_634, %mul3A_647 : i32
        %get3A_649 = arith.index_cast %mul3A_648 : i32 to index
        %get3A_650 = tpu.vector_load %arg15[%get3A_649] {strides = array<i32>} : memref<208xf32, #tpu.memory_space<vmem>>, vector<16xf32>,
        %add3A_651 = arith.constant 128 : i32
        %add3A_652 = arith.addi %mul3A_309, %add3A_651 : i32
        %mul3A_653 = arith.constant 16 : i32
        %mul3A_654 = arith.muli %add3A_634, %mul3A_653 : i32
        %get3A_655 = arith.index_cast %mul3A_654 : i32 to index
        %get3A_656 = tpu.vector_load %arg16[%get3A_655] {strides = array<i32>} : memref<208xi32, #tpu.memory_space<vmem>>, vector<16xi32>,
        %add3A_657 = vector.broadcast %add3A_652 : i32 to vector<16xi32>
        %add3A_658 = arith.addi %get3A_656, %add3A_657 : vector<16xi32>
        %mul3A_659 = arith.constant 16 : i32
        %mul3A_660 = arith.muli %add3A_634, %mul3A_659 : i32
        %get3A_661 = arith.index_cast %mul3A_660 : i32 to index
        %get3A_662 = tpu.vector_load %arg17[%get3A_661] {strides = array<i32>} : memref<208xi32, #tpu.memory_space<vmem>>, vector<16xi32>,
        %add3A_663 = vector.broadcast %add3A_652 : i32 to vector<16xi32>
        %add3A_664 = arith.addi %get3A_662, %add3A_663 : vector<16xi32>
        %mul3A_665 = arith.constant 16 : i32
        %mul3A_666 = arith.muli %add3A_634, %mul3A_665 : i32
        %get3A_667 = arith.index_cast %mul3A_666 : i32 to index
        %get3A_668 = tpu.vector_load %arg18[%get3A_667] {strides = array<i32>} : memref<208xi32, #tpu.memory_space<vmem>>, vector<16xi32>,
        %add3A_669 = vector.broadcast %add3A_652 : i32 to vector<16xi32>
        %add3A_670 = arith.addi %get3A_668, %add3A_669 : vector<16xi32>
        %mul3A_671 = arith.constant 16 : i32
        %mul3A_672 = arith.muli %add3A_634, %mul3A_671 : i32
        %get3A_673 = arith.index_cast %mul3A_672 : i32 to index
        %get3A_674 = tpu.vector_load %arg19[%get3A_673] {strides = array<i32>} : memref<208xi32, #tpu.memory_space<vmem>>, vector<16xi32>,
        %add3A_675 = vector.broadcast %add3A_652 : i32 to vector<16xi32>
        %add3A_676 = arith.addi %get3A_674, %add3A_675 : vector<16xi32>
        %mul3A_677 = arith.constant 16 : i32
        %mul3A_678 = arith.muli %add3A_634, %mul3A_677 : i32
        %add3A_679 = vector.broadcast %mul3A_678 : i32 to vector<16xi32>
        %add3A_680 = arith.addi %iota3A, %add3A_679 : vector<16xi32>
        %parallel_loop3A = arith.constant 0 : i32
        %parallel_loop3A_681 = arith.constant 64 : i32
        %parallel_loop3A_682 = arith.constant 1 : i32
        %parallel_loop3A_683:10 = scf.for %parallel_loop3A_684 = %parallel_loop3A to %parallel_loop3A_681 step %parallel_loop3A_682 iter_args(%parallel_loop3A_685 = %iota3A, %parallel_loop3A_686 = %add3A_658, %parallel_loop3A_687 = %add3A_664, %parallel_loop3A_688 = %add3A_670, %parallel_loop3A_689 = %add3A_676, %parallel_loop3A_690 = %add3A_680, %parallel_loop3A_691 = %get3A_638, %parallel_loop3A_692 = %get3A_642, %parallel_loop3A_693 = %get3A_646, %parallel_loop3A_694 = %get3A_650) -> (vector<16xi32>, vector<16xi32>, vector<16xi32>, vector<16xi32>, vector<16xi32>, vector<16xi32>, vector<16xf32>, vector<16xf32>, vector<16xf32>, vector<16xf32>)  : i32 {
          %parallel_loop3A_695 = arith.addi %parallel_loop3A_686, %parallel_loop3A_685 : vector<16xi32>
          %parallel_loop3A_696 = tpu.vector_load_idx %arg20[%parallel_loop3A_695] : memref<86528xf32, #tpu.memory_space<vmem>>[vector<16xi32>], vector<16xf32>,
          %parallel_loop3A_697 = arith.addi %parallel_loop3A_687, %parallel_loop3A_685 : vector<16xi32>
          %parallel_loop3A_698 = tpu.vector_load_idx %arg20[%parallel_loop3A_697] : memref<86528xf32, #tpu.memory_space<vmem>>[vector<16xi32>], vector<16xf32>,
          %parallel_loop3A_699 = arith.addi %parallel_loop3A_688, %parallel_loop3A_685 : vector<16xi32>
          %parallel_loop3A_700 = tpu.vector_load_idx %arg20[%parallel_loop3A_699] : memref<86528xf32, #tpu.memory_space<vmem>>[vector<16xi32>], vector<16xf32>,
          %parallel_loop3A_701 = arith.addi %parallel_loop3A_689, %parallel_loop3A_685 : vector<16xi32>
          %parallel_loop3A_702 = tpu.vector_load_idx %arg20[%parallel_loop3A_701] : memref<86528xf32, #tpu.memory_space<vmem>>[vector<16xi32>], vector<16xf32>,
          %parallel_loop3A_703 = arith.mulf %parallel_loop3A_691, %parallel_loop3A_696 : vector<16xf32>
          %parallel_loop3A_704 = arith.mulf %parallel_loop3A_692, %parallel_loop3A_698 : vector<16xf32>
          %parallel_loop3A_705 = arith.addf %parallel_loop3A_703, %parallel_loop3A_704 : vector<16xf32>
          %parallel_loop3A_706 = arith.mulf %parallel_loop3A_693, %parallel_loop3A_700 : vector<16xf32>
          %parallel_loop3A_707 = arith.addf %parallel_loop3A_705, %parallel_loop3A_706 : vector<16xf32>
          %parallel_loop3A_708 = arith.mulf %parallel_loop3A_694, %parallel_loop3A_702 : vector<16xf32>
          %parallel_loop3A_709 = arith.addf %parallel_loop3A_707, %parallel_loop3A_708 : vector<16xf32>
          tpu.vector_store_idx %arg21[%parallel_loop3A_690, %parallel_loop3A_685], %parallel_loop3A_709 : memref<208x64xf32, #tpu.memory_space<vmem>>[vector<16xi32>, vector<16xi32>], vector<16xf32>,
          %parallel_loop3A_710 = arith.constant 1 : i32
          %parallel_loop3A_711 = vector.broadcast %parallel_loop3A_710 : i32 to vector<16xi32>
          %parallel_loop3A_712 = arith.addi %parallel_loop3A_685, %parallel_loop3A_711 : vector<16xi32>
          %parallel_loop3A_713 = arith.constant 63 : i32
          %parallel_loop3A_714 = vector.broadcast %parallel_loop3A_713 : i32 to vector<16xi32>
          %parallel_loop3A_715 = arith.andi %parallel_loop3A_712, %parallel_loop3A_714 : vector<16xi32>
          scf.yield %parallel_loop3A_715, %parallel_loop3A_686, %parallel_loop3A_687, %parallel_loop3A_688, %parallel_loop3A_689, %parallel_loop3A_690, %parallel_loop3A_691, %parallel_loop3A_692, %parallel_loop3A_693, %parallel_loop3A_694 : vector<16xi32>, vector<16xi32>, vector<16xi32>, vector<16xi32>, vector<16xi32>, vector<16xi32>, vector<16xf32>, vector<16xf32>, vector<16xf32>, vector<16xf32>
        } {sc.loop_unroll_factor = 4 : i64, sc.parallel_access}
      }
      %scan3A_577 = arith.constant 13 : i32
      %dma_start3A_578 = arith.constant 1 : i32
      %dma_start3A_579 = arith.constant 0 : i32
      %dma_start3A_580 = arith.constant 0 : i32
      %dma_start3A_581 = tpu.memref_slice %arg21[%dma_start3A_579, %dma_start3A_580] : memref<208x64xf32, #tpu.memory_space<vmem>> -> memref<196x64xf32, #tpu.memory_space<vmem>>
      %dma_start3A_582 = arith.constant 0 : i32
      %dma_start3A_583 = arith.constant 0 : i32
      %dma_start3A_584 = tpu.memref_slice %arg7[%dma_start3A_582, %shift_right_arithmetic3A_503, %dma_start3A_578, %and3A_505, %dma_start3A_583] : memref<196x125x2x8x128xf32, #tpu.memory_space<hbm>> -> memref<196x1x1x1x64xf32, #tpu.memory_space<hbm>>
      %dma_start3A_585 = tpu.memref_squeeze %dma_start3A_584 : memref<196x1x1x1x64xf32, #tpu.memory_space<hbm>> -> memref<196x64xf32, #tpu.memory_space<hbm>>
      %dma_start3A_586 = arith.constant 0 : i32
      %dma_start3A_587 = arith.constant 0 : i32
      %dma_start3A_588 = tpu.memref_slice %arg7[%dma_start3A_586, %shift_right_arithmetic3A_503, %dma_start3A_578, %and3A_505, %dma_start3A_587] : memref<196x125x2x8x128xf32, #tpu.memory_space<hbm>> -> memref<196x1x1x1x64xf32, #tpu.memory_space<hbm>>
      %dma_start3A_589 = tpu.memref_squeeze %dma_start3A_588 : memref<196x1x1x1x64xf32, #tpu.memory_space<hbm>> -> memref<196x64xf32, #tpu.memory_space<hbm>>
      %dma_start3A_590 = arith.constant 0 : i32
      %dma_start3A_591 = arith.constant 0 : i32
      %dma_start3A_592 = tpu.memref_slice %arg21[%dma_start3A_590, %dma_start3A_591] : memref<208x64xf32, #tpu.memory_space<vmem>> -> memref<196x64xf32, #tpu.memory_space<vmem>>
      tpu.enqueue_dma source(%dma_start3A_592 : memref<196x64xf32, #tpu.memory_space<vmem>>) target(%dma_start3A_589 : memref<196x64xf32, #tpu.memory_space<hbm>>) target_semaphore(%arg24 : memref<!tpu.dma_semaphore, #tpu.memory_space<semaphore_mem>>)
      %dma_wait3A_593 = arith.constant 0 : i32
      %dma_wait3A_594 = arith.constant 0 : i32
      %dma_wait3A_595 = arith.constant 0 : i32
      %dma_wait3A_596 = arith.constant 0 : i32
      %dma_wait3A_597 = arith.constant 0 : i32
      %dma_wait3A_598 = tpu.memref_slice %arg22[%dma_wait3A_596, %dma_wait3A_597] : memref<208x64xf32, #tpu.memory_space<vmem>> -> memref<196x64xf32, #tpu.memory_space<vmem>>
      %dma_wait3A_599 = arith.constant 0 : i32
      %dma_wait3A_600 = arith.constant 0 : i32
      %dma_wait3A_601 = tpu.memref_slice %arg7[%dma_wait3A_599, %dma_wait3A_593, %dma_wait3A_594, %dma_wait3A_595, %dma_wait3A_600] : memref<196x125x2x8x128xf32, #tpu.memory_space<hbm>> -> memref<196x1x1x1x64xf32, #tpu.memory_space<hbm>>
      %dma_wait3A_602 = tpu.memref_squeeze %dma_wait3A_601 : memref<196x1x1x1x64xf32, #tpu.memory_space<hbm>> -> memref<196x64xf32, #tpu.memory_space<hbm>>
      %dma_wait3A_603 = arith.constant 0 : i32
      %dma_wait3A_604 = arith.constant 0 : i32
      %dma_wait3A_605 = tpu.memref_slice %arg22[%dma_wait3A_603, %dma_wait3A_604] : memref<208x64xf32, #tpu.memory_space<vmem>> -> memref<196x64xf32, #tpu.memory_space<vmem>>
      %dma_wait3A_606 = arith.constant 0 : i32
      %dma_wait3A_607 = arith.constant 0 : i32
      %dma_wait3A_608 = tpu.memref_slice %arg7[%dma_wait3A_606, %dma_wait3A_593, %dma_wait3A_594, %dma_wait3A_595, %dma_wait3A_607] : memref<196x125x2x8x128xf32, #tpu.memory_space<hbm>> -> memref<196x1x1x1x64xf32, #tpu.memory_space<hbm>>
      %dma_wait3A_609 = tpu.memref_squeeze %dma_wait3A_608 : memref<196x1x1x1x64xf32, #tpu.memory_space<hbm>> -> memref<196x64xf32, #tpu.memory_space<hbm>>
      tpu.wait_dma2 semaphore(%arg24 : memref<!tpu.dma_semaphore, #tpu.memory_space<semaphore_mem>>) src(%dma_wait3A_609 : memref<196x64xf32, #tpu.memory_space<hbm>>) dst(%dma_wait3A_605 : memref<196x64xf32, #tpu.memory_space<vmem>>)
      %scan3A_610 = arith.constant 0 : i32
      %scan3A_611 = arith.constant 13 : i32
      %scan3A_612 = arith.addi %scan3A_610, %scan3A_611 : i32
      %scan3A_613 = arith.constant 1 : i32
      scf.for %scan3A_630 = %scan3A_610 to %scan3A_612 step %scan3A_613  : i32 {
        %mul3A_631 = arith.constant 1 : i32
        %mul3A_632 = arith.muli %scan3A_630, %mul3A_631 : i32
        %add3A_633 = arith.constant 0 : i32
        %add3A_634 = arith.addi %add3A_633, %mul3A_632 : i32
        %mul3A_635 = arith.constant 16 : i32
        %mul3A_636 = arith.muli %add3A_634, %mul3A_635 : i32
        %get3A_637 = arith.index_cast %mul3A_636 : i32 to index
        %get3A_638 = tpu.vector_load %arg12[%get3A_637] {strides = array<i32>} : memref<208xf32, #tpu.memory_space<vmem>>, vector<16xf32>,
        %mul3A_639 = arith.constant 16 : i32
        %mul3A_640 = arith.muli %add3A_634, %mul3A_639 : i32
        %get3A_641 = arith.index_cast %mul3A_640 : i32 to index
        %get3A_642 = tpu.vector_load %arg13[%get3A_641] {strides = array<i32>} : memref<208xf32, #tpu.memory_space<vmem>>, vector<16xf32>,
        %mul3A_643 = arith.constant 16 : i32
        %mul3A_644 = arith.muli %add3A_634, %mul3A_643 : i32
        %get3A_645 = arith.index_cast %mul3A_644 : i32 to index
        %get3A_646 = tpu.vector_load %arg14[%get3A_645] {strides = array<i32>} : memref<208xf32, #tpu.memory_space<vmem>>, vector<16xf32>,
        %mul3A_647 = arith.constant 16 : i32
        %mul3A_648 = arith.muli %add3A_634, %mul3A_647 : i32
        %get3A_649 = arith.index_cast %mul3A_648 : i32 to index
        %get3A_650 = tpu.vector_load %arg15[%get3A_649] {strides = array<i32>} : memref<208xf32, #tpu.memory_space<vmem>>, vector<16xf32>,
        %add3A_651 = arith.constant 192 : i32
        %add3A_652 = arith.addi %mul3A_309, %add3A_651 : i32
        %mul3A_653 = arith.constant 16 : i32
        %mul3A_654 = arith.muli %add3A_634, %mul3A_653 : i32
        %get3A_655 = arith.index_cast %mul3A_654 : i32 to index
        %get3A_656 = tpu.vector_load %arg16[%get3A_655] {strides = array<i32>} : memref<208xi32, #tpu.memory_space<vmem>>, vector<16xi32>,
        %add3A_657 = vector.broadcast %add3A_652 : i32 to vector<16xi32>
        %add3A_658 = arith.addi %get3A_656, %add3A_657 : vector<16xi32>
        %mul3A_659 = arith.constant 16 : i32
        %mul3A_660 = arith.muli %add3A_634, %mul3A_659 : i32
        %get3A_661 = arith.index_cast %mul3A_660 : i32 to index
        %get3A_662 = tpu.vector_load %arg17[%get3A_661] {strides = array<i32>} : memref<208xi32, #tpu.memory_space<vmem>>, vector<16xi32>,
        %add3A_663 = vector.broadcast %add3A_652 : i32 to vector<16xi32>
        %add3A_664 = arith.addi %get3A_662, %add3A_663 : vector<16xi32>
        %mul3A_665 = arith.constant 16 : i32
        %mul3A_666 = arith.muli %add3A_634, %mul3A_665 : i32
        %get3A_667 = arith.index_cast %mul3A_666 : i32 to index
        %get3A_668 = tpu.vector_load %arg18[%get3A_667] {strides = array<i32>} : memref<208xi32, #tpu.memory_space<vmem>>, vector<16xi32>,
        %add3A_669 = vector.broadcast %add3A_652 : i32 to vector<16xi32>
        %add3A_670 = arith.addi %get3A_668, %add3A_669 : vector<16xi32>
        %mul3A_671 = arith.constant 16 : i32
        %mul3A_672 = arith.muli %add3A_634, %mul3A_671 : i32
        %get3A_673 = arith.index_cast %mul3A_672 : i32 to index
        %get3A_674 = tpu.vector_load %arg19[%get3A_673] {strides = array<i32>} : memref<208xi32, #tpu.memory_space<vmem>>, vector<16xi32>,
        %add3A_675 = vector.broadcast %add3A_652 : i32 to vector<16xi32>
        %add3A_676 = arith.addi %get3A_674, %add3A_675 : vector<16xi32>
        %mul3A_677 = arith.constant 16 : i32
        %mul3A_678 = arith.muli %add3A_634, %mul3A_677 : i32
        %add3A_679 = vector.broadcast %mul3A_678 : i32 to vector<16xi32>
        %add3A_680 = arith.addi %iota3A, %add3A_679 : vector<16xi32>
        %parallel_loop3A = arith.constant 0 : i32
        %parallel_loop3A_681 = arith.constant 64 : i32
        %parallel_loop3A_682 = arith.constant 1 : i32
        %parallel_loop3A_683:10 = scf.for %parallel_loop3A_684 = %parallel_loop3A to %parallel_loop3A_681 step %parallel_loop3A_682 iter_args(%parallel_loop3A_685 = %iota3A, %parallel_loop3A_686 = %add3A_658, %parallel_loop3A_687 = %add3A_664, %parallel_loop3A_688 = %add3A_670, %parallel_loop3A_689 = %add3A_676, %parallel_loop3A_690 = %add3A_680, %parallel_loop3A_691 = %get3A_638, %parallel_loop3A_692 = %get3A_642, %parallel_loop3A_693 = %get3A_646, %parallel_loop3A_694 = %get3A_650) -> (vector<16xi32>, vector<16xi32>, vector<16xi32>, vector<16xi32>, vector<16xi32>, vector<16xi32>, vector<16xf32>, vector<16xf32>, vector<16xf32>, vector<16xf32>)  : i32 {
          %parallel_loop3A_695 = arith.addi %parallel_loop3A_686, %parallel_loop3A_685 : vector<16xi32>
          %parallel_loop3A_696 = tpu.vector_load_idx %arg20[%parallel_loop3A_695] : memref<86528xf32, #tpu.memory_space<vmem>>[vector<16xi32>], vector<16xf32>,
          %parallel_loop3A_697 = arith.addi %parallel_loop3A_687, %parallel_loop3A_685 : vector<16xi32>
          %parallel_loop3A_698 = tpu.vector_load_idx %arg20[%parallel_loop3A_697] : memref<86528xf32, #tpu.memory_space<vmem>>[vector<16xi32>], vector<16xf32>,
          %parallel_loop3A_699 = arith.addi %parallel_loop3A_688, %parallel_loop3A_685 : vector<16xi32>
          %parallel_loop3A_700 = tpu.vector_load_idx %arg20[%parallel_loop3A_699] : memref<86528xf32, #tpu.memory_space<vmem>>[vector<16xi32>], vector<16xf32>,
          %parallel_loop3A_701 = arith.addi %parallel_loop3A_689, %parallel_loop3A_685 : vector<16xi32>
          %parallel_loop3A_702 = tpu.vector_load_idx %arg20[%parallel_loop3A_701] : memref<86528xf32, #tpu.memory_space<vmem>>[vector<16xi32>], vector<16xf32>,
          %parallel_loop3A_703 = arith.mulf %parallel_loop3A_691, %parallel_loop3A_696 : vector<16xf32>
          %parallel_loop3A_704 = arith.mulf %parallel_loop3A_692, %parallel_loop3A_698 : vector<16xf32>
          %parallel_loop3A_705 = arith.addf %parallel_loop3A_703, %parallel_loop3A_704 : vector<16xf32>
          %parallel_loop3A_706 = arith.mulf %parallel_loop3A_693, %parallel_loop3A_700 : vector<16xf32>
          %parallel_loop3A_707 = arith.addf %parallel_loop3A_705, %parallel_loop3A_706 : vector<16xf32>
          %parallel_loop3A_708 = arith.mulf %parallel_loop3A_694, %parallel_loop3A_702 : vector<16xf32>
          %parallel_loop3A_709 = arith.addf %parallel_loop3A_707, %parallel_loop3A_708 : vector<16xf32>
          tpu.vector_store_idx %arg22[%parallel_loop3A_690, %parallel_loop3A_685], %parallel_loop3A_709 : memref<208x64xf32, #tpu.memory_space<vmem>>[vector<16xi32>, vector<16xi32>], vector<16xf32>,
          %parallel_loop3A_710 = arith.constant 1 : i32
          %parallel_loop3A_711 = vector.broadcast %parallel_loop3A_710 : i32 to vector<16xi32>
          %parallel_loop3A_712 = arith.addi %parallel_loop3A_685, %parallel_loop3A_711 : vector<16xi32>
          %parallel_loop3A_713 = arith.constant 63 : i32
          %parallel_loop3A_714 = vector.broadcast %parallel_loop3A_713 : i32 to vector<16xi32>
          %parallel_loop3A_715 = arith.andi %parallel_loop3A_712, %parallel_loop3A_714 : vector<16xi32>
          scf.yield %parallel_loop3A_715, %parallel_loop3A_686, %parallel_loop3A_687, %parallel_loop3A_688, %parallel_loop3A_689, %parallel_loop3A_690, %parallel_loop3A_691, %parallel_loop3A_692, %parallel_loop3A_693, %parallel_loop3A_694 : vector<16xi32>, vector<16xi32>, vector<16xi32>, vector<16xi32>, vector<16xi32>, vector<16xi32>, vector<16xf32>, vector<16xf32>, vector<16xf32>, vector<16xf32>
        } {sc.loop_unroll_factor = 4 : i64, sc.parallel_access}
      }
      %scan3A_614 = arith.constant 13 : i32
      %dma_start3A_615 = arith.constant 1 : i32
      %dma_start3A_616 = arith.constant 0 : i32
      %dma_start3A_617 = arith.constant 0 : i32
      %dma_start3A_618 = tpu.memref_slice %arg22[%dma_start3A_616, %dma_start3A_617] : memref<208x64xf32, #tpu.memory_space<vmem>> -> memref<196x64xf32, #tpu.memory_space<vmem>>
      %dma_start3A_619 = arith.constant 0 : i32
      %dma_start3A_620 = arith.constant 64 : i32
      %dma_start3A_621 = tpu.memref_slice %arg7[%dma_start3A_619, %shift_right_arithmetic3A_503, %dma_start3A_615, %and3A_505, %dma_start3A_620] : memref<196x125x2x8x128xf32, #tpu.memory_space<hbm>> -> memref<196x1x1x1x64xf32, #tpu.memory_space<hbm>>
      %dma_start3A_622 = tpu.memref_squeeze %dma_start3A_621 : memref<196x1x1x1x64xf32, #tpu.memory_space<hbm>> -> memref<196x64xf32, #tpu.memory_space<hbm>>
      %dma_start3A_623 = arith.constant 0 : i32
      %dma_start3A_624 = arith.constant 64 : i32
      %dma_start3A_625 = tpu.memref_slice %arg7[%dma_start3A_623, %shift_right_arithmetic3A_503, %dma_start3A_615, %and3A_505, %dma_start3A_624] : memref<196x125x2x8x128xf32, #tpu.memory_space<hbm>> -> memref<196x1x1x1x64xf32, #tpu.memory_space<hbm>>
      %dma_start3A_626 = tpu.memref_squeeze %dma_start3A_625 : memref<196x1x1x1x64xf32, #tpu.memory_space<hbm>> -> memref<196x64xf32, #tpu.memory_space<hbm>>
      %dma_start3A_627 = arith.constant 0 : i32
      %dma_start3A_628 = arith.constant 0 : i32
      %dma_start3A_629 = tpu.memref_slice %arg22[%dma_start3A_627, %dma_start3A_628] : memref<208x64xf32, #tpu.memory_space<vmem>> -> memref<196x64xf32, #tpu.memory_space<vmem>>
      tpu.enqueue_dma source(%dma_start3A_629 : memref<196x64xf32, #tpu.memory_space<vmem>>) target(%dma_start3A_626 : memref<196x64xf32, #tpu.memory_space<hbm>>) target_semaphore(%arg24 : memref<!tpu.dma_semaphore, #tpu.memory_space<semaphore_mem>>)
    }
    %dma_wait3A = arith.constant 0 : i32
    %dma_wait3A_271 = arith.constant 0 : i32
    %dma_wait3A_272 = arith.constant 0 : i32
    %dma_wait3A_273 = arith.constant 0 : i32
    %dma_wait3A_274 = arith.constant 0 : i32
    %dma_wait3A_275 = tpu.memref_slice %arg21[%dma_wait3A_273, %dma_wait3A_274] : memref<208x64xf32, #tpu.memory_space<vmem>> -> memref<196x64xf32, #tpu.memory_space<vmem>>
    %dma_wait3A_276 = arith.constant 0 : i32
    %dma_wait3A_277 = arith.constant 0 : i32
    %dma_wait3A_278 = tpu.memref_slice %arg7[%dma_wait3A_276, %dma_wait3A, %dma_wait3A_271, %dma_wait3A_272, %dma_wait3A_277] : memref<196x125x2x8x128xf32, #tpu.memory_space<hbm>> -> memref<196x1x1x1x64xf32, #tpu.memory_space<hbm>>
    %dma_wait3A_279 = tpu.memref_squeeze %dma_wait3A_278 : memref<196x1x1x1x64xf32, #tpu.memory_space<hbm>> -> memref<196x64xf32, #tpu.memory_space<hbm>>
    %dma_wait3A_280 = arith.constant 0 : i32
    %dma_wait3A_281 = arith.constant 0 : i32
    %dma_wait3A_282 = tpu.memref_slice %arg21[%dma_wait3A_280, %dma_wait3A_281] : memref<208x64xf32, #tpu.memory_space<vmem>> -> memref<196x64xf32, #tpu.memory_space<vmem>>
    %dma_wait3A_283 = arith.constant 0 : i32
    %dma_wait3A_284 = arith.constant 0 : i32
    %dma_wait3A_285 = tpu.memref_slice %arg7[%dma_wait3A_283, %dma_wait3A, %dma_wait3A_271, %dma_wait3A_272, %dma_wait3A_284] : memref<196x125x2x8x128xf32, #tpu.memory_space<hbm>> -> memref<196x1x1x1x64xf32, #tpu.memory_space<hbm>>
    %dma_wait3A_286 = tpu.memref_squeeze %dma_wait3A_285 : memref<196x1x1x1x64xf32, #tpu.memory_space<hbm>> -> memref<196x64xf32, #tpu.memory_space<hbm>>
    tpu.wait_dma2 semaphore(%arg24 : memref<!tpu.dma_semaphore, #tpu.memory_space<semaphore_mem>>) src(%dma_wait3A_286 : memref<196x64xf32, #tpu.memory_space<hbm>>) dst(%dma_wait3A_282 : memref<196x64xf32, #tpu.memory_space<vmem>>)
    %dma_wait3A_287 = arith.constant 0 : i32
    %dma_wait3A_288 = arith.constant 0 : i32
    %dma_wait3A_289 = arith.constant 0 : i32
    %dma_wait3A_290 = arith.constant 0 : i32
    %dma_wait3A_291 = arith.constant 0 : i32
    %dma_wait3A_292 = tpu.memref_slice %arg22[%dma_wait3A_290, %dma_wait3A_291] : memref<208x64xf32, #tpu.memory_space<vmem>> -> memref<196x64xf32, #tpu.memory_space<vmem>>
    %dma_wait3A_293 = arith.constant 0 : i32
    %dma_wait3A_294 = arith.constant 0 : i32
    %dma_wait3A_295 = tpu.memref_slice %arg7[%dma_wait3A_293, %dma_wait3A_287, %dma_wait3A_288, %dma_wait3A_289, %dma_wait3A_294] : memref<196x125x2x8x128xf32, #tpu.memory_space<hbm>> -> memref<196x1x1x1x64xf32, #tpu.memory_space<hbm>>
    %dma_wait3A_296 = tpu.memref_squeeze %dma_wait3A_295 : memref<196x1x1x1x64xf32, #tpu.memory_space<hbm>> -> memref<196x64xf32, #tpu.memory_space<hbm>>
    %dma_wait3A_297 = arith.constant 0 : i32
    %dma_wait3A_298 = arith.constant 0 : i32
    %dma_wait3A_299 = tpu.memref_slice %arg22[%dma_wait3A_297, %dma_wait3A_298] : memref<208x64xf32, #tpu.memory_space<vmem>> -> memref<196x64xf32, #tpu.memory_space<vmem>>
    %dma_wait3A_300 = arith.constant 0 : i32
    %dma_wait3A_301 = arith.constant 0 : i32
    %dma_wait3A_302 = tpu.memref_slice %arg7[%dma_wait3A_300, %dma_wait3A_287, %dma_wait3A_288, %dma_wait3A_289, %dma_wait3A_301] : memref<196x125x2x8x128xf32, #tpu.memory_space<hbm>> -> memref<196x1x1x1x64xf32, #tpu.memory_space<hbm>>
    %dma_wait3A_303 = tpu.memref_squeeze %dma_wait3A_302 : memref<196x1x1x1x64xf32, #tpu.memory_space<hbm>> -> memref<196x64xf32, #tpu.memory_space<hbm>>
    tpu.wait_dma2 semaphore(%arg24 : memref<!tpu.dma_semaphore, #tpu.memory_space<semaphore_mem>>) src(%dma_wait3A_303 : memref<196x64xf32, #tpu.memory_space<hbm>>) dst(%dma_wait3A_299 : memref<196x64xf32, #tpu.memory_space<vmem>>)
    return
  }
}

</mosaic_0001>

<sc_bundles>
// kernel: kernel.3.cloned.1.call-start
scs
__scs_entry_jumppad:
0x0: {  	(pc) =	sbr.rel $0x88, $3  }
0x1: {  	(tag) =	ssettag $0x0;
	lr =	simm.s32 $0x1  }
0x2: {  	[smem:$0x3F9E] =	sst lr;
	_ =	strace $0xD0000000  }
0x3: {  	_ = 	snop  }
0x4: {  	_ = 	snop  }
0x5: {  	_ = 	snop  }
0x6: {  	_ = 	snop  }
0x7: {  	_ = 	snop  }
__scs_overlays_trampoline_lowered:
0x8: {  	[smem:$0x3FAD] =	sst s0  }
0x9: {  	[smem:$0x3FAE] =	sst s1  }
0xa: {  	[smem:$0x3FAF] =	sst s2  }
0xb: {  	[smem:$0x3FB0] =	sst s3  }
0xc: {  	[smem:$0x3FB1] =	sst s4  }
0xd: {  	[smem:$0x3FB2] =	sst s5  }
0xe: {  	[smem:$0x3FB3] =	sst s6  }
0xf: {  	[smem:$0x3FB4] =	sst s7  }
0x10: {  	[smem:$0x3FB5] =	sst s8  }
0x11: {  	[smem:$0x3FB6] =	sst s9;
	s0 =	simm.s32 @!p0 $0x0  }
0x12: {  	s1 =	sld [smem:$0x3F9C];
	s0 =	simm.s32 @p0 $0x1  }
0x13: {  	[smem:$0x3FB7] =	sst s0;
	s0 =	simm.s32 @!p1 $0x0  }
0x14: {  	s2 =	sld [smem:$0x3F9B];
	s0 =	simm.s32 @p1 $0x1  }
0x15: {  	[smem:$0x3FB8] =	sst s0;
	s0 =	simm.s32 @!p2 $0x0  }
0x16: {  	s3 =	sld [smem:$0x3FDB];
	s0 =	simm.s32 @p2 $0x1  }
0x17: {  	s4 =	simm.s32 $0x1BF5;
	[smem:$0x3FBA] =	sst s0  }
0x18: {  	s0 =	sld [smem:$0x3F9D];
	_ =	swait.ge [sflag:s4], $0x0  }
0x19: {  	s7 =	sld [smem:$0x3F9E]  }
0x1a: {  	s8 =	sadd.s32 $0xFFFFE003, lr  }
0x1b: {  	s9 =	sadd.s32 $0xFFFFFEF7, lr;
	s5 =	simm.s32 $0xFFFFFFFF;
	p2 =	slt.u32 s8, $0xFFFFF086  }
0x1c: {  	p1 =	slt.u32 s9, $0xF7A;
	s5 =	simm.s32 @!p2 $0x0  }
0x1d: {  	s5 =	simm.s32 @p1 $0x1;
	p0 =	seq.s32 s7, s2  }
0x1e: {  	s7 =	smul.u32 @!p0 $0xF7A, s2;
	p2 =	seq.s32 @!p0 s5, $0x0  }
0x1f: {  	s9 =	smul.u32 $0xF7A, s1;
	s8 =	simm.s32 @!p0 $0x1BF5;
	p2 =	por !p2, p0  }
0x20: {  	[sflag:s8] =	ssyncset.s32 @!p0 $0xFFFFF086;
	s6 =	sadd.s32 @!p0 s3, s7;
	s7 =	simm.s32 @!p0 $0x108  }
0x21: {  	s3 =	sadd.s32 s3, s9;
	s6 =	sadd.s32 @!p0 $0x88, s6;
	s7 =	simm.s32 @p2 $0x1082  }
0x22: {  	[simem:s7], [sflag:s8] =	dma.local @!p0 [hbm:s6], $0xF7A  }
0x23: {  	s9 =	sor.u32 $0xD0000000, s2;
	s6 =	simm.s32 $0x108;
	_ =	swait.ge @!p0 [sflag:s8], $0x0  }
0x24: {  	s3 =	sadd.s32 $0x88, s3;
	s6 =	simm.s32 @!p1 $0x1082;
	[sflag:s4] =	ssyncset.s32 $0xFFFFF086  }
0x25: {  	[simem:s6], [sflag:s4] =	dma.local [hbm:s3], $0xF7A  }
0x26: {  	[smem:$0x3F9E] =	sst s1;
	(tag) =	ssettag s2;
	_ =	strace s9  }
0x27: {  	s1 =	sld [smem:$0x3FAE]  }
0x28: {  	s2 =	sld [smem:$0x3FAF]  }
0x29: {  	s4 =	sld [smem:$0x3FB1]  }
0x2a: {  	p0 =	seq.s32 s5, $0x0;
	s5 =	sld [smem:$0x3FB2]  }
0x2b: {  	s6 =	sld [smem:$0x3FB3]  }
0x2c: {  	s7 =	sld [smem:$0x3FB4]  }
0x2d: {  	s3 =	simm.s32 $0x108;
	s8 =	sld [smem:$0x3FB5]  }
0x2e: {  	s3 =	simm.s32 @!p0 $0x1082;
	s9 =	sld [smem:$0x3FB6]  }
0x2f: {  	lr =	sadd.s32 s0, s3;
	s0 =	sld [smem:$0x3FAD]  }
0x30: {  	s3 =	sld [smem:$0x3FB0]  }
0x31: {  	[smem:$0x3FB9] =	sst s10  }
0x32: {  	s10 =	sld [smem:$0x3FB7];
	_ =	sdelay $0x3  }
0x33: {  	p0 =	seq.s32 s10, $0x1;
	s10 =	sld [smem:$0x3FB9];
	_ =	sdelay $0x3  }
0x34: {  	[smem:$0x3FB9] =	sst s10  }
0x35: {  	s10 =	sld [smem:$0x3FB8];
	_ =	sdelay $0x3  }
0x36: {  	p1 =	seq.s32 s10, $0x1;
	s10 =	sld [smem:$0x3FB9];
	_ =	sdelay $0x3  }
0x37: {  	[smem:$0x3FB9] =	sst s10  }
0x38: {  	s10 =	sld [smem:$0x3FBA]  }
0x39: {  	_ = 	snop;
	(pc) =	sbr.ind lr, $3  }
0x3a: {  	_ = 	snop  }
0x3b: {  	_ = 	snop  }
0x3c: {  	p2 =	seq.s32 s10, $0x1;
	s10 =	sld [smem:$0x3FB9]  }
0x3d: {  	_ =	shalt  }
0x3e: {  	_ =	shalt  }
0x3f: {  	_ =	shalt  }
0x40: {  	_ =	shalt  }
0x41: {  	_ =	shalt  }
0x42: {  	_ =	shalt  }
0x43: {  	_ =	shalt  }
0x44: {  	_ =	shalt  }
0x45: {  	_ =	shalt  }
0x46: {  	_ =	shalt  }
0x47: {  	_ =	shalt  }
0x48: {  	_ =	shalt  }
0x49: {  	_ =	shalt  }
0x4a: {  	_ =	shalt  }
0x4b: {  	_ =	shalt  }
0x4c: {  	_ =	shalt  }
0x4d: {  	_ =	shalt  }
0x4e: {  	_ =	shalt  }
0x4f: {  	_ =	shalt  }
0x50: {  	_ =	shalt  }
0x51: {  	_ =	shalt  }
0x52: {  	_ =	shalt  }
0x53: {  	_ =	shalt  }
0x54: {  	_ =	shalt  }
0x55: {  	_ =	shalt  }
0x56: {  	_ =	shalt  }
0x57: {  	_ =	shalt  }
0x58: {  	_ =	shalt  }
0x59: {  	_ =	shalt  }
0x5a: {  	_ =	shalt  }
0x5b: {  	_ =	shalt  }
0x5c: {  	_ =	shalt  }
0x5d: {  	_ =	shalt  }
0x5e: {  	_ =	shalt  }
0x5f: {  	_ =	shalt  }
0x60: {  	_ =	shalt  }
0x61: {  	_ =	shalt  }
0x62: {  	_ =	shalt  }
0x63: {  	_ =	shalt  }
0x64: {  	_ =	shalt  }
0x65: {  	_ =	shalt  }
0x66: {  	_ =	shalt  }
0x67: {  	_ =	shalt  }
0x68: {  	_ =	shalt  }
0x69: {  	_ =	shalt  }
0x6a: {  	_ =	shalt  }
0x6b: {  	_ =	shalt  }
0x6c: {  	_ =	shalt  }
0x6d: {  	_ =	shalt  }
0x6e: {  	_ =	shalt  }
0x6f: {  	_ =	shalt  }
0x70: {  	_ =	shalt  }
0x71: {  	_ =	shalt  }
0x72: {  	_ =	shalt  }
0x73: {  	_ =	shalt  }
0x74: {  	_ =	shalt  }
0x75: {  	_ =	shalt  }
0x76: {  	_ =	shalt  }
0x77: {  	_ =	shalt  }
0x78: {  	_ =	shalt  }
0x79: {  	_ =	shalt  }
0x7a: {  	_ =	shalt  }
0x7b: {  	_ =	shalt  }
0x7c: {  	_ =	shalt  }
0x7d: {  	_ =	shalt  }
0x7e: {  	_ =	shalt  }
0x7f: {  	_ =	shalt  }
0x80: {  	_ =	shalt  }
0x81: {  	_ =	shalt  }
0x82: {  	_ =	shalt  }
0x83: {  	_ =	shalt  }
0x84: {  	_ =	shalt  }
0x85: {  	_ =	shalt  }
0x86: {  	_ =	shalt  }
0x87: {  	_ =	shalt  }
.Lfunc_end0:
.L_simem_size_0:
called_computation_lowered:
.L_overlay_start_0:
0x88: {  	s2 =	sld [smem:$0x3FD9]  }
0x89: {  	s3 =	sld [smem:$0x3FFE];
	_ =	sdelay $0x1  }
0x8a: {  	s1 =	srdreg.scid  }
0x8b: {  	s0 =	sand.u32 $0x1, s1  }
0x8c: {  	s17 =	sshll.u32 s0, $0xA;
	s2 =	sadd.s32 s3, s2  }
0x8d: {  	s2 =	sadd.s32 s2, s17  }
0x8e: {  	[smem:$0x3FC5] =	sst s2  }
0x8f: {  	_ = 	snop  }
0x90: {  	s2 =	sld [smem:$0x3FD0];
	(tm) =	ssettm $0x1  }
0x91: {  	s18 =	sld [smem:$0x3FFB];
	_ =	sdelay $0x3  }
0x92: {  	_ =	strace s18  }
0x93: {  	s3 =	sld [smem:$0x3FFC];
	_ =	sdelay $0x3  }
0x94: {  	_ =	strace s3  }
0x95: {  	s3 =	sld [smem:$0x3FFD];
	_ =	sdelay $0x3  }
0x96: {  	_ =	strace s3  }
0x97: {  	_ =	strace $0x8FFFFFFF  }
0x98: {  	s19 =	sld [smem:$0x3FDB];
	_ =	sdelay $0x1  }
0x99: {  	s4 =	simm.s32 $_scs_section_size  }
0x9a: {  	s5 =	simm.s32 $_size__tile_overlayer_lowered;
	s6 =	simm.s32 $_tile_overlayer_lowered  }
0x9b: {  	s22 =	simm.s32 $0x1BFF;
	s21 =	sshll.u32 s6, $0x1;
	s3 =	sadd.s32 s4, s19  }
0x9c: {  	s7 =	simm.s32 $0x0;
	s20 =	sshll.u32 s5, $0x1;
	s5 =	sadd.s32 s21, s3  }
0x9d: {  	[timem:s7], [sflag:s22] =	dma.local [hbm:s5], s20  }
0x9e: {  	_ =	swait.ge [sflag:s22], s20  }
0x9f: {  	s4 =	ssub.s32 $0x0, s20;
	[sflag:s22] =	ssyncset.done $0x0  }
0xa0: {  	[sflag:s22] =	ssyncadd.s32 s4;
	_ =	sdelay $0x1  }
0xa1: {  	s23 =	simm.s32 $0x1B8B  }
0xa2: {  	_ =	swait.ge [sflag:s23], $0x1  }
0xa3: {  	[sflag:s23] =	ssyncset.done $0x0  }
0xa4: {  	s25 =	simm.s32 $0x1B8E;
	s24 =	sld [smem:$0x3FFE];
	[sflag:s23] =	ssyncadd.s32 $0xFFFFFFFF  }
0xa5: {  	s26 =	simm.s32 $execute0_lowered;
	[smem:$0x3FD2] =	sst s25  }
0xa6: {  	s5 =	sshll.u32 s26, $0x1;
	_ =	strace $0x80000046;
	[dreg:$0x1] =	wrdreg $0xFFFFFFFF  }
0xa7: {  	s28 =	simm.s32 $_size_execute0_lowered;
	s3 =	sadd.s32 s3, s5;
	[dreg:$0x0] =	wrdreg $0x0  }
0xa8: {  	s5 =	sshll.u32 s28, $0x1;
	[dreg:$0x2] =	wrdreg s3  }
0xa9: {  	[dreg:$0x3] =	wrdreg s5  }
0xaa: {  	[dreg:$0x4] =	wrdreg $0xC0  }
0xab: {  	_ =	task [dreg:s7], $0x5FFFF  }
0xac: {  	[dreg:$0x1] =	wrdreg $0xFFFFFFFF  }
0xad: {  	[dreg:$0x0] =	wrdreg $0x60  }
0xae: {  	[dreg:$0x2] =	wrdreg s24  }
0xaf: {  	[dreg:$0x3] =	wrdreg s2  }
0xb0: {  	[dreg:$0x4] =	wrdreg $0x9  }
0xb1: {  	_ =	task.clear_ibuf [dreg:s7], $0x5FFFF;
	_ =	strace $0x90000046  }
0xb2: {  	s29 =	simm.s32 $0x9;
	_ =	strace $0x80000048  }
0xb3: {  	_ =	swait.ge [sflag:s29], $0x1  }
0xb4: {  	[sflag:s29] =	ssyncadd.s32 $0xFFFFFFFF  }
0xb5: {  	_ =	strace $0x90000048  }
0xb6: {  	_ =	sfence  }
0xb7: {  	s30 =	sld [smem:$0x0];
	_ =	sdelay $0x2  }
0xb8: {  	s31 =	sshll.u32 s1, $0xD;
	s1 =	sshrl.u32 s1, $0x2  }
0xb9: {  	s3 =	sand.u32 $0x4000, s31;
	s1 =	sadd.s32 s1, s30  }
0xba: {  	s0 =	sor.u32 s3, s0;
	s1 =	sshll.u32 s1, $0x11  }
0xbb: {  	s0 =	sor.u32 s1, s0  }
0xbc: {  	s0 =	sadd.s32 $0x8F2B, s0  }
0xbd: {  	[sflag:s0] =	ssyncadd.remote.s32 $0x1  }
0xbe: {  	_ =	sfence.sel $0xFFFF  }
0xbf: {  	[dreg:$0x0] =	wrdreg $0xFFFFFFFF;
	(pc) =	sbr.abs _section_cstart, $3  }
0xc0: {  	[dreg:$0x1] =	wrdreg $0xFFFFFFFF  }
0xc1: {  	_ =	task.clear_ibuf [dreg:s7], $0x2FFFF;
	_ =	strace $0x9FFFFFFF  }
0xc2: {  	(tm) =	ssettm $0x7FFFFFFF  }
0xc3: {  	_ =	shalt  }
tec
execute0_lowered:
.L_overlay_start_1:
0x0: {  	(tag) =	ssettag $0x1  }
0x1: {  	s0 =	rddreg [dreg:$0x0]  }
0x2: {  	s2 =	rddreg [dreg:$0x1];
	s3 =	simm.s32 $0x0  }
0x3: {  	s1 =	srdreg.scid;
	s12 =	stileid.u32;
	s16 =	simm.s32 $0x3  }
0x4: {  	s20 =	simm.s32 $0x8E0;
	s17 =	simm.s32 $0x1;
	s18 =	simm.s32 $0x15AE0  }
0x5: {  	s19 =	simm.s32 $0x40;
	s21 =	simm.s32 $0x3E800;
	s22 =	simm.s32 $0x18EE0  }
0x6: {  	s23 =	simm.s32 $0x2;
	s24 =	simm.s32 $0x0;
	[smem:$0x7FF] =	sst s3  }
0x7: {  	s1 =	sand.u32 $0x1, s1;
	s4 =	sshll.u32 s12, $0x1;
	s28 =	sadd.s32 $0x600, s0  }
0x8: {  	s31 =	sshll.u32 s12, $0x6;
	s12 =	sadd.s32 $0x80, s2;
	s13 =	sadd.s32 $0x88, s2  }
0x9: {  	_ =	strace $0x80000047;
	s6 =	sor.u32 s1, s4;
	s4 =	sadd.s32 $0xC00, s0  }
0xa: {  	s8 =	ssub.s32 $0x2, s1;
	[dreg:$0x3] =	wrdreg s28;
	s1 =	sshll.u32 s1, $0x5  }
0xb: {  	s5 =	sshll.u32 s6, $0x4;
	s7 =	sshll.u32 s6, $0x2;
	s11 =	sshrl.u32 s8, $0x1  }
0xc: {  	s6 =	sshll.u32 s6, $0x5;
	s1 =	sor.u32 s31, s1;
	s9 =	sadd.s32 s5, s0  }
0xd: {  	s10 =	sadd.s32 s7, s0;
	s0 =	sadd.s32 $0x800, s0;
	s29 =	ssub.s32 s8, s11  }
0xe: {  	s30 =	sxor.u32 $0x3E8, s6;
	s11 =	sadd.s32 $0x8, s2;
	s1 =	sxor.u32 $0x3E8, s1  }
0xf: {  	[dreg:$0x4] =	wrdreg s0;
	s8 =	smin.u32 s30, $0x20;
	s9 =	sadd.s32 $0xA00, s9  }
0x10: {  	v0 =	vimm.f32 $0.0e+00;
	s10 =	sadd.s32 $0x80C00, s10;
	s14 =	smin.u32 s1, $0x20;
	s15 =	smax.u32 s29, $0x1  }
.LBB2_1:
0x11: {  	[tilespmem:s3], [sflag:$0x3] =	stream.linear.gather [hbm4b:s9+s3], $0x80, $0x38;
	[tilespmem:$0x1C2E0] =	vst v63  }
0x12: {  	_ =	swait.ge [sflag:s16], $0x80  }
0x13: {  	[sflag:s16] =	ssyncset.done $0x0  }
0x14: {  	s0 =	simm.s32 $0x90;
	[sflag:s16] =	ssyncadd.s32 $0xFFFFFF80  }
0x15: {  	[tilespmem:s0], [sflag:$0x3] =	stream.linear.gather [hbm4b:s10+s3], $0x20, $0x38;
	[tilespmem:$0x1C2E0] =	vst v63  }
0x16: {  	_ =	swait.ge [sflag:s16], $0x20  }
0x17: {  	[sflag:s16] =	ssyncset.done $0x0  }
0x18: {  	s1 =	simm.s32 $0xC0;
	s31 =	rddreg [dreg:$0x3];
	[sflag:s16] =	ssyncadd.s32 $0xFFFFFFE0  }
0x19: {  	[tilespmem:s1], [sflag:$0x3] =	stream.linear.gather [hbm4b:s31+s3], $0xD0, $0x38;
	[tilespmem:$0x1C2E0] =	vst v63  }
0x1a: {  	_ =	swait.ge [sflag:s16], $0xD0  }
0x1b: {  	[sflag:s16] =	ssyncset.done $0x0  }
0x1c: {  	s5 =	simm.s32 $0x190;
	s1 =	rddreg [dreg:$0x4];
	[sflag:s16] =	ssyncadd.s32 $0xFFFFFF30  }
0x1d: {  	[tilespmem:s5], [sflag:$0x3] =	stream.linear.gather [hbm4b:s1+s3], $0xD0, $0x38;
	[tilespmem:$0x1C2E0] =	vst v63  }
0x1e: {  	_ =	swait.ge [sflag:s16], $0xD0  }
0x1f: {  	[sflag:s16] =	ssyncset.done $0x0  }
0x20: {  	[sflag:s16] =	ssyncadd.s32 $0xFFFFFF30  }
0x21: {  	v1 =	vld [tilespmem:$0x0];
	_ =	sdelay $0x4  }
0x22: {  	(v2sf) =	vpush v1, $0x0  }
0x23: {  	(v2sf) =	vpush v1, $0x1  }
0x24: {  	(v2sf) =	vpush v1, $0x2  }
0x25: {  	(v2sf) =	vpush v1, $0x3;
	_ =	sdelay $0xb  }
0x26: {  	s7 =	spop (v2sf)  }
0x27: {  	s29 =	spop (v2sf)  }
0x28: {  	s25 =	spop (v2sf)  }
0x29: {  	s26 =	spop (v2sf)  }
0x2a: {  	s26 =	ssub.f32 s26, s29  }
0x2b: {  	s25 =	ssub.f32 s25, s7  }
0x2c: {  	s26 =	smul.f32 $7.142857460e-02, s26  }
0x2d: {  	s25 =	smul.f32 $7.142857460e-02, s25  }
0x2e: {  	s26 =	smul.f32 $5.000000000e-01, s26  }
0x2f: {  	s25 =	smul.f32 $5.000000000e-01, s25  }
0x30: {  	s1 =	sadd.f32 s26, s29  }
0x31: {  	v1 =	vld [tilespmem:$0x90];
	s0 =	sadd.f32 s25, s7  }
0x32: {  	s1 =	sadd.f32 $-5.000000000e-01, s1  }
0x33: {  	s0 =	sadd.f32 $-5.000000000e-01, s0  }
0x34: {  	s1 =	smul.f32 $1.587301680e-02, s1  }
0x35: {  	s0 =	smul.f32 $1.587301680e-02, s0  }
0x36: {  	(v2sf) =	vpush v1, $0x0;
	s1 =	smul.f32 $6.300000000e+01, s1;
	_ =	sdelay $0x1  }
0x37: {  	s0 =	smul.f32 $6.300000000e+01, s0;
	s30 =	scvt.f32.s32 s1  }
0x38: {  	_ = 	snop  }
0x39: {  	s31 =	scvt.f32.s32 s0;
	s25 =	scvt.s32.f32 s30  }
0x3a: {  	_ = 	snop  }
0x3b: {  	s26 =	scvt.s32.f32 s31;
	p0 =	slt.f32 s1, s25  }
0x3c: {  	s1 =	simm.f32 $1.000000000e+00  }
0x3d: {  	p1 =	slt.f32 s0, s26;
	s1 =	simm.s32 @!p0 $0x0  }
0x3e: {  	s5 =	ssub.f32 s25, s1;
	s1 =	simm.f32 $1.000000000e+00  }
0x3f: {  	s1 =	simm.s32 @!p1 $0x0  }
0x40: {  	s1 =	ssub.f32 s26, s1;
	s0 =	scvt.f32.s32 s5  }
0x41: {  	_ = 	snop  }
0x42: {  	s1 =	scvt.f32.s32 s1;
	p0 =	sgt.s32 s0, $0x0  }
0x43: {  	s0 =	simm.s32 @!p0 $0x0  }
0x44: {  	s7 =	spop (v2sf);
	p0 =	sgt.s32 s1, $0x0;
	s0 =	smin.u32 s0, $0x33  }
0x45: {  	s25 =	sshll.u32 s7, $0xC;
	s1 =	simm.s32 @!p0 $0x0;
	s0 =	sshll.u32 s0, $0x6  }
0x46: {  	s0 =	sor.u32 s25, s0;
	s1 =	smin.u32 s1, $0x33  }
0x47: {  	s0 =	sor.u32 s1, s0  }
0x48: {  	s0 =	sshll.u32 s0, $0x8  }
0x49: {  	s26 =	sshrl.u32 s0, $0x3  }
0x4a: {  	s29 =	sadd.s32 $0x4000, s0;
	s1 =	sadd.s32 s4, s26  }
0x4b: {  	[tilespmem:s20], [sflag:$0x1] =	stream.linear.gather [hbm4b:s1+s3], $0xD00, $0x38;
	[tilespmem:$0x1C2E0] =	vst v63  }
0x4c: {  	s1 =	sshrl.u32 s29, $0x3  }
0x4d: {  	s5 =	simm.s32 $0x15E0;
	s30 =	sadd.s32 $0x8000, s0;
	s1 =	sadd.s32 s4, s1  }
0x4e: {  	[tilespmem:s5], [sflag:$0x1] =	stream.linear.gather [hbm4b:s1+s3], $0xD00, $0x38;
	[tilespmem:$0x1C2E0] =	vst v63  }
0x4f: {  	s1 =	sshrl.u32 s30, $0x3  }
0x50: {  	s31 =	simm.s32 $0x22E0;
	s7 =	sadd.s32 $0xC000, s0;
	s1 =	sadd.s32 s4, s1  }
0x51: {  	[tilespmem:s31], [sflag:$0x1] =	stream.linear.gather [hbm4b:s1+s3], $0xD00, $0x38;
	[tilespmem:$0x1C2E0] =	vst v63  }
0x52: {  	s1 =	sshrl.u32 s7, $0x3  }
0x53: {  	s25 =	simm.s32 $0x2FE0;
	s26 =	sadd.s32 $0x10000, s0;
	s1 =	sadd.s32 s4, s1  }
0x54: {  	[tilespmem:s25], [sflag:$0x1] =	stream.linear.gather [hbm4b:s1+s3], $0xD00, $0x38;
	[tilespmem:$0x1C2E0] =	vst v63  }
0x55: {  	s1 =	sshrl.u32 s26, $0x3  }
0x56: {  	s29 =	simm.s32 $0x3CE0;
	s30 =	sadd.s32 $0x14000, s0;
	s1 =	sadd.s32 s4, s1  }
0x57: {  	[tilespmem:s29], [sflag:$0x1] =	stream.linear.gather [hbm4b:s1+s3], $0xD00, $0x38;
	[tilespmem:$0x1C2E0] =	vst v63  }
0x58: {  	s1 =	sshrl.u32 s30, $0x3  }
0x59: {  	s31 =	simm.s32 $0x49E0;
	s7 =	sadd.s32 $0x18000, s0;
	s1 =	sadd.s32 s4, s1  }
0x5a: {  	[tilespmem:s31], [sflag:$0x1] =	stream.linear.gather [hbm4b:s1+s3], $0xD00, $0x38;
	[tilespmem:$0x1C2E0] =	vst v63  }
0x5b: {  	s1 =	sshrl.u32 s7, $0x3  }
0x5c: {  	s25 =	simm.s32 $0x56E0;
	s26 =	sadd.s32 $0x1C000, s0;
	s1 =	sadd.s32 s4, s1  }
0x5d: {  	[tilespmem:s25], [sflag:$0x1] =	stream.linear.gather [hbm4b:s1+s3], $0xD00, $0x38;
	[tilespmem:$0x1C2E0] =	vst v63  }
0x5e: {  	s1 =	sshrl.u32 s26, $0x3  }
0x5f: {  	s29 =	simm.s32 $0x63E0;
	s30 =	sadd.s32 $0x20000, s0;
	s1 =	sadd.s32 s4, s1  }
0x60: {  	[tilespmem:s29], [sflag:$0x1] =	stream.linear.gather [hbm4b:s1+s3], $0xD00, $0x38;
	[tilespmem:$0x1C2E0] =	vst v63  }
0x61: {  	s1 =	sshrl.u32 s30, $0x3  }
0x62: {  	s5 =	sadd.s32 $0x24000, s0;
	s31 =	simm.s32 $0x70E0;
	s1 =	sadd.s32 s4, s1  }
0x63: {  	[tilespmem:s31], [sflag:$0x1] =	stream.linear.gather [hbm4b:s1+s3], $0xD00, $0x38;
	[tilespmem:$0x1C2E0] =	vst v63  }
0x64: {  	s1 =	sshrl.u32 s5, $0x3  }
0x65: {  	s7 =	simm.s32 $0x7DE0;
	s25 =	sadd.s32 $0x28000, s0;
	s1 =	sadd.s32 s4, s1  }
0x66: {  	[tilespmem:s7], [sflag:$0x1] =	stream.linear.gather [hbm4b:s1+s3], $0xD00, $0x38;
	[tilespmem:$0x1C2E0] =	vst v63  }
0x67: {  	s1 =	sshrl.u32 s25, $0x3  }
0x68: {  	s26 =	simm.s32 $0x8AE0;
	s29 =	sadd.s32 $0x2C000, s0;
	s1 =	sadd.s32 s4, s1  }
0x69: {  	[tilespmem:s26], [sflag:$0x1] =	stream.linear.gather [hbm4b:s1+s3], $0xD00, $0x38;
	[tilespmem:$0x1C2E0] =	vst v63  }
0x6a: {  	s0 =	sadd.s32 $0x30000, s0;
	s1 =	sshrl.u32 s29, $0x3  }
0x6b: {  	s30 =	simm.s32 $0x97E0;
	s0 =	sshrl.u32 s0, $0x3;
	s1 =	sadd.s32 s4, s1  }
0x6c: {  	[tilespmem:s30], [sflag:$0x1] =	stream.linear.gather [hbm4b:s1+s3], $0xD00, $0x38;
	[tilespmem:$0x1C2E0] =	vst v63  }
0x6d: {  	s28 =	simm.s32 $0x0;
	s0 =	sadd.s32 s4, s0;
	s31 =	simm.s32 $0xA4E0  }
0x6e: {  	[tilespmem:s31], [sflag:$0x1] =	stream.linear.gather [hbm4b:s0+s3], $0xD00, $0x38;
	[tilespmem:$0x1C2E0] =	vst v63  }
.LBB2_2:
0x6f: {  	s0 =	sshll.u32 s28, $0x4  }
0x70: {  	s0 =	sshra.s32 s0, $0x2  }
0x71: {  	v1 =	vld [tilespmem:s0+$0x0];
	_ =	sdelay $0x4  }
0x72: {  	(v2sf) =	vpush v1, $0x0  }
0x73: {  	(v2sf) =	vpush v1, $0x1  }
0x74: {  	(v2sf) =	vpush v1, $0x2  }
0x75: {  	(v2sf) =	vpush v1, $0x3;
	_ =	sdelay $0xb  }
0x76: {  	s26 =	spop (v2sf)  }
0x77: {  	s29 =	spop (v2sf)  }
0x78: {  	s30 =	spop (v2sf)  }
0x79: {  	s31 =	spop (v2sf)  }
0x7a: {  	_ =	swait.ge [sflag:s17], $0xD00  }
0x7b: {  	[sflag:s17] =	ssyncset.done $0x0  }
0x7c: {  	[sflag:s17] =	ssyncadd.s32 $0xFFFFF300  }
0x7d: {  	_ =	swait.ge [sflag:s17], $0xD00  }
0x7e: {  	[sflag:s17] =	ssyncset.done $0x0  }
0x7f: {  	[sflag:s17] =	ssyncadd.s32 $0xFFFFF300  }
0x80: {  	_ =	swait.ge [sflag:s17], $0xD00  }
0x81: {  	[sflag:s17] =	ssyncset.done $0x0  }
0x82: {  	[sflag:s17] =	ssyncadd.s32 $0xFFFFF300  }
0x83: {  	_ =	swait.ge [sflag:s17], $0xD00  }
0x84: {  	[sflag:s17] =	ssyncset.done $0x0  }
0x85: {  	[sflag:s17] =	ssyncadd.s32 $0xFFFFF300  }
0x86: {  	_ =	swait.ge [sflag:s17], $0xD00  }
0x87: {  	[sflag:s17] =	ssyncset.done $0x0  }
0x88: {  	[sflag:s17] =	ssyncadd.s32 $0xFFFFF300  }
0x89: {  	_ =	swait.ge [sflag:s17], $0xD00  }
0x8a: {  	[sflag:s17] =	ssyncset.done $0x0  }
0x8b: {  	[sflag:s17] =	ssyncadd.s32 $0xFFFFF300  }
0x8c: {  	_ =	swait.ge [sflag:s17], $0xD00  }
0x8d: {  	[sflag:s17] =	ssyncset.done $0x0  }
0x8e: {  	[sflag:s17] =	ssyncadd.s32 $0xFFFFF300  }
0x8f: {  	_ =	swait.ge [sflag:s17], $0xD00  }
0x90: {  	[sflag:s17] =	ssyncset.done $0x0  }
0x91: {  	[sflag:s17] =	ssyncadd.s32 $0xFFFFF300  }
0x92: {  	_ =	swait.ge [sflag:s17], $0xD00  }
0x93: {  	[sflag:s17] =	ssyncset.done $0x0  }
0x94: {  	[sflag:s17] =	ssyncadd.s32 $0xFFFFF300  }
0x95: {  	_ =	swait.ge [sflag:s17], $0xD00  }
0x96: {  	[sflag:s17] =	ssyncset.done $0x0  }
0x97: {  	[sflag:s17] =	ssyncadd.s32 $0xFFFFF300  }
0x98: {  	_ =	swait.ge [sflag:s17], $0xD00  }
0x99: {  	[sflag:s17] =	ssyncset.done $0x0  }
0x9a: {  	s25 =	sadd.s32 $0x1, s28;
	[sflag:s17] =	ssyncadd.s32 $0xFFFFF300  }
0x9b: {  	p0 =	sge.u32 s25, s8;
	_ =	swait.ge [sflag:s17], $0xD00  }
.Ltmp0:
0x9c: {  	[sflag:s17] =	ssyncset.done $0x0;
	(pc) =	sbr.rel @p0 .LBB2_4-.Ltmp0, $4  }
0x9d: {  	[sflag:s17] =	ssyncadd.s32 $0xFFFFF300  }
0x9e: {  	_ =	swait.ge [sflag:s17], $0xD00  }
0x9f: {  	[sflag:s17] =	ssyncset.done $0x0  }
0xa0: {  	[sflag:s17] =	ssyncadd.s32 $0xFFFFF300  }
0xa1: {  	s0 =	sshll.u32 s25, $0x2  }
0xa2: {  	s0 =	sand.u32 $0x3FFFFFFC, s0  }
0xa3: {  	v1 =	vld [tilespmem:s0+$0x0];
	_ =	sdelay $0x4  }
0xa4: {  	(v2sf) =	vpush v1, $0x0  }
0xa5: {  	(v2sf) =	vpush v1, $0x1  }
0xa6: {  	(v2sf) =	vpush v1, $0x2  }
0xa7: {  	(v2sf) =	vpush v1, $0x3;
	_ =	sdelay $0xb  }
0xa8: {  	s0 =	spop (v2sf)  }
0xa9: {  	s1 =	spop (v2sf)  }
0xaa: {  	s5 =	spop (v2sf)  }
0xab: {  	s7 =	spop (v2sf)  }
0xac: {  	s7 =	ssub.f32 s7, s1  }
0xad: {  	s5 =	ssub.f32 s5, s0  }
0xae: {  	s7 =	smul.f32 $7.142857460e-02, s7  }
0xaf: {  	s5 =	smul.f32 $7.142857460e-02, s5  }
0xb0: {  	s7 =	smul.f32 $5.000000000e-01, s7  }
0xb1: {  	s5 =	smul.f32 $5.000000000e-01, s5  }
0xb2: {  	s1 =	sadd.f32 s7, s1  }
0xb3: {  	v1 =	vld [tilespmem:s25+$0x90];
	s0 =	sadd.f32 s5, s0  }
0xb4: {  	s1 =	sadd.f32 $-5.000000000e-01, s1  }
0xb5: {  	s0 =	sadd.f32 $-5.000000000e-01, s0  }
0xb6: {  	s1 =	smul.f32 $1.587301680e-02, s1  }
0xb7: {  	s0 =	smul.f32 $1.587301680e-02, s0  }
0xb8: {  	(v2sf) =	vpush v1, $0x0;
	s1 =	smul.f32 $6.300000000e+01, s1;
	_ =	sdelay $0x1  }
0xb9: {  	s0 =	smul.f32 $6.300000000e+01, s0;
	s5 =	scvt.f32.s32 s1  }
0xba: {  	_ = 	snop  }
0xbb: {  	s7 =	scvt.f32.s32 s0;
	s5 =	scvt.s32.f32 s5  }
0xbc: {  	_ = 	snop  }
0xbd: {  	s7 =	scvt.s32.f32 s7;
	p0 =	slt.f32 s1, s5  }
0xbe: {  	s1 =	simm.f32 $1.000000000e+00  }
0xbf: {  	s1 =	simm.s32 @!p0 $0x0;
	p0 =	slt.f32 s0, s7  }
0xc0: {  	s0 =	simm.f32 $1.000000000e+00;
	s1 =	ssub.f32 s5, s1  }
0xc1: {  	s0 =	simm.s32 @!p0 $0x0  }
0xc2: {  	s0 =	ssub.f32 s7, s0;
	s1 =	scvt.f32.s32 s1  }
0xc3: {  	_ = 	snop  }
0xc4: {  	s0 =	scvt.f32.s32 s0;
	p0 =	sgt.s32 s1, $0x0  }
0xc5: {  	s1 =	simm.s32 @!p0 $0x0  }
0xc6: {  	s7 =	spop (v2sf);
	p0 =	sgt.s32 s0, $0x0;
	s1 =	smin.u32 s1, $0x33  }
0xc7: {  	s5 =	sshll.u32 s7, $0xC;
	s0 =	simm.s32 @!p0 $0x0;
	s1 =	sshll.u32 s1, $0x6  }
0xc8: {  	s0 =	smin.u32 s0, $0x33;
	s1 =	sor.u32 s5, s1  }
0xc9: {  	s5 =	sand.u32 $0x1, s25;
	s0 =	sor.u32 s0, s1  }
0xca: {  	p0 =	seq.s32 s5, $0x1;
	s1 =	simm.s32 $0xA900;
	s0 =	sshll.u32 s0, $0x8  }
0xcb: {  	s1 =	simm.s32 @!p0 $0x0;
	s5 =	sshrl.u32 s0, $0x3  }
0xcc: {  	s7 =	sadd.s32 $0x8E0, s1;
	s5 =	sadd.s32 s4, s5  }
0xcd: {  	[tilespmem:s7], [sflag:$0x1] =	stream.linear.gather [hbm4b:s5+s3], $0xD00, $0x38;
	[tilespmem:$0x1C2E0] =	vst v63  }
0xce: {  	s7 =	sadd.s32 $0x4000, s0  }
0xcf: {  	s5 =	sshrl.u32 s7, $0x3  }
0xd0: {  	s7 =	sadd.s32 $0x15E0, s1;
	s5 =	sadd.s32 s4, s5  }
0xd1: {  	[tilespmem:s7], [sflag:$0x1] =	stream.linear.gather [hbm4b:s5+s3], $0xD00, $0x38;
	[tilespmem:$0x1C2E0] =	vst v63  }
0xd2: {  	s7 =	sadd.s32 $0x8000, s0  }
0xd3: {  	s5 =	sshrl.u32 s7, $0x3  }
0xd4: {  	s7 =	sadd.s32 $0x22E0, s1;
	s5 =	sadd.s32 s4, s5  }
0xd5: {  	[tilespmem:s7], [sflag:$0x1] =	stream.linear.gather [hbm4b:s5+s3], $0xD00, $0x38;
	[tilespmem:$0x1C2E0] =	vst v63  }
0xd6: {  	s7 =	sadd.s32 $0xC000, s0  }
0xd7: {  	s5 =	sshrl.u32 s7, $0x3  }
0xd8: {  	s7 =	sadd.s32 $0x2FE0, s1;
	s5 =	sadd.s32 s4, s5  }
0xd9: {  	[tilespmem:s7], [sflag:$0x1] =	stream.linear.gather [hbm4b:s5+s3], $0xD00, $0x38;
	[tilespmem:$0x1C2E0] =	vst v63  }
0xda: {  	s7 =	sadd.s32 $0x10000, s0  }
0xdb: {  	s5 =	sshrl.u32 s7, $0x3  }
0xdc: {  	s7 =	sadd.s32 $0x3CE0, s1;
	s5 =	sadd.s32 s4, s5  }
0xdd: {  	[tilespmem:s7], [sflag:$0x1] =	stream.linear.gather [hbm4b:s5+s3], $0xD00, $0x38;
	[tilespmem:$0x1C2E0] =	vst v63  }
0xde: {  	s7 =	sadd.s32 $0x14000, s0  }
0xdf: {  	s5 =	sshrl.u32 s7, $0x3  }
0xe0: {  	s7 =	sadd.s32 $0x49E0, s1;
	s5 =	sadd.s32 s4, s5  }
0xe1: {  	[tilespmem:s7], [sflag:$0x1] =	stream.linear.gather [hbm4b:s5+s3], $0xD00, $0x38;
	[tilespmem:$0x1C2E0] =	vst v63  }
0xe2: {  	s7 =	sadd.s32 $0x18000, s0  }
0xe3: {  	s5 =	sshrl.u32 s7, $0x3  }
0xe4: {  	s7 =	sor.u32 $0x56E0, s1;
	s5 =	sadd.s32 s4, s5  }
0xe5: {  	[tilespmem:s7], [sflag:$0x1] =	stream.linear.gather [hbm4b:s5+s3], $0xD00, $0x38;
	[tilespmem:$0x1C2E0] =	vst v63  }
0xe6: {  	s7 =	sadd.s32 $0x1C000, s0  }
0xe7: {  	s5 =	sshrl.u32 s7, $0x3  }
0xe8: {  	s7 =	sadd.s32 $0x63E0, s1;
	s5 =	sadd.s32 s4, s5  }
0xe9: {  	[tilespmem:s7], [sflag:$0x1] =	stream.linear.gather [hbm4b:s5+s3], $0xD00, $0x38;
	[tilespmem:$0x1C2E0] =	vst v63  }
0xea: {  	s7 =	sadd.s32 $0x20000, s0  }
0xeb: {  	s5 =	sshrl.u32 s7, $0x3  }
0xec: {  	s7 =	sadd.s32 $0x70E0, s1;
	s5 =	sadd.s32 s4, s5  }
0xed: {  	[tilespmem:s7], [sflag:$0x1] =	stream.linear.gather [hbm4b:s5+s3], $0xD00, $0x38;
	[tilespmem:$0x1C2E0] =	vst v63  }
0xee: {  	s7 =	sadd.s32 $0x24000, s0  }
0xef: {  	s5 =	sshrl.u32 s7, $0x3  }
0xf0: {  	s7 =	sadd.s32 $0x7DE0, s1;
	s5 =	sadd.s32 s4, s5  }
0xf1: {  	[tilespmem:s7], [sflag:$0x1] =	stream.linear.gather [hbm4b:s5+s3], $0xD00, $0x38;
	[tilespmem:$0x1C2E0] =	vst v63  }
0xf2: {  	s7 =	sadd.s32 $0x28000, s0  }
0xf3: {  	s5 =	sshrl.u32 s7, $0x3  }
0xf4: {  	s7 =	sadd.s32 $0x8AE0, s1;
	s5 =	sadd.s32 s4, s5  }
0xf5: {  	[tilespmem:s7], [sflag:$0x1] =	stream.linear.gather [hbm4b:s5+s3], $0xD00, $0x38;
	[tilespmem:$0x1C2E0] =	vst v63  }
0xf6: {  	s7 =	sadd.s32 $0x2C000, s0  }
0xf7: {  	s0 =	sadd.s32 $0x30000, s0;
	s5 =	sshrl.u32 s7, $0x3  }
0xf8: {  	s7 =	sadd.s32 $0x97E0, s1;
	s0 =	sshrl.u32 s0, $0x3;
	s5 =	sadd.s32 s4, s5  }
0xf9: {  	[tilespmem:s7], [sflag:$0x1] =	stream.linear.gather [hbm4b:s5+s3], $0xD00, $0x38;
	[tilespmem:$0x1C2E0] =	vst v63  }
0xfa: {  	s1 =	sadd.s32 $0xA4E0, s1;
	s0 =	sadd.s32 s4, s0  }
0xfb: {  	[tilespmem:s1], [sflag:$0x1] =	stream.linear.gather [hbm4b:s0+s3], $0xD00, $0x38;
	[tilespmem:$0x1C2E0] =	vst v63  }
.LBB2_4:
0xfc: {  	s0 =	ssub.f32 s31, s29  }
0xfd: {  	s1 =	ssub.f32 s30, s26  }
0xfe: {  	s0 =	smul.f32 $7.142857460e-02, s0  }
0xff: {  	s1 =	smul.f32 $7.142857460e-02, s1  }
0x100: {  	s5 =	smul.f32 $5.000000000e-01, s0  }
0x101: {  	s7 =	smul.f32 $5.000000000e-01, s1  }
0x102: {  	s0 =	smul.f32 $1.300000000e+01, s0  }
0x103: {  	s1 =	smul.f32 $1.300000000e+01, s1  }
0x104: {  	s5 =	sadd.f32 s5, s29;
	s0 =	smul.f32 $1.587301680e-02, s0  }
0x105: {  	s7 =	sadd.f32 s7, s26;
	s1 =	smul.f32 $1.587301680e-02, s1  }
0x106: {  	s5 =	sadd.f32 $-5.000000000e-01, s5;
	s0 =	smul.f32 $6.300000000e+01, s0  }
0x107: {  	s29 =	simm.s32 $0x0;
	s7 =	sadd.f32 $-5.000000000e-01, s7;
	s1 =	smul.f32 $6.300000000e+01, s1  }
0x108: {  	v1 =	vld [tilespmem:s29+$0xC0];
	s5 =	smul.f32 $1.587301680e-02, s5  }
0x109: {  	s7 =	smul.f32 $1.587301680e-02, s7  }
0x10a: {  	v2 =	vld [tilespmem:s29+$0x190];
	s0 =	smul.f32 $7.692307980e-02, s0  }
0x10b: {  	s1 =	smul.f32 $7.692307980e-02, s1  }
0x10c: {  	s5 =	smul.f32 $6.300000000e+01, s5;
	v3 =	vmov s0  }
0x10d: {  	v1 =	vmul.f32 v1, v3  }
0x10e: {  	s7 =	smul.f32 $6.300000000e+01, s7;
	v5 =	vmov s1;
	s26 =	scvt.f32.s32 s5;
	v4 =	vmov s5  }
0x10f: {  	v10 =	vadd.f32 v1, v4;
	v1 =	vmul.f32 v2, v5  }
0x110: {  	v6 =	vmov s7;
	s26 =	scvt.s32.f32 s26  }
0x111: {  	v7 =	vadd.f32 v1, v6;
	v1 =	vtrunc.f32 v10  }
0x112: {  	s30 =	scvt.f32.s32 s7;
	p0 =	slt.f32 s5, s26;
	v1 =	vcvt.f32.s32 v1  }
0x113: {  	s31 =	simm.f32 $1.000000000e+00;
	vm0 =	vge.f32 v10, $0.0e+00;
	v8 =	vtrunc.f32 v7  }
0x114: {  	s30 =	scvt.s32.f32 s30;
	vm1 =	vle.f32 v10, $6.300000000e+01;
	s31 =	simm.s32 @!p0 $0x0;
	v9 =	vcvt.s32.f32 v1;
	v8 =	vcvt.f32.s32 v8  }
0x115: {  	vm0 =	vmand vm0, vm1;
	vm2 =	vge.f32 v7, $0.0e+00;
	vm3 =	vle.f32 v7, $6.300000000e+01;
	s26 =	ssub.f32 s26, s31  }
0x116: {  	p0 =	slt.f32 s7, s30;
	vm1 =	vmand vm2, vm3;
	vm2 =	vlt.f32 v10, v9;
	v11 =	vcvt.s32.f32 v8  }
0x117: {  	s31 =	simm.f32 $1.000000000e+00;
	vm0 =	vmand vm0, vm1;
	vm3 =	vgt.f32 v10, v9;
	s0 =	scvt.f32.s32 s26;
	v8 =	vsel vm2, $0x3F800000, v0  }
0x118: {  	s31 =	simm.s32 @!p0 $0x0;
	v12 =	vsel vm3, $0x3F800000, v0;
	v14 =	vsub.f32 v9, v8;
	vm1 =	vgt.f32 v7, v11  }
0x119: {  	s26 =	ssub.f32 s30, s31;
	v9 =	vadd.f32 v9, v12;
	vm2 =	vlt.f32 v7, v11;
	p0 =	sgt.s32 s0, $0x0;
	v12 =	vsel vm1, $0x3F800000, v0  }
0x11a: {  	v8 =	vsel vm0, $0x3F800000, v0;
	v13 =	vsel vm2, $0x3F800000, v0;
	s0 =	simm.s32 @!p0 $0x0;
	v12 =	vadd.f32 v11, v12  }
0x11b: {  	s1 =	scvt.f32.s32 s26;
	v15 =	vmax.f32 v9, $0.0e+00;
	v9 =	vsub.f32 v11, v13;
	v11 =	vmax.f32 v14, $0.0e+00;
	s0 =	smin.u32 s0, $0x33  }
0x11c: {  	v13 =	vmin.f32 v15, $6.300000000e+01;
	v11 =	vmin.f32 v11, $6.300000000e+01;
	v2 =	vmov s0  }
0x11d: {  	p0 =	sgt.s32 s1, $0x0;
	v13 =	vtrunc.f32 v13;
	v12 =	vmax.f32 v12, $0.0e+00;
	v11 =	vtrunc.f32 v11  }
0x11e: {  	s1 =	simm.s32 @!p0 $0x0;
	v15 =	vmax.f32 v9, $0.0e+00;
	v13 =	vcvt.f32.s32 v13;
	v12 =	vmin.f32 v12, $6.300000000e+01  }
0x11f: {  	s7 =	smin.u32 s1, $0x33;
	v11 =	vcvt.f32.s32 v11;
	v15 =	vmin.f32 v15, $6.300000000e+01;
	v12 =	vtrunc.f32 v12  }
0x120: {  	v1 =	vmov s7;
	v13 =	vsub.s32 v13, v2;
	v16 =	vcvt.f32.s32 v12  }
0x121: {  	v12 =	vsub.s32 v11, v2;
	v11 =	vtrunc.f32 v15;
	vm0 =	vgt.s32 v13, $0x0  }
0x122: {  	s26 =	sand.u32 $0x1, s28;
	v15 =	vnsel vm0, $0x0, v13;
	v13 =	vcvt.f32.s32 v11;
	v16 =	vsub.s32 v16, v1  }
0x123: {  	p0 =	seq.s32 s26, $0x1;
	s26 =	simm.s32 $0xA900;
	v11 =	vsub.f32 v10, v14;
	v10 =	vmin.u32 v15, $0xC;
	vm1 =	vgt.s32 v16, $0x0  }
0x124: {  	s30 =	simm.s32 $0x10;
	s31 =	simm.s32 $0x80;
	s26 =	simm.s32 @!p0 $0x0;
	vm0 =	vgt.s32 v12, $0x0;
	v14 =	vnsel vm1, $0x0, v16;
	v10 =	vmul.u32 $0xD, v10  }
.LBB2_5:
0x125: {  	p0 =	sne.s32 s31, $0x300;
	v15 =	vld [tilespmem:s30+$0xC0];
	v12 =	vnsel vm0, $0x0, v12;
	v13 =	vsub.s32 v13, v1;
	v14 =	vmin.u32 v14, $0xC  }
0x126: {  	v7 =	vsub.f32 v7, v9;
	v9 =	vsub.f32 $1.000000000e+00, v11;
	v16 =	vadd.s32 v14, v10  }
0x127: {  	v12 =	vmin.u32 v12, $0xC;
	vm0 =	vgt.s32 v13, $0x0;
	v17 =	vld [tilespmem:s30+$0x190];
	v16 =	vshll.u32 v16, $0x8  }
0x128: {  	v13 =	vnsel vm0, $0x0, v13;
	v9 =	vmul.f32 v9, v8;
	v12 =	vmul.u32 $0xD, v12;
	[tilespmem:s29+$0x810] =	vst v16  }
0x129: {  	v8 =	vmul.f32 v11, v8;
	v13 =	vmin.u32 v13, $0xC;
	v16 =	vsub.f32 $1.000000000e+00, v7  }
0x12a: {  	v11 =	vmul.f32 v15, v3;
	v15 =	vadd.s32 v13, v12;
	v12 =	vadd.s32 v14, v12  }
0x12b: {  	v10 =	vadd.s32 v13, v10;
	v14 =	vmul.f32 v16, v9;
	v9 =	vmul.f32 v9, v7  }
0x12c: {  	v16 =	vmul.f32 v16, v8;
	v11 =	vadd.f32 v11, v4;
	v13 =	vmul.f32 v17, v5  }
0x12d: {  	v8 =	vmul.f32 v7, v8;
	v12 =	vshll.u32 v12, $0x8;
	[tilespmem:s29+$0x260] =	vst v14;
	v14 =	vshll.u32 v15, $0x8  }
0x12e: {  	v7 =	vadd.f32 v13, v6;
	vm0 =	vge.f32 v11, $0.0e+00;
	v13 =	vtrunc.f32 v11;
	[tilespmem:s29+$0x5A0] =	vst v14  }
0x12f: {  	v10 =	vshll.u32 v10, $0x8;
	vm1 =	vle.f32 v11, $6.300000000e+01;
	v13 =	vcvt.f32.s32 v13;
	[tilespmem:s29+$0x670] =	vst v12  }
0x130: {  	vm2 =	vge.f32 v7, $0.0e+00;
	vm3 =	vle.f32 v7, $6.300000000e+01;
	v12 =	vtrunc.f32 v7;
	[tilespmem:s29+$0x740] =	vst v10  }
0x131: {  	vm0 =	vmand vm0, vm1;
	v10 =	vcvt.s32.f32 v13;
	v12 =	vcvt.f32.s32 v12;
	[tilespmem:s29+$0x330] =	vst v9  }
0x132: {  	vm1 =	vmand vm2, vm3;
	[tilespmem:s29+$0x400] =	vst v16  }
0x133: {  	vm2 =	vlt.f32 v11, v10;
	v9 =	vcvt.s32.f32 v12;
	vm3 =	vgt.f32 v11, v10;
	[tilespmem:s29+$0x4D0] =	vst v8;
	s29 =	smov.u32 s30  }
0x134: {  	vm0 =	vmand vm0, vm1;
	v8 =	vsel vm2, $0x3F800000, v0;
	v12 =	vsel vm3, $0x3F800000, v0  }
0x135: {  	v14 =	vsub.f32 v10, v8;
	v10 =	vadd.f32 v10, v12;
	vm1 =	vgt.f32 v7, v9  }
0x136: {  	vm2 =	vlt.f32 v7, v9;
	v8 =	vsel vm0, $0x3F800000, v0;
	v12 =	vsel vm1, $0x3F800000, v0  }
0x137: {  	v13 =	vsel vm2, $0x3F800000, v0;
	v12 =	vadd.f32 v9, v12;
	v10 =	vmax.f32 v10, $0.0e+00  }
0x138: {  	v9 =	vsub.f32 v9, v13;
	v13 =	vmax.f32 v14, $0.0e+00;
	v10 =	vmin.f32 v10, $6.300000000e+01  }
0x139: {  	v13 =	vmin.f32 v13, $6.300000000e+01;
	v10 =	vtrunc.f32 v10;
	v12 =	vmax.f32 v12, $0.0e+00  }
0x13a: {  	v13 =	vtrunc.f32 v13;
	v10 =	vcvt.f32.s32 v10;
	v12 =	vmin.f32 v12, $6.300000000e+01  }
0x13b: {  	v15 =	vmax.f32 v9, $0.0e+00;
	v13 =	vcvt.f32.s32 v13;
	v12 =	vtrunc.f32 v12  }
.Ltmp1:
0x13c: {  	v15 =	vmin.f32 v15, $6.300000000e+01;
	v10 =	vsub.s32 v10, v2;
	v16 =	vcvt.f32.s32 v12;
	(pc) =	sbr.rel @p0 .LBB2_5-.Ltmp1, $4  }
0x13d: {  	v12 =	vsub.s32 v13, v2;
	v13 =	vtrunc.f32 v15;
	vm0 =	vgt.s32 v10, $0x0  }
0x13e: {  	v13 =	vcvt.f32.s32 v13;
	v10 =	vnsel vm0, $0x0, v10;
	v15 =	vsub.s32 v16, v1  }
0x13f: {  	v11 =	vsub.f32 v11, v14;
	v10 =	vmin.u32 v10, $0xC;
	vm1 =	vgt.s32 v15, $0x0  }
0x140: {  	s30 =	sshra.s32 s31, $0x2;
	s31 =	sadd.s32 $0x40, s31;
	vm0 =	vgt.s32 v12, $0x0;
	v14 =	vnsel vm1, $0x0, v15;
	v10 =	vmul.u32 $0xD, v10  }
0x141: {  	v15 =	vld [tilespmem:s30+$0xC0]  }
0x142: {  	v12 =	vnsel vm0, $0x0, v12;
	v13 =	vsub.s32 v13, v1;
	v36 =	vld [tilespmem:s30+$0x190]  }
0x143: {  	v14 =	vmin.u32 v14, $0xC;
	v7 =	vsub.f32 v7, v9;
	v16 =	vsub.f32 $1.000000000e+00, v11  }
0x144: {  	v38 =	vmul.f32 v11, v8;
	v17 =	vadd.s32 v14, v10;
	vm6 =	vgt.s32 v13, $0x0  }
0x145: {  	v12 =	vmin.u32 v12, $0xC;
	v13 =	vnsel vm6, $0x0, v13;
	v16 =	vmul.f32 v16, v8  }
0x146: {  	v12 =	vmul.u32 $0xD, v12;
	v37 =	vsub.f32 $1.000000000e+00, v7;
	v3 =	vmul.f32 v15, v3  }
0x147: {  	v17 =	vshll.u32 v17, $0x8;
	v13 =	vmin.u32 v13, $0xC;
	v40 =	vmul.f32 v36, v5  }
0x148: {  	v39 =	vadd.s32 v13, v12;
	v42 =	vmul.f32 v37, v16;
	v3 =	vadd.f32 v3, v4  }
0x149: {  	v43 =	vmul.f32 v16, v7;
	v44 =	vmul.f32 v37, v38;
	v4 =	vadd.f32 v40, v6  }
0x14a: {  	v41 =	vadd.s32 v14, v12;
	v7 =	vmul.f32 v7, v38;
	v45 =	vtrunc.f32 v3  }
0x14b: {  	v46 =	vadd.s32 v13, v10;
	v48 =	vtrunc.f32 v4;
	v6 =	vcvt.f32.s32 v45  }
0x14c: {  	v47 =	vshll.u32 v39, $0x8;
	v5 =	vshll.u32 v41, $0x8;
	v11 =	vcvt.f32.s32 v48  }
0x14d: {  	v10 =	vshll.u32 v46, $0x8;
	vm7 =	vge.f32 v3, $0.0e+00;
	v6 =	vcvt.s32.f32 v6  }
0x14e: {  	vm1 =	vle.f32 v3, $6.300000000e+01;
	vm2 =	vge.f32 v4, $0.0e+00;
	v11 =	vcvt.s32.f32 v11  }
0x14f: {  	vm3 =	vle.f32 v4, $6.300000000e+01;
	vm0 =	vmand vm7, vm1;
	vm8 =	vgt.f32 v3, v6  }
0x150: {  	vm9 =	vlt.f32 v3, v6;
	vm10 =	vgt.f32 v4, v11;
	vm11 =	vlt.f32 v4, v11  }
0x151: {  	v49 =	vsel vm8, $0x3F800000, v0;
	v50 =	vsel vm9, $0x3F800000, v0;
	v51 =	vsel vm10, $0x3F800000, v0  }
0x152: {  	v52 =	vsel vm11, $0x3F800000, v0;
	v13 =	vadd.f32 v6, v49;
	v6 =	vsub.f32 v6, v50  }
0x153: {  	vm2 =	vmand vm2, vm3;
	v15 =	vadd.f32 v11, v51;
	v11 =	vsub.f32 v11, v52  }
0x154: {  	vm0 =	vmand vm0, vm2;
	v13 =	vmax.f32 v13, $0.0e+00;
	v53 =	vmax.f32 v6, $0.0e+00  }
0x155: {  	v15 =	vmax.f32 v15, $0.0e+00;
	v18 =	vmax.f32 v11, $0.0e+00;
	v3 =	vsub.f32 v3, v6  }
0x156: {  	v13 =	vmin.f32 v13, $6.300000000e+01;
	v16 =	vmin.f32 v53, $6.300000000e+01;
	v15 =	vmin.f32 v15, $6.300000000e+01  }
0x157: {  	v18 =	vmin.f32 v18, $6.300000000e+01;
	v13 =	vtrunc.f32 v13;
	v16 =	vtrunc.f32 v16  }
0x158: {  	v4 =	vsub.f32 v4, v11;
	v15 =	vtrunc.f32 v15;
	v18 =	vtrunc.f32 v18  }
0x159: {  	v58 =	vsub.f32 $1.000000000e+00, v3;
	v13 =	vcvt.f32.s32 v13;
	v16 =	vcvt.f32.s32 v16  }
0x15a: {  	[tilespmem:s29+$0x810] =	vst v17;
	v54 =	vsel vm0, $0x3F800000, v0;
	v15 =	vcvt.f32.s32 v15;
	v55 =	vcvt.f32.s32 v18  }
0x15b: {  	[tilespmem:s29+$0x670] =	vst v5;
	v59 =	vsub.f32 $1.000000000e+00, v4;
	v5 =	vmul.f32 v58, v54;
	v13 =	vsub.s32 v13, v2  }
0x15c: {  	[tilespmem:s29+$0x260] =	vst v42;
	v2 =	vsub.s32 v16, v2;
	v15 =	vsub.s32 v15, v1;
	v1 =	vsub.s32 v55, v1  }
0x15d: {  	[tilespmem:s29+$0x5A0] =	vst v47;
	vm12 =	vgt.s32 v13, $0x0;
	vm13 =	vgt.s32 v15, $0x0;
	vm14 =	vgt.s32 v2, $0x0  }
0x15e: {  	[tilespmem:s29+$0x740] =	vst v10;
	vm15 =	vgt.s32 v1, $0x0;
	v62 =	vmul.f32 v59, v5;
	v13 =	vnsel vm12, $0x0, v13  }
0x15f: {  	[tilespmem:s29+$0x330] =	vst v43;
	v5 =	vmul.f32 v5, v4;
	v2 =	vnsel vm14, $0x0, v2;
	v56 =	vmin.u32 v13, $0xC  }
0x160: {  	[tilespmem:s29+$0x400] =	vst v44;
	v57 =	vnsel vm13, $0x0, v15;
	v2 =	vmin.u32 v2, $0xC;
	v6 =	vmul.u32 $0xD, v56  }
0x161: {  	[tilespmem:s29+$0x4D0] =	vst v7;
	v1 =	vnsel vm15, $0x0, v1;
	v8 =	vmin.u32 v57, $0xC;
	v2 =	vmul.u32 $0xD, v2  }
0x162: {  	v1 =	vmin.u32 v1, $0xC;
	[tilespmem:s30+$0x260] =	vst v62;
	v60 =	vadd.s32 v8, v6  }
0x163: {  	[tilespmem:s30+$0x330] =	vst v5;
	v63 =	vadd.s32 v1, v2;
	v61 =	vshll.u32 v60, $0x8  }
0x164: {  	v3 =	vmul.f32 v3, v54;
	v2 =	vadd.s32 v8, v2;
	v7 =	vshll.u32 v63, $0x8;
	[tilespmem:s30+$0x810] =	vst v61  }
0x165: {  	v1 =	vadd.s32 v1, v6;
	v2 =	vshll.u32 v2, $0x8;
	[tilespmem:s30+$0x5A0] =	vst v7  }
0x166: {  	v1 =	vshll.u32 v1, $0x8;
	[tilespmem:s30+$0x670] =	vst v2;
	v2 =	vmul.f32 v59, v3  }
0x167: {  	[tilespmem:s30+$0x740] =	vst v1;
	v1 =	vmul.f32 v4, v3  }
0x168: {  	p0 =	seq.s32 s28, $0x0;
	[tilespmem:s30+$0x400] =	vst v2  }
0x169: {  	s0 =	simm.s32 @!p0 $0x2;
	[tilespmem:s30+$0x4D0] =	vst v1  }
0x16a: {  	_ =	swait.ge @!p0 [sflag:s0], $0x3100  }
0x16b: {  	[sflag:s0] =	ssyncset.done @!p0 $0x0  }
0x16c: {  	s29 =	sadd.s32 s6, s28;
	v1 =	vmov s26;
	s30 =	simm.s32 $0x0;
	[sflag:s0] =	ssyncadd.s32 @!p0 $0xFFFFCF00  }
.LBB2_7:
0x16d: {  	s0 =	sshll.u32 s30, $0x4  }
0x16e: {  	v2 =	vld [tilespmem:s0+$0x810]  }
0x16f: {  	v3 =	vld [tilespmem:s0+$0x5A0]  }
0x170: {  	v5 =	vld [tilespmem:s0+$0x670]  }
0x171: {  	v7 =	vld [tilespmem:s0+$0x740];
	_ =	sdelay $0x1  }
0x172: {  	v9 =	vlaneseq.u32;
	v6 =	vadd.s32 v1, v2  }
0x173: {  	v11 =	vadd.s32 v1, v3;
	v8 =	vadd.s32 v6, v9  }
0x174: {  	v4 =	vld [tilespmem:s0+$0x260];
	v10 =	vadd.s32 v1, v5;
	v12 =	vadd.s32 v11, v9  }
0x175: {  	v16 =	vadd.s32 $0x3, v9;
	v5 =	vld [tilespmem:s0+$0x330];
	v7 =	vadd.s32 v1, v7;
	v13 =	vadd.s32 v10, v9  }
0x176: {  	v21 =	vand.u32 $0x3F, v16;
	v2 =	vadd.s32 $0x1, v9;
	v3 =	vld [tilespmem:s0+$0x400];
	v14 =	vadd.s32 v7, v9  }
0x177: {  	v15 =	vand.u32 $0x3F, v2;
	v2 =	vld [tilespmem:s0+$0x4D0];
	v16 =	vadd.s32 v11, v21  }
0x178: {  	v25 =	vadd.s32 v10, v21;
	v19 =	vld.idx.msk [tilespmem:v8+s20+$0x0], $0xffff  }
0x179: {  	v18 =	vadd.s32 $0x2, v9;
	v17 =	vadd.s32 v10, v15;
	v12 =	vld.idx.msk [tilespmem:v12+s20+$0x0], $0xffff  }
0x17a: {  	v18 =	vand.u32 $0x3F, v18;
	v20 =	vadd.s32 v11, v15;
	v13 =	vld.idx.msk [tilespmem:v13+s20+$0x0], $0xffff  }
0x17b: {  	v23 =	vmul.u32 $0x40, v9;
	v22 =	vadd.s32 v11, v18;
	v29 =	vadd.s32 v10, v18;
	v24 =	vld.idx.msk [tilespmem:v14+s20+$0x0], $0xffff  }
0x17c: {  	v31 =	vadd.s32 v6, v21;
	v32 =	vadd.s32 v7, v18;
	v37 =	vadd.s32 v6, v18;
	v30 =	vld.idx.msk [tilespmem:v16+s20+$0x0], $0xffff  }
0x17d: {  	v27 =	vadd.s32 v7, v15;
	v8 =	vmov s0;
	v14 =	vadd.s32 $0x4, v9;
	v35 =	vld.idx.msk [tilespmem:v25+s20+$0x0], $0xffff  }
0x17e: {  	v8 =	vshll.u32 v8, $0x6;
	v26 =	vld.idx.msk [tilespmem:v17+s20+$0x0], $0xffff;
	v17 =	vadd.s32 v7, v21;
	v28 =	vand.u32 $0x3F, v14  }
0x17f: {  	v36 =	vadd.s32 v6, v15;
	v20 =	vld.idx.msk [tilespmem:v20+s20+$0x0], $0xffff;
	v8 =	vor.u32 v23, v8;
	v23 =	vadd.s32 $0x4, v28  }
0x180: {  	v16 =	vand.u32 $0x3F, v23;
	v23 =	vld.idx.msk [tilespmem:v22+s20+$0x0], $0xffff;
	v12 =	vmul.f32 v12, v4;
	v22 =	vmul.f32 v13, v5  }
0x181: {  	v25 =	vld.idx.msk [tilespmem:v29+s20+$0x0], $0xffff;
	v38 =	vadd.s32 v6, v28;
	v29 =	vadd.s32 v10, v28;
	v13 =	vor.u32 v8, v18  }
0x182: {  	v24 =	vmul.f32 v24, v3;
	v18 =	vor.u32 v8, v15;
	v15 =	vld.idx.msk [tilespmem:v31+s20+$0x0], $0xffff;
	v33 =	vadd.f32 v22, v12  }
0x183: {  	v34 =	vadd.s32 $0x3, v28;
	v14 =	vor.u32 v8, v9;
	v9 =	vor.u32 v8, v28;
	v17 =	vld.idx.msk [tilespmem:v17+s20+$0x0], $0xffff  }
0x184: {  	v19 =	vmul.f32 v19, v2;
	v35 =	vmul.f32 v35, v5;
	v22 =	vld.idx.msk [tilespmem:v27+s20+$0x0], $0xffff;
	v24 =	vadd.f32 v24, v33  }
0x185: {  	v20 =	vmul.f32 v20, v4;
	v26 =	vmul.f32 v26, v5;
	v12 =	vor.u32 v8, v21;
	v21 =	vld.idx.msk [tilespmem:v32+s20+$0x0], $0xffff  }
0x186: {  	v32 =	vmul.f32 v30, v4;
	v30 =	vld.idx.msk [tilespmem:v38+s20+$0x0], $0xffff;
	v33 =	vadd.s32 v11, v28;
	v31 =	vadd.f32 v19, v24  }
0x187: {  	v19 =	vadd.f32 v26, v20;
	v24 =	vld.idx.msk [tilespmem:v37+s20+$0x0], $0xffff;
	v20 =	vadd.s32 $0x1, v28;
	v26 =	vadd.s32 $0x2, v28  }
0x188: {  	s31 =	simm.s32 $0x4;
	v27 =	vadd.s32 v7, v28;
	v28 =	vld.idx.msk [tilespmem:v36+s20+$0x0], $0xffff;
	v20 =	vand.u32 $0x3F, v20;
	v26 =	vand.u32 $0x3F, v26  }
.LBB2_8:
0x189: {  	v36 =	vadd.s32 v11, v20  }
0x18a: {  	s31 =	sadd.s32 $0x4, s31;
	v37 =	vadd.s32 v10, v20;
	v23 =	vmul.f32 v23, v4;
	v38 =	vmovc v16;
	v39 =	vmovc v13;
	v40 =	vmov v18  }
0x18b: {  	v13 =	vor.u32 v8, v16;
	v16 =	vadd.s32 $0x4, v16;
	p1 =	slt.u32 s31, $0x3C;
	v18 =	vld.idx.msk [tilespmem:v33+s20+$0x0], $0xffff;
	v33 =	vadd.s32 v10, v26  }
0x18c: {  	v41 =	vadd.s32 v11, v26;
	v34 =	vand.u32 $0x3F, v34;
	v16 =	vand.u32 $0x3F, v16;
	[tilespmem:v14+s18+$0x0] =	vst.idx.msk $0xffff, v31;
	v14 =	vmovc v9  }
0x18d: {  	v22 =	vmul.f32 v22, v3;
	v42 =	vadd.s32 v11, v34;
	v31 =	vadd.s32 v7, v20;
	v29 =	vld.idx.msk [tilespmem:v29+s20+$0x0], $0xffff  }
0x18e: {  	v25 =	vmul.f32 v25, v5;
	v43 =	vadd.s32 v10, v34;
	v32 =	vadd.f32 v35, v32;
	v27 =	vld.idx.msk [tilespmem:v27+s20+$0x0], $0xffff  }
0x18f: {  	v44 =	vadd.s32 v7, v26;
	v28 =	vmul.f32 v28, v2;
	v35 =	vld.idx.msk [tilespmem:v37+s20+$0x0], $0xffff;
	v37 =	vadd.s32 v6, v20  }
0x190: {  	v17 =	vmul.f32 v17, v3;
	v45 =	vadd.s32 v7, v34;
	v30 =	vmul.f32 v30, v2;
	v36 =	vld.idx.msk [tilespmem:v36+s20+$0x0], $0xffff  }
0x191: {  	v46 =	vadd.s32 v6, v34;
	v24 =	vmul.f32 v24, v2;
	v9 =	vmovc v13;
	v18 =	vmul.f32 v18, v4  }
0x192: {  	v47 =	vadd.s32 v6, v26;
	v21 =	vmul.f32 v21, v3;
	v25 =	vadd.f32 v25, v23;
	v42 =	vld.idx.msk [tilespmem:v42+s20+$0x0], $0xffff  }
0x193: {  	v13 =	vor.u32 v8, v26;
	v26 =	vadd.f32 v17, v32;
	v29 =	vmul.f32 v29, v5;
	v23 =	vld.idx.msk [tilespmem:v41+s20+$0x0], $0xffff  }
0x194: {  	v15 =	vmul.f32 v15, v2;
	v19 =	vadd.f32 v22, v19;
	v32 =	vor.u32 v8, v34;
	v41 =	vld.idx.msk [tilespmem:v43+s20+$0x0], $0xffff  }
0x195: {  	v21 =	vadd.f32 v21, v25;
	v27 =	vmul.f32 v27, v3;
	v29 =	vadd.f32 v29, v18;
	v17 =	vld.idx.msk [tilespmem:v45+s20+$0x0], $0xffff  }
0x196: {  	v18 =	vor.u32 v8, v20;
	v20 =	vadd.f32 v15, v26;
	v36 =	vmul.f32 v36, v4;
	v22 =	vld.idx.msk [tilespmem:v31+s20+$0x0], $0xffff  }
0x197: {  	v26 =	vadd.s32 v6, v38;
	v43 =	vadd.f32 v28, v19;
	v31 =	vadd.f32 v27, v29;
	v25 =	vld.idx.msk [tilespmem:v33+s20+$0x0], $0xffff  }
.Ltmp2:
0x198: {  	v19 =	vmul.f32 v35, v5;
	v45 =	vadd.f32 v24, v21;
	v27 =	vadd.s32 v7, v38;
	v15 =	vld.idx.msk [tilespmem:v46+s20+$0x0], $0xffff;
	(pc) =	sbr.rel @p1 .LBB2_8-.Ltmp2, $4  }
0x199: {  	v29 =	vadd.s32 v10, v38;
	v33 =	vadd.s32 v11, v38;
	v31 =	vadd.f32 v30, v31;
	v21 =	vld.idx.msk [tilespmem:v44+s20+$0x0], $0xffff  }
0x19a: {  	v34 =	vadd.s32 $0x3, v38;
	v19 =	vadd.f32 v19, v36;
	v24 =	vld.idx.msk [tilespmem:v47+s20+$0x0], $0xffff;
	[tilespmem:v12+s18+$0x0] =	vst.idx.msk $0xffff, v20;
	v12 =	vmov v32  }
0x19b: {  	v35 =	vadd.s32 $0x2, v38;
	v20 =	vadd.s32 $0x1, v38;
	v32 =	vmul.f32 v42, v4;
	v28 =	vld.idx.msk [tilespmem:v37+s20+$0x0], $0xffff;
	[tilespmem:v40+s18+$0x0] =	vst.idx.msk $0xffff, v43  }
0x19c: {  	v20 =	vand.u32 $0x3F, v20;
	v30 =	vld.idx.msk [tilespmem:v26+s20+$0x0], $0xffff;
	v26 =	vand.u32 $0x3F, v35;
	v35 =	vmul.f32 v41, v5;
	[tilespmem:v39+s18+$0x0] =	vst.idx.msk $0xffff, v45  }
0x19d: {  	_ =	sdelay $0x1  }
0x19e: {  	v16 =	vadd.s32 v10, v20  }
0x19f: {  	v36 =	vadd.s32 v11, v20  }
0x1a0: {  	v33 =	vld.idx.msk [tilespmem:v33+s20+$0x0], $0xffff;
	v56 =	vadd.s32 v11, v26  }
0x1a1: {  	v34 =	vand.u32 $0x3F, v34;
	v38 =	vadd.s32 v10, v26;
	v57 =	vld.idx.msk [tilespmem:v29+s20+$0x0], $0xffff  }
0x1a2: {  	v23 =	vmul.f32 v23, v4;
	[tilespmem:v14+s18+$0x0] =	vst.idx.msk $0xffff, v31;
	v58 =	vadd.s32 v7, v20;
	v27 =	vld.idx.msk [tilespmem:v27+s20+$0x0], $0xffff  }
0x1a3: {  	v22 =	vmul.f32 v22, v3;
	v25 =	vmul.f32 v25, v5;
	v63 =	vadd.s32 v7, v26;
	v16 =	vld.idx.msk [tilespmem:v16+s20+$0x0], $0xffff  }
0x1a4: {  	v62 =	vadd.s32 v6, v20;
	v17 =	vmul.f32 v17, v3;
	v42 =	vadd.s32 v6, v26;
	v36 =	vld.idx.msk [tilespmem:v36+s20+$0x0], $0xffff  }
0x1a5: {  	v43 =	vor.u32 v8, v26;
	v15 =	vmul.f32 v15, v2;
	v37 =	vadd.s32 v11, v34;
	v11 =	vld.idx.msk [tilespmem:v56+s20+$0x0], $0xffff  }
0x1a6: {  	v49 =	vor.u32 v8, v20;
	v59 =	vadd.s32 v10, v34;
	v60 =	vadd.f32 v35, v32;
	v46 =	vld.idx.msk [tilespmem:v38+s20+$0x0], $0xffff  }
0x1a7: {  	v61 =	vadd.s32 v7, v34;
	v39 =	vadd.s32 v6, v34;
	v21 =	vmul.f32 v21, v3;
	v47 =	vld.idx.msk [tilespmem:v58+s20+$0x0], $0xffff  }
0x1a8: {  	v44 =	vor.u32 v8, v34;
	v24 =	vmul.f32 v24, v2;
	v23 =	vadd.f32 v25, v23;
	v7 =	vld.idx.msk [tilespmem:v63+s20+$0x0], $0xffff  }
0x1a9: {  	v17 =	vadd.f32 v17, v60;
	v33 =	vmul.f32 v33, v4;
	v14 =	vmul.f32 v57, v5;
	v52 =	vld.idx.msk [tilespmem:v62+s20+$0x0], $0xffff  }
0x1aa: {  	v19 =	vadd.f32 v22, v19;
	v28 =	vmul.f32 v28, v2;
	v21 =	vadd.f32 v21, v23;
	v37 =	vld.idx.msk [tilespmem:v37+s20+$0x0], $0xffff  }
0x1ab: {  	v27 =	vmul.f32 v27, v3;
	v15 =	vadd.f32 v15, v17;
	v10 =	vld.idx.msk [tilespmem:v59+s20+$0x0], $0xffff;
	v14 =	vadd.f32 v14, v33  }
0x1ac: {  	v30 =	vmul.f32 v30, v2;
	v19 =	vadd.f32 v28, v19;
	v45 =	vld.idx.msk [tilespmem:v61+s20+$0x0], $0xffff;
	v51 =	vadd.f32 v24, v21  }
0x1ad: {  	v6 =	vld.idx.msk [tilespmem:v42+s20+$0x0], $0xffff;
	[tilespmem:v12+s18+$0x0] =	vst.idx.msk $0xffff, v15;
	v14 =	vadd.f32 v27, v14;
	v48 =	vmul.f32 v36, v4  }
0x1ae: {  	v50 =	vld.idx.msk [tilespmem:v39+s20+$0x0], $0xffff;
	[tilespmem:v18+s18+$0x0] =	vst.idx.msk $0xffff, v19;
	v16 =	vmul.f32 v16, v5;
	v54 =	vmul.f32 v11, v4  }
0x1af: {  	v55 =	vmul.f32 v46, v5;
	v57 =	vmul.f32 v47, v3;
	v14 =	vadd.f32 v30, v14  }
0x1b0: {  	v53 =	vmul.f32 v37, v4;
	v10 =	vmul.f32 v10, v5;
	v16 =	vadd.f32 v16, v48  }
0x1b1: {  	v56 =	vmul.f32 v45, v3;
	v3 =	vmul.f32 v7, v3;
	v4 =	vadd.f32 v55, v54  }
0x1b2: {  	s30 =	sadd.s32 $0x1, s30;
	v60 =	vmul.f32 v52, v2;
	v10 =	vadd.f32 v10, v53;
	v61 =	vadd.f32 v57, v16  }
0x1b3: {  	p1 =	sne.s32 s30, $0xD;
	v59 =	vmul.f32 v50, v2;
	v2 =	vmul.f32 v6, v2;
	v3 =	vadd.f32 v3, v4  }
.Ltmp3:
0x1b4: {  	[tilespmem:v13+s18+$0x0] =	vst.idx.msk $0xffff, v51;
	v58 =	vadd.f32 v56, v10;
	v63 =	vadd.f32 v60, v61;
	(pc) =	sbr.rel @p1 .LBB2_7-.Ltmp3, $4  }
0x1b5: {  	[tilespmem:v9+s18+$0x0] =	vst.idx.msk $0xffff, v14;
	v2 =	vadd.f32 v2, v3  }
0x1b6: {  	v62 =	vadd.f32 v59, v58;
	[tilespmem:v49+s18+$0x0] =	vst.idx.msk $0xffff, v63  }
0x1b7: {  	[tilespmem:v43+s18+$0x0] =	vst.idx.msk $0xffff, v2  }
0x1b8: {  	[tilespmem:v44+s18+$0x0] =	vst.idx.msk $0xffff, v62  }
0x1b9: {  	s0 =	sshll.u32 s29, $0x8;
	s1 =	sshll.u32 s28, $0x7  }
0x1ba: {  	s0 =	sand.u32 $0x7FFFF800, s0;
	s1 =	sand.u32 $0x380, s1  }
0x1bb: {  	s0 =	sor.u32 s1, s0  }
0x1bc: {  	s28 =	sshrl.u32 s0, $0x3  }
0x1bd: {  	s0 =	sadd.s32 s2, s28  }
0x1be: {  	[hbm4b:s0+s19] =	stream.strided.scatter [tilespmem:s18], [sflag:$0x2], $0x3100, s21, s19, $0x38;
	[tilespmem:$0x1C2E0] =	vst v63  }
0x1bf: {  	s0 =	simm.s32 @!p0 $0x2  }
0x1c0: {  	_ =	swait.ge @!p0 [sflag:s0], $0x3100  }
0x1c1: {  	s31 =	sor.u32 $0x40, s26;
	[sflag:s0] =	ssyncset.done @!p0 $0x0  }
0x1c2: {  	s29 =	simm.s32 $0x0;
	v1 =	vmov s31;
	[sflag:s0] =	ssyncadd.s32 @!p0 $0xFFFFCF00  }
.LBB2_11:
0x1c3: {  	s0 =	sshll.u32 s29, $0x4  }
0x1c4: {  	v2 =	vld [tilespmem:s0+$0x810]  }
0x1c5: {  	v3 =	vld [tilespmem:s0+$0x5A0]  }
0x1c6: {  	v5 =	vld [tilespmem:s0+$0x670]  }
0x1c7: {  	v7 =	vld [tilespmem:s0+$0x740];
	_ =	sdelay $0x1  }
0x1c8: {  	v9 =	vlaneseq.u32;
	v6 =	vadd.s32 v1, v2  }
0x1c9: {  	v11 =	vadd.s32 v1, v3;
	v8 =	vadd.s32 v6, v9  }
0x1ca: {  	v4 =	vld [tilespmem:s0+$0x260];
	v10 =	vadd.s32 v1, v5;
	v12 =	vadd.s32 v11, v9  }
0x1cb: {  	v16 =	vadd.s32 $0x3, v9;
	v5 =	vld [tilespmem:s0+$0x330];
	v7 =	vadd.s32 v1, v7;
	v13 =	vadd.s32 v10, v9  }
0x1cc: {  	v21 =	vand.u32 $0x3F, v16;
	v2 =	vadd.s32 $0x1, v9;
	v3 =	vld [tilespmem:s0+$0x400];
	v14 =	vadd.s32 v7, v9  }
0x1cd: {  	v15 =	vand.u32 $0x3F, v2;
	v2 =	vld [tilespmem:s0+$0x4D0];
	v16 =	vadd.s32 v11, v21  }
0x1ce: {  	v25 =	vadd.s32 v10, v21;
	v19 =	vld.idx.msk [tilespmem:v8+s20+$0x0], $0xffff  }
0x1cf: {  	v18 =	vadd.s32 $0x2, v9;
	v17 =	vadd.s32 v10, v15;
	v12 =	vld.idx.msk [tilespmem:v12+s20+$0x0], $0xffff  }
0x1d0: {  	v18 =	vand.u32 $0x3F, v18;
	v20 =	vadd.s32 v11, v15;
	v13 =	vld.idx.msk [tilespmem:v13+s20+$0x0], $0xffff  }
0x1d1: {  	v23 =	vmul.u32 $0x40, v9;
	v22 =	vadd.s32 v11, v18;
	v29 =	vadd.s32 v10, v18;
	v24 =	vld.idx.msk [tilespmem:v14+s20+$0x0], $0xffff  }
0x1d2: {  	v31 =	vadd.s32 v6, v21;
	v32 =	vadd.s32 v7, v18;
	v37 =	vadd.s32 v6, v18;
	v30 =	vld.idx.msk [tilespmem:v16+s20+$0x0], $0xffff  }
0x1d3: {  	v27 =	vadd.s32 v7, v15;
	v8 =	vmov s0;
	v14 =	vadd.s32 $0x4, v9;
	v35 =	vld.idx.msk [tilespmem:v25+s20+$0x0], $0xffff  }
0x1d4: {  	v8 =	vshll.u32 v8, $0x6;
	v26 =	vld.idx.msk [tilespmem:v17+s20+$0x0], $0xffff;
	v17 =	vadd.s32 v7, v21;
	v28 =	vand.u32 $0x3F, v14  }
0x1d5: {  	v36 =	vadd.s32 v6, v15;
	v20 =	vld.idx.msk [tilespmem:v20+s20+$0x0], $0xffff;
	v8 =	vor.u32 v23, v8;
	v23 =	vadd.s32 $0x4, v28  }
0x1d6: {  	v16 =	vand.u32 $0x3F, v23;
	v23 =	vld.idx.msk [tilespmem:v22+s20+$0x0], $0xffff;
	v12 =	vmul.f32 v12, v4;
	v22 =	vmul.f32 v13, v5  }
0x1d7: {  	v25 =	vld.idx.msk [tilespmem:v29+s20+$0x0], $0xffff;
	v38 =	vadd.s32 v6, v28;
	v29 =	vadd.s32 v10, v28;
	v13 =	vor.u32 v8, v18  }
0x1d8: {  	v24 =	vmul.f32 v24, v3;
	v18 =	vor.u32 v8, v15;
	v15 =	vld.idx.msk [tilespmem:v31+s20+$0x0], $0xffff;
	v33 =	vadd.f32 v22, v12  }
0x1d9: {  	v34 =	vadd.s32 $0x3, v28;
	v14 =	vor.u32 v8, v9;
	v9 =	vor.u32 v8, v28;
	v17 =	vld.idx.msk [tilespmem:v17+s20+$0x0], $0xffff  }
0x1da: {  	v19 =	vmul.f32 v19, v2;
	v35 =	vmul.f32 v35, v5;
	v22 =	vld.idx.msk [tilespmem:v27+s20+$0x0], $0xffff;
	v24 =	vadd.f32 v24, v33  }
0x1db: {  	v20 =	vmul.f32 v20, v4;
	v26 =	vmul.f32 v26, v5;
	v12 =	vor.u32 v8, v21;
	v21 =	vld.idx.msk [tilespmem:v32+s20+$0x0], $0xffff  }
0x1dc: {  	v32 =	vmul.f32 v30, v4;
	v30 =	vld.idx.msk [tilespmem:v38+s20+$0x0], $0xffff;
	v33 =	vadd.s32 v11, v28;
	v31 =	vadd.f32 v19, v24  }
0x1dd: {  	v19 =	vadd.f32 v26, v20;
	v24 =	vld.idx.msk [tilespmem:v37+s20+$0x0], $0xffff;
	v20 =	vadd.s32 $0x1, v28;
	v26 =	vadd.s32 $0x2, v28  }
0x1de: {  	s30 =	simm.s32 $0x4;
	v27 =	vadd.s32 v7, v28;
	v28 =	vld.idx.msk [tilespmem:v36+s20+$0x0], $0xffff;
	v20 =	vand.u32 $0x3F, v20;
	v26 =	vand.u32 $0x3F, v26  }
.LBB2_12:
0x1df: {  	v36 =	vadd.s32 v11, v20  }
0x1e0: {  	s30 =	sadd.s32 $0x4, s30;
	v37 =	vadd.s32 v10, v20;
	v23 =	vmul.f32 v23, v4;
	v38 =	vmovc v16;
	v39 =	vmovc v13;
	v40 =	vmov v18  }
0x1e1: {  	v13 =	vor.u32 v8, v16;
	v16 =	vadd.s32 $0x4, v16;
	p0 =	slt.u32 s30, $0x3C;
	v18 =	vld.idx.msk [tilespmem:v33+s20+$0x0], $0xffff;
	v33 =	vadd.s32 v10, v26  }
0x1e2: {  	v41 =	vadd.s32 v11, v26;
	v34 =	vand.u32 $0x3F, v34;
	v16 =	vand.u32 $0x3F, v16;
	[tilespmem:v14+s22+$0x0] =	vst.idx.msk $0xffff, v31;
	v14 =	vmovc v9  }
0x1e3: {  	v22 =	vmul.f32 v22, v3;
	v42 =	vadd.s32 v11, v34;
	v31 =	vadd.s32 v7, v20;
	v29 =	vld.idx.msk [tilespmem:v29+s20+$0x0], $0xffff  }
0x1e4: {  	v25 =	vmul.f32 v25, v5;
	v43 =	vadd.s32 v10, v34;
	v32 =	vadd.f32 v35, v32;
	v27 =	vld.idx.msk [tilespmem:v27+s20+$0x0], $0xffff  }
0x1e5: {  	v44 =	vadd.s32 v7, v26;
	v28 =	vmul.f32 v28, v2;
	v35 =	vld.idx.msk [tilespmem:v37+s20+$0x0], $0xffff;
	v37 =	vadd.s32 v6, v20  }
0x1e6: {  	v17 =	vmul.f32 v17, v3;
	v45 =	vadd.s32 v7, v34;
	v30 =	vmul.f32 v30, v2;
	v36 =	vld.idx.msk [tilespmem:v36+s20+$0x0], $0xffff  }
0x1e7: {  	v46 =	vadd.s32 v6, v34;
	v24 =	vmul.f32 v24, v2;
	v9 =	vmovc v13;
	v18 =	vmul.f32 v18, v4  }
0x1e8: {  	v47 =	vadd.s32 v6, v26;
	v21 =	vmul.f32 v21, v3;
	v25 =	vadd.f32 v25, v23;
	v42 =	vld.idx.msk [tilespmem:v42+s20+$0x0], $0xffff  }
0x1e9: {  	v13 =	vor.u32 v8, v26;
	v26 =	vadd.f32 v17, v32;
	v29 =	vmul.f32 v29, v5;
	v23 =	vld.idx.msk [tilespmem:v41+s20+$0x0], $0xffff  }
0x1ea: {  	v15 =	vmul.f32 v15, v2;
	v19 =	vadd.f32 v22, v19;
	v32 =	vor.u32 v8, v34;
	v41 =	vld.idx.msk [tilespmem:v43+s20+$0x0], $0xffff  }
0x1eb: {  	v21 =	vadd.f32 v21, v25;
	v27 =	vmul.f32 v27, v3;
	v29 =	vadd.f32 v29, v18;
	v17 =	vld.idx.msk [tilespmem:v45+s20+$0x0], $0xffff  }
0x1ec: {  	v18 =	vor.u32 v8, v20;
	v20 =	vadd.f32 v15, v26;
	v36 =	vmul.f32 v36, v4;
	v22 =	vld.idx.msk [tilespmem:v31+s20+$0x0], $0xffff  }
0x1ed: {  	v26 =	vadd.s32 v6, v38;
	v43 =	vadd.f32 v28, v19;
	v31 =	vadd.f32 v27, v29;
	v25 =	vld.idx.msk [tilespmem:v33+s20+$0x0], $0xffff  }
.Ltmp4:
0x1ee: {  	v19 =	vmul.f32 v35, v5;
	v45 =	vadd.f32 v24, v21;
	v27 =	vadd.s32 v7, v38;
	v15 =	vld.idx.msk [tilespmem:v46+s20+$0x0], $0xffff;
	(pc) =	sbr.rel @p0 .LBB2_12-.Ltmp4, $4  }
0x1ef: {  	v29 =	vadd.s32 v10, v38;
	v33 =	vadd.s32 v11, v38;
	v31 =	vadd.f32 v30, v31;
	v21 =	vld.idx.msk [tilespmem:v44+s20+$0x0], $0xffff  }
0x1f0: {  	v34 =	vadd.s32 $0x3, v38;
	v19 =	vadd.f32 v19, v36;
	v24 =	vld.idx.msk [tilespmem:v47+s20+$0x0], $0xffff;
	[tilespmem:v12+s22+$0x0] =	vst.idx.msk $0xffff, v20;
	v12 =	vmov v32  }
0x1f1: {  	v35 =	vadd.s32 $0x2, v38;
	v20 =	vadd.s32 $0x1, v38;
	v32 =	vmul.f32 v42, v4;
	v28 =	vld.idx.msk [tilespmem:v37+s20+$0x0], $0xffff;
	[tilespmem:v40+s22+$0x0] =	vst.idx.msk $0xffff, v43  }
0x1f2: {  	v20 =	vand.u32 $0x3F, v20;
	v30 =	vld.idx.msk [tilespmem:v26+s20+$0x0], $0xffff;
	v26 =	vand.u32 $0x3F, v35;
	v35 =	vmul.f32 v41, v5;
	[tilespmem:v39+s22+$0x0] =	vst.idx.msk $0xffff, v45  }
0x1f3: {  	_ =	sdelay $0x1  }
0x1f4: {  	v16 =	vadd.s32 v10, v20  }
0x1f5: {  	v36 =	vadd.s32 v11, v20  }
0x1f6: {  	v33 =	vld.idx.msk [tilespmem:v33+s20+$0x0], $0xffff;
	v56 =	vadd.s32 v11, v26  }
0x1f7: {  	v34 =	vand.u32 $0x3F, v34;
	v38 =	vadd.s32 v10, v26;
	v57 =	vld.idx.msk [tilespmem:v29+s20+$0x0], $0xffff  }
0x1f8: {  	v23 =	vmul.f32 v23, v4;
	[tilespmem:v14+s22+$0x0] =	vst.idx.msk $0xffff, v31;
	v58 =	vadd.s32 v7, v20;
	v27 =	vld.idx.msk [tilespmem:v27+s20+$0x0], $0xffff  }
0x1f9: {  	v22 =	vmul.f32 v22, v3;
	v25 =	vmul.f32 v25, v5;
	v63 =	vadd.s32 v7, v26;
	v16 =	vld.idx.msk [tilespmem:v16+s20+$0x0], $0xffff  }
0x1fa: {  	v62 =	vadd.s32 v6, v20;
	v17 =	vmul.f32 v17, v3;
	v42 =	vadd.s32 v6, v26;
	v36 =	vld.idx.msk [tilespmem:v36+s20+$0x0], $0xffff  }
0x1fb: {  	v43 =	vor.u32 v8, v26;
	v15 =	vmul.f32 v15, v2;
	v37 =	vadd.s32 v11, v34;
	v11 =	vld.idx.msk [tilespmem:v56+s20+$0x0], $0xffff  }
0x1fc: {  	v49 =	vor.u32 v8, v20;
	v59 =	vadd.s32 v10, v34;
	v60 =	vadd.f32 v35, v32;
	v46 =	vld.idx.msk [tilespmem:v38+s20+$0x0], $0xffff  }
0x1fd: {  	v61 =	vadd.s32 v7, v34;
	v39 =	vadd.s32 v6, v34;
	v21 =	vmul.f32 v21, v3;
	v47 =	vld.idx.msk [tilespmem:v58+s20+$0x0], $0xffff  }
0x1fe: {  	v44 =	vor.u32 v8, v34;
	v24 =	vmul.f32 v24, v2;
	v23 =	vadd.f32 v25, v23;
	v7 =	vld.idx.msk [tilespmem:v63+s20+$0x0], $0xffff  }
0x1ff: {  	v17 =	vadd.f32 v17, v60;
	v33 =	vmul.f32 v33, v4;
	v14 =	vmul.f32 v57, v5;
	v52 =	vld.idx.msk [tilespmem:v62+s20+$0x0], $0xffff  }
0x200: {  	v19 =	vadd.f32 v22, v19;
	v28 =	vmul.f32 v28, v2;
	v21 =	vadd.f32 v21, v23;
	v37 =	vld.idx.msk [tilespmem:v37+s20+$0x0], $0xffff  }
0x201: {  	v27 =	vmul.f32 v27, v3;
	v15 =	vadd.f32 v15, v17;
	v10 =	vld.idx.msk [tilespmem:v59+s20+$0x0], $0xffff;
	v14 =	vadd.f32 v14, v33  }
0x202: {  	v30 =	vmul.f32 v30, v2;
	v19 =	vadd.f32 v28, v19;
	v45 =	vld.idx.msk [tilespmem:v61+s20+$0x0], $0xffff;
	v51 =	vadd.f32 v24, v21  }
0x203: {  	v6 =	vld.idx.msk [tilespmem:v42+s20+$0x0], $0xffff;
	[tilespmem:v12+s22+$0x0] =	vst.idx.msk $0xffff, v15;
	v14 =	vadd.f32 v27, v14;
	v48 =	vmul.f32 v36, v4  }
0x204: {  	v50 =	vld.idx.msk [tilespmem:v39+s20+$0x0], $0xffff;
	[tilespmem:v18+s22+$0x0] =	vst.idx.msk $0xffff, v19;
	v16 =	vmul.f32 v16, v5;
	v54 =	vmul.f32 v11, v4  }
0x205: {  	v55 =	vmul.f32 v46, v5;
	v57 =	vmul.f32 v47, v3;
	v14 =	vadd.f32 v30, v14  }
0x206: {  	v53 =	vmul.f32 v37, v4;
	v10 =	vmul.f32 v10, v5;
	v16 =	vadd.f32 v16, v48  }
0x207: {  	v56 =	vmul.f32 v45, v3;
	v3 =	vmul.f32 v7, v3;
	v4 =	vadd.f32 v55, v54  }
0x208: {  	s29 =	sadd.s32 $0x1, s29;
	v60 =	vmul.f32 v52, v2;
	v10 =	vadd.f32 v10, v53;
	v61 =	vadd.f32 v57, v16  }
0x209: {  	p0 =	sne.s32 s29, $0xD;
	v59 =	vmul.f32 v50, v2;
	v2 =	vmul.f32 v6, v2;
	v3 =	vadd.f32 v3, v4  }
.Ltmp5:
0x20a: {  	[tilespmem:v13+s22+$0x0] =	vst.idx.msk $0xffff, v51;
	v58 =	vadd.f32 v56, v10;
	v63 =	vadd.f32 v60, v61;
	(pc) =	sbr.rel @p0 .LBB2_11-.Ltmp5, $4  }
0x20b: {  	[tilespmem:v9+s22+$0x0] =	vst.idx.msk $0xffff, v14;
	v2 =	vadd.f32 v2, v3  }
0x20c: {  	v62 =	vadd.f32 v59, v58;
	[tilespmem:v49+s22+$0x0] =	vst.idx.msk $0xffff, v63  }
0x20d: {  	[tilespmem:v43+s22+$0x0] =	vst.idx.msk $0xffff, v2  }
0x20e: {  	[tilespmem:v44+s22+$0x0] =	vst.idx.msk $0xffff, v62  }
0x20f: {  	s0 =	sadd.s32 s28, s11  }
0x210: {  	[hbm4b:s0+s19] =	stream.strided.scatter [tilespmem:s22], [sflag:$0x2], $0x3100, s21, s19, $0x38;
	[tilespmem:$0x1C2E0] =	vst v63  }
0x211: {  	_ =	swait.ge [sflag:s23], $0x3100  }
0x212: {  	s31 =	sor.u32 $0x80, s26;
	[sflag:s23] =	ssyncset.done $0x0  }
0x213: {  	s29 =	simm.s32 $0x0;
	v1 =	vmov s31;
	[sflag:s23] =	ssyncadd.s32 $0xFFFFCF00  }
.LBB2_15:
0x214: {  	s0 =	sshll.u32 s29, $0x4  }
0x215: {  	v2 =	vld [tilespmem:s0+$0x810]  }
0x216: {  	v3 =	vld [tilespmem:s0+$0x5A0]  }
0x217: {  	v5 =	vld [tilespmem:s0+$0x670]  }
0x218: {  	v7 =	vld [tilespmem:s0+$0x740];
	_ =	sdelay $0x1  }
0x219: {  	v9 =	vlaneseq.u32;
	v6 =	vadd.s32 v1, v2  }
0x21a: {  	v11 =	vadd.s32 v1, v3;
	v8 =	vadd.s32 v6, v9  }
0x21b: {  	v4 =	vld [tilespmem:s0+$0x260];
	v10 =	vadd.s32 v1, v5;
	v12 =	vadd.s32 v11, v9  }
0x21c: {  	v16 =	vadd.s32 $0x3, v9;
	v5 =	vld [tilespmem:s0+$0x330];
	v7 =	vadd.s32 v1, v7;
	v13 =	vadd.s32 v10, v9  }
0x21d: {  	v21 =	vand.u32 $0x3F, v16;
	v2 =	vadd.s32 $0x1, v9;
	v3 =	vld [tilespmem:s0+$0x400];
	v14 =	vadd.s32 v7, v9  }
0x21e: {  	v15 =	vand.u32 $0x3F, v2;
	v2 =	vld [tilespmem:s0+$0x4D0];
	v16 =	vadd.s32 v11, v21  }
0x21f: {  	v25 =	vadd.s32 v10, v21;
	v19 =	vld.idx.msk [tilespmem:v8+s20+$0x0], $0xffff  }
0x220: {  	v18 =	vadd.s32 $0x2, v9;
	v17 =	vadd.s32 v10, v15;
	v12 =	vld.idx.msk [tilespmem:v12+s20+$0x0], $0xffff  }
0x221: {  	v18 =	vand.u32 $0x3F, v18;
	v20 =	vadd.s32 v11, v15;
	v13 =	vld.idx.msk [tilespmem:v13+s20+$0x0], $0xffff  }
0x222: {  	v23 =	vmul.u32 $0x40, v9;
	v22 =	vadd.s32 v11, v18;
	v29 =	vadd.s32 v10, v18;
	v24 =	vld.idx.msk [tilespmem:v14+s20+$0x0], $0xffff  }
0x223: {  	v31 =	vadd.s32 v6, v21;
	v32 =	vadd.s32 v7, v18;
	v37 =	vadd.s32 v6, v18;
	v30 =	vld.idx.msk [tilespmem:v16+s20+$0x0], $0xffff  }
0x224: {  	v27 =	vadd.s32 v7, v15;
	v8 =	vmov s0;
	v14 =	vadd.s32 $0x4, v9;
	v35 =	vld.idx.msk [tilespmem:v25+s20+$0x0], $0xffff  }
0x225: {  	v8 =	vshll.u32 v8, $0x6;
	v26 =	vld.idx.msk [tilespmem:v17+s20+$0x0], $0xffff;
	v17 =	vadd.s32 v7, v21;
	v28 =	vand.u32 $0x3F, v14  }
0x226: {  	v36 =	vadd.s32 v6, v15;
	v20 =	vld.idx.msk [tilespmem:v20+s20+$0x0], $0xffff;
	v8 =	vor.u32 v23, v8;
	v23 =	vadd.s32 $0x4, v28  }
0x227: {  	v16 =	vand.u32 $0x3F, v23;
	v23 =	vld.idx.msk [tilespmem:v22+s20+$0x0], $0xffff;
	v12 =	vmul.f32 v12, v4;
	v22 =	vmul.f32 v13, v5  }
0x228: {  	v25 =	vld.idx.msk [tilespmem:v29+s20+$0x0], $0xffff;
	v38 =	vadd.s32 v6, v28;
	v29 =	vadd.s32 v10, v28;
	v13 =	vor.u32 v8, v18  }
0x229: {  	v24 =	vmul.f32 v24, v3;
	v18 =	vor.u32 v8, v15;
	v15 =	vld.idx.msk [tilespmem:v31+s20+$0x0], $0xffff;
	v33 =	vadd.f32 v22, v12  }
0x22a: {  	v34 =	vadd.s32 $0x3, v28;
	v14 =	vor.u32 v8, v9;
	v9 =	vor.u32 v8, v28;
	v17 =	vld.idx.msk [tilespmem:v17+s20+$0x0], $0xffff  }
0x22b: {  	v19 =	vmul.f32 v19, v2;
	v35 =	vmul.f32 v35, v5;
	v22 =	vld.idx.msk [tilespmem:v27+s20+$0x0], $0xffff;
	v24 =	vadd.f32 v24, v33  }
0x22c: {  	v20 =	vmul.f32 v20, v4;
	v26 =	vmul.f32 v26, v5;
	v12 =	vor.u32 v8, v21;
	v21 =	vld.idx.msk [tilespmem:v32+s20+$0x0], $0xffff  }
0x22d: {  	v32 =	vmul.f32 v30, v4;
	v30 =	vld.idx.msk [tilespmem:v38+s20+$0x0], $0xffff;
	v33 =	vadd.s32 v11, v28;
	v31 =	vadd.f32 v19, v24  }
0x22e: {  	v19 =	vadd.f32 v26, v20;
	v24 =	vld.idx.msk [tilespmem:v37+s20+$0x0], $0xffff;
	v20 =	vadd.s32 $0x1, v28;
	v26 =	vadd.s32 $0x2, v28  }
0x22f: {  	s30 =	simm.s32 $0x4;
	v27 =	vadd.s32 v7, v28;
	v28 =	vld.idx.msk [tilespmem:v36+s20+$0x0], $0xffff;
	v20 =	vand.u32 $0x3F, v20;
	v26 =	vand.u32 $0x3F, v26  }
.LBB2_16:
0x230: {  	v36 =	vadd.s32 v11, v20  }
0x231: {  	s30 =	sadd.s32 $0x4, s30;
	v37 =	vadd.s32 v10, v20;
	v23 =	vmul.f32 v23, v4;
	v38 =	vmovc v16;
	v39 =	vmovc v13;
	v40 =	vmov v18  }
0x232: {  	v13 =	vor.u32 v8, v16;
	v16 =	vadd.s32 $0x4, v16;
	p0 =	slt.u32 s30, $0x3C;
	v18 =	vld.idx.msk [tilespmem:v33+s20+$0x0], $0xffff;
	v33 =	vadd.s32 v10, v26  }
0x233: {  	v41 =	vadd.s32 v11, v26;
	v34 =	vand.u32 $0x3F, v34;
	v16 =	vand.u32 $0x3F, v16;
	[tilespmem:v14+s18+$0x0] =	vst.idx.msk $0xffff, v31;
	v14 =	vmovc v9  }
0x234: {  	v22 =	vmul.f32 v22, v3;
	v42 =	vadd.s32 v11, v34;
	v31 =	vadd.s32 v7, v20;
	v29 =	vld.idx.msk [tilespmem:v29+s20+$0x0], $0xffff  }
0x235: {  	v25 =	vmul.f32 v25, v5;
	v43 =	vadd.s32 v10, v34;
	v32 =	vadd.f32 v35, v32;
	v27 =	vld.idx.msk [tilespmem:v27+s20+$0x0], $0xffff  }
0x236: {  	v44 =	vadd.s32 v7, v26;
	v28 =	vmul.f32 v28, v2;
	v35 =	vld.idx.msk [tilespmem:v37+s20+$0x0], $0xffff;
	v37 =	vadd.s32 v6, v20  }
0x237: {  	v17 =	vmul.f32 v17, v3;
	v45 =	vadd.s32 v7, v34;
	v30 =	vmul.f32 v30, v2;
	v36 =	vld.idx.msk [tilespmem:v36+s20+$0x0], $0xffff  }
0x238: {  	v46 =	vadd.s32 v6, v34;
	v24 =	vmul.f32 v24, v2;
	v9 =	vmovc v13;
	v18 =	vmul.f32 v18, v4  }
0x239: {  	v47 =	vadd.s32 v6, v26;
	v21 =	vmul.f32 v21, v3;
	v25 =	vadd.f32 v25, v23;
	v42 =	vld.idx.msk [tilespmem:v42+s20+$0x0], $0xffff  }
0x23a: {  	v13 =	vor.u32 v8, v26;
	v26 =	vadd.f32 v17, v32;
	v29 =	vmul.f32 v29, v5;
	v23 =	vld.idx.msk [tilespmem:v41+s20+$0x0], $0xffff  }
0x23b: {  	v15 =	vmul.f32 v15, v2;
	v19 =	vadd.f32 v22, v19;
	v32 =	vor.u32 v8, v34;
	v41 =	vld.idx.msk [tilespmem:v43+s20+$0x0], $0xffff  }
0x23c: {  	v21 =	vadd.f32 v21, v25;
	v27 =	vmul.f32 v27, v3;
	v29 =	vadd.f32 v29, v18;
	v17 =	vld.idx.msk [tilespmem:v45+s20+$0x0], $0xffff  }
0x23d: {  	v18 =	vor.u32 v8, v20;
	v20 =	vadd.f32 v15, v26;
	v36 =	vmul.f32 v36, v4;
	v22 =	vld.idx.msk [tilespmem:v31+s20+$0x0], $0xffff  }
0x23e: {  	v26 =	vadd.s32 v6, v38;
	v43 =	vadd.f32 v28, v19;
	v31 =	vadd.f32 v27, v29;
	v25 =	vld.idx.msk [tilespmem:v33+s20+$0x0], $0xffff  }
.Ltmp6:
0x23f: {  	v19 =	vmul.f32 v35, v5;
	v45 =	vadd.f32 v24, v21;
	v27 =	vadd.s32 v7, v38;
	v15 =	vld.idx.msk [tilespmem:v46+s20+$0x0], $0xffff;
	(pc) =	sbr.rel @p0 .LBB2_16-.Ltmp6, $4  }
0x240: {  	v29 =	vadd.s32 v10, v38;
	v33 =	vadd.s32 v11, v38;
	v31 =	vadd.f32 v30, v31;
	v21 =	vld.idx.msk [tilespmem:v44+s20+$0x0], $0xffff  }
0x241: {  	v34 =	vadd.s32 $0x3, v38;
	v19 =	vadd.f32 v19, v36;
	v24 =	vld.idx.msk [tilespmem:v47+s20+$0x0], $0xffff;
	[tilespmem:v12+s18+$0x0] =	vst.idx.msk $0xffff, v20;
	v12 =	vmov v32  }
0x242: {  	v35 =	vadd.s32 $0x2, v38;
	v20 =	vadd.s32 $0x1, v38;
	v32 =	vmul.f32 v42, v4;
	v28 =	vld.idx.msk [tilespmem:v37+s20+$0x0], $0xffff;
	[tilespmem:v40+s18+$0x0] =	vst.idx.msk $0xffff, v43  }
0x243: {  	v20 =	vand.u32 $0x3F, v20;
	v30 =	vld.idx.msk [tilespmem:v26+s20+$0x0], $0xffff;
	v26 =	vand.u32 $0x3F, v35;
	v35 =	vmul.f32 v41, v5;
	[tilespmem:v39+s18+$0x0] =	vst.idx.msk $0xffff, v45  }
0x244: {  	_ =	sdelay $0x1  }
0x245: {  	v16 =	vadd.s32 v10, v20  }
0x246: {  	v36 =	vadd.s32 v11, v20  }
0x247: {  	v33 =	vld.idx.msk [tilespmem:v33+s20+$0x0], $0xffff;
	v56 =	vadd.s32 v11, v26  }
0x248: {  	v34 =	vand.u32 $0x3F, v34;
	v38 =	vadd.s32 v10, v26;
	v57 =	vld.idx.msk [tilespmem:v29+s20+$0x0], $0xffff  }
0x249: {  	v23 =	vmul.f32 v23, v4;
	[tilespmem:v14+s18+$0x0] =	vst.idx.msk $0xffff, v31;
	v58 =	vadd.s32 v7, v20;
	v27 =	vld.idx.msk [tilespmem:v27+s20+$0x0], $0xffff  }
0x24a: {  	v22 =	vmul.f32 v22, v3;
	v25 =	vmul.f32 v25, v5;
	v63 =	vadd.s32 v7, v26;
	v16 =	vld.idx.msk [tilespmem:v16+s20+$0x0], $0xffff  }
0x24b: {  	v62 =	vadd.s32 v6, v20;
	v17 =	vmul.f32 v17, v3;
	v42 =	vadd.s32 v6, v26;
	v36 =	vld.idx.msk [tilespmem:v36+s20+$0x0], $0xffff  }
0x24c: {  	v43 =	vor.u32 v8, v26;
	v15 =	vmul.f32 v15, v2;
	v37 =	vadd.s32 v11, v34;
	v11 =	vld.idx.msk [tilespmem:v56+s20+$0x0], $0xffff  }
0x24d: {  	v49 =	vor.u32 v8, v20;
	v59 =	vadd.s32 v10, v34;
	v60 =	vadd.f32 v35, v32;
	v46 =	vld.idx.msk [tilespmem:v38+s20+$0x0], $0xffff  }
0x24e: {  	v61 =	vadd.s32 v7, v34;
	v39 =	vadd.s32 v6, v34;
	v21 =	vmul.f32 v21, v3;
	v47 =	vld.idx.msk [tilespmem:v58+s20+$0x0], $0xffff  }
0x24f: {  	v44 =	vor.u32 v8, v34;
	v24 =	vmul.f32 v24, v2;
	v23 =	vadd.f32 v25, v23;
	v7 =	vld.idx.msk [tilespmem:v63+s20+$0x0], $0xffff  }
0x250: {  	v17 =	vadd.f32 v17, v60;
	v33 =	vmul.f32 v33, v4;
	v14 =	vmul.f32 v57, v5;
	v52 =	vld.idx.msk [tilespmem:v62+s20+$0x0], $0xffff  }
0x251: {  	v19 =	vadd.f32 v22, v19;
	v28 =	vmul.f32 v28, v2;
	v21 =	vadd.f32 v21, v23;
	v37 =	vld.idx.msk [tilespmem:v37+s20+$0x0], $0xffff  }
0x252: {  	v27 =	vmul.f32 v27, v3;
	v15 =	vadd.f32 v15, v17;
	v10 =	vld.idx.msk [tilespmem:v59+s20+$0x0], $0xffff;
	v14 =	vadd.f32 v14, v33  }
0x253: {  	v30 =	vmul.f32 v30, v2;
	v19 =	vadd.f32 v28, v19;
	v45 =	vld.idx.msk [tilespmem:v61+s20+$0x0], $0xffff;
	v51 =	vadd.f32 v24, v21  }
0x254: {  	v6 =	vld.idx.msk [tilespmem:v42+s20+$0x0], $0xffff;
	[tilespmem:v12+s18+$0x0] =	vst.idx.msk $0xffff, v15;
	v14 =	vadd.f32 v27, v14;
	v48 =	vmul.f32 v36, v4  }
0x255: {  	v50 =	vld.idx.msk [tilespmem:v39+s20+$0x0], $0xffff;
	[tilespmem:v18+s18+$0x0] =	vst.idx.msk $0xffff, v19;
	v16 =	vmul.f32 v16, v5;
	v54 =	vmul.f32 v11, v4  }
0x256: {  	v55 =	vmul.f32 v46, v5;
	v57 =	vmul.f32 v47, v3;
	v14 =	vadd.f32 v30, v14  }
0x257: {  	v53 =	vmul.f32 v37, v4;
	v10 =	vmul.f32 v10, v5;
	v16 =	vadd.f32 v16, v48  }
0x258: {  	v56 =	vmul.f32 v45, v3;
	v3 =	vmul.f32 v7, v3;
	v4 =	vadd.f32 v55, v54  }
0x259: {  	s29 =	sadd.s32 $0x1, s29;
	v60 =	vmul.f32 v52, v2;
	v10 =	vadd.f32 v10, v53;
	v61 =	vadd.f32 v57, v16  }
0x25a: {  	p0 =	sne.s32 s29, $0xD;
	v59 =	vmul.f32 v50, v2;
	v2 =	vmul.f32 v6, v2;
	v3 =	vadd.f32 v3, v4  }
.Ltmp7:
0x25b: {  	[tilespmem:v13+s18+$0x0] =	vst.idx.msk $0xffff, v51;
	v58 =	vadd.f32 v56, v10;
	v63 =	vadd.f32 v60, v61;
	(pc) =	sbr.rel @p0 .LBB2_15-.Ltmp7, $4  }
0x25c: {  	[tilespmem:v9+s18+$0x0] =	vst.idx.msk $0xffff, v14;
	v2 =	vadd.f32 v2, v3  }
0x25d: {  	v62 =	vadd.f32 v59, v58;
	[tilespmem:v49+s18+$0x0] =	vst.idx.msk $0xffff, v63  }
0x25e: {  	[tilespmem:v43+s18+$0x0] =	vst.idx.msk $0xffff, v2  }
0x25f: {  	[tilespmem:v44+s18+$0x0] =	vst.idx.msk $0xffff, v62  }
0x260: {  	s0 =	sadd.s32 s28, s12  }
0x261: {  	[hbm4b:s0+s19] =	stream.strided.scatter [tilespmem:s18], [sflag:$0x2], $0x3100, s21, s19, $0x38;
	[tilespmem:$0x1C2E0] =	vst v63  }
0x262: {  	_ =	swait.ge [sflag:s23], $0x3100  }
0x263: {  	s31 =	sor.u32 $0xC0, s26;
	[sflag:s23] =	ssyncset.done $0x0  }
0x264: {  	s26 =	simm.s32 $0x0;
	v1 =	vmov s31;
	[sflag:s23] =	ssyncadd.s32 $0xFFFFCF00  }
.LBB2_19:
0x265: {  	s0 =	sshll.u32 s26, $0x4  }
0x266: {  	v2 =	vld [tilespmem:s0+$0x810]  }
0x267: {  	v3 =	vld [tilespmem:s0+$0x5A0]  }
0x268: {  	v5 =	vld [tilespmem:s0+$0x670]  }
0x269: {  	v7 =	vld [tilespmem:s0+$0x740];
	_ =	sdelay $0x1  }
0x26a: {  	v9 =	vlaneseq.u32;
	v6 =	vadd.s32 v1, v2  }
0x26b: {  	v11 =	vadd.s32 v1, v3;
	v8 =	vadd.s32 v6, v9  }
0x26c: {  	v4 =	vld [tilespmem:s0+$0x260];
	v10 =	vadd.s32 v1, v5;
	v12 =	vadd.s32 v11, v9  }
0x26d: {  	v16 =	vadd.s32 $0x3, v9;
	v5 =	vld [tilespmem:s0+$0x330];
	v7 =	vadd.s32 v1, v7;
	v13 =	vadd.s32 v10, v9  }
0x26e: {  	v21 =	vand.u32 $0x3F, v16;
	v2 =	vadd.s32 $0x1, v9;
	v3 =	vld [tilespmem:s0+$0x400];
	v14 =	vadd.s32 v7, v9  }
0x26f: {  	v15 =	vand.u32 $0x3F, v2;
	v2 =	vld [tilespmem:s0+$0x4D0];
	v16 =	vadd.s32 v11, v21  }
0x270: {  	v25 =	vadd.s32 v10, v21;
	v19 =	vld.idx.msk [tilespmem:v8+s20+$0x0], $0xffff  }
0x271: {  	v18 =	vadd.s32 $0x2, v9;
	v17 =	vadd.s32 v10, v15;
	v12 =	vld.idx.msk [tilespmem:v12+s20+$0x0], $0xffff  }
0x272: {  	v18 =	vand.u32 $0x3F, v18;
	v20 =	vadd.s32 v11, v15;
	v13 =	vld.idx.msk [tilespmem:v13+s20+$0x0], $0xffff  }
0x273: {  	v23 =	vmul.u32 $0x40, v9;
	v22 =	vadd.s32 v11, v18;
	v29 =	vadd.s32 v10, v18;
	v24 =	vld.idx.msk [tilespmem:v14+s20+$0x0], $0xffff  }
0x274: {  	v31 =	vadd.s32 v6, v21;
	v32 =	vadd.s32 v7, v18;
	v37 =	vadd.s32 v6, v18;
	v30 =	vld.idx.msk [tilespmem:v16+s20+$0x0], $0xffff  }
0x275: {  	v27 =	vadd.s32 v7, v15;
	v8 =	vmov s0;
	v14 =	vadd.s32 $0x4, v9;
	v35 =	vld.idx.msk [tilespmem:v25+s20+$0x0], $0xffff  }
0x276: {  	v8 =	vshll.u32 v8, $0x6;
	v26 =	vld.idx.msk [tilespmem:v17+s20+$0x0], $0xffff;
	v17 =	vadd.s32 v7, v21;
	v28 =	vand.u32 $0x3F, v14  }
0x277: {  	v36 =	vadd.s32 v6, v15;
	v20 =	vld.idx.msk [tilespmem:v20+s20+$0x0], $0xffff;
	v8 =	vor.u32 v23, v8;
	v23 =	vadd.s32 $0x4, v28  }
0x278: {  	v16 =	vand.u32 $0x3F, v23;
	v23 =	vld.idx.msk [tilespmem:v22+s20+$0x0], $0xffff;
	v12 =	vmul.f32 v12, v4;
	v22 =	vmul.f32 v13, v5  }
0x279: {  	v25 =	vld.idx.msk [tilespmem:v29+s20+$0x0], $0xffff;
	v38 =	vadd.s32 v6, v28;
	v29 =	vadd.s32 v10, v28;
	v13 =	vor.u32 v8, v18  }
0x27a: {  	v24 =	vmul.f32 v24, v3;
	v18 =	vor.u32 v8, v15;
	v15 =	vld.idx.msk [tilespmem:v31+s20+$0x0], $0xffff;
	v33 =	vadd.f32 v22, v12  }
0x27b: {  	v34 =	vadd.s32 $0x3, v28;
	v14 =	vor.u32 v8, v9;
	v9 =	vor.u32 v8, v28;
	v17 =	vld.idx.msk [tilespmem:v17+s20+$0x0], $0xffff  }
0x27c: {  	v19 =	vmul.f32 v19, v2;
	v35 =	vmul.f32 v35, v5;
	v22 =	vld.idx.msk [tilespmem:v27+s20+$0x0], $0xffff;
	v24 =	vadd.f32 v24, v33  }
0x27d: {  	v20 =	vmul.f32 v20, v4;
	v26 =	vmul.f32 v26, v5;
	v12 =	vor.u32 v8, v21;
	v21 =	vld.idx.msk [tilespmem:v32+s20+$0x0], $0xffff  }
0x27e: {  	v32 =	vmul.f32 v30, v4;
	v30 =	vld.idx.msk [tilespmem:v38+s20+$0x0], $0xffff;
	v33 =	vadd.s32 v11, v28;
	v31 =	vadd.f32 v19, v24  }
0x27f: {  	v19 =	vadd.f32 v26, v20;
	v24 =	vld.idx.msk [tilespmem:v37+s20+$0x0], $0xffff;
	v20 =	vadd.s32 $0x1, v28;
	v26 =	vadd.s32 $0x2, v28  }
0x280: {  	s29 =	simm.s32 $0x4;
	v27 =	vadd.s32 v7, v28;
	v28 =	vld.idx.msk [tilespmem:v36+s20+$0x0], $0xffff;
	v20 =	vand.u32 $0x3F, v20;
	v26 =	vand.u32 $0x3F, v26  }
.LBB2_20:
0x281: {  	v36 =	vadd.s32 v11, v20  }
0x282: {  	s29 =	sadd.s32 $0x4, s29;
	v37 =	vadd.s32 v10, v20;
	v23 =	vmul.f32 v23, v4;
	v38 =	vmovc v16;
	v39 =	vmovc v13;
	v40 =	vmov v18  }
0x283: {  	v13 =	vor.u32 v8, v16;
	v16 =	vadd.s32 $0x4, v16;
	p0 =	slt.u32 s29, $0x3C;
	v18 =	vld.idx.msk [tilespmem:v33+s20+$0x0], $0xffff;
	v33 =	vadd.s32 v10, v26  }
0x284: {  	v41 =	vadd.s32 v11, v26;
	v34 =	vand.u32 $0x3F, v34;
	v16 =	vand.u32 $0x3F, v16;
	[tilespmem:v14+s22+$0x0] =	vst.idx.msk $0xffff, v31;
	v14 =	vmovc v9  }
0x285: {  	v22 =	vmul.f32 v22, v3;
	v42 =	vadd.s32 v11, v34;
	v31 =	vadd.s32 v7, v20;
	v29 =	vld.idx.msk [tilespmem:v29+s20+$0x0], $0xffff  }
0x286: {  	v25 =	vmul.f32 v25, v5;
	v43 =	vadd.s32 v10, v34;
	v32 =	vadd.f32 v35, v32;
	v27 =	vld.idx.msk [tilespmem:v27+s20+$0x0], $0xffff  }
0x287: {  	v44 =	vadd.s32 v7, v26;
	v28 =	vmul.f32 v28, v2;
	v35 =	vld.idx.msk [tilespmem:v37+s20+$0x0], $0xffff;
	v37 =	vadd.s32 v6, v20  }
0x288: {  	v17 =	vmul.f32 v17, v3;
	v45 =	vadd.s32 v7, v34;
	v30 =	vmul.f32 v30, v2;
	v36 =	vld.idx.msk [tilespmem:v36+s20+$0x0], $0xffff  }
0x289: {  	v46 =	vadd.s32 v6, v34;
	v24 =	vmul.f32 v24, v2;
	v9 =	vmovc v13;
	v18 =	vmul.f32 v18, v4  }
0x28a: {  	v47 =	vadd.s32 v6, v26;
	v21 =	vmul.f32 v21, v3;
	v25 =	vadd.f32 v25, v23;
	v42 =	vld.idx.msk [tilespmem:v42+s20+$0x0], $0xffff  }
0x28b: {  	v13 =	vor.u32 v8, v26;
	v26 =	vadd.f32 v17, v32;
	v29 =	vmul.f32 v29, v5;
	v23 =	vld.idx.msk [tilespmem:v41+s20+$0x0], $0xffff  }
0x28c: {  	v15 =	vmul.f32 v15, v2;
	v19 =	vadd.f32 v22, v19;
	v32 =	vor.u32 v8, v34;
	v41 =	vld.idx.msk [tilespmem:v43+s20+$0x0], $0xffff  }
0x28d: {  	v21 =	vadd.f32 v21, v25;
	v27 =	vmul.f32 v27, v3;
	v29 =	vadd.f32 v29, v18;
	v17 =	vld.idx.msk [tilespmem:v45+s20+$0x0], $0xffff  }
0x28e: {  	v18 =	vor.u32 v8, v20;
	v20 =	vadd.f32 v15, v26;
	v36 =	vmul.f32 v36, v4;
	v22 =	vld.idx.msk [tilespmem:v31+s20+$0x0], $0xffff  }
0x28f: {  	v26 =	vadd.s32 v6, v38;
	v43 =	vadd.f32 v28, v19;
	v31 =	vadd.f32 v27, v29;
	v25 =	vld.idx.msk [tilespmem:v33+s20+$0x0], $0xffff  }
.Ltmp8:
0x290: {  	v19 =	vmul.f32 v35, v5;
	v45 =	vadd.f32 v24, v21;
	v27 =	vadd.s32 v7, v38;
	v15 =	vld.idx.msk [tilespmem:v46+s20+$0x0], $0xffff;
	(pc) =	sbr.rel @p0 .LBB2_20-.Ltmp8, $4  }
0x291: {  	v29 =	vadd.s32 v10, v38;
	v33 =	vadd.s32 v11, v38;
	v31 =	vadd.f32 v30, v31;
	v21 =	vld.idx.msk [tilespmem:v44+s20+$0x0], $0xffff  }
0x292: {  	v34 =	vadd.s32 $0x3, v38;
	v19 =	vadd.f32 v19, v36;
	v24 =	vld.idx.msk [tilespmem:v47+s20+$0x0], $0xffff;
	[tilespmem:v12+s22+$0x0] =	vst.idx.msk $0xffff, v20;
	v12 =	vmov v32  }
0x293: {  	v35 =	vadd.s32 $0x2, v38;
	v20 =	vadd.s32 $0x1, v38;
	v32 =	vmul.f32 v42, v4;
	v28 =	vld.idx.msk [tilespmem:v37+s20+$0x0], $0xffff;
	[tilespmem:v40+s22+$0x0] =	vst.idx.msk $0xffff, v43  }
0x294: {  	v20 =	vand.u32 $0x3F, v20;
	v30 =	vld.idx.msk [tilespmem:v26+s20+$0x0], $0xffff;
	v26 =	vand.u32 $0x3F, v35;
	v35 =	vmul.f32 v41, v5;
	[tilespmem:v39+s22+$0x0] =	vst.idx.msk $0xffff, v45  }
0x295: {  	_ =	sdelay $0x1  }
0x296: {  	v16 =	vadd.s32 v10, v20  }
0x297: {  	v36 =	vadd.s32 v11, v20  }
0x298: {  	v33 =	vld.idx.msk [tilespmem:v33+s20+$0x0], $0xffff;
	v56 =	vadd.s32 v11, v26  }
0x299: {  	v34 =	vand.u32 $0x3F, v34;
	v38 =	vadd.s32 v10, v26;
	v57 =	vld.idx.msk [tilespmem:v29+s20+$0x0], $0xffff  }
0x29a: {  	v23 =	vmul.f32 v23, v4;
	[tilespmem:v14+s22+$0x0] =	vst.idx.msk $0xffff, v31;
	v58 =	vadd.s32 v7, v20;
	v27 =	vld.idx.msk [tilespmem:v27+s20+$0x0], $0xffff  }
0x29b: {  	v22 =	vmul.f32 v22, v3;
	v25 =	vmul.f32 v25, v5;
	v63 =	vadd.s32 v7, v26;
	v16 =	vld.idx.msk [tilespmem:v16+s20+$0x0], $0xffff  }
0x29c: {  	v62 =	vadd.s32 v6, v20;
	v17 =	vmul.f32 v17, v3;
	v42 =	vadd.s32 v6, v26;
	v36 =	vld.idx.msk [tilespmem:v36+s20+$0x0], $0xffff  }
0x29d: {  	v43 =	vor.u32 v8, v26;
	v15 =	vmul.f32 v15, v2;
	v37 =	vadd.s32 v11, v34;
	v11 =	vld.idx.msk [tilespmem:v56+s20+$0x0], $0xffff  }
0x29e: {  	v49 =	vor.u32 v8, v20;
	v59 =	vadd.s32 v10, v34;
	v60 =	vadd.f32 v35, v32;
	v46 =	vld.idx.msk [tilespmem:v38+s20+$0x0], $0xffff  }
0x29f: {  	v61 =	vadd.s32 v7, v34;
	v39 =	vadd.s32 v6, v34;
	v21 =	vmul.f32 v21, v3;
	v47 =	vld.idx.msk [tilespmem:v58+s20+$0x0], $0xffff  }
0x2a0: {  	v44 =	vor.u32 v8, v34;
	v24 =	vmul.f32 v24, v2;
	v23 =	vadd.f32 v25, v23;
	v7 =	vld.idx.msk [tilespmem:v63+s20+$0x0], $0xffff  }
0x2a1: {  	v17 =	vadd.f32 v17, v60;
	v33 =	vmul.f32 v33, v4;
	v14 =	vmul.f32 v57, v5;
	v52 =	vld.idx.msk [tilespmem:v62+s20+$0x0], $0xffff  }
0x2a2: {  	v19 =	vadd.f32 v22, v19;
	v28 =	vmul.f32 v28, v2;
	v21 =	vadd.f32 v21, v23;
	v37 =	vld.idx.msk [tilespmem:v37+s20+$0x0], $0xffff  }
0x2a3: {  	v27 =	vmul.f32 v27, v3;
	v15 =	vadd.f32 v15, v17;
	v10 =	vld.idx.msk [tilespmem:v59+s20+$0x0], $0xffff;
	v14 =	vadd.f32 v14, v33  }
0x2a4: {  	v30 =	vmul.f32 v30, v2;
	v19 =	vadd.f32 v28, v19;
	v45 =	vld.idx.msk [tilespmem:v61+s20+$0x0], $0xffff;
	v51 =	vadd.f32 v24, v21  }
0x2a5: {  	v6 =	vld.idx.msk [tilespmem:v42+s20+$0x0], $0xffff;
	[tilespmem:v12+s22+$0x0] =	vst.idx.msk $0xffff, v15;
	v14 =	vadd.f32 v27, v14;
	v48 =	vmul.f32 v36, v4  }
0x2a6: {  	v50 =	vld.idx.msk [tilespmem:v39+s20+$0x0], $0xffff;
	[tilespmem:v18+s22+$0x0] =	vst.idx.msk $0xffff, v19;
	v16 =	vmul.f32 v16, v5;
	v54 =	vmul.f32 v11, v4  }
0x2a7: {  	v55 =	vmul.f32 v46, v5;
	v57 =	vmul.f32 v47, v3;
	v14 =	vadd.f32 v30, v14  }
0x2a8: {  	v53 =	vmul.f32 v37, v4;
	v10 =	vmul.f32 v10, v5;
	v16 =	vadd.f32 v16, v48  }
0x2a9: {  	v56 =	vmul.f32 v45, v3;
	v3 =	vmul.f32 v7, v3;
	v4 =	vadd.f32 v55, v54  }
0x2aa: {  	s26 =	sadd.s32 $0x1, s26;
	v60 =	vmul.f32 v52, v2;
	v10 =	vadd.f32 v10, v53;
	v61 =	vadd.f32 v57, v16  }
0x2ab: {  	p0 =	sne.s32 s26, $0xD;
	v59 =	vmul.f32 v50, v2;
	v2 =	vmul.f32 v6, v2;
	v3 =	vadd.f32 v3, v4  }
.Ltmp9:
0x2ac: {  	[tilespmem:v13+s22+$0x0] =	vst.idx.msk $0xffff, v51;
	v58 =	vadd.f32 v56, v10;
	v63 =	vadd.f32 v60, v61;
	(pc) =	sbr.rel @p0 .LBB2_19-.Ltmp9, $4  }
0x2ad: {  	[tilespmem:v9+s22+$0x0] =	vst.idx.msk $0xffff, v14;
	v2 =	vadd.f32 v2, v3  }
0x2ae: {  	v62 =	vadd.f32 v59, v58;
	[tilespmem:v49+s22+$0x0] =	vst.idx.msk $0xffff, v63  }
0x2af: {  	[tilespmem:v43+s22+$0x0] =	vst.idx.msk $0xffff, v2  }
0x2b0: {  	[tilespmem:v44+s22+$0x0] =	vst.idx.msk $0xffff, v62  }
0x2b1: {  	p0 =	sne.s32 s25, s14  }
.Ltmp10:
0x2b2: {  	_ = 	snop;
	(pc) =	sbr.rel @p0 .LBB2_2-.Ltmp10, $3  }
0x2b3: {  	_ =	sdelay $0x1  }
0x2b4: {  	s0 =	sadd.s32 s28, s13;
	s28 =	smov.u32 s25  }
0x2b5: {  	[hbm4b:s0+s19] =	stream.strided.scatter [tilespmem:s22], [sflag:$0x2], $0x3100, s21, s19, $0x38;
	[tilespmem:$0x1C2E0] =	vst v63  }
0x2b6: {  	s24 =	sadd.s32 $0x1, s24  }
0x2b7: {  	_ =	swait.ge [sflag:s23], $0x3100;
	p0 =	sne.s32 s24, s15  }
.Ltmp11:
0x2b8: {  	[sflag:s23] =	ssyncset.done $0x0;
	(pc) =	sbr.rel @p0 .LBB2_1-.Ltmp11, $4  }
0x2b9: {  	[sflag:s23] =	ssyncadd.s32 $0xFFFFCF00  }
0x2ba: {  	_ =	swait.ge [sflag:s23], $0x3100  }
0x2bb: {  	[sflag:s23] =	ssyncset.done $0x0  }
0x2bc: {  	[sflag:s23] =	ssyncadd.s32 $0xFFFFCF00  }
0x2bd: {  	_ =	sfence.sel $0x180000  }
0x2be: {  	[bflag:$0x0] =	sbarrier.arrive $0xFFFF  }
0x2bf: {  	_ =	strace $0x90000047  }
0x2c0: {  	s0 =	stileid.u32;
	[bflag:$0x2] =	sbarrier.arrive $0xFFFF  }
0x2c1: {  	p0 =	sne.s32 s0, $0x0;
	s0 =	rddreg [dreg:$0x2]  }
0x2c2: {  	s0 =	sadd.s32 @!p0 $0x100000, s0  }
0x2c3: {  	[sflag:s0] =	ssyncadd.tile.s32 @!p0 $0x1;
	_ =	shalt  }
.Lfunc_end2:
_tile_overlayer_lowered:
.L_overlay_start_2:
0x2c4: {  	(tag) =	ssettag $0x2  }
0x2c5: {  	s0 =	rddreg [dreg:$0x0];
	s2 =	stileid.u32  }
0x2c6: {  	s1 =	rddreg [dreg:$0x1];
	p0 =	sne.s32 s2, $0x0  }
0x2c7: {  	s3 =	rddreg [dreg:$0x2];
	[bflag:$0x3] =	sbarrier.arrive $0xFFFF;
	s2 =	simm.s32 @!p0 $0x1C03  }
0x2c8: {  	[timem:s3], [sflag:s2] =	dma.local @!p0 [hbm:s0], s1  }
0x2c9: {  	s0 =	simm.s32 @!p0 $0x3  }
0x2ca: {  	_ =	swait.ge @!p0 [sflag:s0], s1  }
0x2cb: {  	s1 =	ssub.s32 @!p0 $0x0, s1;
	[sflag:s0] =	ssyncset.done @!p0 $0x0  }
0x2cc: {  	[sflag:s0] =	ssyncadd.s32 @!p0 s1  }
0x2cd: {  	[bflag:$0x3] =	sbarrier.arrive $0xFFFF  }
0x2ce: {  	_ =	shalt  }

</sc_bundles>
